<compile_context>
chip_gen: v7x
topology: tpu7x:2x2x1
jax: 0.10.2.dev20260603
libtpu: 0.0.44.dev20260713+nightly
codegen_flags: <defaults>
</compile_context>

<pallas_src>
import functools

import jax
import jax.numpy as jnp
from jax import lax
from jax.experimental import pallas as pl
from jax.experimental.pallas import tpu as pltpu
from jax.experimental.pallas import tpu_sc as plsc

N = 10000
E = 320000
NC = 2
NS = 16
NW = NC * NS
ET = E // NW
K = 80
NCHUNK = ET // K
RPT = 624
RPT_LAST = N - RPT * (NS - 1)


def _sc_segment_sum(y, src2d, dst2d, zrows, zdeg, with_deg):
  C = y.shape[1]
  mesh = plsc.VectorSubcoreMesh(core_axis_name="c", subcore_axis_name="s")
  out_type = [jax.ShapeDtypeStruct((NC, N, C), jnp.float32)]
  scratch = [
      pltpu.VMEM_SHARED((N, C), jnp.float32),
      pltpu.VMEM((K,), jnp.int32),
      pltpu.VMEM((K,), jnp.int32),
      pltpu.VMEM((K,), jnp.int32),
      pltpu.VMEM((K,), jnp.int32),
      pltpu.VMEM((K,), jnp.int32),
      pltpu.VMEM((K,), jnp.int32),
      pltpu.VMEM((K,), jnp.int32),
      pltpu.VMEM((K,), jnp.int32),
      pltpu.VMEM((K, C), jnp.float32),
      pltpu.VMEM((K, C), jnp.float32),
      pltpu.VMEM((K, C), jnp.float32),
      pltpu.VMEM((K, C), jnp.float32),
      pltpu.SemaphoreType.DMA,
      pltpu.SemaphoreType.DMA,
      pltpu.SemaphoreType.DMA,
      pltpu.SemaphoreType.DMA,
  ]
  if with_deg:
    out_type.append(jax.ShapeDtypeStruct((NC, N), jnp.float32))
    scratch += [
        pltpu.VMEM_SHARED((N,), jnp.float32),
        pltpu.VMEM((K,), jnp.float32),
    ]

  def body(y_h, s_h, d_h, zr_h, zd_h, *rest):
    if with_deg:
      (out_h, deg_h, acc, s0, s1, s2, s3, d0, d1, d2, d3, r0_, r1_, r2_, r3_,
       sem_g, sem_i, sem_s, sem_o, dacc, ones) = rest
    else:
      (out_h, acc, s0, s1, s2, s3, d0, d1, d2, d3, r0_, r1_, r2_, r3_,
       sem_g, sem_i, sem_s, sem_o) = rest
    sbufs = (s0, s1, s2, s3)
    dbufs = (d0, d1, d2, d3)
    rbufs = (r0_, r1_, r2_, r3_)
    cid = lax.axis_index("c")
    sid = lax.axis_index("s")
    wid = cid * NS + sid
    r0 = pl.multiple_of(sid * RPT, 8)
    @pl.when(sid < NS - 1)
    def _():
      pltpu.sync_copy(zr_h.at[pl.ds(0, RPT)], acc.at[pl.ds(r0, RPT)])
    @pl.when(sid == NS - 1)
    def _():
      pltpu.sync_copy(zr_h, acc.at[pl.ds(RPT * (NS - 1), RPT_LAST)])
    if with_deg:
      @pl.when(sid == 0)
      def _():
        pltpu.sync_copy(zd_h, dacc)
      for j in range(K // 16):
        ones[pl.ds(j * 16, 16)] = jnp.ones((16,), jnp.float32)
    plsc.subcore_barrier()

    ebase = wid * ET

    def idxload(j, u):
      off = pl.multiple_of(ebase + j * K, 8)
      pltpu.async_copy(s_h.at[pl.ds(off, K)], sbufs[u], sem_i)
      pltpu.async_copy(d_h.at[pl.ds(off, K)], dbufs[u], sem_i)

    def idxwait():
      pltpu.make_async_copy(s_h.at[pl.ds(0, K)], s0, sem_i).wait()
      pltpu.make_async_copy(d_h.at[pl.ds(0, K)], d0, sem_i).wait()

    def gather(u):
      pltpu.async_copy(y_h.at[sbufs[u]], rbufs[u], sem_g)

    def drain_g(u):
      pltpu.make_async_copy(y_h.at[s0], rbufs[u], sem_g).wait()

    def scat(u):
      pltpu.async_copy(rbufs[u], acc.at[dbufs[u]], sem_s, add=True)
      if with_deg:
        pltpu.async_copy(ones, dacc.at[dbufs[u]], sem_o, add=True)

    def drain_s(u):
      pltpu.make_async_copy(rbufs[u], acc.at[dbufs[u]], sem_s).wait()
      if with_deg:
        pltpu.make_async_copy(ones, dacc.at[dbufs[u]], sem_o).wait()

    def half(j, u, first=False, wait_idx=True, do_gather=True, load=True):
      drain_g(u)
      if wait_idx:
        idxwait()
      if not first:
        drain_s((u + 3) % 4)
      if do_gather:
        gather((u + 2) % 4)
      scat(u)
      if load:
        idxload(j + 3, (u + 3) % 4)

    idxload(0, 0)
    idxwait()
    gather(0)
    idxload(1, 1)
    idxwait()
    gather(1)
    idxload(2, 2)
    half(0, 0, first=True)

    def step(i, carry):
      j = 1 + i * 4
      half(j, 1)
      half(j + 1, 2)
      half(j + 2, 3)
      half(j + 3, 0)
      return carry

    lax.fori_loop(0, (NCHUNK - 5) // 4, step, 0)
    half(NCHUNK - 4, 1)
    half(NCHUNK - 3, 2, load=False)
    half(NCHUNK - 2, 3, wait_idx=False, do_gather=False, load=False)
    half(NCHUNK - 1, 0, wait_idx=False, do_gather=False, load=False)
    drain_s(0)
    plsc.subcore_barrier()
    @pl.when(sid < NS - 1)
    def _():
      pltpu.sync_copy(acc.at[pl.ds(r0, RPT)], out_h.at[cid, pl.ds(r0, RPT)])
    @pl.when(sid == NS - 1)
    def _():
      last = RPT * (NS - 1)
      pltpu.sync_copy(acc.at[pl.ds(last, RPT_LAST)],
                      out_h.at[cid, pl.ds(last, RPT_LAST)])
    if with_deg:
      @pl.when(sid == 0)
      def _():
        pltpu.sync_copy(dacc, deg_h.at[cid])

  fn = pl.kernel(body, out_type=out_type, mesh=mesh, scratch_types=scratch)
  return fn(y, src2d, dst2d, zrows, zdeg)


ROWS_B = 2048


def _tc_matmul2(x, Wl, Wr, b, adj):
  Co = Wl.shape[0]
  Cz = Wr.shape[0]

  def body(x_ref, wl_ref, wr_ref, b_ref, a_ref, y_ref, z_ref, s_ref, d_ref):
    xb = x_ref[...]
    dn = (((1,), (1,)), ((), ()))
    y_ref[...] = lax.dot_general(xb, wl_ref[...], dn,
                                 preferred_element_type=jnp.float32)
    z_ref[...] = lax.dot_general(xb, wr_ref[...], dn,
                                 preferred_element_type=jnp.float32) + b_ref[...]
    @pl.when(pl.program_id(0) == 0)
    def _():
      s_ref[...] = a_ref[0]
      d_ref[...] = a_ref[1]

  grid = (pl.cdiv(N, ROWS_B),)
  return pl.pallas_call(
      body,
      grid=grid,
      in_specs=[
          pl.BlockSpec((ROWS_B, x.shape[1]), lambda i: (i, 0)),
          pl.BlockSpec(Wl.shape, lambda i: (0, 0)),
          pl.BlockSpec(Wr.shape, lambda i: (0, 0)),
          pl.BlockSpec((1, Cz), lambda i: (0, 0)),
          pl.BlockSpec((2, E), lambda i: (0, 0)),
      ],
      out_specs=[
          pl.BlockSpec((ROWS_B, Co), lambda i: (i, 0)),
          pl.BlockSpec((ROWS_B, Cz), lambda i: (i, 0)),
          pl.BlockSpec((E,), lambda i: (0,)),
          pl.BlockSpec((E,), lambda i: (0,)),
      ],
      out_shape=[
          jax.ShapeDtypeStruct((N, Co), jnp.float32),
          jax.ShapeDtypeStruct((N, Cz), jnp.float32),
          jax.ShapeDtypeStruct((E,), jnp.int32),
          jax.ShapeDtypeStruct((E,), jnp.int32),
      ],
  )(x, Wl, Wr, b, adj)


def _tc_combine_matmul2(p, z, degp, Wl, Wr, b):
  C = z.shape[1]
  Co = Wl.shape[0]
  Cz = Wr.shape[0]

  def body(p_ref, z_ref, d_ref, wl_ref, wr_ref, b_ref, y_ref, z2_ref):
    pb = p_ref[...]
    deg = d_ref[0] + d_ref[1]
    dinv = (1.0 / jnp.maximum(deg, 1.0))[:, None]
    h = jnp.maximum((pb[0] + pb[1]) * dinv + z_ref[...], 0.0)
    dn = (((1,), (1,)), ((), ()))
    y_ref[...] = lax.dot_general(h, wl_ref[...], dn,
                                 preferred_element_type=jnp.float32)
    z2_ref[...] = lax.dot_general(h, wr_ref[...], dn,
                                  preferred_element_type=jnp.float32) + b_ref[...]

  grid = (pl.cdiv(N, ROWS_B),)
  return pl.pallas_call(
      body,
      grid=grid,
      in_specs=[
          pl.BlockSpec((NC, ROWS_B, C), lambda i: (0, i, 0)),
          pl.BlockSpec((ROWS_B, C), lambda i: (i, 0)),
          pl.BlockSpec((NC, ROWS_B), lambda i: (0, i)),
          pl.BlockSpec(Wl.shape, lambda i: (0, 0)),
          pl.BlockSpec(Wr.shape, lambda i: (0, 0)),
          pl.BlockSpec((1, Cz), lambda i: (0, 0)),
      ],
      out_specs=[
          pl.BlockSpec((ROWS_B, Co), lambda i: (i, 0)),
          pl.BlockSpec((ROWS_B, Cz), lambda i: (i, 0)),
      ],
      out_shape=[
          jax.ShapeDtypeStruct((N, Co), jnp.float32),
          jax.ShapeDtypeStruct((N, Cz), jnp.float32),
      ],
  )(p, z, degp, Wl, Wr, b)


def _tc_combine_hz(p, z, degp, Wr, b):
  C = z.shape[1]
  Cz = Wr.shape[0]

  def body(p_ref, z_ref, d_ref, wr_ref, b_ref, h_ref, z2_ref):
    pb = p_ref[...]
    deg = d_ref[0] + d_ref[1]
    dinv = (1.0 / jnp.maximum(deg, 1.0))[:, None]
    h = jnp.maximum((pb[0] + pb[1]) * dinv + z_ref[...], 0.0)
    h_ref[...] = h
    dn = (((1,), (1,)), ((), ()))
    z2_ref[...] = lax.dot_general(h, wr_ref[...], dn,
                                  preferred_element_type=jnp.float32) + b_ref[...]

  grid = (pl.cdiv(N, ROWS_B),)
  return pl.pallas_call(
      body,
      grid=grid,
      in_specs=[
          pl.BlockSpec((NC, ROWS_B, C), lambda i: (0, i, 0)),
          pl.BlockSpec((ROWS_B, C), lambda i: (i, 0)),
          pl.BlockSpec((NC, ROWS_B), lambda i: (0, i)),
          pl.BlockSpec(Wr.shape, lambda i: (0, 0)),
          pl.BlockSpec((1, Cz), lambda i: (0, 0)),
      ],
      out_specs=[
          pl.BlockSpec((ROWS_B, C), lambda i: (i, 0)),
          pl.BlockSpec((ROWS_B, Cz), lambda i: (i, 0)),
      ],
      out_shape=[
          jax.ShapeDtypeStruct((N, C), jnp.float32),
          jax.ShapeDtypeStruct((N, Cz), jnp.float32),
      ],
  )(p, z, degp, Wr, b)


def _tc_final(p, z, degp, Wl):
  C = p.shape[2]
  n_out = Wl.shape[0]

  def body(p_ref, z_ref, d_ref, wl_ref, o_ref):
    pb = p_ref[...]
    deg = d_ref[0] + d_ref[1]
    dinv = (1.0 / jnp.maximum(deg, 1.0))[:, None]
    agg = (pb[0] + pb[1]) * dinv
    dn = (((1,), (1,)), ((), ()))
    h = lax.dot_general(agg, wl_ref[...], dn,
                        preferred_element_type=jnp.float32) + z_ref[...]
    m = jnp.max(h, axis=-1, keepdims=True)
    lse = jnp.log(jnp.sum(jnp.exp(h - m), axis=-1, keepdims=True))
    o_ref[...] = h - m - lse

  grid = (pl.cdiv(N, ROWS_B),)
  return pl.pallas_call(
      body,
      grid=grid,
      in_specs=[
          pl.BlockSpec((NC, ROWS_B, C), lambda i: (0, i, 0)),
          pl.BlockSpec((ROWS_B, n_out), lambda i: (i, 0)),
          pl.BlockSpec((NC, ROWS_B), lambda i: (0, i)),
          pl.BlockSpec(Wl.shape, lambda i: (0, 0)),
      ],
      out_specs=pl.BlockSpec((ROWS_B, n_out), lambda i: (i, 0)),
      out_shape=jax.ShapeDtypeStruct((N, n_out), jnp.float32),
  )(p, z, degp, Wl)


@jax.jit
def kernel(x, adj_t, Wl0, Wr0, b0, Wl1, Wr1, b1, Wl2, Wr2, b2):
  adj = adj_t.astype(jnp.int32)
  zrows = jnp.zeros((RPT_LAST, 128), jnp.float32)
  zdeg = jnp.zeros((N,), jnp.float32)

  y0, z0, src, dst = _tc_matmul2(x, Wl0, Wr0, b0.reshape(1, -1), adj)
  p0, degp = _sc_segment_sum(y0, src, dst, zrows, zdeg, True)
  y1, z1 = _tc_combine_matmul2(p0, z0, degp, Wl1, Wr1, b1.reshape(1, -1))
  (p1,) = _sc_segment_sum(y1, src, dst, zrows, zdeg, False)
  h2, z2 = _tc_combine_hz(p1, z1, degp, Wr2, b2.reshape(1, -1))
  (p2,) = _sc_segment_sum(h2, src, dst, zrows, zdeg, False)
  return _tc_final(p2, z2, degp, Wl2)

# --- scband reference (transcript-rebuilt; emitter-appended) ---
"""Pipeline reference for scband-sage-48086453846609 (READ-ONLY COPY).

The authoritative reference and input builder live on the scoring server;
editing this copy changes nothing except your own understanding.
"""

import jax, jax.numpy as jnp
import numpy as np

N_NODES = 10000
N_EDGES = 320000
IN_C = 128
HID_C = 128
OUT_C = 40


def setup_inputs(seed: int = 0) -> dict:
    key = jax.random.key(seed)
    ks = jax.random.split(key, 12)
    x = jax.random.normal(ks[0], (N_NODES, IN_C), dtype=jnp.float32)
    edge_index = jax.random.randint(ks[1], (2, N_EDGES), 0, N_NODES, dtype=jnp.int64)
    # SAGEConv params: lin_l (aggregated neighbors), lin_r (root), bias on lin_l
    Wl0 = jax.random.normal(ks[2], (HID_C, IN_C), dtype=jnp.float32) * (1.0 / np.sqrt(IN_C))
    Wr0 = jax.random.normal(ks[3], (HID_C, IN_C), dtype=jnp.float32) * (1.0 / np.sqrt(IN_C))
    b0 = jnp.zeros((HID_C,), dtype=jnp.float32)
    Wl1 = jax.random.normal(ks[4], (HID_C, HID_C), dtype=jnp.float32) * (1.0 / np.sqrt(HID_C))
    Wr1 = jax.random.normal(ks[5], (HID_C, HID_C), dtype=jnp.float32) * (1.0 / np.sqrt(HID_C))
    b1 = jnp.zeros((HID_C,), dtype=jnp.float32)
    Wl2 = jax.random.normal(ks[6], (OUT_C, HID_C), dtype=jnp.float32) * (1.0 / np.sqrt(HID_C))
    Wr2 = jax.random.normal(ks[7], (OUT_C, HID_C), dtype=jnp.float32) * (1.0 / np.sqrt(HID_C))
    b2 = jnp.zeros((OUT_C,), dtype=jnp.float32)
    return {"x": x, "adj_t": edge_index, "Wl0": Wl0, "Wr0": Wr0, "b0": b0,
            "Wl1": Wl1, "Wr1": Wr1, "b1": b1, "Wl2": Wl2, "Wr2": Wr2, "b2": b2}


def _sage_conv(x, src, dst, Wl, Wr, b, n_nodes):
    # mean aggregation over incoming neighbors (gather + scatter-add)
    msgs = jnp.take(x, src, axis=0)
    agg = jax.ops.segment_sum(msgs, dst, num_segments=n_nodes)
    deg = jax.ops.segment_sum(jnp.ones((src.shape[0],), dtype=x.dtype), dst, num_segments=n_nodes)
    agg = agg / jnp.clip(deg, 1.0, None)[:, None]
    return agg @ Wl.T + b + x @ Wr.T


def reference(x, adj_t, Wl0, Wr0, b0, Wl1, Wr1, b1, Wl2, Wr2, b2):
    src = adj_t[0]
    dst = adj_t[1]
    n = x.shape[0]
    # layer 1 (dropout is identity in eval mode, no batchnorm)
    h = _sage_conv(x, src, dst, Wl0, Wr0, b0, n)
    h = jax.nn.relu(h)
    # layer 2
    h = _sage_conv(h, src, dst, Wl1, Wr1, b1, n)
    h = jax.nn.relu(h)
    # layer 3 (output)
    h = _sage_conv(h, src, dst, Wl2, Wr2, b2, n)
    return jax.nn.log_softmax(h, axis=-1)

if __name__ == "__main__":
    import jax
    _d = setup_inputs()
    print(jax.jit(kernel)(*tuple(_d.values())))

</pallas_src>

<mosaic_0001>
#map = affine_map<(d0, d1) -> (0, 0)>
#map1 = affine_map<(d0, d1) -> (0)>
#map2 = affine_map<(d0, d1) -> (0, 0, 0)>
module attributes {stable_mosaic.version = 14 : i64} {
  func.func @body(%arg0: i32, %arg1: i32, %arg2: memref<10000x128xf32, #tpu.memory_space<hbm>>, %arg3: memref<320000xi32, #tpu.memory_space<hbm>>, %arg4: memref<320000xi32, #tpu.memory_space<hbm>>, %arg5: memref<640x128xf32, #tpu.memory_space<hbm>>, %arg6: memref<10000xf32, #tpu.memory_space<hbm>>, %arg7: memref<2x10000x128xf32, #tpu.memory_space<hbm>>, %arg8: memref<10000x128xf32, #tpu.memory_space<vmem_shared>>, %arg9: memref<80xi32, #tpu.memory_space<vmem>>, %arg10: memref<80xi32, #tpu.memory_space<vmem>>, %arg11: memref<80xi32, #tpu.memory_space<vmem>>, %arg12: memref<80xi32, #tpu.memory_space<vmem>>, %arg13: memref<80xi32, #tpu.memory_space<vmem>>, %arg14: memref<80xi32, #tpu.memory_space<vmem>>, %arg15: memref<80xi32, #tpu.memory_space<vmem>>, %arg16: memref<80xi32, #tpu.memory_space<vmem>>, %arg17: memref<80x128xf32, #tpu.memory_space<vmem>>, %arg18: memref<80x128xf32, #tpu.memory_space<vmem>>, %arg19: memref<80x128xf32, #tpu.memory_space<vmem>>, %arg20: memref<80x128xf32, #tpu.memory_space<vmem>>, %arg21: memref<!tpu.dma_semaphore, #tpu.memory_space<semaphore_mem>>, %arg22: memref<!tpu.dma_semaphore, #tpu.memory_space<semaphore_mem>>, %arg23: memref<!tpu.dma_semaphore, #tpu.memory_space<semaphore_mem>>, %arg24: memref<!tpu.dma_semaphore, #tpu.memory_space<semaphore_mem>>) attributes {dimension_semantics = [#tpu.dimension_semantics<core_parallel>, #tpu.dimension_semantics<subcore_parallel>], iteration_bounds = array<i64: 2, 16>, scalar_prefetch = 0 : i64, scratch_operands = 17 : i64, tpu.core_type = #tpu.core_type<sc_vector_subcore>, window_params = [{transform_indices = #map}, {transform_indices = #map1}, {transform_indices = #map1}, {transform_indices = #map}, {transform_indices = #map1}, {transform_indices = #map2}]} {
    %mul3A = arith.constant 16 : i32
    %mul3A_0 = arith.muli %arg0, %mul3A : i32
    %add3A = arith.addi %mul3A_0, %arg1 : i32
    %mul3A_1 = arith.constant 624 : i32
    %mul3A_2 = arith.muli %arg1, %mul3A_1 : i32
    %multiple_of3A = tpu.assume_multiple %mul3A_2, 8 : i32
    %lt3A = arith.constant 15 : i32
    %lt3A_3 = arith.cmpi slt, %arg1, %lt3A : i32
    %convert_element_type3A = arith.extui %lt3A_3 : i1 to i32
    %cond3A = arith.constant 0 : i32
    %cond3A_4 = arith.cmpi ne, %convert_element_type3A, %cond3A : i32
    scf.if %cond3A_4 {
      "tpu.region"() ({
        %run_scoped3A = tpu.sem_alloc : memref<!tpu.dma_semaphore, #tpu.memory_space<semaphore_mem>>
        %dma_start3A_160 = arith.constant 0 : i32
        %dma_start3A_161 = tpu.memref_slice %arg8[%multiple_of3A, %dma_start3A_160] : memref<10000x128xf32, #tpu.memory_space<vmem_shared>> -> memref<624x128xf32, #tpu.memory_space<vmem_shared>>
        %dma_start3A_162 = arith.constant 0 : i32
        %dma_start3A_163 = arith.constant 0 : i32
        %dma_start3A_164 = tpu.memref_slice %arg5[%dma_start3A_162, %dma_start3A_163] : memref<640x128xf32, #tpu.memory_space<hbm>> -> memref<624x128xf32, #tpu.memory_space<hbm>>
        tpu.enqueue_dma source(%dma_start3A_164 : memref<624x128xf32, #tpu.memory_space<hbm>>) target(%dma_start3A_161 : memref<624x128xf32, #tpu.memory_space<vmem_shared>>) target_semaphore(%run_scoped3A : memref<!tpu.dma_semaphore, #tpu.memory_space<semaphore_mem>>)
        %dma_wait3A_165 = arith.constant 0 : i32
        %dma_wait3A_166 = tpu.memref_slice %arg8[%multiple_of3A, %dma_wait3A_165] : memref<10000x128xf32, #tpu.memory_space<vmem_shared>> -> memref<624x128xf32, #tpu.memory_space<vmem_shared>>
        %dma_wait3A_167 = arith.constant 0 : i32
        %dma_wait3A_168 = arith.constant 0 : i32
        %dma_wait3A_169 = tpu.memref_slice %arg5[%dma_wait3A_167, %dma_wait3A_168] : memref<640x128xf32, #tpu.memory_space<hbm>> -> memref<624x128xf32, #tpu.memory_space<hbm>>
        tpu.wait_dma2 semaphore(%run_scoped3A : memref<!tpu.dma_semaphore, #tpu.memory_space<semaphore_mem>>) src(%dma_wait3A_169 : memref<624x128xf32, #tpu.memory_space<hbm>>) dst(%dma_wait3A_166 : memref<624x128xf32, #tpu.memory_space<vmem_shared>>)
        tpu.yield
      }) : () -> ()
    } else {
    }
    %eq3A = arith.constant 15 : i32
    %eq3A_5 = arith.cmpi eq, %arg1, %eq3A : i32
    %convert_element_type3A_6 = arith.extui %eq3A_5 : i1 to i32
    %cond3A_7 = arith.constant 0 : i32
    %cond3A_8 = arith.cmpi ne, %convert_element_type3A_6, %cond3A_7 : i32
    scf.if %cond3A_8 {
      "tpu.region"() ({
        %run_scoped3A = tpu.sem_alloc : memref<!tpu.dma_semaphore, #tpu.memory_space<semaphore_mem>>
        %dma_start3A_160 = arith.constant 9360 : i32
        %dma_start3A_161 = arith.constant 0 : i32
        %dma_start3A_162 = tpu.memref_slice %arg8[%dma_start3A_160, %dma_start3A_161] : memref<10000x128xf32, #tpu.memory_space<vmem_shared>> -> memref<640x128xf32, #tpu.memory_space<vmem_shared>>
        tpu.enqueue_dma source(%arg5 : memref<640x128xf32, #tpu.memory_space<hbm>>) target(%dma_start3A_162 : memref<640x128xf32, #tpu.memory_space<vmem_shared>>) target_semaphore(%run_scoped3A : memref<!tpu.dma_semaphore, #tpu.memory_space<semaphore_mem>>)
        %dma_wait3A_163 = arith.constant 9360 : i32
        %dma_wait3A_164 = arith.constant 0 : i32
        %dma_wait3A_165 = tpu.memref_slice %arg8[%dma_wait3A_163, %dma_wait3A_164] : memref<10000x128xf32, #tpu.memory_space<vmem_shared>> -> memref<640x128xf32, #tpu.memory_space<vmem_shared>>
        tpu.wait_dma2 semaphore(%run_scoped3A : memref<!tpu.dma_semaphore, #tpu.memory_space<semaphore_mem>>) src(%arg5 : memref<640x128xf32, #tpu.memory_space<hbm>>) dst(%dma_wait3A_165 : memref<640x128xf32, #tpu.memory_space<vmem_shared>>)
        tpu.yield
      }) : () -> ()
    } else {
    }
    %barrier3A = arith.constant 0 : index
    tpu.barrier barrier_id(%barrier3A)
    %mul3A_9 = arith.constant 10000 : i32
    %mul3A_10 = arith.muli %add3A, %mul3A_9 : i32
    %add3A_11 = arith.constant 0 : i32
    %add3A_12 = arith.addi %mul3A_10, %add3A_11 : i32
    %multiple_of3A_13 = tpu.assume_multiple %add3A_12, 8 : i32
    %dma_start3A = tpu.memref_slice %arg3[%multiple_of3A_13] : memref<320000xi32, #tpu.memory_space<hbm>> -> memref<80xi32, #tpu.memory_space<hbm>>
    %dma_start3A_14 = tpu.memref_slice %arg3[%multiple_of3A_13] : memref<320000xi32, #tpu.memory_space<hbm>> -> memref<80xi32, #tpu.memory_space<hbm>>
    tpu.enqueue_dma source(%dma_start3A_14 : memref<80xi32, #tpu.memory_space<hbm>>) target(%arg9 : memref<80xi32, #tpu.memory_space<vmem>>) target_semaphore(%arg22 : memref<!tpu.dma_semaphore, #tpu.memory_space<semaphore_mem>>)
    %dma_start3A_15 = tpu.memref_slice %arg4[%multiple_of3A_13] : memref<320000xi32, #tpu.memory_space<hbm>> -> memref<80xi32, #tpu.memory_space<hbm>>
    %dma_start3A_16 = tpu.memref_slice %arg4[%multiple_of3A_13] : memref<320000xi32, #tpu.memory_space<hbm>> -> memref<80xi32, #tpu.memory_space<hbm>>
    tpu.enqueue_dma source(%dma_start3A_16 : memref<80xi32, #tpu.memory_space<hbm>>) target(%arg13 : memref<80xi32, #tpu.memory_space<vmem>>) target_semaphore(%arg22 : memref<!tpu.dma_semaphore, #tpu.memory_space<semaphore_mem>>)
    %dma_wait3A = arith.constant 0 : i32
    %dma_wait3A_17 = tpu.memref_slice %arg3[%dma_wait3A] : memref<320000xi32, #tpu.memory_space<hbm>> -> memref<80xi32, #tpu.memory_space<hbm>>
    %dma_wait3A_18 = arith.constant 0 : i32
    %dma_wait3A_19 = tpu.memref_slice %arg3[%dma_wait3A_18] : memref<320000xi32, #tpu.memory_space<hbm>> -> memref<80xi32, #tpu.memory_space<hbm>>
    tpu.wait_dma2 semaphore(%arg22 : memref<!tpu.dma_semaphore, #tpu.memory_space<semaphore_mem>>) src(%dma_wait3A_19 : memref<80xi32, #tpu.memory_space<hbm>>) dst(%arg9 : memref<80xi32, #tpu.memory_space<vmem>>)
    %dma_wait3A_20 = arith.constant 0 : i32
    %dma_wait3A_21 = tpu.memref_slice %arg4[%dma_wait3A_20] : memref<320000xi32, #tpu.memory_space<hbm>> -> memref<80xi32, #tpu.memory_space<hbm>>
    %dma_wait3A_22 = arith.constant 0 : i32
    %dma_wait3A_23 = tpu.memref_slice %arg4[%dma_wait3A_22] : memref<320000xi32, #tpu.memory_space<hbm>> -> memref<80xi32, #tpu.memory_space<hbm>>
    tpu.wait_dma2 semaphore(%arg22 : memref<!tpu.dma_semaphore, #tpu.memory_space<semaphore_mem>>) src(%dma_wait3A_23 : memref<80xi32, #tpu.memory_space<hbm>>) dst(%arg13 : memref<80xi32, #tpu.memory_space<vmem>>)
    %dma_start3A_24 = arith.constant 0 : i32
    %dma_start3A_25 = arith.constant 0 : i32
    %dma_start3A_26 = tpu.memref_slice %arg2[%dma_start3A_24, %dma_start3A_25] : memref<10000x128xf32, #tpu.memory_space<hbm>> -> memref<10000x128xf32, #tpu.memory_space<hbm>>
    tpu.enqueue_indirect_dma source(%dma_start3A_26 : memref<10000x128xf32, #tpu.memory_space<hbm>>) target(%arg17 : memref<80x128xf32, #tpu.memory_space<vmem>>) offsets(%arg9 : memref<80xi32, #tpu.memory_space<vmem>>) semaphore(%arg21 : memref<!tpu.dma_semaphore, #tpu.memory_space<semaphore_mem>>)
    %add3A_27 = arith.constant 80 : i32
    %add3A_28 = arith.addi %mul3A_10, %add3A_27 : i32
    %multiple_of3A_29 = tpu.assume_multiple %add3A_28, 8 : i32
    %dma_start3A_30 = tpu.memref_slice %arg3[%multiple_of3A_29] : memref<320000xi32, #tpu.memory_space<hbm>> -> memref<80xi32, #tpu.memory_space<hbm>>
    %dma_start3A_31 = tpu.memref_slice %arg3[%multiple_of3A_29] : memref<320000xi32, #tpu.memory_space<hbm>> -> memref<80xi32, #tpu.memory_space<hbm>>
    tpu.enqueue_dma source(%dma_start3A_31 : memref<80xi32, #tpu.memory_space<hbm>>) target(%arg10 : memref<80xi32, #tpu.memory_space<vmem>>) target_semaphore(%arg22 : memref<!tpu.dma_semaphore, #tpu.memory_space<semaphore_mem>>)
    %dma_start3A_32 = tpu.memref_slice %arg4[%multiple_of3A_29] : memref<320000xi32, #tpu.memory_space<hbm>> -> memref<80xi32, #tpu.memory_space<hbm>>
    %dma_start3A_33 = tpu.memref_slice %arg4[%multiple_of3A_29] : memref<320000xi32, #tpu.memory_space<hbm>> -> memref<80xi32, #tpu.memory_space<hbm>>
    tpu.enqueue_dma source(%dma_start3A_33 : memref<80xi32, #tpu.memory_space<hbm>>) target(%arg14 : memref<80xi32, #tpu.memory_space<vmem>>) target_semaphore(%arg22 : memref<!tpu.dma_semaphore, #tpu.memory_space<semaphore_mem>>)
    %dma_wait3A_34 = arith.constant 0 : i32
    %dma_wait3A_35 = tpu.memref_slice %arg3[%dma_wait3A_34] : memref<320000xi32, #tpu.memory_space<hbm>> -> memref<80xi32, #tpu.memory_space<hbm>>
    %dma_wait3A_36 = arith.constant 0 : i32
    %dma_wait3A_37 = tpu.memref_slice %arg3[%dma_wait3A_36] : memref<320000xi32, #tpu.memory_space<hbm>> -> memref<80xi32, #tpu.memory_space<hbm>>
    tpu.wait_dma2 semaphore(%arg22 : memref<!tpu.dma_semaphore, #tpu.memory_space<semaphore_mem>>) src(%dma_wait3A_37 : memref<80xi32, #tpu.memory_space<hbm>>) dst(%arg9 : memref<80xi32, #tpu.memory_space<vmem>>)
    %dma_wait3A_38 = arith.constant 0 : i32
    %dma_wait3A_39 = tpu.memref_slice %arg4[%dma_wait3A_38] : memref<320000xi32, #tpu.memory_space<hbm>> -> memref<80xi32, #tpu.memory_space<hbm>>
    %dma_wait3A_40 = arith.constant 0 : i32
    %dma_wait3A_41 = tpu.memref_slice %arg4[%dma_wait3A_40] : memref<320000xi32, #tpu.memory_space<hbm>> -> memref<80xi32, #tpu.memory_space<hbm>>
    tpu.wait_dma2 semaphore(%arg22 : memref<!tpu.dma_semaphore, #tpu.memory_space<semaphore_mem>>) src(%dma_wait3A_41 : memref<80xi32, #tpu.memory_space<hbm>>) dst(%arg13 : memref<80xi32, #tpu.memory_space<vmem>>)
    %dma_start3A_42 = arith.constant 0 : i32
    %dma_start3A_43 = arith.constant 0 : i32
    %dma_start3A_44 = tpu.memref_slice %arg2[%dma_start3A_42, %dma_start3A_43] : memref<10000x128xf32, #tpu.memory_space<hbm>> -> memref<10000x128xf32, #tpu.memory_space<hbm>>
    tpu.enqueue_indirect_dma source(%dma_start3A_44 : memref<10000x128xf32, #tpu.memory_space<hbm>>) target(%arg18 : memref<80x128xf32, #tpu.memory_space<vmem>>) offsets(%arg10 : memref<80xi32, #tpu.memory_space<vmem>>) semaphore(%arg21 : memref<!tpu.dma_semaphore, #tpu.memory_space<semaphore_mem>>)
    %add3A_45 = arith.constant 160 : i32
    %add3A_46 = arith.addi %mul3A_10, %add3A_45 : i32
    %multiple_of3A_47 = tpu.assume_multiple %add3A_46, 8 : i32
    %dma_start3A_48 = tpu.memref_slice %arg3[%multiple_of3A_47] : memref<320000xi32, #tpu.memory_space<hbm>> -> memref<80xi32, #tpu.memory_space<hbm>>
    %dma_start3A_49 = tpu.memref_slice %arg3[%multiple_of3A_47] : memref<320000xi32, #tpu.memory_space<hbm>> -> memref<80xi32, #tpu.memory_space<hbm>>
    tpu.enqueue_dma source(%dma_start3A_49 : memref<80xi32, #tpu.memory_space<hbm>>) target(%arg11 : memref<80xi32, #tpu.memory_space<vmem>>) target_semaphore(%arg22 : memref<!tpu.dma_semaphore, #tpu.memory_space<semaphore_mem>>)
    %dma_start3A_50 = tpu.memref_slice %arg4[%multiple_of3A_47] : memref<320000xi32, #tpu.memory_space<hbm>> -> memref<80xi32, #tpu.memory_space<hbm>>
    %dma_start3A_51 = tpu.memref_slice %arg4[%multiple_of3A_47] : memref<320000xi32, #tpu.memory_space<hbm>> -> memref<80xi32, #tpu.memory_space<hbm>>
    tpu.enqueue_dma source(%dma_start3A_51 : memref<80xi32, #tpu.memory_space<hbm>>) target(%arg15 : memref<80xi32, #tpu.memory_space<vmem>>) target_semaphore(%arg22 : memref<!tpu.dma_semaphore, #tpu.memory_space<semaphore_mem>>)
    %dma_wait3A_52 = arith.constant 0 : i32
    %dma_wait3A_53 = arith.constant 0 : i32
    %dma_wait3A_54 = tpu.memref_slice %arg2[%dma_wait3A_52, %dma_wait3A_53] : memref<10000x128xf32, #tpu.memory_space<hbm>> -> memref<10000x128xf32, #tpu.memory_space<hbm>>
    tpu.wait_indirect_dma semaphore(%arg21 : memref<!tpu.dma_semaphore, #tpu.memory_space<semaphore_mem>>) src(%dma_wait3A_54 : memref<10000x128xf32, #tpu.memory_space<hbm>>) dst(%arg17 : memref<80x128xf32, #tpu.memory_space<vmem>>)
    %dma_wait3A_55 = arith.constant 0 : i32
    %dma_wait3A_56 = tpu.memref_slice %arg3[%dma_wait3A_55] : memref<320000xi32, #tpu.memory_space<hbm>> -> memref<80xi32, #tpu.memory_space<hbm>>
    %dma_wait3A_57 = arith.constant 0 : i32
    %dma_wait3A_58 = tpu.memref_slice %arg3[%dma_wait3A_57] : memref<320000xi32, #tpu.memory_space<hbm>> -> memref<80xi32, #tpu.memory_space<hbm>>
    tpu.wait_dma2 semaphore(%arg22 : memref<!tpu.dma_semaphore, #tpu.memory_space<semaphore_mem>>) src(%dma_wait3A_58 : memref<80xi32, #tpu.memory_space<hbm>>) dst(%arg9 : memref<80xi32, #tpu.memory_space<vmem>>)
    %dma_wait3A_59 = arith.constant 0 : i32
    %dma_wait3A_60 = tpu.memref_slice %arg4[%dma_wait3A_59] : memref<320000xi32, #tpu.memory_space<hbm>> -> memref<80xi32, #tpu.memory_space<hbm>>
    %dma_wait3A_61 = arith.constant 0 : i32
    %dma_wait3A_62 = tpu.memref_slice %arg4[%dma_wait3A_61] : memref<320000xi32, #tpu.memory_space<hbm>> -> memref<80xi32, #tpu.memory_space<hbm>>
    tpu.wait_dma2 semaphore(%arg22 : memref<!tpu.dma_semaphore, #tpu.memory_space<semaphore_mem>>) src(%dma_wait3A_62 : memref<80xi32, #tpu.memory_space<hbm>>) dst(%arg13 : memref<80xi32, #tpu.memory_space<vmem>>)
    %dma_start3A_63 = arith.constant 0 : i32
    %dma_start3A_64 = arith.constant 0 : i32
    %dma_start3A_65 = tpu.memref_slice %arg2[%dma_start3A_63, %dma_start3A_64] : memref<10000x128xf32, #tpu.memory_space<hbm>> -> memref<10000x128xf32, #tpu.memory_space<hbm>>
    tpu.enqueue_indirect_dma source(%dma_start3A_65 : memref<10000x128xf32, #tpu.memory_space<hbm>>) target(%arg19 : memref<80x128xf32, #tpu.memory_space<vmem>>) offsets(%arg11 : memref<80xi32, #tpu.memory_space<vmem>>) semaphore(%arg21 : memref<!tpu.dma_semaphore, #tpu.memory_space<semaphore_mem>>)
    %dma_start3A_66 = arith.constant 0 : i32
    %dma_start3A_67 = arith.constant 0 : i32
    %dma_start3A_68 = tpu.memref_slice %arg8[%dma_start3A_66, %dma_start3A_67] : memref<10000x128xf32, #tpu.memory_space<vmem_shared>> -> memref<10000x128xf32, #tpu.memory_space<vmem_shared>>
    tpu.enqueue_indirect_dma source(%arg17 : memref<80x128xf32, #tpu.memory_space<vmem>>) target(%dma_start3A_68 : memref<10000x128xf32, #tpu.memory_space<vmem_shared>>) offsets(%arg13 : memref<80xi32, #tpu.memory_space<vmem>>) semaphore(%arg23 : memref<!tpu.dma_semaphore, #tpu.memory_space<semaphore_mem>>) {add = true}
    %add3A_69 = arith.constant 240 : i32
    %add3A_70 = arith.addi %mul3A_10, %add3A_69 : i32
    %multiple_of3A_71 = tpu.assume_multiple %add3A_70, 8 : i32
    %dma_start3A_72 = tpu.memref_slice %arg3[%multiple_of3A_71] : memref<320000xi32, #tpu.memory_space<hbm>> -> memref<80xi32, #tpu.memory_space<hbm>>
    %dma_start3A_73 = tpu.memref_slice %arg3[%multiple_of3A_71] : memref<320000xi32, #tpu.memory_space<hbm>> -> memref<80xi32, #tpu.memory_space<hbm>>
    tpu.enqueue_dma source(%dma_start3A_73 : memref<80xi32, #tpu.memory_space<hbm>>) target(%arg12 : memref<80xi32, #tpu.memory_space<vmem>>) target_semaphore(%arg22 : memref<!tpu.dma_semaphore, #tpu.memory_space<semaphore_mem>>)
    %dma_start3A_74 = tpu.memref_slice %arg4[%multiple_of3A_71] : memref<320000xi32, #tpu.memory_space<hbm>> -> memref<80xi32, #tpu.memory_space<hbm>>
    %dma_start3A_75 = tpu.memref_slice %arg4[%multiple_of3A_71] : memref<320000xi32, #tpu.memory_space<hbm>> -> memref<80xi32, #tpu.memory_space<hbm>>
    tpu.enqueue_dma source(%dma_start3A_75 : memref<80xi32, #tpu.memory_space<hbm>>) target(%arg16 : memref<80xi32, #tpu.memory_space<vmem>>) target_semaphore(%arg22 : memref<!tpu.dma_semaphore, #tpu.memory_space<semaphore_mem>>)
    %scan3A = arith.constant 0 : i32
    %scan3A_76 = arith.constant 0 : i32
    %scan3A_77 = arith.constant 30 : i32
    %scan3A_78 = arith.addi %scan3A_76, %scan3A_77 : i32
    %scan3A_79 = arith.constant 1 : i32
    scf.for %scan3A_160 = %scan3A_76 to %scan3A_78 step %scan3A_79  : i32 {
      %mul3A_161 = arith.constant 4 : i32
      %mul3A_162 = arith.muli %scan3A_160, %mul3A_161 : i32
      %add3A_163 = arith.constant 1 : i32
      %add3A_164 = arith.addi %add3A_163, %mul3A_162 : i32
      %dma_wait3A_165 = arith.constant 0 : i32
      %dma_wait3A_166 = arith.constant 0 : i32
      %dma_wait3A_167 = tpu.memref_slice %arg2[%dma_wait3A_165, %dma_wait3A_166] : memref<10000x128xf32, #tpu.memory_space<hbm>> -> memref<10000x128xf32, #tpu.memory_space<hbm>>
      tpu.wait_indirect_dma semaphore(%arg21 : memref<!tpu.dma_semaphore, #tpu.memory_space<semaphore_mem>>) src(%dma_wait3A_167 : memref<10000x128xf32, #tpu.memory_space<hbm>>) dst(%arg18 : memref<80x128xf32, #tpu.memory_space<vmem>>)
      %dma_wait3A_168 = arith.constant 0 : i32
      %dma_wait3A_169 = tpu.memref_slice %arg3[%dma_wait3A_168] : memref<320000xi32, #tpu.memory_space<hbm>> -> memref<80xi32, #tpu.memory_space<hbm>>
      %dma_wait3A_170 = arith.constant 0 : i32
      %dma_wait3A_171 = tpu.memref_slice %arg3[%dma_wait3A_170] : memref<320000xi32, #tpu.memory_space<hbm>> -> memref<80xi32, #tpu.memory_space<hbm>>
      tpu.wait_dma2 semaphore(%arg22 : memref<!tpu.dma_semaphore, #tpu.memory_space<semaphore_mem>>) src(%dma_wait3A_171 : memref<80xi32, #tpu.memory_space<hbm>>) dst(%arg9 : memref<80xi32, #tpu.memory_space<vmem>>)
      %dma_wait3A_172 = arith.constant 0 : i32
      %dma_wait3A_173 = tpu.memref_slice %arg4[%dma_wait3A_172] : memref<320000xi32, #tpu.memory_space<hbm>> -> memref<80xi32, #tpu.memory_space<hbm>>
      %dma_wait3A_174 = arith.constant 0 : i32
      %dma_wait3A_175 = tpu.memref_slice %arg4[%dma_wait3A_174] : memref<320000xi32, #tpu.memory_space<hbm>> -> memref<80xi32, #tpu.memory_space<hbm>>
      tpu.wait_dma2 semaphore(%arg22 : memref<!tpu.dma_semaphore, #tpu.memory_space<semaphore_mem>>) src(%dma_wait3A_175 : memref<80xi32, #tpu.memory_space<hbm>>) dst(%arg13 : memref<80xi32, #tpu.memory_space<vmem>>)
      %dma_wait3A_176 = arith.constant 0 : i32
      %dma_wait3A_177 = arith.constant 0 : i32
      %dma_wait3A_178 = tpu.memref_slice %arg8[%dma_wait3A_176, %dma_wait3A_177] : memref<10000x128xf32, #tpu.memory_space<vmem_shared>> -> memref<10000x128xf32, #tpu.memory_space<vmem_shared>>
      tpu.wait_indirect_dma semaphore(%arg23 : memref<!tpu.dma_semaphore, #tpu.memory_space<semaphore_mem>>) src(%arg17 : memref<80x128xf32, #tpu.memory_space<vmem>>) dst(%dma_wait3A_178 : memref<10000x128xf32, #tpu.memory_space<vmem_shared>>)
      %dma_start3A_179 = arith.constant 0 : i32
      %dma_start3A_180 = arith.constant 0 : i32
      %dma_start3A_181 = tpu.memref_slice %arg2[%dma_start3A_179, %dma_start3A_180] : memref<10000x128xf32, #tpu.memory_space<hbm>> -> memref<10000x128xf32, #tpu.memory_space<hbm>>
      tpu.enqueue_indirect_dma source(%dma_start3A_181 : memref<10000x128xf32, #tpu.memory_space<hbm>>) target(%arg20 : memref<80x128xf32, #tpu.memory_space<vmem>>) offsets(%arg12 : memref<80xi32, #tpu.memory_space<vmem>>) semaphore(%arg21 : memref<!tpu.dma_semaphore, #tpu.memory_space<semaphore_mem>>)
      %dma_start3A_182 = arith.constant 0 : i32
      %dma_start3A_183 = arith.constant 0 : i32
      %dma_start3A_184 = tpu.memref_slice %arg8[%dma_start3A_182, %dma_start3A_183] : memref<10000x128xf32, #tpu.memory_space<vmem_shared>> -> memref<10000x128xf32, #tpu.memory_space<vmem_shared>>
      tpu.enqueue_indirect_dma source(%arg18 : memref<80x128xf32, #tpu.memory_space<vmem>>) target(%dma_start3A_184 : memref<10000x128xf32, #tpu.memory_space<vmem_shared>>) offsets(%arg14 : memref<80xi32, #tpu.memory_space<vmem>>) semaphore(%arg23 : memref<!tpu.dma_semaphore, #tpu.memory_space<semaphore_mem>>) {add = true}
      %add3A_185 = arith.constant 3 : i32
      %add3A_186 = arith.addi %add3A_164, %add3A_185 : i32
      %mul3A_187 = arith.constant 80 : i32
      %mul3A_188 = arith.muli %add3A_186, %mul3A_187 : i32
      %add3A_189 = arith.addi %mul3A_10, %mul3A_188 : i32
      %multiple_of3A_190 = tpu.assume_multiple %add3A_189, 8 : i32
      %dma_start3A_191 = tpu.memref_slice %arg3[%multiple_of3A_190] : memref<320000xi32, #tpu.memory_space<hbm>> -> memref<80xi32, #tpu.memory_space<hbm>>
      %dma_start3A_192 = tpu.memref_slice %arg3[%multiple_of3A_190] : memref<320000xi32, #tpu.memory_space<hbm>> -> memref<80xi32, #tpu.memory_space<hbm>>
      tpu.enqueue_dma source(%dma_start3A_192 : memref<80xi32, #tpu.memory_space<hbm>>) target(%arg9 : memref<80xi32, #tpu.memory_space<vmem>>) target_semaphore(%arg22 : memref<!tpu.dma_semaphore, #tpu.memory_space<semaphore_mem>>)
      %dma_start3A_193 = tpu.memref_slice %arg4[%multiple_of3A_190] : memref<320000xi32, #tpu.memory_space<hbm>> -> memref<80xi32, #tpu.memory_space<hbm>>
      %dma_start3A_194 = tpu.memref_slice %arg4[%multiple_of3A_190] : memref<320000xi32, #tpu.memory_space<hbm>> -> memref<80xi32, #tpu.memory_space<hbm>>
      tpu.enqueue_dma source(%dma_start3A_194 : memref<80xi32, #tpu.memory_space<hbm>>) target(%arg13 : memref<80xi32, #tpu.memory_space<vmem>>) target_semaphore(%arg22 : memref<!tpu.dma_semaphore, #tpu.memory_space<semaphore_mem>>)
      %add3A_195 = arith.constant 1 : i32
      %add3A_196 = arith.addi %add3A_164, %add3A_195 : i32
      %dma_wait3A_197 = arith.constant 0 : i32
      %dma_wait3A_198 = arith.constant 0 : i32
      %dma_wait3A_199 = tpu.memref_slice %arg2[%dma_wait3A_197, %dma_wait3A_198] : memref<10000x128xf32, #tpu.memory_space<hbm>> -> memref<10000x128xf32, #tpu.memory_space<hbm>>
      tpu.wait_indirect_dma semaphore(%arg21 : memref<!tpu.dma_semaphore, #tpu.memory_space<semaphore_mem>>) src(%dma_wait3A_199 : memref<10000x128xf32, #tpu.memory_space<hbm>>) dst(%arg19 : memref<80x128xf32, #tpu.memory_space<vmem>>)
      %dma_wait3A_200 = arith.constant 0 : i32
      %dma_wait3A_201 = tpu.memref_slice %arg3[%dma_wait3A_200] : memref<320000xi32, #tpu.memory_space<hbm>> -> memref<80xi32, #tpu.memory_space<hbm>>
      %dma_wait3A_202 = arith.constant 0 : i32
      %dma_wait3A_203 = tpu.memref_slice %arg3[%dma_wait3A_202] : memref<320000xi32, #tpu.memory_space<hbm>> -> memref<80xi32, #tpu.memory_space<hbm>>
      tpu.wait_dma2 semaphore(%arg22 : memref<!tpu.dma_semaphore, #tpu.memory_space<semaphore_mem>>) src(%dma_wait3A_203 : memref<80xi32, #tpu.memory_space<hbm>>) dst(%arg9 : memref<80xi32, #tpu.memory_space<vmem>>)
      %dma_wait3A_204 = arith.constant 0 : i32
      %dma_wait3A_205 = tpu.memref_slice %arg4[%dma_wait3A_204] : memref<320000xi32, #tpu.memory_space<hbm>> -> memref<80xi32, #tpu.memory_space<hbm>>
      %dma_wait3A_206 = arith.constant 0 : i32
      %dma_wait3A_207 = tpu.memref_slice %arg4[%dma_wait3A_206] : memref<320000xi32, #tpu.memory_space<hbm>> -> memref<80xi32, #tpu.memory_space<hbm>>
      tpu.wait_dma2 semaphore(%arg22 : memref<!tpu.dma_semaphore, #tpu.memory_space<semaphore_mem>>) src(%dma_wait3A_207 : memref<80xi32, #tpu.memory_space<hbm>>) dst(%arg13 : memref<80xi32, #tpu.memory_space<vmem>>)
      %dma_wait3A_208 = arith.constant 0 : i32
      %dma_wait3A_209 = arith.constant 0 : i32
      %dma_wait3A_210 = tpu.memref_slice %arg8[%dma_wait3A_208, %dma_wait3A_209] : memref<10000x128xf32, #tpu.memory_space<vmem_shared>> -> memref<10000x128xf32, #tpu.memory_space<vmem_shared>>
      tpu.wait_indirect_dma semaphore(%arg23 : memref<!tpu.dma_semaphore, #tpu.memory_space<semaphore_mem>>) src(%arg18 : memref<80x128xf32, #tpu.memory_space<vmem>>) dst(%dma_wait3A_210 : memref<10000x128xf32, #tpu.memory_space<vmem_shared>>)
      %dma_start3A_211 = arith.constant 0 : i32
      %dma_start3A_212 = arith.constant 0 : i32
      %dma_start3A_213 = tpu.memref_slice %arg2[%dma_start3A_211, %dma_start3A_212] : memref<10000x128xf32, #tpu.memory_space<hbm>> -> memref<10000x128xf32, #tpu.memory_space<hbm>>
      tpu.enqueue_indirect_dma source(%dma_start3A_213 : memref<10000x128xf32, #tpu.memory_space<hbm>>) target(%arg17 : memref<80x128xf32, #tpu.memory_space<vmem>>) offsets(%arg9 : memref<80xi32, #tpu.memory_space<vmem>>) semaphore(%arg21 : memref<!tpu.dma_semaphore, #tpu.memory_space<semaphore_mem>>)
      %dma_start3A_214 = arith.constant 0 : i32
      %dma_start3A_215 = arith.constant 0 : i32
      %dma_start3A_216 = tpu.memref_slice %arg8[%dma_start3A_214, %dma_start3A_215] : memref<10000x128xf32, #tpu.memory_space<vmem_shared>> -> memref<10000x128xf32, #tpu.memory_space<vmem_shared>>
      tpu.enqueue_indirect_dma source(%arg19 : memref<80x128xf32, #tpu.memory_space<vmem>>) target(%dma_start3A_216 : memref<10000x128xf32, #tpu.memory_space<vmem_shared>>) offsets(%arg15 : memref<80xi32, #tpu.memory_space<vmem>>) semaphore(%arg23 : memref<!tpu.dma_semaphore, #tpu.memory_space<semaphore_mem>>) {add = true}
      %add3A_217 = arith.constant 3 : i32
      %add3A_218 = arith.addi %add3A_196, %add3A_217 : i32
      %mul3A_219 = arith.constant 80 : i32
      %mul3A_220 = arith.muli %add3A_218, %mul3A_219 : i32
      %add3A_221 = arith.addi %mul3A_10, %mul3A_220 : i32
      %multiple_of3A_222 = tpu.assume_multiple %add3A_221, 8 : i32
      %dma_start3A_223 = tpu.memref_slice %arg3[%multiple_of3A_222] : memref<320000xi32, #tpu.memory_space<hbm>> -> memref<80xi32, #tpu.memory_space<hbm>>
      %dma_start3A_224 = tpu.memref_slice %arg3[%multiple_of3A_222] : memref<320000xi32, #tpu.memory_space<hbm>> -> memref<80xi32, #tpu.memory_space<hbm>>
      tpu.enqueue_dma source(%dma_start3A_224 : memref<80xi32, #tpu.memory_space<hbm>>) target(%arg10 : memref<80xi32, #tpu.memory_space<vmem>>) target_semaphore(%arg22 : memref<!tpu.dma_semaphore, #tpu.memory_space<semaphore_mem>>)
      %dma_start3A_225 = tpu.memref_slice %arg4[%multiple_of3A_222] : memref<320000xi32, #tpu.memory_space<hbm>> -> memref<80xi32, #tpu.memory_space<hbm>>
      %dma_start3A_226 = tpu.memref_slice %arg4[%multiple_of3A_222] : memref<320000xi32, #tpu.memory_space<hbm>> -> memref<80xi32, #tpu.memory_space<hbm>>
      tpu.enqueue_dma source(%dma_start3A_226 : memref<80xi32, #tpu.memory_space<hbm>>) target(%arg14 : memref<80xi32, #tpu.memory_space<vmem>>) target_semaphore(%arg22 : memref<!tpu.dma_semaphore, #tpu.memory_space<semaphore_mem>>)
      %add3A_227 = arith.constant 2 : i32
      %add3A_228 = arith.addi %add3A_164, %add3A_227 : i32
      %dma_wait3A_229 = arith.constant 0 : i32
      %dma_wait3A_230 = arith.constant 0 : i32
      %dma_wait3A_231 = tpu.memref_slice %arg2[%dma_wait3A_229, %dma_wait3A_230] : memref<10000x128xf32, #tpu.memory_space<hbm>> -> memref<10000x128xf32, #tpu.memory_space<hbm>>
      tpu.wait_indirect_dma semaphore(%arg21 : memref<!tpu.dma_semaphore, #tpu.memory_space<semaphore_mem>>) src(%dma_wait3A_231 : memref<10000x128xf32, #tpu.memory_space<hbm>>) dst(%arg20 : memref<80x128xf32, #tpu.memory_space<vmem>>)
      %dma_wait3A_232 = arith.constant 0 : i32
      %dma_wait3A_233 = tpu.memref_slice %arg3[%dma_wait3A_232] : memref<320000xi32, #tpu.memory_space<hbm>> -> memref<80xi32, #tpu.memory_space<hbm>>
      %dma_wait3A_234 = arith.constant 0 : i32
      %dma_wait3A_235 = tpu.memref_slice %arg3[%dma_wait3A_234] : memref<320000xi32, #tpu.memory_space<hbm>> -> memref<80xi32, #tpu.memory_space<hbm>>
      tpu.wait_dma2 semaphore(%arg22 : memref<!tpu.dma_semaphore, #tpu.memory_space<semaphore_mem>>) src(%dma_wait3A_235 : memref<80xi32, #tpu.memory_space<hbm>>) dst(%arg9 : memref<80xi32, #tpu.memory_space<vmem>>)
      %dma_wait3A_236 = arith.constant 0 : i32
      %dma_wait3A_237 = tpu.memref_slice %arg4[%dma_wait3A_236] : memref<320000xi32, #tpu.memory_space<hbm>> -> memref<80xi32, #tpu.memory_space<hbm>>
      %dma_wait3A_238 = arith.constant 0 : i32
      %dma_wait3A_239 = tpu.memref_slice %arg4[%dma_wait3A_238] : memref<320000xi32, #tpu.memory_space<hbm>> -> memref<80xi32, #tpu.memory_space<hbm>>
      tpu.wait_dma2 semaphore(%arg22 : memref<!tpu.dma_semaphore, #tpu.memory_space<semaphore_mem>>) src(%dma_wait3A_239 : memref<80xi32, #tpu.memory_space<hbm>>) dst(%arg13 : memref<80xi32, #tpu.memory_space<vmem>>)
      %dma_wait3A_240 = arith.constant 0 : i32
      %dma_wait3A_241 = arith.constant 0 : i32
      %dma_wait3A_242 = tpu.memref_slice %arg8[%dma_wait3A_240, %dma_wait3A_241] : memref<10000x128xf32, #tpu.memory_space<vmem_shared>> -> memref<10000x128xf32, #tpu.memory_space<vmem_shared>>
      tpu.wait_indirect_dma semaphore(%arg23 : memref<!tpu.dma_semaphore, #tpu.memory_space<semaphore_mem>>) src(%arg19 : memref<80x128xf32, #tpu.memory_space<vmem>>) dst(%dma_wait3A_242 : memref<10000x128xf32, #tpu.memory_space<vmem_shared>>)
      %dma_start3A_243 = arith.constant 0 : i32
      %dma_start3A_244 = arith.constant 0 : i32
      %dma_start3A_245 = tpu.memref_slice %arg2[%dma_start3A_243, %dma_start3A_244] : memref<10000x128xf32, #tpu.memory_space<hbm>> -> memref<10000x128xf32, #tpu.memory_space<hbm>>
      tpu.enqueue_indirect_dma source(%dma_start3A_245 : memref<10000x128xf32, #tpu.memory_space<hbm>>) target(%arg18 : memref<80x128xf32, #tpu.memory_space<vmem>>) offsets(%arg10 : memref<80xi32, #tpu.memory_space<vmem>>) semaphore(%arg21 : memref<!tpu.dma_semaphore, #tpu.memory_space<semaphore_mem>>)
      %dma_start3A_246 = arith.constant 0 : i32
      %dma_start3A_247 = arith.constant 0 : i32
      %dma_start3A_248 = tpu.memref_slice %arg8[%dma_start3A_246, %dma_start3A_247] : memref<10000x128xf32, #tpu.memory_space<vmem_shared>> -> memref<10000x128xf32, #tpu.memory_space<vmem_shared>>
      tpu.enqueue_indirect_dma source(%arg20 : memref<80x128xf32, #tpu.memory_space<vmem>>) target(%dma_start3A_248 : memref<10000x128xf32, #tpu.memory_space<vmem_shared>>) offsets(%arg16 : memref<80xi32, #tpu.memory_space<vmem>>) semaphore(%arg23 : memref<!tpu.dma_semaphore, #tpu.memory_space<semaphore_mem>>) {add = true}
      %add3A_249 = arith.constant 3 : i32
      %add3A_250 = arith.addi %add3A_228, %add3A_249 : i32
      %mul3A_251 = arith.constant 80 : i32
      %mul3A_252 = arith.muli %add3A_250, %mul3A_251 : i32
      %add3A_253 = arith.addi %mul3A_10, %mul3A_252 : i32
      %multiple_of3A_254 = tpu.assume_multiple %add3A_253, 8 : i32
      %dma_start3A_255 = tpu.memref_slice %arg3[%multiple_of3A_254] : memref<320000xi32, #tpu.memory_space<hbm>> -> memref<80xi32, #tpu.memory_space<hbm>>
      %dma_start3A_256 = tpu.memref_slice %arg3[%multiple_of3A_254] : memref<320000xi32, #tpu.memory_space<hbm>> -> memref<80xi32, #tpu.memory_space<hbm>>
      tpu.enqueue_dma source(%dma_start3A_256 : memref<80xi32, #tpu.memory_space<hbm>>) target(%arg11 : memref<80xi32, #tpu.memory_space<vmem>>) target_semaphore(%arg22 : memref<!tpu.dma_semaphore, #tpu.memory_space<semaphore_mem>>)
      %dma_start3A_257 = tpu.memref_slice %arg4[%multiple_of3A_254] : memref<320000xi32, #tpu.memory_space<hbm>> -> memref<80xi32, #tpu.memory_space<hbm>>
      %dma_start3A_258 = tpu.memref_slice %arg4[%multiple_of3A_254] : memref<320000xi32, #tpu.memory_space<hbm>> -> memref<80xi32, #tpu.memory_space<hbm>>
      tpu.enqueue_dma source(%dma_start3A_258 : memref<80xi32, #tpu.memory_space<hbm>>) target(%arg15 : memref<80xi32, #tpu.memory_space<vmem>>) target_semaphore(%arg22 : memref<!tpu.dma_semaphore, #tpu.memory_space<semaphore_mem>>)
      %add3A_259 = arith.constant 3 : i32
      %add3A_260 = arith.addi %add3A_164, %add3A_259 : i32
      %dma_wait3A_261 = arith.constant 0 : i32
      %dma_wait3A_262 = arith.constant 0 : i32
      %dma_wait3A_263 = tpu.memref_slice %arg2[%dma_wait3A_261, %dma_wait3A_262] : memref<10000x128xf32, #tpu.memory_space<hbm>> -> memref<10000x128xf32, #tpu.memory_space<hbm>>
      tpu.wait_indirect_dma semaphore(%arg21 : memref<!tpu.dma_semaphore, #tpu.memory_space<semaphore_mem>>) src(%dma_wait3A_263 : memref<10000x128xf32, #tpu.memory_space<hbm>>) dst(%arg17 : memref<80x128xf32, #tpu.memory_space<vmem>>)
      %dma_wait3A_264 = arith.constant 0 : i32
      %dma_wait3A_265 = tpu.memref_slice %arg3[%dma_wait3A_264] : memref<320000xi32, #tpu.memory_space<hbm>> -> memref<80xi32, #tpu.memory_space<hbm>>
      %dma_wait3A_266 = arith.constant 0 : i32
      %dma_wait3A_267 = tpu.memref_slice %arg3[%dma_wait3A_266] : memref<320000xi32, #tpu.memory_space<hbm>> -> memref<80xi32, #tpu.memory_space<hbm>>
      tpu.wait_dma2 semaphore(%arg22 : memref<!tpu.dma_semaphore, #tpu.memory_space<semaphore_mem>>) src(%dma_wait3A_267 : memref<80xi32, #tpu.memory_space<hbm>>) dst(%arg9 : memref<80xi32, #tpu.memory_space<vmem>>)
      %dma_wait3A_268 = arith.constant 0 : i32
      %dma_wait3A_269 = tpu.memref_slice %arg4[%dma_wait3A_268] : memref<320000xi32, #tpu.memory_space<hbm>> -> memref<80xi32, #tpu.memory_space<hbm>>
      %dma_wait3A_270 = arith.constant 0 : i32
      %dma_wait3A_271 = tpu.memref_slice %arg4[%dma_wait3A_270] : memref<320000xi32, #tpu.memory_space<hbm>> -> memref<80xi32, #tpu.memory_space<hbm>>
      tpu.wait_dma2 semaphore(%arg22 : memref<!tpu.dma_semaphore, #tpu.memory_space<semaphore_mem>>) src(%dma_wait3A_271 : memref<80xi32, #tpu.memory_space<hbm>>) dst(%arg13 : memref<80xi32, #tpu.memory_space<vmem>>)
      %dma_wait3A_272 = arith.constant 0 : i32
      %dma_wait3A_273 = arith.constant 0 : i32
      %dma_wait3A_274 = tpu.memref_slice %arg8[%dma_wait3A_272, %dma_wait3A_273] : memref<10000x128xf32, #tpu.memory_space<vmem_shared>> -> memref<10000x128xf32, #tpu.memory_space<vmem_shared>>
      tpu.wait_indirect_dma semaphore(%arg23 : memref<!tpu.dma_semaphore, #tpu.memory_space<semaphore_mem>>) src(%arg20 : memref<80x128xf32, #tpu.memory_space<vmem>>) dst(%dma_wait3A_274 : memref<10000x128xf32, #tpu.memory_space<vmem_shared>>)
      %dma_start3A_275 = arith.constant 0 : i32
      %dma_start3A_276 = arith.constant 0 : i32
      %dma_start3A_277 = tpu.memref_slice %arg2[%dma_start3A_275, %dma_start3A_276] : memref<10000x128xf32, #tpu.memory_space<hbm>> -> memref<10000x128xf32, #tpu.memory_space<hbm>>
      tpu.enqueue_indirect_dma source(%dma_start3A_277 : memref<10000x128xf32, #tpu.memory_space<hbm>>) target(%arg19 : memref<80x128xf32, #tpu.memory_space<vmem>>) offsets(%arg11 : memref<80xi32, #tpu.memory_space<vmem>>) semaphore(%arg21 : memref<!tpu.dma_semaphore, #tpu.memory_space<semaphore_mem>>)
      %dma_start3A_278 = arith.constant 0 : i32
      %dma_start3A_279 = arith.constant 0 : i32
      %dma_start3A_280 = tpu.memref_slice %arg8[%dma_start3A_278, %dma_start3A_279] : memref<10000x128xf32, #tpu.memory_space<vmem_shared>> -> memref<10000x128xf32, #tpu.memory_space<vmem_shared>>
      tpu.enqueue_indirect_dma source(%arg17 : memref<80x128xf32, #tpu.memory_space<vmem>>) target(%dma_start3A_280 : memref<10000x128xf32, #tpu.memory_space<vmem_shared>>) offsets(%arg13 : memref<80xi32, #tpu.memory_space<vmem>>) semaphore(%arg23 : memref<!tpu.dma_semaphore, #tpu.memory_space<semaphore_mem>>) {add = true}
      %add3A_281 = arith.constant 3 : i32
      %add3A_282 = arith.addi %add3A_260, %add3A_281 : i32
      %mul3A_283 = arith.constant 80 : i32
      %mul3A_284 = arith.muli %add3A_282, %mul3A_283 : i32
      %add3A_285 = arith.addi %mul3A_10, %mul3A_284 : i32
      %multiple_of3A_286 = tpu.assume_multiple %add3A_285, 8 : i32
      %dma_start3A_287 = tpu.memref_slice %arg3[%multiple_of3A_286] : memref<320000xi32, #tpu.memory_space<hbm>> -> memref<80xi32, #tpu.memory_space<hbm>>
      %dma_start3A_288 = tpu.memref_slice %arg3[%multiple_of3A_286] : memref<320000xi32, #tpu.memory_space<hbm>> -> memref<80xi32, #tpu.memory_space<hbm>>
      tpu.enqueue_dma source(%dma_start3A_288 : memref<80xi32, #tpu.memory_space<hbm>>) target(%arg12 : memref<80xi32, #tpu.memory_space<vmem>>) target_semaphore(%arg22 : memref<!tpu.dma_semaphore, #tpu.memory_space<semaphore_mem>>)
      %dma_start3A_289 = tpu.memref_slice %arg4[%multiple_of3A_286] : memref<320000xi32, #tpu.memory_space<hbm>> -> memref<80xi32, #tpu.memory_space<hbm>>
      %dma_start3A_290 = tpu.memref_slice %arg4[%multiple_of3A_286] : memref<320000xi32, #tpu.memory_space<hbm>> -> memref<80xi32, #tpu.memory_space<hbm>>
      tpu.enqueue_dma source(%dma_start3A_290 : memref<80xi32, #tpu.memory_space<hbm>>) target(%arg16 : memref<80xi32, #tpu.memory_space<vmem>>) target_semaphore(%arg22 : memref<!tpu.dma_semaphore, #tpu.memory_space<semaphore_mem>>)
    }
    %scan3A_80 = arith.constant 30 : i32
    %dma_wait3A_81 = arith.constant 0 : i32
    %dma_wait3A_82 = arith.constant 0 : i32
    %dma_wait3A_83 = tpu.memref_slice %arg2[%dma_wait3A_81, %dma_wait3A_82] : memref<10000x128xf32, #tpu.memory_space<hbm>> -> memref<10000x128xf32, #tpu.memory_space<hbm>>
    tpu.wait_indirect_dma semaphore(%arg21 : memref<!tpu.dma_semaphore, #tpu.memory_space<semaphore_mem>>) src(%dma_wait3A_83 : memref<10000x128xf32, #tpu.memory_space<hbm>>) dst(%arg18 : memref<80x128xf32, #tpu.memory_space<vmem>>)
    %dma_wait3A_84 = arith.constant 0 : i32
    %dma_wait3A_85 = tpu.memref_slice %arg3[%dma_wait3A_84] : memref<320000xi32, #tpu.memory_space<hbm>> -> memref<80xi32, #tpu.memory_space<hbm>>
    %dma_wait3A_86 = arith.constant 0 : i32
    %dma_wait3A_87 = tpu.memref_slice %arg3[%dma_wait3A_86] : memref<320000xi32, #tpu.memory_space<hbm>> -> memref<80xi32, #tpu.memory_space<hbm>>
    tpu.wait_dma2 semaphore(%arg22 : memref<!tpu.dma_semaphore, #tpu.memory_space<semaphore_mem>>) src(%dma_wait3A_87 : memref<80xi32, #tpu.memory_space<hbm>>) dst(%arg9 : memref<80xi32, #tpu.memory_space<vmem>>)
    %dma_wait3A_88 = arith.constant 0 : i32
    %dma_wait3A_89 = tpu.memref_slice %arg4[%dma_wait3A_88] : memref<320000xi32, #tpu.memory_space<hbm>> -> memref<80xi32, #tpu.memory_space<hbm>>
    %dma_wait3A_90 = arith.constant 0 : i32
    %dma_wait3A_91 = tpu.memref_slice %arg4[%dma_wait3A_90] : memref<320000xi32, #tpu.memory_space<hbm>> -> memref<80xi32, #tpu.memory_space<hbm>>
    tpu.wait_dma2 semaphore(%arg22 : memref<!tpu.dma_semaphore, #tpu.memory_space<semaphore_mem>>) src(%dma_wait3A_91 : memref<80xi32, #tpu.memory_space<hbm>>) dst(%arg13 : memref<80xi32, #tpu.memory_space<vmem>>)
    %dma_wait3A_92 = arith.constant 0 : i32
    %dma_wait3A_93 = arith.constant 0 : i32
    %dma_wait3A_94 = tpu.memref_slice %arg8[%dma_wait3A_92, %dma_wait3A_93] : memref<10000x128xf32, #tpu.memory_space<vmem_shared>> -> memref<10000x128xf32, #tpu.memory_space<vmem_shared>>
    tpu.wait_indirect_dma semaphore(%arg23 : memref<!tpu.dma_semaphore, #tpu.memory_space<semaphore_mem>>) src(%arg17 : memref<80x128xf32, #tpu.memory_space<vmem>>) dst(%dma_wait3A_94 : memref<10000x128xf32, #tpu.memory_space<vmem_shared>>)
    %dma_start3A_95 = arith.constant 0 : i32
    %dma_start3A_96 = arith.constant 0 : i32
    %dma_start3A_97 = tpu.memref_slice %arg2[%dma_start3A_95, %dma_start3A_96] : memref<10000x128xf32, #tpu.memory_space<hbm>> -> memref<10000x128xf32, #tpu.memory_space<hbm>>
    tpu.enqueue_indirect_dma source(%dma_start3A_97 : memref<10000x128xf32, #tpu.memory_space<hbm>>) target(%arg20 : memref<80x128xf32, #tpu.memory_space<vmem>>) offsets(%arg12 : memref<80xi32, #tpu.memory_space<vmem>>) semaphore(%arg21 : memref<!tpu.dma_semaphore, #tpu.memory_space<semaphore_mem>>)
    %dma_start3A_98 = arith.constant 0 : i32
    %dma_start3A_99 = arith.constant 0 : i32
    %dma_start3A_100 = tpu.memref_slice %arg8[%dma_start3A_98, %dma_start3A_99] : memref<10000x128xf32, #tpu.memory_space<vmem_shared>> -> memref<10000x128xf32, #tpu.memory_space<vmem_shared>>
    tpu.enqueue_indirect_dma source(%arg18 : memref<80x128xf32, #tpu.memory_space<vmem>>) target(%dma_start3A_100 : memref<10000x128xf32, #tpu.memory_space<vmem_shared>>) offsets(%arg14 : memref<80xi32, #tpu.memory_space<vmem>>) semaphore(%arg23 : memref<!tpu.dma_semaphore, #tpu.memory_space<semaphore_mem>>) {add = true}
    %add3A_101 = arith.constant 9920 : i32
    %add3A_102 = arith.addi %mul3A_10, %add3A_101 : i32
    %multiple_of3A_103 = tpu.assume_multiple %add3A_102, 8 : i32
    %dma_start3A_104 = tpu.memref_slice %arg3[%multiple_of3A_103] : memref<320000xi32, #tpu.memory_space<hbm>> -> memref<80xi32, #tpu.memory_space<hbm>>
    %dma_start3A_105 = tpu.memref_slice %arg3[%multiple_of3A_103] : memref<320000xi32, #tpu.memory_space<hbm>> -> memref<80xi32, #tpu.memory_space<hbm>>
    tpu.enqueue_dma source(%dma_start3A_105 : memref<80xi32, #tpu.memory_space<hbm>>) target(%arg9 : memref<80xi32, #tpu.memory_space<vmem>>) target_semaphore(%arg22 : memref<!tpu.dma_semaphore, #tpu.memory_space<semaphore_mem>>)
    %dma_start3A_106 = tpu.memref_slice %arg4[%multiple_of3A_103] : memref<320000xi32, #tpu.memory_space<hbm>> -> memref<80xi32, #tpu.memory_space<hbm>>
    %dma_start3A_107 = tpu.memref_slice %arg4[%multiple_of3A_103] : memref<320000xi32, #tpu.memory_space<hbm>> -> memref<80xi32, #tpu.memory_space<hbm>>
    tpu.enqueue_dma source(%dma_start3A_107 : memref<80xi32, #tpu.memory_space<hbm>>) target(%arg13 : memref<80xi32, #tpu.memory_space<vmem>>) target_semaphore(%arg22 : memref<!tpu.dma_semaphore, #tpu.memory_space<semaphore_mem>>)
    %dma_wait3A_108 = arith.constant 0 : i32
    %dma_wait3A_109 = arith.constant 0 : i32
    %dma_wait3A_110 = tpu.memref_slice %arg2[%dma_wait3A_108, %dma_wait3A_109] : memref<10000x128xf32, #tpu.memory_space<hbm>> -> memref<10000x128xf32, #tpu.memory_space<hbm>>
    tpu.wait_indirect_dma semaphore(%arg21 : memref<!tpu.dma_semaphore, #tpu.memory_space<semaphore_mem>>) src(%dma_wait3A_110 : memref<10000x128xf32, #tpu.memory_space<hbm>>) dst(%arg19 : memref<80x128xf32, #tpu.memory_space<vmem>>)
    %dma_wait3A_111 = arith.constant 0 : i32
    %dma_wait3A_112 = tpu.memref_slice %arg3[%dma_wait3A_111] : memref<320000xi32, #tpu.memory_space<hbm>> -> memref<80xi32, #tpu.memory_space<hbm>>
    %dma_wait3A_113 = arith.constant 0 : i32
    %dma_wait3A_114 = tpu.memref_slice %arg3[%dma_wait3A_113] : memref<320000xi32, #tpu.memory_space<hbm>> -> memref<80xi32, #tpu.memory_space<hbm>>
    tpu.wait_dma2 semaphore(%arg22 : memref<!tpu.dma_semaphore, #tpu.memory_space<semaphore_mem>>) src(%dma_wait3A_114 : memref<80xi32, #tpu.memory_space<hbm>>) dst(%arg9 : memref<80xi32, #tpu.memory_space<vmem>>)
    %dma_wait3A_115 = arith.constant 0 : i32
    %dma_wait3A_116 = tpu.memref_slice %arg4[%dma_wait3A_115] : memref<320000xi32, #tpu.memory_space<hbm>> -> memref<80xi32, #tpu.memory_space<hbm>>
    %dma_wait3A_117 = arith.constant 0 : i32
    %dma_wait3A_118 = tpu.memref_slice %arg4[%dma_wait3A_117] : memref<320000xi32, #tpu.memory_space<hbm>> -> memref<80xi32, #tpu.memory_space<hbm>>
    tpu.wait_dma2 semaphore(%arg22 : memref<!tpu.dma_semaphore, #tpu.memory_space<semaphore_mem>>) src(%dma_wait3A_118 : memref<80xi32, #tpu.memory_space<hbm>>) dst(%arg13 : memref<80xi32, #tpu.memory_space<vmem>>)
    %dma_wait3A_119 = arith.constant 0 : i32
    %dma_wait3A_120 = arith.constant 0 : i32
    %dma_wait3A_121 = tpu.memref_slice %arg8[%dma_wait3A_119, %dma_wait3A_120] : memref<10000x128xf32, #tpu.memory_space<vmem_shared>> -> memref<10000x128xf32, #tpu.memory_space<vmem_shared>>
    tpu.wait_indirect_dma semaphore(%arg23 : memref<!tpu.dma_semaphore, #tpu.memory_space<semaphore_mem>>) src(%arg18 : memref<80x128xf32, #tpu.memory_space<vmem>>) dst(%dma_wait3A_121 : memref<10000x128xf32, #tpu.memory_space<vmem_shared>>)
    %dma_start3A_122 = arith.constant 0 : i32
    %dma_start3A_123 = arith.constant 0 : i32
    %dma_start3A_124 = tpu.memref_slice %arg2[%dma_start3A_122, %dma_start3A_123] : memref<10000x128xf32, #tpu.memory_space<hbm>> -> memref<10000x128xf32, #tpu.memory_space<hbm>>
    tpu.enqueue_indirect_dma source(%dma_start3A_124 : memref<10000x128xf32, #tpu.memory_space<hbm>>) target(%arg17 : memref<80x128xf32, #tpu.memory_space<vmem>>) offsets(%arg9 : memref<80xi32, #tpu.memory_space<vmem>>) semaphore(%arg21 : memref<!tpu.dma_semaphore, #tpu.memory_space<semaphore_mem>>)
    %dma_start3A_125 = arith.constant 0 : i32
    %dma_start3A_126 = arith.constant 0 : i32
    %dma_start3A_127 = tpu.memref_slice %arg8[%dma_start3A_125, %dma_start3A_126] : memref<10000x128xf32, #tpu.memory_space<vmem_shared>> -> memref<10000x128xf32, #tpu.memory_space<vmem_shared>>
    tpu.enqueue_indirect_dma source(%arg19 : memref<80x128xf32, #tpu.memory_space<vmem>>) target(%dma_start3A_127 : memref<10000x128xf32, #tpu.memory_space<vmem_shared>>) offsets(%arg15 : memref<80xi32, #tpu.memory_space<vmem>>) semaphore(%arg23 : memref<!tpu.dma_semaphore, #tpu.memory_space<semaphore_mem>>) {add = true}
    %dma_wait3A_128 = arith.constant 0 : i32
    %dma_wait3A_129 = arith.constant 0 : i32
    %dma_wait3A_130 = tpu.memref_slice %arg2[%dma_wait3A_128, %dma_wait3A_129] : memref<10000x128xf32, #tpu.memory_space<hbm>> -> memref<10000x128xf32, #tpu.memory_space<hbm>>
    tpu.wait_indirect_dma semaphore(%arg21 : memref<!tpu.dma_semaphore, #tpu.memory_space<semaphore_mem>>) src(%dma_wait3A_130 : memref<10000x128xf32, #tpu.memory_space<hbm>>) dst(%arg20 : memref<80x128xf32, #tpu.memory_space<vmem>>)
    %dma_wait3A_131 = arith.constant 0 : i32
    %dma_wait3A_132 = arith.constant 0 : i32
    %dma_wait3A_133 = tpu.memref_slice %arg8[%dma_wait3A_131, %dma_wait3A_132] : memref<10000x128xf32, #tpu.memory_space<vmem_shared>> -> memref<10000x128xf32, #tpu.memory_space<vmem_shared>>
    tpu.wait_indirect_dma semaphore(%arg23 : memref<!tpu.dma_semaphore, #tpu.memory_space<semaphore_mem>>) src(%arg19 : memref<80x128xf32, #tpu.memory_space<vmem>>) dst(%dma_wait3A_133 : memref<10000x128xf32, #tpu.memory_space<vmem_shared>>)
    %dma_start3A_134 = arith.constant 0 : i32
    %dma_start3A_135 = arith.constant 0 : i32
    %dma_start3A_136 = tpu.memref_slice %arg8[%dma_start3A_134, %dma_start3A_135] : memref<10000x128xf32, #tpu.memory_space<vmem_shared>> -> memref<10000x128xf32, #tpu.memory_space<vmem_shared>>
    tpu.enqueue_indirect_dma source(%arg20 : memref<80x128xf32, #tpu.memory_space<vmem>>) target(%dma_start3A_136 : memref<10000x128xf32, #tpu.memory_space<vmem_shared>>) offsets(%arg16 : memref<80xi32, #tpu.memory_space<vmem>>) semaphore(%arg23 : memref<!tpu.dma_semaphore, #tpu.memory_space<semaphore_mem>>) {add = true}
    %dma_wait3A_137 = arith.constant 0 : i32
    %dma_wait3A_138 = arith.constant 0 : i32
    %dma_wait3A_139 = tpu.memref_slice %arg2[%dma_wait3A_137, %dma_wait3A_138] : memref<10000x128xf32, #tpu.memory_space<hbm>> -> memref<10000x128xf32, #tpu.memory_space<hbm>>
    tpu.wait_indirect_dma semaphore(%arg21 : memref<!tpu.dma_semaphore, #tpu.memory_space<semaphore_mem>>) src(%dma_wait3A_139 : memref<10000x128xf32, #tpu.memory_space<hbm>>) dst(%arg17 : memref<80x128xf32, #tpu.memory_space<vmem>>)
    %dma_wait3A_140 = arith.constant 0 : i32
    %dma_wait3A_141 = arith.constant 0 : i32
    %dma_wait3A_142 = tpu.memref_slice %arg8[%dma_wait3A_140, %dma_wait3A_141] : memref<10000x128xf32, #tpu.memory_space<vmem_shared>> -> memref<10000x128xf32, #tpu.memory_space<vmem_shared>>
    tpu.wait_indirect_dma semaphore(%arg23 : memref<!tpu.dma_semaphore, #tpu.memory_space<semaphore_mem>>) src(%arg20 : memref<80x128xf32, #tpu.memory_space<vmem>>) dst(%dma_wait3A_142 : memref<10000x128xf32, #tpu.memory_space<vmem_shared>>)
    %dma_start3A_143 = arith.constant 0 : i32
    %dma_start3A_144 = arith.constant 0 : i32
    %dma_start3A_145 = tpu.memref_slice %arg8[%dma_start3A_143, %dma_start3A_144] : memref<10000x128xf32, #tpu.memory_space<vmem_shared>> -> memref<10000x128xf32, #tpu.memory_space<vmem_shared>>
    tpu.enqueue_indirect_dma source(%arg17 : memref<80x128xf32, #tpu.memory_space<vmem>>) target(%dma_start3A_145 : memref<10000x128xf32, #tpu.memory_space<vmem_shared>>) offsets(%arg13 : memref<80xi32, #tpu.memory_space<vmem>>) semaphore(%arg23 : memref<!tpu.dma_semaphore, #tpu.memory_space<semaphore_mem>>) {add = true}
    %dma_wait3A_146 = arith.constant 0 : i32
    %dma_wait3A_147 = arith.constant 0 : i32
    %dma_wait3A_148 = tpu.memref_slice %arg8[%dma_wait3A_146, %dma_wait3A_147] : memref<10000x128xf32, #tpu.memory_space<vmem_shared>> -> memref<10000x128xf32, #tpu.memory_space<vmem_shared>>
    tpu.wait_indirect_dma semaphore(%arg23 : memref<!tpu.dma_semaphore, #tpu.memory_space<semaphore_mem>>) src(%arg17 : memref<80x128xf32, #tpu.memory_space<vmem>>) dst(%dma_wait3A_148 : memref<10000x128xf32, #tpu.memory_space<vmem_shared>>)
    %barrier3A_149 = arith.constant 0 : index
    tpu.barrier barrier_id(%barrier3A_149)
    %lt3A_150 = arith.constant 15 : i32
    %lt3A_151 = arith.cmpi slt, %arg1, %lt3A_150 : i32
    %convert_element_type3A_152 = arith.extui %lt3A_151 : i1 to i32
    %cond3A_153 = arith.constant 0 : i32
    %cond3A_154 = arith.cmpi ne, %convert_element_type3A_152, %cond3A_153 : i32
    scf.if %cond3A_154 {
      "tpu.region"() ({
        %run_scoped3A = tpu.sem_alloc : memref<!tpu.dma_semaphore, #tpu.memory_space<semaphore_mem>>
        %dma_start3A_160 = arith.constant 0 : i32
        %dma_start3A_161 = tpu.memref_slice %arg7[%arg0, %multiple_of3A, %dma_start3A_160] : memref<2x10000x128xf32, #tpu.memory_space<hbm>> -> memref<1x624x128xf32, #tpu.memory_space<hbm>>
        %dma_start3A_162 = tpu.memref_squeeze %dma_start3A_161 : memref<1x624x128xf32, #tpu.memory_space<hbm>> -> memref<624x128xf32, #tpu.memory_space<hbm>>
        %dma_start3A_163 = arith.constant 0 : i32
        %dma_start3A_164 = tpu.memref_slice %arg8[%multiple_of3A, %dma_start3A_163] : memref<10000x128xf32, #tpu.memory_space<vmem_shared>> -> memref<624x128xf32, #tpu.memory_space<vmem_shared>>
        tpu.enqueue_dma source(%dma_start3A_164 : memref<624x128xf32, #tpu.memory_space<vmem_shared>>) target(%dma_start3A_162 : memref<624x128xf32, #tpu.memory_space<hbm>>) target_semaphore(%run_scoped3A : memref<!tpu.dma_semaphore, #tpu.memory_space<semaphore_mem>>)
        %dma_wait3A_165 = arith.constant 0 : i32
        %dma_wait3A_166 = tpu.memref_slice %arg7[%arg0, %multiple_of3A, %dma_wait3A_165] : memref<2x10000x128xf32, #tpu.memory_space<hbm>> -> memref<1x624x128xf32, #tpu.memory_space<hbm>>
        %dma_wait3A_167 = tpu.memref_squeeze %dma_wait3A_166 : memref<1x624x128xf32, #tpu.memory_space<hbm>> -> memref<624x128xf32, #tpu.memory_space<hbm>>
        %dma_wait3A_168 = arith.constant 0 : i32
        %dma_wait3A_169 = tpu.memref_slice %arg8[%multiple_of3A, %dma_wait3A_168] : memref<10000x128xf32, #tpu.memory_space<vmem_shared>> -> memref<624x128xf32, #tpu.memory_space<vmem_shared>>
        tpu.wait_dma2 semaphore(%run_scoped3A : memref<!tpu.dma_semaphore, #tpu.memory_space<semaphore_mem>>) src(%dma_wait3A_169 : memref<624x128xf32, #tpu.memory_space<vmem_shared>>) dst(%dma_wait3A_167 : memref<624x128xf32, #tpu.memory_space<hbm>>)
        tpu.yield
      }) : () -> ()
    } else {
    }
    %eq3A_155 = arith.constant 15 : i32
    %eq3A_156 = arith.cmpi eq, %arg1, %eq3A_155 : i32
    %convert_element_type3A_157 = arith.extui %eq3A_156 : i1 to i32
    %cond3A_158 = arith.constant 0 : i32
    %cond3A_159 = arith.cmpi ne, %convert_element_type3A_157, %cond3A_158 : i32
    scf.if %cond3A_159 {
      "tpu.region"() ({
        %run_scoped3A = tpu.sem_alloc : memref<!tpu.dma_semaphore, #tpu.memory_space<semaphore_mem>>
        %dma_start3A_160 = arith.constant 9360 : i32
        %dma_start3A_161 = arith.constant 0 : i32
        %dma_start3A_162 = tpu.memref_slice %arg7[%arg0, %dma_start3A_160, %dma_start3A_161] : memref<2x10000x128xf32, #tpu.memory_space<hbm>> -> memref<1x640x128xf32, #tpu.memory_space<hbm>>
        %dma_start3A_163 = tpu.memref_squeeze %dma_start3A_162 : memref<1x640x128xf32, #tpu.memory_space<hbm>> -> memref<640x128xf32, #tpu.memory_space<hbm>>
        %dma_start3A_164 = arith.constant 9360 : i32
        %dma_start3A_165 = arith.constant 0 : i32
        %dma_start3A_166 = tpu.memref_slice %arg8[%dma_start3A_164, %dma_start3A_165] : memref<10000x128xf32, #tpu.memory_space<vmem_shared>> -> memref<640x128xf32, #tpu.memory_space<vmem_shared>>
        tpu.enqueue_dma source(%dma_start3A_166 : memref<640x128xf32, #tpu.memory_space<vmem_shared>>) target(%dma_start3A_163 : memref<640x128xf32, #tpu.memory_space<hbm>>) target_semaphore(%run_scoped3A : memref<!tpu.dma_semaphore, #tpu.memory_space<semaphore_mem>>)
        %dma_wait3A_167 = arith.constant 9360 : i32
        %dma_wait3A_168 = arith.constant 0 : i32
        %dma_wait3A_169 = tpu.memref_slice %arg7[%arg0, %dma_wait3A_167, %dma_wait3A_168] : memref<2x10000x128xf32, #tpu.memory_space<hbm>> -> memref<1x640x128xf32, #tpu.memory_space<hbm>>
        %dma_wait3A_170 = tpu.memref_squeeze %dma_wait3A_169 : memref<1x640x128xf32, #tpu.memory_space<hbm>> -> memref<640x128xf32, #tpu.memory_space<hbm>>
        %dma_wait3A_171 = arith.constant 9360 : i32
        %dma_wait3A_172 = arith.constant 0 : i32
        %dma_wait3A_173 = tpu.memref_slice %arg8[%dma_wait3A_171, %dma_wait3A_172] : memref<10000x128xf32, #tpu.memory_space<vmem_shared>> -> memref<640x128xf32, #tpu.memory_space<vmem_shared>>
        tpu.wait_dma2 semaphore(%run_scoped3A : memref<!tpu.dma_semaphore, #tpu.memory_space<semaphore_mem>>) src(%dma_wait3A_173 : memref<640x128xf32, #tpu.memory_space<vmem_shared>>) dst(%dma_wait3A_170 : memref<640x128xf32, #tpu.memory_space<hbm>>)
        tpu.yield
      }) : () -> ()
    } else {
    }
    return
  }
}

#map = affine_map<(d0, d1) -> (0, 0)>
#map1 = affine_map<(d0, d1) -> (0)>
#map2 = affine_map<(d0, d1) -> (0, 0, 0)>
module attributes {stable_mosaic.version = 14 : i64} {
  func.func @body(%arg0: i32, %arg1: i32, %arg2: memref<10000x128xf32, #tpu.memory_space<hbm>>, %arg3: memref<320000xi32, #tpu.memory_space<hbm>>, %arg4: memref<320000xi32, #tpu.memory_space<hbm>>, %arg5: memref<640x128xf32, #tpu.memory_space<hbm>>, %arg6: memref<10000xf32, #tpu.memory_space<hbm>>, %arg7: memref<2x10000x128xf32, #tpu.memory_space<hbm>>, %arg8: memref<2x10000xf32, #tpu.memory_space<hbm>>, %arg9: memref<10000x128xf32, #tpu.memory_space<vmem_shared>>, %arg10: memref<80xi32, #tpu.memory_space<vmem>>, %arg11: memref<80xi32, #tpu.memory_space<vmem>>, %arg12: memref<80xi32, #tpu.memory_space<vmem>>, %arg13: memref<80xi32, #tpu.memory_space<vmem>>, %arg14: memref<80xi32, #tpu.memory_space<vmem>>, %arg15: memref<80xi32, #tpu.memory_space<vmem>>, %arg16: memref<80xi32, #tpu.memory_space<vmem>>, %arg17: memref<80xi32, #tpu.memory_space<vmem>>, %arg18: memref<80x128xf32, #tpu.memory_space<vmem>>, %arg19: memref<80x128xf32, #tpu.memory_space<vmem>>, %arg20: memref<80x128xf32, #tpu.memory_space<vmem>>, %arg21: memref<80x128xf32, #tpu.memory_space<vmem>>, %arg22: memref<!tpu.dma_semaphore, #tpu.memory_space<semaphore_mem>>, %arg23: memref<!tpu.dma_semaphore, #tpu.memory_space<semaphore_mem>>, %arg24: memref<!tpu.dma_semaphore, #tpu.memory_space<semaphore_mem>>, %arg25: memref<!tpu.dma_semaphore, #tpu.memory_space<semaphore_mem>>, %arg26: memref<10000xf32, #tpu.memory_space<vmem_shared>>, %arg27: memref<80xf32, #tpu.memory_space<vmem>>) attributes {dimension_semantics = [#tpu.dimension_semantics<core_parallel>, #tpu.dimension_semantics<subcore_parallel>], iteration_bounds = array<i64: 2, 16>, scalar_prefetch = 0 : i64, scratch_operands = 19 : i64, tpu.core_type = #tpu.core_type<sc_vector_subcore>, window_params = [{transform_indices = #map}, {transform_indices = #map1}, {transform_indices = #map1}, {transform_indices = #map}, {transform_indices = #map1}, {transform_indices = #map2}, {transform_indices = #map}]} {
    %mul3A = arith.constant 16 : i32
    %mul3A_0 = arith.muli %arg0, %mul3A : i32
    %add3A = arith.addi %mul3A_0, %arg1 : i32
    %mul3A_1 = arith.constant 624 : i32
    %mul3A_2 = arith.muli %arg1, %mul3A_1 : i32
    %multiple_of3A = tpu.assume_multiple %mul3A_2, 8 : i32
    %lt3A = arith.constant 15 : i32
    %lt3A_3 = arith.cmpi slt, %arg1, %lt3A : i32
    %convert_element_type3A = arith.extui %lt3A_3 : i1 to i32
    %cond3A = arith.constant 0 : i32
    %cond3A_4 = arith.cmpi ne, %convert_element_type3A, %cond3A : i32
    scf.if %cond3A_4 {
      "tpu.region"() ({
        %run_scoped3A = tpu.sem_alloc : memref<!tpu.dma_semaphore, #tpu.memory_space<semaphore_mem>>
        %dma_start3A_218 = arith.constant 0 : i32
        %dma_start3A_219 = tpu.memref_slice %arg9[%multiple_of3A, %dma_start3A_218] : memref<10000x128xf32, #tpu.memory_space<vmem_shared>> -> memref<624x128xf32, #tpu.memory_space<vmem_shared>>
        %dma_start3A_220 = arith.constant 0 : i32
        %dma_start3A_221 = arith.constant 0 : i32
        %dma_start3A_222 = tpu.memref_slice %arg5[%dma_start3A_220, %dma_start3A_221] : memref<640x128xf32, #tpu.memory_space<hbm>> -> memref<624x128xf32, #tpu.memory_space<hbm>>
        tpu.enqueue_dma source(%dma_start3A_222 : memref<624x128xf32, #tpu.memory_space<hbm>>) target(%dma_start3A_219 : memref<624x128xf32, #tpu.memory_space<vmem_shared>>) target_semaphore(%run_scoped3A : memref<!tpu.dma_semaphore, #tpu.memory_space<semaphore_mem>>)
        %dma_wait3A_223 = arith.constant 0 : i32
        %dma_wait3A_224 = tpu.memref_slice %arg9[%multiple_of3A, %dma_wait3A_223] : memref<10000x128xf32, #tpu.memory_space<vmem_shared>> -> memref<624x128xf32, #tpu.memory_space<vmem_shared>>
        %dma_wait3A_225 = arith.constant 0 : i32
        %dma_wait3A_226 = arith.constant 0 : i32
        %dma_wait3A_227 = tpu.memref_slice %arg5[%dma_wait3A_225, %dma_wait3A_226] : memref<640x128xf32, #tpu.memory_space<hbm>> -> memref<624x128xf32, #tpu.memory_space<hbm>>
        tpu.wait_dma2 semaphore(%run_scoped3A : memref<!tpu.dma_semaphore, #tpu.memory_space<semaphore_mem>>) src(%dma_wait3A_227 : memref<624x128xf32, #tpu.memory_space<hbm>>) dst(%dma_wait3A_224 : memref<624x128xf32, #tpu.memory_space<vmem_shared>>)
        tpu.yield
      }) : () -> ()
    } else {
    }
    %eq3A = arith.constant 15 : i32
    %eq3A_5 = arith.cmpi eq, %arg1, %eq3A : i32
    %convert_element_type3A_6 = arith.extui %eq3A_5 : i1 to i32
    %cond3A_7 = arith.constant 0 : i32
    %cond3A_8 = arith.cmpi ne, %convert_element_type3A_6, %cond3A_7 : i32
    scf.if %cond3A_8 {
      "tpu.region"() ({
        %run_scoped3A = tpu.sem_alloc : memref<!tpu.dma_semaphore, #tpu.memory_space<semaphore_mem>>
        %dma_start3A_218 = arith.constant 9360 : i32
        %dma_start3A_219 = arith.constant 0 : i32
        %dma_start3A_220 = tpu.memref_slice %arg9[%dma_start3A_218, %dma_start3A_219] : memref<10000x128xf32, #tpu.memory_space<vmem_shared>> -> memref<640x128xf32, #tpu.memory_space<vmem_shared>>
        tpu.enqueue_dma source(%arg5 : memref<640x128xf32, #tpu.memory_space<hbm>>) target(%dma_start3A_220 : memref<640x128xf32, #tpu.memory_space<vmem_shared>>) target_semaphore(%run_scoped3A : memref<!tpu.dma_semaphore, #tpu.memory_space<semaphore_mem>>)
        %dma_wait3A_221 = arith.constant 9360 : i32
        %dma_wait3A_222 = arith.constant 0 : i32
        %dma_wait3A_223 = tpu.memref_slice %arg9[%dma_wait3A_221, %dma_wait3A_222] : memref<10000x128xf32, #tpu.memory_space<vmem_shared>> -> memref<640x128xf32, #tpu.memory_space<vmem_shared>>
        tpu.wait_dma2 semaphore(%run_scoped3A : memref<!tpu.dma_semaphore, #tpu.memory_space<semaphore_mem>>) src(%arg5 : memref<640x128xf32, #tpu.memory_space<hbm>>) dst(%dma_wait3A_223 : memref<640x128xf32, #tpu.memory_space<vmem_shared>>)
        tpu.yield
      }) : () -> ()
    } else {
    }
    %eq3A_9 = arith.constant 0 : i32
    %eq3A_10 = arith.cmpi eq, %arg1, %eq3A_9 : i32
    %convert_element_type3A_11 = arith.extui %eq3A_10 : i1 to i32
    %cond3A_12 = arith.constant 0 : i32
    %cond3A_13 = arith.cmpi ne, %convert_element_type3A_11, %cond3A_12 : i32
    scf.if %cond3A_13 {
      "tpu.region"() ({
        %run_scoped3A = tpu.sem_alloc : memref<!tpu.dma_semaphore, #tpu.memory_space<semaphore_mem>>
        tpu.enqueue_dma source(%arg6 : memref<10000xf32, #tpu.memory_space<hbm>>) target(%arg26 : memref<10000xf32, #tpu.memory_space<vmem_shared>>) target_semaphore(%run_scoped3A : memref<!tpu.dma_semaphore, #tpu.memory_space<semaphore_mem>>)
        tpu.wait_dma2 semaphore(%run_scoped3A : memref<!tpu.dma_semaphore, #tpu.memory_space<semaphore_mem>>) src(%arg6 : memref<10000xf32, #tpu.memory_space<hbm>>) dst(%arg26 : memref<10000xf32, #tpu.memory_space<vmem_shared>>)
        tpu.yield
      }) : () -> ()
    } else {
    }
    %broadcast_in_dim3A = arith.constant 1.000000e+00 : f32
    %broadcast_in_dim3A_14 = vector.broadcast %broadcast_in_dim3A : f32 to vector<16xf32>
    %swap3A = arith.constant 0 : index
    %swap3A_15 = tpu.vector_load %arg27[%swap3A] {strides = array<i32>} : memref<80xf32, #tpu.memory_space<vmem>>, vector<16xf32>,
    %swap3A_16 = vector.shape_cast %swap3A_15 : vector<16xf32> to vector<16xf32>
    %swap3A_17 = vector.shape_cast %broadcast_in_dim3A_14 : vector<16xf32> to vector<16xf32>
    tpu.vector_store %arg27[%swap3A], %swap3A_17 {strides = array<i32>} : memref<80xf32, #tpu.memory_space<vmem>>, vector<16xf32>,
    %broadcast_in_dim3A_18 = arith.constant 1.000000e+00 : f32
    %broadcast_in_dim3A_19 = vector.broadcast %broadcast_in_dim3A_18 : f32 to vector<16xf32>
    %swap3A_20 = arith.constant 16 : index
    %swap3A_21 = tpu.vector_load %arg27[%swap3A_20] {strides = array<i32>} : memref<80xf32, #tpu.memory_space<vmem>>, vector<16xf32>,
    %swap3A_22 = vector.shape_cast %swap3A_21 : vector<16xf32> to vector<16xf32>
    %swap3A_23 = vector.shape_cast %broadcast_in_dim3A_19 : vector<16xf32> to vector<16xf32>
    tpu.vector_store %arg27[%swap3A_20], %swap3A_23 {strides = array<i32>} : memref<80xf32, #tpu.memory_space<vmem>>, vector<16xf32>,
    %broadcast_in_dim3A_24 = arith.constant 1.000000e+00 : f32
    %broadcast_in_dim3A_25 = vector.broadcast %broadcast_in_dim3A_24 : f32 to vector<16xf32>
    %swap3A_26 = arith.constant 32 : index
    %swap3A_27 = tpu.vector_load %arg27[%swap3A_26] {strides = array<i32>} : memref<80xf32, #tpu.memory_space<vmem>>, vector<16xf32>,
    %swap3A_28 = vector.shape_cast %swap3A_27 : vector<16xf32> to vector<16xf32>
    %swap3A_29 = vector.shape_cast %broadcast_in_dim3A_25 : vector<16xf32> to vector<16xf32>
    tpu.vector_store %arg27[%swap3A_26], %swap3A_29 {strides = array<i32>} : memref<80xf32, #tpu.memory_space<vmem>>, vector<16xf32>,
    %broadcast_in_dim3A_30 = arith.constant 1.000000e+00 : f32
    %broadcast_in_dim3A_31 = vector.broadcast %broadcast_in_dim3A_30 : f32 to vector<16xf32>
    %swap3A_32 = arith.constant 48 : index
    %swap3A_33 = tpu.vector_load %arg27[%swap3A_32] {strides = array<i32>} : memref<80xf32, #tpu.memory_space<vmem>>, vector<16xf32>,
    %swap3A_34 = vector.shape_cast %swap3A_33 : vector<16xf32> to vector<16xf32>
    %swap3A_35 = vector.shape_cast %broadcast_in_dim3A_31 : vector<16xf32> to vector<16xf32>
    tpu.vector_store %arg27[%swap3A_32], %swap3A_35 {strides = array<i32>} : memref<80xf32, #tpu.memory_space<vmem>>, vector<16xf32>,
    %broadcast_in_dim3A_36 = arith.constant 1.000000e+00 : f32
    %broadcast_in_dim3A_37 = vector.broadcast %broadcast_in_dim3A_36 : f32 to vector<16xf32>
    %swap3A_38 = arith.constant 64 : index
    %swap3A_39 = tpu.vector_load %arg27[%swap3A_38] {strides = array<i32>} : memref<80xf32, #tpu.memory_space<vmem>>, vector<16xf32>,
    %swap3A_40 = vector.shape_cast %swap3A_39 : vector<16xf32> to vector<16xf32>
    %swap3A_41 = vector.shape_cast %broadcast_in_dim3A_37 : vector<16xf32> to vector<16xf32>
    tpu.vector_store %arg27[%swap3A_38], %swap3A_41 {strides = array<i32>} : memref<80xf32, #tpu.memory_space<vmem>>, vector<16xf32>,
    %barrier3A = arith.constant 0 : index
    tpu.barrier barrier_id(%barrier3A)
    %mul3A_42 = arith.constant 10000 : i32
    %mul3A_43 = arith.muli %add3A, %mul3A_42 : i32
    %add3A_44 = arith.constant 0 : i32
    %add3A_45 = arith.addi %mul3A_43, %add3A_44 : i32
    %multiple_of3A_46 = tpu.assume_multiple %add3A_45, 8 : i32
    %dma_start3A = tpu.memref_slice %arg3[%multiple_of3A_46] : memref<320000xi32, #tpu.memory_space<hbm>> -> memref<80xi32, #tpu.memory_space<hbm>>
    %dma_start3A_47 = tpu.memref_slice %arg3[%multiple_of3A_46] : memref<320000xi32, #tpu.memory_space<hbm>> -> memref<80xi32, #tpu.memory_space<hbm>>
    tpu.enqueue_dma source(%dma_start3A_47 : memref<80xi32, #tpu.memory_space<hbm>>) target(%arg10 : memref<80xi32, #tpu.memory_space<vmem>>) target_semaphore(%arg23 : memref<!tpu.dma_semaphore, #tpu.memory_space<semaphore_mem>>)
    %dma_start3A_48 = tpu.memref_slice %arg4[%multiple_of3A_46] : memref<320000xi32, #tpu.memory_space<hbm>> -> memref<80xi32, #tpu.memory_space<hbm>>
    %dma_start3A_49 = tpu.memref_slice %arg4[%multiple_of3A_46] : memref<320000xi32, #tpu.memory_space<hbm>> -> memref<80xi32, #tpu.memory_space<hbm>>
    tpu.enqueue_dma source(%dma_start3A_49 : memref<80xi32, #tpu.memory_space<hbm>>) target(%arg14 : memref<80xi32, #tpu.memory_space<vmem>>) target_semaphore(%arg23 : memref<!tpu.dma_semaphore, #tpu.memory_space<semaphore_mem>>)
    %dma_wait3A = arith.constant 0 : i32
    %dma_wait3A_50 = tpu.memref_slice %arg3[%dma_wait3A] : memref<320000xi32, #tpu.memory_space<hbm>> -> memref<80xi32, #tpu.memory_space<hbm>>
    %dma_wait3A_51 = arith.constant 0 : i32
    %dma_wait3A_52 = tpu.memref_slice %arg3[%dma_wait3A_51] : memref<320000xi32, #tpu.memory_space<hbm>> -> memref<80xi32, #tpu.memory_space<hbm>>
    tpu.wait_dma2 semaphore(%arg23 : memref<!tpu.dma_semaphore, #tpu.memory_space<semaphore_mem>>) src(%dma_wait3A_52 : memref<80xi32, #tpu.memory_space<hbm>>) dst(%arg10 : memref<80xi32, #tpu.memory_space<vmem>>)
    %dma_wait3A_53 = arith.constant 0 : i32
    %dma_wait3A_54 = tpu.memref_slice %arg4[%dma_wait3A_53] : memref<320000xi32, #tpu.memory_space<hbm>> -> memref<80xi32, #tpu.memory_space<hbm>>
    %dma_wait3A_55 = arith.constant 0 : i32
    %dma_wait3A_56 = tpu.memref_slice %arg4[%dma_wait3A_55] : memref<320000xi32, #tpu.memory_space<hbm>> -> memref<80xi32, #tpu.memory_space<hbm>>
    tpu.wait_dma2 semaphore(%arg23 : memref<!tpu.dma_semaphore, #tpu.memory_space<semaphore_mem>>) src(%dma_wait3A_56 : memref<80xi32, #tpu.memory_space<hbm>>) dst(%arg14 : memref<80xi32, #tpu.memory_space<vmem>>)
    %dma_start3A_57 = arith.constant 0 : i32
    %dma_start3A_58 = arith.constant 0 : i32
    %dma_start3A_59 = tpu.memref_slice %arg2[%dma_start3A_57, %dma_start3A_58] : memref<10000x128xf32, #tpu.memory_space<hbm>> -> memref<10000x128xf32, #tpu.memory_space<hbm>>
    tpu.enqueue_indirect_dma source(%dma_start3A_59 : memref<10000x128xf32, #tpu.memory_space<hbm>>) target(%arg18 : memref<80x128xf32, #tpu.memory_space<vmem>>) offsets(%arg10 : memref<80xi32, #tpu.memory_space<vmem>>) semaphore(%arg22 : memref<!tpu.dma_semaphore, #tpu.memory_space<semaphore_mem>>)
    %add3A_60 = arith.constant 80 : i32
    %add3A_61 = arith.addi %mul3A_43, %add3A_60 : i32
    %multiple_of3A_62 = tpu.assume_multiple %add3A_61, 8 : i32
    %dma_start3A_63 = tpu.memref_slice %arg3[%multiple_of3A_62] : memref<320000xi32, #tpu.memory_space<hbm>> -> memref<80xi32, #tpu.memory_space<hbm>>
    %dma_start3A_64 = tpu.memref_slice %arg3[%multiple_of3A_62] : memref<320000xi32, #tpu.memory_space<hbm>> -> memref<80xi32, #tpu.memory_space<hbm>>
    tpu.enqueue_dma source(%dma_start3A_64 : memref<80xi32, #tpu.memory_space<hbm>>) target(%arg11 : memref<80xi32, #tpu.memory_space<vmem>>) target_semaphore(%arg23 : memref<!tpu.dma_semaphore, #tpu.memory_space<semaphore_mem>>)
    %dma_start3A_65 = tpu.memref_slice %arg4[%multiple_of3A_62] : memref<320000xi32, #tpu.memory_space<hbm>> -> memref<80xi32, #tpu.memory_space<hbm>>
    %dma_start3A_66 = tpu.memref_slice %arg4[%multiple_of3A_62] : memref<320000xi32, #tpu.memory_space<hbm>> -> memref<80xi32, #tpu.memory_space<hbm>>
    tpu.enqueue_dma source(%dma_start3A_66 : memref<80xi32, #tpu.memory_space<hbm>>) target(%arg15 : memref<80xi32, #tpu.memory_space<vmem>>) target_semaphore(%arg23 : memref<!tpu.dma_semaphore, #tpu.memory_space<semaphore_mem>>)
    %dma_wait3A_67 = arith.constant 0 : i32
    %dma_wait3A_68 = tpu.memref_slice %arg3[%dma_wait3A_67] : memref<320000xi32, #tpu.memory_space<hbm>> -> memref<80xi32, #tpu.memory_space<hbm>>
    %dma_wait3A_69 = arith.constant 0 : i32
    %dma_wait3A_70 = tpu.memref_slice %arg3[%dma_wait3A_69] : memref<320000xi32, #tpu.memory_space<hbm>> -> memref<80xi32, #tpu.memory_space<hbm>>
    tpu.wait_dma2 semaphore(%arg23 : memref<!tpu.dma_semaphore, #tpu.memory_space<semaphore_mem>>) src(%dma_wait3A_70 : memref<80xi32, #tpu.memory_space<hbm>>) dst(%arg10 : memref<80xi32, #tpu.memory_space<vmem>>)
    %dma_wait3A_71 = arith.constant 0 : i32
    %dma_wait3A_72 = tpu.memref_slice %arg4[%dma_wait3A_71] : memref<320000xi32, #tpu.memory_space<hbm>> -> memref<80xi32, #tpu.memory_space<hbm>>
    %dma_wait3A_73 = arith.constant 0 : i32
    %dma_wait3A_74 = tpu.memref_slice %arg4[%dma_wait3A_73] : memref<320000xi32, #tpu.memory_space<hbm>> -> memref<80xi32, #tpu.memory_space<hbm>>
    tpu.wait_dma2 semaphore(%arg23 : memref<!tpu.dma_semaphore, #tpu.memory_space<semaphore_mem>>) src(%dma_wait3A_74 : memref<80xi32, #tpu.memory_space<hbm>>) dst(%arg14 : memref<80xi32, #tpu.memory_space<vmem>>)
    %dma_start3A_75 = arith.constant 0 : i32
    %dma_start3A_76 = arith.constant 0 : i32
    %dma_start3A_77 = tpu.memref_slice %arg2[%dma_start3A_75, %dma_start3A_76] : memref<10000x128xf32, #tpu.memory_space<hbm>> -> memref<10000x128xf32, #tpu.memory_space<hbm>>
    tpu.enqueue_indirect_dma source(%dma_start3A_77 : memref<10000x128xf32, #tpu.memory_space<hbm>>) target(%arg19 : memref<80x128xf32, #tpu.memory_space<vmem>>) offsets(%arg11 : memref<80xi32, #tpu.memory_space<vmem>>) semaphore(%arg22 : memref<!tpu.dma_semaphore, #tpu.memory_space<semaphore_mem>>)
    %add3A_78 = arith.constant 160 : i32
    %add3A_79 = arith.addi %mul3A_43, %add3A_78 : i32
    %multiple_of3A_80 = tpu.assume_multiple %add3A_79, 8 : i32
    %dma_start3A_81 = tpu.memref_slice %arg3[%multiple_of3A_80] : memref<320000xi32, #tpu.memory_space<hbm>> -> memref<80xi32, #tpu.memory_space<hbm>>
    %dma_start3A_82 = tpu.memref_slice %arg3[%multiple_of3A_80] : memref<320000xi32, #tpu.memory_space<hbm>> -> memref<80xi32, #tpu.memory_space<hbm>>
    tpu.enqueue_dma source(%dma_start3A_82 : memref<80xi32, #tpu.memory_space<hbm>>) target(%arg12 : memref<80xi32, #tpu.memory_space<vmem>>) target_semaphore(%arg23 : memref<!tpu.dma_semaphore, #tpu.memory_space<semaphore_mem>>)
    %dma_start3A_83 = tpu.memref_slice %arg4[%multiple_of3A_80] : memref<320000xi32, #tpu.memory_space<hbm>> -> memref<80xi32, #tpu.memory_space<hbm>>
    %dma_start3A_84 = tpu.memref_slice %arg4[%multiple_of3A_80] : memref<320000xi32, #tpu.memory_space<hbm>> -> memref<80xi32, #tpu.memory_space<hbm>>
    tpu.enqueue_dma source(%dma_start3A_84 : memref<80xi32, #tpu.memory_space<hbm>>) target(%arg16 : memref<80xi32, #tpu.memory_space<vmem>>) target_semaphore(%arg23 : memref<!tpu.dma_semaphore, #tpu.memory_space<semaphore_mem>>)
    %dma_wait3A_85 = arith.constant 0 : i32
    %dma_wait3A_86 = arith.constant 0 : i32
    %dma_wait3A_87 = tpu.memref_slice %arg2[%dma_wait3A_85, %dma_wait3A_86] : memref<10000x128xf32, #tpu.memory_space<hbm>> -> memref<10000x128xf32, #tpu.memory_space<hbm>>
    tpu.wait_indirect_dma semaphore(%arg22 : memref<!tpu.dma_semaphore, #tpu.memory_space<semaphore_mem>>) src(%dma_wait3A_87 : memref<10000x128xf32, #tpu.memory_space<hbm>>) dst(%arg18 : memref<80x128xf32, #tpu.memory_space<vmem>>)
    %dma_wait3A_88 = arith.constant 0 : i32
    %dma_wait3A_89 = tpu.memref_slice %arg3[%dma_wait3A_88] : memref<320000xi32, #tpu.memory_space<hbm>> -> memref<80xi32, #tpu.memory_space<hbm>>
    %dma_wait3A_90 = arith.constant 0 : i32
    %dma_wait3A_91 = tpu.memref_slice %arg3[%dma_wait3A_90] : memref<320000xi32, #tpu.memory_space<hbm>> -> memref<80xi32, #tpu.memory_space<hbm>>
    tpu.wait_dma2 semaphore(%arg23 : memref<!tpu.dma_semaphore, #tpu.memory_space<semaphore_mem>>) src(%dma_wait3A_91 : memref<80xi32, #tpu.memory_space<hbm>>) dst(%arg10 : memref<80xi32, #tpu.memory_space<vmem>>)
    %dma_wait3A_92 = arith.constant 0 : i32
    %dma_wait3A_93 = tpu.memref_slice %arg4[%dma_wait3A_92] : memref<320000xi32, #tpu.memory_space<hbm>> -> memref<80xi32, #tpu.memory_space<hbm>>
    %dma_wait3A_94 = arith.constant 0 : i32
    %dma_wait3A_95 = tpu.memref_slice %arg4[%dma_wait3A_94] : memref<320000xi32, #tpu.memory_space<hbm>> -> memref<80xi32, #tpu.memory_space<hbm>>
    tpu.wait_dma2 semaphore(%arg23 : memref<!tpu.dma_semaphore, #tpu.memory_space<semaphore_mem>>) src(%dma_wait3A_95 : memref<80xi32, #tpu.memory_space<hbm>>) dst(%arg14 : memref<80xi32, #tpu.memory_space<vmem>>)
    %dma_start3A_96 = arith.constant 0 : i32
    %dma_start3A_97 = arith.constant 0 : i32
    %dma_start3A_98 = tpu.memref_slice %arg2[%dma_start3A_96, %dma_start3A_97] : memref<10000x128xf32, #tpu.memory_space<hbm>> -> memref<10000x128xf32, #tpu.memory_space<hbm>>
    tpu.enqueue_indirect_dma source(%dma_start3A_98 : memref<10000x128xf32, #tpu.memory_space<hbm>>) target(%arg20 : memref<80x128xf32, #tpu.memory_space<vmem>>) offsets(%arg12 : memref<80xi32, #tpu.memory_space<vmem>>) semaphore(%arg22 : memref<!tpu.dma_semaphore, #tpu.memory_space<semaphore_mem>>)
    %dma_start3A_99 = arith.constant 0 : i32
    %dma_start3A_100 = arith.constant 0 : i32
    %dma_start3A_101 = tpu.memref_slice %arg9[%dma_start3A_99, %dma_start3A_100] : memref<10000x128xf32, #tpu.memory_space<vmem_shared>> -> memref<10000x128xf32, #tpu.memory_space<vmem_shared>>
    tpu.enqueue_indirect_dma source(%arg18 : memref<80x128xf32, #tpu.memory_space<vmem>>) target(%dma_start3A_101 : memref<10000x128xf32, #tpu.memory_space<vmem_shared>>) offsets(%arg14 : memref<80xi32, #tpu.memory_space<vmem>>) semaphore(%arg24 : memref<!tpu.dma_semaphore, #tpu.memory_space<semaphore_mem>>) {add = true}
    %dma_start3A_102 = arith.constant 0 : i32
    %dma_start3A_103 = tpu.memref_slice %arg26[%dma_start3A_102] : memref<10000xf32, #tpu.memory_space<vmem_shared>> -> memref<10000xf32, #tpu.memory_space<vmem_shared>>
    tpu.enqueue_indirect_dma source(%arg27 : memref<80xf32, #tpu.memory_space<vmem>>) target(%dma_start3A_103 : memref<10000xf32, #tpu.memory_space<vmem_shared>>) offsets(%arg14 : memref<80xi32, #tpu.memory_space<vmem>>) semaphore(%arg25 : memref<!tpu.dma_semaphore, #tpu.memory_space<semaphore_mem>>) {add = true}
    %add3A_104 = arith.constant 240 : i32
    %add3A_105 = arith.addi %mul3A_43, %add3A_104 : i32
    %multiple_of3A_106 = tpu.assume_multiple %add3A_105, 8 : i32
    %dma_start3A_107 = tpu.memref_slice %arg3[%multiple_of3A_106] : memref<320000xi32, #tpu.memory_space<hbm>> -> memref<80xi32, #tpu.memory_space<hbm>>
    %dma_start3A_108 = tpu.memref_slice %arg3[%multiple_of3A_106] : memref<320000xi32, #tpu.memory_space<hbm>> -> memref<80xi32, #tpu.memory_space<hbm>>
    tpu.enqueue_dma source(%dma_start3A_108 : memref<80xi32, #tpu.memory_space<hbm>>) target(%arg13 : memref<80xi32, #tpu.memory_space<vmem>>) target_semaphore(%arg23 : memref<!tpu.dma_semaphore, #tpu.memory_space<semaphore_mem>>)
    %dma_start3A_109 = tpu.memref_slice %arg4[%multiple_of3A_106] : memref<320000xi32, #tpu.memory_space<hbm>> -> memref<80xi32, #tpu.memory_space<hbm>>
    %dma_start3A_110 = tpu.memref_slice %arg4[%multiple_of3A_106] : memref<320000xi32, #tpu.memory_space<hbm>> -> memref<80xi32, #tpu.memory_space<hbm>>
    tpu.enqueue_dma source(%dma_start3A_110 : memref<80xi32, #tpu.memory_space<hbm>>) target(%arg17 : memref<80xi32, #tpu.memory_space<vmem>>) target_semaphore(%arg23 : memref<!tpu.dma_semaphore, #tpu.memory_space<semaphore_mem>>)
    %scan3A = arith.constant 0 : i32
    %scan3A_111 = arith.constant 0 : i32
    %scan3A_112 = arith.constant 30 : i32
    %scan3A_113 = arith.addi %scan3A_111, %scan3A_112 : i32
    %scan3A_114 = arith.constant 1 : i32
    scf.for %scan3A_218 = %scan3A_111 to %scan3A_113 step %scan3A_114  : i32 {
      %mul3A_219 = arith.constant 4 : i32
      %mul3A_220 = arith.muli %scan3A_218, %mul3A_219 : i32
      %add3A_221 = arith.constant 1 : i32
      %add3A_222 = arith.addi %add3A_221, %mul3A_220 : i32
      %dma_wait3A_223 = arith.constant 0 : i32
      %dma_wait3A_224 = arith.constant 0 : i32
      %dma_wait3A_225 = tpu.memref_slice %arg2[%dma_wait3A_223, %dma_wait3A_224] : memref<10000x128xf32, #tpu.memory_space<hbm>> -> memref<10000x128xf32, #tpu.memory_space<hbm>>
      tpu.wait_indirect_dma semaphore(%arg22 : memref<!tpu.dma_semaphore, #tpu.memory_space<semaphore_mem>>) src(%dma_wait3A_225 : memref<10000x128xf32, #tpu.memory_space<hbm>>) dst(%arg19 : memref<80x128xf32, #tpu.memory_space<vmem>>)
      %dma_wait3A_226 = arith.constant 0 : i32
      %dma_wait3A_227 = tpu.memref_slice %arg3[%dma_wait3A_226] : memref<320000xi32, #tpu.memory_space<hbm>> -> memref<80xi32, #tpu.memory_space<hbm>>
      %dma_wait3A_228 = arith.constant 0 : i32
      %dma_wait3A_229 = tpu.memref_slice %arg3[%dma_wait3A_228] : memref<320000xi32, #tpu.memory_space<hbm>> -> memref<80xi32, #tpu.memory_space<hbm>>
      tpu.wait_dma2 semaphore(%arg23 : memref<!tpu.dma_semaphore, #tpu.memory_space<semaphore_mem>>) src(%dma_wait3A_229 : memref<80xi32, #tpu.memory_space<hbm>>) dst(%arg10 : memref<80xi32, #tpu.memory_space<vmem>>)
      %dma_wait3A_230 = arith.constant 0 : i32
      %dma_wait3A_231 = tpu.memref_slice %arg4[%dma_wait3A_230] : memref<320000xi32, #tpu.memory_space<hbm>> -> memref<80xi32, #tpu.memory_space<hbm>>
      %dma_wait3A_232 = arith.constant 0 : i32
      %dma_wait3A_233 = tpu.memref_slice %arg4[%dma_wait3A_232] : memref<320000xi32, #tpu.memory_space<hbm>> -> memref<80xi32, #tpu.memory_space<hbm>>
      tpu.wait_dma2 semaphore(%arg23 : memref<!tpu.dma_semaphore, #tpu.memory_space<semaphore_mem>>) src(%dma_wait3A_233 : memref<80xi32, #tpu.memory_space<hbm>>) dst(%arg14 : memref<80xi32, #tpu.memory_space<vmem>>)
      %dma_wait3A_234 = arith.constant 0 : i32
      %dma_wait3A_235 = arith.constant 0 : i32
      %dma_wait3A_236 = tpu.memref_slice %arg9[%dma_wait3A_234, %dma_wait3A_235] : memref<10000x128xf32, #tpu.memory_space<vmem_shared>> -> memref<10000x128xf32, #tpu.memory_space<vmem_shared>>
      tpu.wait_indirect_dma semaphore(%arg24 : memref<!tpu.dma_semaphore, #tpu.memory_space<semaphore_mem>>) src(%arg18 : memref<80x128xf32, #tpu.memory_space<vmem>>) dst(%dma_wait3A_236 : memref<10000x128xf32, #tpu.memory_space<vmem_shared>>)
      %dma_wait3A_237 = arith.constant 0 : i32
      %dma_wait3A_238 = tpu.memref_slice %arg26[%dma_wait3A_237] : memref<10000xf32, #tpu.memory_space<vmem_shared>> -> memref<10000xf32, #tpu.memory_space<vmem_shared>>
      tpu.wait_indirect_dma semaphore(%arg25 : memref<!tpu.dma_semaphore, #tpu.memory_space<semaphore_mem>>) src(%arg27 : memref<80xf32, #tpu.memory_space<vmem>>) dst(%dma_wait3A_238 : memref<10000xf32, #tpu.memory_space<vmem_shared>>)
      %dma_start3A_239 = arith.constant 0 : i32
      %dma_start3A_240 = arith.constant 0 : i32
      %dma_start3A_241 = tpu.memref_slice %arg2[%dma_start3A_239, %dma_start3A_240] : memref<10000x128xf32, #tpu.memory_space<hbm>> -> memref<10000x128xf32, #tpu.memory_space<hbm>>
      tpu.enqueue_indirect_dma source(%dma_start3A_241 : memref<10000x128xf32, #tpu.memory_space<hbm>>) target(%arg21 : memref<80x128xf32, #tpu.memory_space<vmem>>) offsets(%arg13 : memref<80xi32, #tpu.memory_space<vmem>>) semaphore(%arg22 : memref<!tpu.dma_semaphore, #tpu.memory_space<semaphore_mem>>)
      %dma_start3A_242 = arith.constant 0 : i32
      %dma_start3A_243 = arith.constant 0 : i32
      %dma_start3A_244 = tpu.memref_slice %arg9[%dma_start3A_242, %dma_start3A_243] : memref<10000x128xf32, #tpu.memory_space<vmem_shared>> -> memref<10000x128xf32, #tpu.memory_space<vmem_shared>>
      tpu.enqueue_indirect_dma source(%arg19 : memref<80x128xf32, #tpu.memory_space<vmem>>) target(%dma_start3A_244 : memref<10000x128xf32, #tpu.memory_space<vmem_shared>>) offsets(%arg15 : memref<80xi32, #tpu.memory_space<vmem>>) semaphore(%arg24 : memref<!tpu.dma_semaphore, #tpu.memory_space<semaphore_mem>>) {add = true}
      %dma_start3A_245 = arith.constant 0 : i32
      %dma_start3A_246 = tpu.memref_slice %arg26[%dma_start3A_245] : memref<10000xf32, #tpu.memory_space<vmem_shared>> -> memref<10000xf32, #tpu.memory_space<vmem_shared>>
      tpu.enqueue_indirect_dma source(%arg27 : memref<80xf32, #tpu.memory_space<vmem>>) target(%dma_start3A_246 : memref<10000xf32, #tpu.memory_space<vmem_shared>>) offsets(%arg15 : memref<80xi32, #tpu.memory_space<vmem>>) semaphore(%arg25 : memref<!tpu.dma_semaphore, #tpu.memory_space<semaphore_mem>>) {add = true}
      %add3A_247 = arith.constant 3 : i32
      %add3A_248 = arith.addi %add3A_222, %add3A_247 : i32
      %mul3A_249 = arith.constant 80 : i32
      %mul3A_250 = arith.muli %add3A_248, %mul3A_249 : i32
      %add3A_251 = arith.addi %mul3A_43, %mul3A_250 : i32
      %multiple_of3A_252 = tpu.assume_multiple %add3A_251, 8 : i32
      %dma_start3A_253 = tpu.memref_slice %arg3[%multiple_of3A_252] : memref<320000xi32, #tpu.memory_space<hbm>> -> memref<80xi32, #tpu.memory_space<hbm>>
      %dma_start3A_254 = tpu.memref_slice %arg3[%multiple_of3A_252] : memref<320000xi32, #tpu.memory_space<hbm>> -> memref<80xi32, #tpu.memory_space<hbm>>
      tpu.enqueue_dma source(%dma_start3A_254 : memref<80xi32, #tpu.memory_space<hbm>>) target(%arg10 : memref<80xi32, #tpu.memory_space<vmem>>) target_semaphore(%arg23 : memref<!tpu.dma_semaphore, #tpu.memory_space<semaphore_mem>>)
      %dma_start3A_255 = tpu.memref_slice %arg4[%multiple_of3A_252] : memref<320000xi32, #tpu.memory_space<hbm>> -> memref<80xi32, #tpu.memory_space<hbm>>
      %dma_start3A_256 = tpu.memref_slice %arg4[%multiple_of3A_252] : memref<320000xi32, #tpu.memory_space<hbm>> -> memref<80xi32, #tpu.memory_space<hbm>>
      tpu.enqueue_dma source(%dma_start3A_256 : memref<80xi32, #tpu.memory_space<hbm>>) target(%arg14 : memref<80xi32, #tpu.memory_space<vmem>>) target_semaphore(%arg23 : memref<!tpu.dma_semaphore, #tpu.memory_space<semaphore_mem>>)
      %add3A_257 = arith.constant 1 : i32
      %add3A_258 = arith.addi %add3A_222, %add3A_257 : i32
      %dma_wait3A_259 = arith.constant 0 : i32
      %dma_wait3A_260 = arith.constant 0 : i32
      %dma_wait3A_261 = tpu.memref_slice %arg2[%dma_wait3A_259, %dma_wait3A_260] : memref<10000x128xf32, #tpu.memory_space<hbm>> -> memref<10000x128xf32, #tpu.memory_space<hbm>>
      tpu.wait_indirect_dma semaphore(%arg22 : memref<!tpu.dma_semaphore, #tpu.memory_space<semaphore_mem>>) src(%dma_wait3A_261 : memref<10000x128xf32, #tpu.memory_space<hbm>>) dst(%arg20 : memref<80x128xf32, #tpu.memory_space<vmem>>)
      %dma_wait3A_262 = arith.constant 0 : i32
      %dma_wait3A_263 = tpu.memref_slice %arg3[%dma_wait3A_262] : memref<320000xi32, #tpu.memory_space<hbm>> -> memref<80xi32, #tpu.memory_space<hbm>>
      %dma_wait3A_264 = arith.constant 0 : i32
      %dma_wait3A_265 = tpu.memref_slice %arg3[%dma_wait3A_264] : memref<320000xi32, #tpu.memory_space<hbm>> -> memref<80xi32, #tpu.memory_space<hbm>>
      tpu.wait_dma2 semaphore(%arg23 : memref<!tpu.dma_semaphore, #tpu.memory_space<semaphore_mem>>) src(%dma_wait3A_265 : memref<80xi32, #tpu.memory_space<hbm>>) dst(%arg10 : memref<80xi32, #tpu.memory_space<vmem>>)
      %dma_wait3A_266 = arith.constant 0 : i32
      %dma_wait3A_267 = tpu.memref_slice %arg4[%dma_wait3A_266] : memref<320000xi32, #tpu.memory_space<hbm>> -> memref<80xi32, #tpu.memory_space<hbm>>
      %dma_wait3A_268 = arith.constant 0 : i32
      %dma_wait3A_269 = tpu.memref_slice %arg4[%dma_wait3A_268] : memref<320000xi32, #tpu.memory_space<hbm>> -> memref<80xi32, #tpu.memory_space<hbm>>
      tpu.wait_dma2 semaphore(%arg23 : memref<!tpu.dma_semaphore, #tpu.memory_space<semaphore_mem>>) src(%dma_wait3A_269 : memref<80xi32, #tpu.memory_space<hbm>>) dst(%arg14 : memref<80xi32, #tpu.memory_space<vmem>>)
      %dma_wait3A_270 = arith.constant 0 : i32
      %dma_wait3A_271 = arith.constant 0 : i32
      %dma_wait3A_272 = tpu.memref_slice %arg9[%dma_wait3A_270, %dma_wait3A_271] : memref<10000x128xf32, #tpu.memory_space<vmem_shared>> -> memref<10000x128xf32, #tpu.memory_space<vmem_shared>>
      tpu.wait_indirect_dma semaphore(%arg24 : memref<!tpu.dma_semaphore, #tpu.memory_space<semaphore_mem>>) src(%arg19 : memref<80x128xf32, #tpu.memory_space<vmem>>) dst(%dma_wait3A_272 : memref<10000x128xf32, #tpu.memory_space<vmem_shared>>)
      %dma_wait3A_273 = arith.constant 0 : i32
      %dma_wait3A_274 = tpu.memref_slice %arg26[%dma_wait3A_273] : memref<10000xf32, #tpu.memory_space<vmem_shared>> -> memref<10000xf32, #tpu.memory_space<vmem_shared>>
      tpu.wait_indirect_dma semaphore(%arg25 : memref<!tpu.dma_semaphore, #tpu.memory_space<semaphore_mem>>) src(%arg27 : memref<80xf32, #tpu.memory_space<vmem>>) dst(%dma_wait3A_274 : memref<10000xf32, #tpu.memory_space<vmem_shared>>)
      %dma_start3A_275 = arith.constant 0 : i32
      %dma_start3A_276 = arith.constant 0 : i32
      %dma_start3A_277 = tpu.memref_slice %arg2[%dma_start3A_275, %dma_start3A_276] : memref<10000x128xf32, #tpu.memory_space<hbm>> -> memref<10000x128xf32, #tpu.memory_space<hbm>>
      tpu.enqueue_indirect_dma source(%dma_start3A_277 : memref<10000x128xf32, #tpu.memory_space<hbm>>) target(%arg18 : memref<80x128xf32, #tpu.memory_space<vmem>>) offsets(%arg10 : memref<80xi32, #tpu.memory_space<vmem>>) semaphore(%arg22 : memref<!tpu.dma_semaphore, #tpu.memory_space<semaphore_mem>>)
      %dma_start3A_278 = arith.constant 0 : i32
      %dma_start3A_279 = arith.constant 0 : i32
      %dma_start3A_280 = tpu.memref_slice %arg9[%dma_start3A_278, %dma_start3A_279] : memref<10000x128xf32, #tpu.memory_space<vmem_shared>> -> memref<10000x128xf32, #tpu.memory_space<vmem_shared>>
      tpu.enqueue_indirect_dma source(%arg20 : memref<80x128xf32, #tpu.memory_space<vmem>>) target(%dma_start3A_280 : memref<10000x128xf32, #tpu.memory_space<vmem_shared>>) offsets(%arg16 : memref<80xi32, #tpu.memory_space<vmem>>) semaphore(%arg24 : memref<!tpu.dma_semaphore, #tpu.memory_space<semaphore_mem>>) {add = true}
      %dma_start3A_281 = arith.constant 0 : i32
      %dma_start3A_282 = tpu.memref_slice %arg26[%dma_start3A_281] : memref<10000xf32, #tpu.memory_space<vmem_shared>> -> memref<10000xf32, #tpu.memory_space<vmem_shared>>
      tpu.enqueue_indirect_dma source(%arg27 : memref<80xf32, #tpu.memory_space<vmem>>) target(%dma_start3A_282 : memref<10000xf32, #tpu.memory_space<vmem_shared>>) offsets(%arg16 : memref<80xi32, #tpu.memory_space<vmem>>) semaphore(%arg25 : memref<!tpu.dma_semaphore, #tpu.memory_space<semaphore_mem>>) {add = true}
      %add3A_283 = arith.constant 3 : i32
      %add3A_284 = arith.addi %add3A_258, %add3A_283 : i32
      %mul3A_285 = arith.constant 80 : i32
      %mul3A_286 = arith.muli %add3A_284, %mul3A_285 : i32
      %add3A_287 = arith.addi %mul3A_43, %mul3A_286 : i32
      %multiple_of3A_288 = tpu.assume_multiple %add3A_287, 8 : i32
      %dma_start3A_289 = tpu.memref_slice %arg3[%multiple_of3A_288] : memref<320000xi32, #tpu.memory_space<hbm>> -> memref<80xi32, #tpu.memory_space<hbm>>
      %dma_start3A_290 = tpu.memref_slice %arg3[%multiple_of3A_288] : memref<320000xi32, #tpu.memory_space<hbm>> -> memref<80xi32, #tpu.memory_space<hbm>>
      tpu.enqueue_dma source(%dma_start3A_290 : memref<80xi32, #tpu.memory_space<hbm>>) target(%arg11 : memref<80xi32, #tpu.memory_space<vmem>>) target_semaphore(%arg23 : memref<!tpu.dma_semaphore, #tpu.memory_space<semaphore_mem>>)
      %dma_start3A_291 = tpu.memref_slice %arg4[%multiple_of3A_288] : memref<320000xi32, #tpu.memory_space<hbm>> -> memref<80xi32, #tpu.memory_space<hbm>>
      %dma_start3A_292 = tpu.memref_slice %arg4[%multiple_of3A_288] : memref<320000xi32, #tpu.memory_space<hbm>> -> memref<80xi32, #tpu.memory_space<hbm>>
      tpu.enqueue_dma source(%dma_start3A_292 : memref<80xi32, #tpu.memory_space<hbm>>) target(%arg15 : memref<80xi32, #tpu.memory_space<vmem>>) target_semaphore(%arg23 : memref<!tpu.dma_semaphore, #tpu.memory_space<semaphore_mem>>)
      %add3A_293 = arith.constant 2 : i32
      %add3A_294 = arith.addi %add3A_222, %add3A_293 : i32
      %dma_wait3A_295 = arith.constant 0 : i32
      %dma_wait3A_296 = arith.constant 0 : i32
      %dma_wait3A_297 = tpu.memref_slice %arg2[%dma_wait3A_295, %dma_wait3A_296] : memref<10000x128xf32, #tpu.memory_space<hbm>> -> memref<10000x128xf32, #tpu.memory_space<hbm>>
      tpu.wait_indirect_dma semaphore(%arg22 : memref<!tpu.dma_semaphore, #tpu.memory_space<semaphore_mem>>) src(%dma_wait3A_297 : memref<10000x128xf32, #tpu.memory_space<hbm>>) dst(%arg21 : memref<80x128xf32, #tpu.memory_space<vmem>>)
      %dma_wait3A_298 = arith.constant 0 : i32
      %dma_wait3A_299 = tpu.memref_slice %arg3[%dma_wait3A_298] : memref<320000xi32, #tpu.memory_space<hbm>> -> memref<80xi32, #tpu.memory_space<hbm>>
      %dma_wait3A_300 = arith.constant 0 : i32
      %dma_wait3A_301 = tpu.memref_slice %arg3[%dma_wait3A_300] : memref<320000xi32, #tpu.memory_space<hbm>> -> memref<80xi32, #tpu.memory_space<hbm>>
      tpu.wait_dma2 semaphore(%arg23 : memref<!tpu.dma_semaphore, #tpu.memory_space<semaphore_mem>>) src(%dma_wait3A_301 : memref<80xi32, #tpu.memory_space<hbm>>) dst(%arg10 : memref<80xi32, #tpu.memory_space<vmem>>)
      %dma_wait3A_302 = arith.constant 0 : i32
      %dma_wait3A_303 = tpu.memref_slice %arg4[%dma_wait3A_302] : memref<320000xi32, #tpu.memory_space<hbm>> -> memref<80xi32, #tpu.memory_space<hbm>>
      %dma_wait3A_304 = arith.constant 0 : i32
      %dma_wait3A_305 = tpu.memref_slice %arg4[%dma_wait3A_304] : memref<320000xi32, #tpu.memory_space<hbm>> -> memref<80xi32, #tpu.memory_space<hbm>>
      tpu.wait_dma2 semaphore(%arg23 : memref<!tpu.dma_semaphore, #tpu.memory_space<semaphore_mem>>) src(%dma_wait3A_305 : memref<80xi32, #tpu.memory_space<hbm>>) dst(%arg14 : memref<80xi32, #tpu.memory_space<vmem>>)
      %dma_wait3A_306 = arith.constant 0 : i32
      %dma_wait3A_307 = arith.constant 0 : i32
      %dma_wait3A_308 = tpu.memref_slice %arg9[%dma_wait3A_306, %dma_wait3A_307] : memref<10000x128xf32, #tpu.memory_space<vmem_shared>> -> memref<10000x128xf32, #tpu.memory_space<vmem_shared>>
      tpu.wait_indirect_dma semaphore(%arg24 : memref<!tpu.dma_semaphore, #tpu.memory_space<semaphore_mem>>) src(%arg20 : memref<80x128xf32, #tpu.memory_space<vmem>>) dst(%dma_wait3A_308 : memref<10000x128xf32, #tpu.memory_space<vmem_shared>>)
      %dma_wait3A_309 = arith.constant 0 : i32
      %dma_wait3A_310 = tpu.memref_slice %arg26[%dma_wait3A_309] : memref<10000xf32, #tpu.memory_space<vmem_shared>> -> memref<10000xf32, #tpu.memory_space<vmem_shared>>
      tpu.wait_indirect_dma semaphore(%arg25 : memref<!tpu.dma_semaphore, #tpu.memory_space<semaphore_mem>>) src(%arg27 : memref<80xf32, #tpu.memory_space<vmem>>) dst(%dma_wait3A_310 : memref<10000xf32, #tpu.memory_space<vmem_shared>>)
      %dma_start3A_311 = arith.constant 0 : i32
      %dma_start3A_312 = arith.constant 0 : i32
      %dma_start3A_313 = tpu.memref_slice %arg2[%dma_start3A_311, %dma_start3A_312] : memref<10000x128xf32, #tpu.memory_space<hbm>> -> memref<10000x128xf32, #tpu.memory_space<hbm>>
      tpu.enqueue_indirect_dma source(%dma_start3A_313 : memref<10000x128xf32, #tpu.memory_space<hbm>>) target(%arg19 : memref<80x128xf32, #tpu.memory_space<vmem>>) offsets(%arg11 : memref<80xi32, #tpu.memory_space<vmem>>) semaphore(%arg22 : memref<!tpu.dma_semaphore, #tpu.memory_space<semaphore_mem>>)
      %dma_start3A_314 = arith.constant 0 : i32
      %dma_start3A_315 = arith.constant 0 : i32
      %dma_start3A_316 = tpu.memref_slice %arg9[%dma_start3A_314, %dma_start3A_315] : memref<10000x128xf32, #tpu.memory_space<vmem_shared>> -> memref<10000x128xf32, #tpu.memory_space<vmem_shared>>
      tpu.enqueue_indirect_dma source(%arg21 : memref<80x128xf32, #tpu.memory_space<vmem>>) target(%dma_start3A_316 : memref<10000x128xf32, #tpu.memory_space<vmem_shared>>) offsets(%arg17 : memref<80xi32, #tpu.memory_space<vmem>>) semaphore(%arg24 : memref<!tpu.dma_semaphore, #tpu.memory_space<semaphore_mem>>) {add = true}
      %dma_start3A_317 = arith.constant 0 : i32
      %dma_start3A_318 = tpu.memref_slice %arg26[%dma_start3A_317] : memref<10000xf32, #tpu.memory_space<vmem_shared>> -> memref<10000xf32, #tpu.memory_space<vmem_shared>>
      tpu.enqueue_indirect_dma source(%arg27 : memref<80xf32, #tpu.memory_space<vmem>>) target(%dma_start3A_318 : memref<10000xf32, #tpu.memory_space<vmem_shared>>) offsets(%arg17 : memref<80xi32, #tpu.memory_space<vmem>>) semaphore(%arg25 : memref<!tpu.dma_semaphore, #tpu.memory_space<semaphore_mem>>) {add = true}
      %add3A_319 = arith.constant 3 : i32
      %add3A_320 = arith.addi %add3A_294, %add3A_319 : i32
      %mul3A_321 = arith.constant 80 : i32
      %mul3A_322 = arith.muli %add3A_320, %mul3A_321 : i32
      %add3A_323 = arith.addi %mul3A_43, %mul3A_322 : i32
      %multiple_of3A_324 = tpu.assume_multiple %add3A_323, 8 : i32
      %dma_start3A_325 = tpu.memref_slice %arg3[%multiple_of3A_324] : memref<320000xi32, #tpu.memory_space<hbm>> -> memref<80xi32, #tpu.memory_space<hbm>>
      %dma_start3A_326 = tpu.memref_slice %arg3[%multiple_of3A_324] : memref<320000xi32, #tpu.memory_space<hbm>> -> memref<80xi32, #tpu.memory_space<hbm>>
      tpu.enqueue_dma source(%dma_start3A_326 : memref<80xi32, #tpu.memory_space<hbm>>) target(%arg12 : memref<80xi32, #tpu.memory_space<vmem>>) target_semaphore(%arg23 : memref<!tpu.dma_semaphore, #tpu.memory_space<semaphore_mem>>)
      %dma_start3A_327 = tpu.memref_slice %arg4[%multiple_of3A_324] : memref<320000xi32, #tpu.memory_space<hbm>> -> memref<80xi32, #tpu.memory_space<hbm>>
      %dma_start3A_328 = tpu.memref_slice %arg4[%multiple_of3A_324] : memref<320000xi32, #tpu.memory_space<hbm>> -> memref<80xi32, #tpu.memory_space<hbm>>
      tpu.enqueue_dma source(%dma_start3A_328 : memref<80xi32, #tpu.memory_space<hbm>>) target(%arg16 : memref<80xi32, #tpu.memory_space<vmem>>) target_semaphore(%arg23 : memref<!tpu.dma_semaphore, #tpu.memory_space<semaphore_mem>>)
      %add3A_329 = arith.constant 3 : i32
      %add3A_330 = arith.addi %add3A_222, %add3A_329 : i32
      %dma_wait3A_331 = arith.constant 0 : i32
      %dma_wait3A_332 = arith.constant 0 : i32
      %dma_wait3A_333 = tpu.memref_slice %arg2[%dma_wait3A_331, %dma_wait3A_332] : memref<10000x128xf32, #tpu.memory_space<hbm>> -> memref<10000x128xf32, #tpu.memory_space<hbm>>
      tpu.wait_indirect_dma semaphore(%arg22 : memref<!tpu.dma_semaphore, #tpu.memory_space<semaphore_mem>>) src(%dma_wait3A_333 : memref<10000x128xf32, #tpu.memory_space<hbm>>) dst(%arg18 : memref<80x128xf32, #tpu.memory_space<vmem>>)
      %dma_wait3A_334 = arith.constant 0 : i32
      %dma_wait3A_335 = tpu.memref_slice %arg3[%dma_wait3A_334] : memref<320000xi32, #tpu.memory_space<hbm>> -> memref<80xi32, #tpu.memory_space<hbm>>
      %dma_wait3A_336 = arith.constant 0 : i32
      %dma_wait3A_337 = tpu.memref_slice %arg3[%dma_wait3A_336] : memref<320000xi32, #tpu.memory_space<hbm>> -> memref<80xi32, #tpu.memory_space<hbm>>
      tpu.wait_dma2 semaphore(%arg23 : memref<!tpu.dma_semaphore, #tpu.memory_space<semaphore_mem>>) src(%dma_wait3A_337 : memref<80xi32, #tpu.memory_space<hbm>>) dst(%arg10 : memref<80xi32, #tpu.memory_space<vmem>>)
      %dma_wait3A_338 = arith.constant 0 : i32
      %dma_wait3A_339 = tpu.memref_slice %arg4[%dma_wait3A_338] : memref<320000xi32, #tpu.memory_space<hbm>> -> memref<80xi32, #tpu.memory_space<hbm>>
      %dma_wait3A_340 = arith.constant 0 : i32
      %dma_wait3A_341 = tpu.memref_slice %arg4[%dma_wait3A_340] : memref<320000xi32, #tpu.memory_space<hbm>> -> memref<80xi32, #tpu.memory_space<hbm>>
      tpu.wait_dma2 semaphore(%arg23 : memref<!tpu.dma_semaphore, #tpu.memory_space<semaphore_mem>>) src(%dma_wait3A_341 : memref<80xi32, #tpu.memory_space<hbm>>) dst(%arg14 : memref<80xi32, #tpu.memory_space<vmem>>)
      %dma_wait3A_342 = arith.constant 0 : i32
      %dma_wait3A_343 = arith.constant 0 : i32
      %dma_wait3A_344 = tpu.memref_slice %arg9[%dma_wait3A_342, %dma_wait3A_343] : memref<10000x128xf32, #tpu.memory_space<vmem_shared>> -> memref<10000x128xf32, #tpu.memory_space<vmem_shared>>
      tpu.wait_indirect_dma semaphore(%arg24 : memref<!tpu.dma_semaphore, #tpu.memory_space<semaphore_mem>>) src(%arg21 : memref<80x128xf32, #tpu.memory_space<vmem>>) dst(%dma_wait3A_344 : memref<10000x128xf32, #tpu.memory_space<vmem_shared>>)
      %dma_wait3A_345 = arith.constant 0 : i32
      %dma_wait3A_346 = tpu.memref_slice %arg26[%dma_wait3A_345] : memref<10000xf32, #tpu.memory_space<vmem_shared>> -> memref<10000xf32, #tpu.memory_space<vmem_shared>>
      tpu.wait_indirect_dma semaphore(%arg25 : memref<!tpu.dma_semaphore, #tpu.memory_space<semaphore_mem>>) src(%arg27 : memref<80xf32, #tpu.memory_space<vmem>>) dst(%dma_wait3A_346 : memref<10000xf32, #tpu.memory_space<vmem_shared>>)
      %dma_start3A_347 = arith.constant 0 : i32
      %dma_start3A_348 = arith.constant 0 : i32
      %dma_start3A_349 = tpu.memref_slice %arg2[%dma_start3A_347, %dma_start3A_348] : memref<10000x128xf32, #tpu.memory_space<hbm>> -> memref<10000x128xf32, #tpu.memory_space<hbm>>
      tpu.enqueue_indirect_dma source(%dma_start3A_349 : memref<10000x128xf32, #tpu.memory_space<hbm>>) target(%arg20 : memref<80x128xf32, #tpu.memory_space<vmem>>) offsets(%arg12 : memref<80xi32, #tpu.memory_space<vmem>>) semaphore(%arg22 : memref<!tpu.dma_semaphore, #tpu.memory_space<semaphore_mem>>)
      %dma_start3A_350 = arith.constant 0 : i32
      %dma_start3A_351 = arith.constant 0 : i32
      %dma_start3A_352 = tpu.memref_slice %arg9[%dma_start3A_350, %dma_start3A_351] : memref<10000x128xf32, #tpu.memory_space<vmem_shared>> -> memref<10000x128xf32, #tpu.memory_space<vmem_shared>>
      tpu.enqueue_indirect_dma source(%arg18 : memref<80x128xf32, #tpu.memory_space<vmem>>) target(%dma_start3A_352 : memref<10000x128xf32, #tpu.memory_space<vmem_shared>>) offsets(%arg14 : memref<80xi32, #tpu.memory_space<vmem>>) semaphore(%arg24 : memref<!tpu.dma_semaphore, #tpu.memory_space<semaphore_mem>>) {add = true}
      %dma_start3A_353 = arith.constant 0 : i32
      %dma_start3A_354 = tpu.memref_slice %arg26[%dma_start3A_353] : memref<10000xf32, #tpu.memory_space<vmem_shared>> -> memref<10000xf32, #tpu.memory_space<vmem_shared>>
      tpu.enqueue_indirect_dma source(%arg27 : memref<80xf32, #tpu.memory_space<vmem>>) target(%dma_start3A_354 : memref<10000xf32, #tpu.memory_space<vmem_shared>>) offsets(%arg14 : memref<80xi32, #tpu.memory_space<vmem>>) semaphore(%arg25 : memref<!tpu.dma_semaphore, #tpu.memory_space<semaphore_mem>>) {add = true}
      %add3A_355 = arith.constant 3 : i32
      %add3A_356 = arith.addi %add3A_330, %add3A_355 : i32
      %mul3A_357 = arith.constant 80 : i32
      %mul3A_358 = arith.muli %add3A_356, %mul3A_357 : i32
      %add3A_359 = arith.addi %mul3A_43, %mul3A_358 : i32
      %multiple_of3A_360 = tpu.assume_multiple %add3A_359, 8 : i32
      %dma_start3A_361 = tpu.memref_slice %arg3[%multiple_of3A_360] : memref<320000xi32, #tpu.memory_space<hbm>> -> memref<80xi32, #tpu.memory_space<hbm>>
      %dma_start3A_362 = tpu.memref_slice %arg3[%multiple_of3A_360] : memref<320000xi32, #tpu.memory_space<hbm>> -> memref<80xi32, #tpu.memory_space<hbm>>
      tpu.enqueue_dma source(%dma_start3A_362 : memref<80xi32, #tpu.memory_space<hbm>>) target(%arg13 : memref<80xi32, #tpu.memory_space<vmem>>) target_semaphore(%arg23 : memref<!tpu.dma_semaphore, #tpu.memory_space<semaphore_mem>>)
      %dma_start3A_363 = tpu.memref_slice %arg4[%multiple_of3A_360] : memref<320000xi32, #tpu.memory_space<hbm>> -> memref<80xi32, #tpu.memory_space<hbm>>
      %dma_start3A_364 = tpu.memref_slice %arg4[%multiple_of3A_360] : memref<320000xi32, #tpu.memory_space<hbm>> -> memref<80xi32, #tpu.memory_space<hbm>>
      tpu.enqueue_dma source(%dma_start3A_364 : memref<80xi32, #tpu.memory_space<hbm>>) target(%arg17 : memref<80xi32, #tpu.memory_space<vmem>>) target_semaphore(%arg23 : memref<!tpu.dma_semaphore, #tpu.memory_space<semaphore_mem>>)
    }
    %scan3A_115 = arith.constant 30 : i32
    %dma_wait3A_116 = arith.constant 0 : i32
    %dma_wait3A_117 = arith.constant 0 : i32
    %dma_wait3A_118 = tpu.memref_slice %arg2[%dma_wait3A_116, %dma_wait3A_117] : memref<10000x128xf32, #tpu.memory_space<hbm>> -> memref<10000x128xf32, #tpu.memory_space<hbm>>
    tpu.wait_indirect_dma semaphore(%arg22 : memref<!tpu.dma_semaphore, #tpu.memory_space<semaphore_mem>>) src(%dma_wait3A_118 : memref<10000x128xf32, #tpu.memory_space<hbm>>) dst(%arg19 : memref<80x128xf32, #tpu.memory_space<vmem>>)
    %dma_wait3A_119 = arith.constant 0 : i32
    %dma_wait3A_120 = tpu.memref_slice %arg3[%dma_wait3A_119] : memref<320000xi32, #tpu.memory_space<hbm>> -> memref<80xi32, #tpu.memory_space<hbm>>
    %dma_wait3A_121 = arith.constant 0 : i32
    %dma_wait3A_122 = tpu.memref_slice %arg3[%dma_wait3A_121] : memref<320000xi32, #tpu.memory_space<hbm>> -> memref<80xi32, #tpu.memory_space<hbm>>
    tpu.wait_dma2 semaphore(%arg23 : memref<!tpu.dma_semaphore, #tpu.memory_space<semaphore_mem>>) src(%dma_wait3A_122 : memref<80xi32, #tpu.memory_space<hbm>>) dst(%arg10 : memref<80xi32, #tpu.memory_space<vmem>>)
    %dma_wait3A_123 = arith.constant 0 : i32
    %dma_wait3A_124 = tpu.memref_slice %arg4[%dma_wait3A_123] : memref<320000xi32, #tpu.memory_space<hbm>> -> memref<80xi32, #tpu.memory_space<hbm>>
    %dma_wait3A_125 = arith.constant 0 : i32
    %dma_wait3A_126 = tpu.memref_slice %arg4[%dma_wait3A_125] : memref<320000xi32, #tpu.memory_space<hbm>> -> memref<80xi32, #tpu.memory_space<hbm>>
    tpu.wait_dma2 semaphore(%arg23 : memref<!tpu.dma_semaphore, #tpu.memory_space<semaphore_mem>>) src(%dma_wait3A_126 : memref<80xi32, #tpu.memory_space<hbm>>) dst(%arg14 : memref<80xi32, #tpu.memory_space<vmem>>)
    %dma_wait3A_127 = arith.constant 0 : i32
    %dma_wait3A_128 = arith.constant 0 : i32
    %dma_wait3A_129 = tpu.memref_slice %arg9[%dma_wait3A_127, %dma_wait3A_128] : memref<10000x128xf32, #tpu.memory_space<vmem_shared>> -> memref<10000x128xf32, #tpu.memory_space<vmem_shared>>
    tpu.wait_indirect_dma semaphore(%arg24 : memref<!tpu.dma_semaphore, #tpu.memory_space<semaphore_mem>>) src(%arg18 : memref<80x128xf32, #tpu.memory_space<vmem>>) dst(%dma_wait3A_129 : memref<10000x128xf32, #tpu.memory_space<vmem_shared>>)
    %dma_wait3A_130 = arith.constant 0 : i32
    %dma_wait3A_131 = tpu.memref_slice %arg26[%dma_wait3A_130] : memref<10000xf32, #tpu.memory_space<vmem_shared>> -> memref<10000xf32, #tpu.memory_space<vmem_shared>>
    tpu.wait_indirect_dma semaphore(%arg25 : memref<!tpu.dma_semaphore, #tpu.memory_space<semaphore_mem>>) src(%arg27 : memref<80xf32, #tpu.memory_space<vmem>>) dst(%dma_wait3A_131 : memref<10000xf32, #tpu.memory_space<vmem_shared>>)
    %dma_start3A_132 = arith.constant 0 : i32
    %dma_start3A_133 = arith.constant 0 : i32
    %dma_start3A_134 = tpu.memref_slice %arg2[%dma_start3A_132, %dma_start3A_133] : memref<10000x128xf32, #tpu.memory_space<hbm>> -> memref<10000x128xf32, #tpu.memory_space<hbm>>
    tpu.enqueue_indirect_dma source(%dma_start3A_134 : memref<10000x128xf32, #tpu.memory_space<hbm>>) target(%arg21 : memref<80x128xf32, #tpu.memory_space<vmem>>) offsets(%arg13 : memref<80xi32, #tpu.memory_space<vmem>>) semaphore(%arg22 : memref<!tpu.dma_semaphore, #tpu.memory_space<semaphore_mem>>)
    %dma_start3A_135 = arith.constant 0 : i32
    %dma_start3A_136 = arith.constant 0 : i32
    %dma_start3A_137 = tpu.memref_slice %arg9[%dma_start3A_135, %dma_start3A_136] : memref<10000x128xf32, #tpu.memory_space<vmem_shared>> -> memref<10000x128xf32, #tpu.memory_space<vmem_shared>>
    tpu.enqueue_indirect_dma source(%arg19 : memref<80x128xf32, #tpu.memory_space<vmem>>) target(%dma_start3A_137 : memref<10000x128xf32, #tpu.memory_space<vmem_shared>>) offsets(%arg15 : memref<80xi32, #tpu.memory_space<vmem>>) semaphore(%arg24 : memref<!tpu.dma_semaphore, #tpu.memory_space<semaphore_mem>>) {add = true}
    %dma_start3A_138 = arith.constant 0 : i32
    %dma_start3A_139 = tpu.memref_slice %arg26[%dma_start3A_138] : memref<10000xf32, #tpu.memory_space<vmem_shared>> -> memref<10000xf32, #tpu.memory_space<vmem_shared>>
    tpu.enqueue_indirect_dma source(%arg27 : memref<80xf32, #tpu.memory_space<vmem>>) target(%dma_start3A_139 : memref<10000xf32, #tpu.memory_space<vmem_shared>>) offsets(%arg15 : memref<80xi32, #tpu.memory_space<vmem>>) semaphore(%arg25 : memref<!tpu.dma_semaphore, #tpu.memory_space<semaphore_mem>>) {add = true}
    %add3A_140 = arith.constant 9920 : i32
    %add3A_141 = arith.addi %mul3A_43, %add3A_140 : i32
    %multiple_of3A_142 = tpu.assume_multiple %add3A_141, 8 : i32
    %dma_start3A_143 = tpu.memref_slice %arg3[%multiple_of3A_142] : memref<320000xi32, #tpu.memory_space<hbm>> -> memref<80xi32, #tpu.memory_space<hbm>>
    %dma_start3A_144 = tpu.memref_slice %arg3[%multiple_of3A_142] : memref<320000xi32, #tpu.memory_space<hbm>> -> memref<80xi32, #tpu.memory_space<hbm>>
    tpu.enqueue_dma source(%dma_start3A_144 : memref<80xi32, #tpu.memory_space<hbm>>) target(%arg10 : memref<80xi32, #tpu.memory_space<vmem>>) target_semaphore(%arg23 : memref<!tpu.dma_semaphore, #tpu.memory_space<semaphore_mem>>)
    %dma_start3A_145 = tpu.memref_slice %arg4[%multiple_of3A_142] : memref<320000xi32, #tpu.memory_space<hbm>> -> memref<80xi32, #tpu.memory_space<hbm>>
    %dma_start3A_146 = tpu.memref_slice %arg4[%multiple_of3A_142] : memref<320000xi32, #tpu.memory_space<hbm>> -> memref<80xi32, #tpu.memory_space<hbm>>
    tpu.enqueue_dma source(%dma_start3A_146 : memref<80xi32, #tpu.memory_space<hbm>>) target(%arg14 : memref<80xi32, #tpu.memory_space<vmem>>) target_semaphore(%arg23 : memref<!tpu.dma_semaphore, #tpu.memory_space<semaphore_mem>>)
    %dma_wait3A_147 = arith.constant 0 : i32
    %dma_wait3A_148 = arith.constant 0 : i32
    %dma_wait3A_149 = tpu.memref_slice %arg2[%dma_wait3A_147, %dma_wait3A_148] : memref<10000x128xf32, #tpu.memory_space<hbm>> -> memref<10000x128xf32, #tpu.memory_space<hbm>>
    tpu.wait_indirect_dma semaphore(%arg22 : memref<!tpu.dma_semaphore, #tpu.memory_space<semaphore_mem>>) src(%dma_wait3A_149 : memref<10000x128xf32, #tpu.memory_space<hbm>>) dst(%arg20 : memref<80x128xf32, #tpu.memory_space<vmem>>)
    %dma_wait3A_150 = arith.constant 0 : i32
    %dma_wait3A_151 = tpu.memref_slice %arg3[%dma_wait3A_150] : memref<320000xi32, #tpu.memory_space<hbm>> -> memref<80xi32, #tpu.memory_space<hbm>>
    %dma_wait3A_152 = arith.constant 0 : i32
    %dma_wait3A_153 = tpu.memref_slice %arg3[%dma_wait3A_152] : memref<320000xi32, #tpu.memory_space<hbm>> -> memref<80xi32, #tpu.memory_space<hbm>>
    tpu.wait_dma2 semaphore(%arg23 : memref<!tpu.dma_semaphore, #tpu.memory_space<semaphore_mem>>) src(%dma_wait3A_153 : memref<80xi32, #tpu.memory_space<hbm>>) dst(%arg10 : memref<80xi32, #tpu.memory_space<vmem>>)
    %dma_wait3A_154 = arith.constant 0 : i32
    %dma_wait3A_155 = tpu.memref_slice %arg4[%dma_wait3A_154] : memref<320000xi32, #tpu.memory_space<hbm>> -> memref<80xi32, #tpu.memory_space<hbm>>
    %dma_wait3A_156 = arith.constant 0 : i32
    %dma_wait3A_157 = tpu.memref_slice %arg4[%dma_wait3A_156] : memref<320000xi32, #tpu.memory_space<hbm>> -> memref<80xi32, #tpu.memory_space<hbm>>
    tpu.wait_dma2 semaphore(%arg23 : memref<!tpu.dma_semaphore, #tpu.memory_space<semaphore_mem>>) src(%dma_wait3A_157 : memref<80xi32, #tpu.memory_space<hbm>>) dst(%arg14 : memref<80xi32, #tpu.memory_space<vmem>>)
    %dma_wait3A_158 = arith.constant 0 : i32
    %dma_wait3A_159 = arith.constant 0 : i32
    %dma_wait3A_160 = tpu.memref_slice %arg9[%dma_wait3A_158, %dma_wait3A_159] : memref<10000x128xf32, #tpu.memory_space<vmem_shared>> -> memref<10000x128xf32, #tpu.memory_space<vmem_shared>>
    tpu.wait_indirect_dma semaphore(%arg24 : memref<!tpu.dma_semaphore, #tpu.memory_space<semaphore_mem>>) src(%arg19 : memref<80x128xf32, #tpu.memory_space<vmem>>) dst(%dma_wait3A_160 : memref<10000x128xf32, #tpu.memory_space<vmem_shared>>)
    %dma_wait3A_161 = arith.constant 0 : i32
    %dma_wait3A_162 = tpu.memref_slice %arg26[%dma_wait3A_161] : memref<10000xf32, #tpu.memory_space<vmem_shared>> -> memref<10000xf32, #tpu.memory_space<vmem_shared>>
    tpu.wait_indirect_dma semaphore(%arg25 : memref<!tpu.dma_semaphore, #tpu.memory_space<semaphore_mem>>) src(%arg27 : memref<80xf32, #tpu.memory_space<vmem>>) dst(%dma_wait3A_162 : memref<10000xf32, #tpu.memory_space<vmem_shared>>)
    %dma_start3A_163 = arith.constant 0 : i32
    %dma_start3A_164 = arith.constant 0 : i32
    %dma_start3A_165 = tpu.memref_slice %arg2[%dma_start3A_163, %dma_start3A_164] : memref<10000x128xf32, #tpu.memory_space<hbm>> -> memref<10000x128xf32, #tpu.memory_space<hbm>>
    tpu.enqueue_indirect_dma source(%dma_start3A_165 : memref<10000x128xf32, #tpu.memory_space<hbm>>) target(%arg18 : memref<80x128xf32, #tpu.memory_space<vmem>>) offsets(%arg10 : memref<80xi32, #tpu.memory_space<vmem>>) semaphore(%arg22 : memref<!tpu.dma_semaphore, #tpu.memory_space<semaphore_mem>>)
    %dma_start3A_166 = arith.constant 0 : i32
    %dma_start3A_167 = arith.constant 0 : i32
    %dma_start3A_168 = tpu.memref_slice %arg9[%dma_start3A_166, %dma_start3A_167] : memref<10000x128xf32, #tpu.memory_space<vmem_shared>> -> memref<10000x128xf32, #tpu.memory_space<vmem_shared>>
    tpu.enqueue_indirect_dma source(%arg20 : memref<80x128xf32, #tpu.memory_space<vmem>>) target(%dma_start3A_168 : memref<10000x128xf32, #tpu.memory_space<vmem_shared>>) offsets(%arg16 : memref<80xi32, #tpu.memory_space<vmem>>) semaphore(%arg24 : memref<!tpu.dma_semaphore, #tpu.memory_space<semaphore_mem>>) {add = true}
    %dma_start3A_169 = arith.constant 0 : i32
    %dma_start3A_170 = tpu.memref_slice %arg26[%dma_start3A_169] : memref<10000xf32, #tpu.memory_space<vmem_shared>> -> memref<10000xf32, #tpu.memory_space<vmem_shared>>
    tpu.enqueue_indirect_dma source(%arg27 : memref<80xf32, #tpu.memory_space<vmem>>) target(%dma_start3A_170 : memref<10000xf32, #tpu.memory_space<vmem_shared>>) offsets(%arg16 : memref<80xi32, #tpu.memory_space<vmem>>) semaphore(%arg25 : memref<!tpu.dma_semaphore, #tpu.memory_space<semaphore_mem>>) {add = true}
    %dma_wait3A_171 = arith.constant 0 : i32
    %dma_wait3A_172 = arith.constant 0 : i32
    %dma_wait3A_173 = tpu.memref_slice %arg2[%dma_wait3A_171, %dma_wait3A_172] : memref<10000x128xf32, #tpu.memory_space<hbm>> -> memref<10000x128xf32, #tpu.memory_space<hbm>>
    tpu.wait_indirect_dma semaphore(%arg22 : memref<!tpu.dma_semaphore, #tpu.memory_space<semaphore_mem>>) src(%dma_wait3A_173 : memref<10000x128xf32, #tpu.memory_space<hbm>>) dst(%arg21 : memref<80x128xf32, #tpu.memory_space<vmem>>)
    %dma_wait3A_174 = arith.constant 0 : i32
    %dma_wait3A_175 = arith.constant 0 : i32
    %dma_wait3A_176 = tpu.memref_slice %arg9[%dma_wait3A_174, %dma_wait3A_175] : memref<10000x128xf32, #tpu.memory_space<vmem_shared>> -> memref<10000x128xf32, #tpu.memory_space<vmem_shared>>
    tpu.wait_indirect_dma semaphore(%arg24 : memref<!tpu.dma_semaphore, #tpu.memory_space<semaphore_mem>>) src(%arg20 : memref<80x128xf32, #tpu.memory_space<vmem>>) dst(%dma_wait3A_176 : memref<10000x128xf32, #tpu.memory_space<vmem_shared>>)
    %dma_wait3A_177 = arith.constant 0 : i32
    %dma_wait3A_178 = tpu.memref_slice %arg26[%dma_wait3A_177] : memref<10000xf32, #tpu.memory_space<vmem_shared>> -> memref<10000xf32, #tpu.memory_space<vmem_shared>>
    tpu.wait_indirect_dma semaphore(%arg25 : memref<!tpu.dma_semaphore, #tpu.memory_space<semaphore_mem>>) src(%arg27 : memref<80xf32, #tpu.memory_space<vmem>>) dst(%dma_wait3A_178 : memref<10000xf32, #tpu.memory_space<vmem_shared>>)
    %dma_start3A_179 = arith.constant 0 : i32
    %dma_start3A_180 = arith.constant 0 : i32
    %dma_start3A_181 = tpu.memref_slice %arg9[%dma_start3A_179, %dma_start3A_180] : memref<10000x128xf32, #tpu.memory_space<vmem_shared>> -> memref<10000x128xf32, #tpu.memory_space<vmem_shared>>
    tpu.enqueue_indirect_dma source(%arg21 : memref<80x128xf32, #tpu.memory_space<vmem>>) target(%dma_start3A_181 : memref<10000x128xf32, #tpu.memory_space<vmem_shared>>) offsets(%arg17 : memref<80xi32, #tpu.memory_space<vmem>>) semaphore(%arg24 : memref<!tpu.dma_semaphore, #tpu.memory_space<semaphore_mem>>) {add = true}
    %dma_start3A_182 = arith.constant 0 : i32
    %dma_start3A_183 = tpu.memref_slice %arg26[%dma_start3A_182] : memref<10000xf32, #tpu.memory_space<vmem_shared>> -> memref<10000xf32, #tpu.memory_space<vmem_shared>>
    tpu.enqueue_indirect_dma source(%arg27 : memref<80xf32, #tpu.memory_space<vmem>>) target(%dma_start3A_183 : memref<10000xf32, #tpu.memory_space<vmem_shared>>) offsets(%arg17 : memref<80xi32, #tpu.memory_space<vmem>>) semaphore(%arg25 : memref<!tpu.dma_semaphore, #tpu.memory_space<semaphore_mem>>) {add = true}
    %dma_wait3A_184 = arith.constant 0 : i32
    %dma_wait3A_185 = arith.constant 0 : i32
    %dma_wait3A_186 = tpu.memref_slice %arg2[%dma_wait3A_184, %dma_wait3A_185] : memref<10000x128xf32, #tpu.memory_space<hbm>> -> memref<10000x128xf32, #tpu.memory_space<hbm>>
    tpu.wait_indirect_dma semaphore(%arg22 : memref<!tpu.dma_semaphore, #tpu.memory_space<semaphore_mem>>) src(%dma_wait3A_186 : memref<10000x128xf32, #tpu.memory_space<hbm>>) dst(%arg18 : memref<80x128xf32, #tpu.memory_space<vmem>>)
    %dma_wait3A_187 = arith.constant 0 : i32
    %dma_wait3A_188 = arith.constant 0 : i32
    %dma_wait3A_189 = tpu.memref_slice %arg9[%dma_wait3A_187, %dma_wait3A_188] : memref<10000x128xf32, #tpu.memory_space<vmem_shared>> -> memref<10000x128xf32, #tpu.memory_space<vmem_shared>>
    tpu.wait_indirect_dma semaphore(%arg24 : memref<!tpu.dma_semaphore, #tpu.memory_space<semaphore_mem>>) src(%arg21 : memref<80x128xf32, #tpu.memory_space<vmem>>) dst(%dma_wait3A_189 : memref<10000x128xf32, #tpu.memory_space<vmem_shared>>)
    %dma_wait3A_190 = arith.constant 0 : i32
    %dma_wait3A_191 = tpu.memref_slice %arg26[%dma_wait3A_190] : memref<10000xf32, #tpu.memory_space<vmem_shared>> -> memref<10000xf32, #tpu.memory_space<vmem_shared>>
    tpu.wait_indirect_dma semaphore(%arg25 : memref<!tpu.dma_semaphore, #tpu.memory_space<semaphore_mem>>) src(%arg27 : memref<80xf32, #tpu.memory_space<vmem>>) dst(%dma_wait3A_191 : memref<10000xf32, #tpu.memory_space<vmem_shared>>)
    %dma_start3A_192 = arith.constant 0 : i32
    %dma_start3A_193 = arith.constant 0 : i32
    %dma_start3A_194 = tpu.memref_slice %arg9[%dma_start3A_192, %dma_start3A_193] : memref<10000x128xf32, #tpu.memory_space<vmem_shared>> -> memref<10000x128xf32, #tpu.memory_space<vmem_shared>>
    tpu.enqueue_indirect_dma source(%arg18 : memref<80x128xf32, #tpu.memory_space<vmem>>) target(%dma_start3A_194 : memref<10000x128xf32, #tpu.memory_space<vmem_shared>>) offsets(%arg14 : memref<80xi32, #tpu.memory_space<vmem>>) semaphore(%arg24 : memref<!tpu.dma_semaphore, #tpu.memory_space<semaphore_mem>>) {add = true}
    %dma_start3A_195 = arith.constant 0 : i32
    %dma_start3A_196 = tpu.memref_slice %arg26[%dma_start3A_195] : memref<10000xf32, #tpu.memory_space<vmem_shared>> -> memref<10000xf32, #tpu.memory_space<vmem_shared>>
    tpu.enqueue_indirect_dma source(%arg27 : memref<80xf32, #tpu.memory_space<vmem>>) target(%dma_start3A_196 : memref<10000xf32, #tpu.memory_space<vmem_shared>>) offsets(%arg14 : memref<80xi32, #tpu.memory_space<vmem>>) semaphore(%arg25 : memref<!tpu.dma_semaphore, #tpu.memory_space<semaphore_mem>>) {add = true}
    %dma_wait3A_197 = arith.constant 0 : i32
    %dma_wait3A_198 = arith.constant 0 : i32
    %dma_wait3A_199 = tpu.memref_slice %arg9[%dma_wait3A_197, %dma_wait3A_198] : memref<10000x128xf32, #tpu.memory_space<vmem_shared>> -> memref<10000x128xf32, #tpu.memory_space<vmem_shared>>
    tpu.wait_indirect_dma semaphore(%arg24 : memref<!tpu.dma_semaphore, #tpu.memory_space<semaphore_mem>>) src(%arg18 : memref<80x128xf32, #tpu.memory_space<vmem>>) dst(%dma_wait3A_199 : memref<10000x128xf32, #tpu.memory_space<vmem_shared>>)
    %dma_wait3A_200 = arith.constant 0 : i32
    %dma_wait3A_201 = tpu.memref_slice %arg26[%dma_wait3A_200] : memref<10000xf32, #tpu.memory_space<vmem_shared>> -> memref<10000xf32, #tpu.memory_space<vmem_shared>>
    tpu.wait_indirect_dma semaphore(%arg25 : memref<!tpu.dma_semaphore, #tpu.memory_space<semaphore_mem>>) src(%arg27 : memref<80xf32, #tpu.memory_space<vmem>>) dst(%dma_wait3A_201 : memref<10000xf32, #tpu.memory_space<vmem_shared>>)
    %barrier3A_202 = arith.constant 0 : index
    tpu.barrier barrier_id(%barrier3A_202)
    %lt3A_203 = arith.constant 15 : i32
    %lt3A_204 = arith.cmpi slt, %arg1, %lt3A_203 : i32
    %convert_element_type3A_205 = arith.extui %lt3A_204 : i1 to i32
    %cond3A_206 = arith.constant 0 : i32
    %cond3A_207 = arith.cmpi ne, %convert_element_type3A_205, %cond3A_206 : i32
    scf.if %cond3A_207 {
      "tpu.region"() ({
        %run_scoped3A = tpu.sem_alloc : memref<!tpu.dma_semaphore, #tpu.memory_space<semaphore_mem>>
        %dma_start3A_218 = arith.constant 0 : i32
        %dma_start3A_219 = tpu.memref_slice %arg7[%arg0, %multiple_of3A, %dma_start3A_218] : memref<2x10000x128xf32, #tpu.memory_space<hbm>> -> memref<1x624x128xf32, #tpu.memory_space<hbm>>
        %dma_start3A_220 = tpu.memref_squeeze %dma_start3A_219 : memref<1x624x128xf32, #tpu.memory_space<hbm>> -> memref<624x128xf32, #tpu.memory_space<hbm>>
        %dma_start3A_221 = arith.constant 0 : i32
        %dma_start3A_222 = tpu.memref_slice %arg9[%multiple_of3A, %dma_start3A_221] : memref<10000x128xf32, #tpu.memory_space<vmem_shared>> -> memref<624x128xf32, #tpu.memory_space<vmem_shared>>
        tpu.enqueue_dma source(%dma_start3A_222 : memref<624x128xf32, #tpu.memory_space<vmem_shared>>) target(%dma_start3A_220 : memref<624x128xf32, #tpu.memory_space<hbm>>) target_semaphore(%run_scoped3A : memref<!tpu.dma_semaphore, #tpu.memory_space<semaphore_mem>>)
        %dma_wait3A_223 = arith.constant 0 : i32
        %dma_wait3A_224 = tpu.memref_slice %arg7[%arg0, %multiple_of3A, %dma_wait3A_223] : memref<2x10000x128xf32, #tpu.memory_space<hbm>> -> memref<1x624x128xf32, #tpu.memory_space<hbm>>
        %dma_wait3A_225 = tpu.memref_squeeze %dma_wait3A_224 : memref<1x624x128xf32, #tpu.memory_space<hbm>> -> memref<624x128xf32, #tpu.memory_space<hbm>>
        %dma_wait3A_226 = arith.constant 0 : i32
        %dma_wait3A_227 = tpu.memref_slice %arg9[%multiple_of3A, %dma_wait3A_226] : memref<10000x128xf32, #tpu.memory_space<vmem_shared>> -> memref<624x128xf32, #tpu.memory_space<vmem_shared>>
        tpu.wait_dma2 semaphore(%run_scoped3A : memref<!tpu.dma_semaphore, #tpu.memory_space<semaphore_mem>>) src(%dma_wait3A_227 : memref<624x128xf32, #tpu.memory_space<vmem_shared>>) dst(%dma_wait3A_225 : memref<624x128xf32, #tpu.memory_space<hbm>>)
        tpu.yield
      }) : () -> ()
    } else {
    }
    %eq3A_208 = arith.constant 15 : i32
    %eq3A_209 = arith.cmpi eq, %arg1, %eq3A_208 : i32
    %convert_element_type3A_210 = arith.extui %eq3A_209 : i1 to i32
    %cond3A_211 = arith.constant 0 : i32
    %cond3A_212 = arith.cmpi ne, %convert_element_type3A_210, %cond3A_211 : i32
    scf.if %cond3A_212 {
      "tpu.region"() ({
        %run_scoped3A = tpu.sem_alloc : memref<!tpu.dma_semaphore, #tpu.memory_space<semaphore_mem>>
        %dma_start3A_218 = arith.constant 9360 : i32
        %dma_start3A_219 = arith.constant 0 : i32
        %dma_start3A_220 = tpu.memref_slice %arg7[%arg0, %dma_start3A_218, %dma_start3A_219] : memref<2x10000x128xf32, #tpu.memory_space<hbm>> -> memref<1x640x128xf32, #tpu.memory_space<hbm>>
        %dma_start3A_221 = tpu.memref_squeeze %dma_start3A_220 : memref<1x640x128xf32, #tpu.memory_space<hbm>> -> memref<640x128xf32, #tpu.memory_space<hbm>>
        %dma_start3A_222 = arith.constant 9360 : i32
        %dma_start3A_223 = arith.constant 0 : i32
        %dma_start3A_224 = tpu.memref_slice %arg9[%dma_start3A_222, %dma_start3A_223] : memref<10000x128xf32, #tpu.memory_space<vmem_shared>> -> memref<640x128xf32, #tpu.memory_space<vmem_shared>>
        tpu.enqueue_dma source(%dma_start3A_224 : memref<640x128xf32, #tpu.memory_space<vmem_shared>>) target(%dma_start3A_221 : memref<640x128xf32, #tpu.memory_space<hbm>>) target_semaphore(%run_scoped3A : memref<!tpu.dma_semaphore, #tpu.memory_space<semaphore_mem>>)
        %dma_wait3A_225 = arith.constant 9360 : i32
        %dma_wait3A_226 = arith.constant 0 : i32
        %dma_wait3A_227 = tpu.memref_slice %arg7[%arg0, %dma_wait3A_225, %dma_wait3A_226] : memref<2x10000x128xf32, #tpu.memory_space<hbm>> -> memref<1x640x128xf32, #tpu.memory_space<hbm>>
        %dma_wait3A_228 = tpu.memref_squeeze %dma_wait3A_227 : memref<1x640x128xf32, #tpu.memory_space<hbm>> -> memref<640x128xf32, #tpu.memory_space<hbm>>
        %dma_wait3A_229 = arith.constant 9360 : i32
        %dma_wait3A_230 = arith.constant 0 : i32
        %dma_wait3A_231 = tpu.memref_slice %arg9[%dma_wait3A_229, %dma_wait3A_230] : memref<10000x128xf32, #tpu.memory_space<vmem_shared>> -> memref<640x128xf32, #tpu.memory_space<vmem_shared>>
        tpu.wait_dma2 semaphore(%run_scoped3A : memref<!tpu.dma_semaphore, #tpu.memory_space<semaphore_mem>>) src(%dma_wait3A_231 : memref<640x128xf32, #tpu.memory_space<vmem_shared>>) dst(%dma_wait3A_228 : memref<640x128xf32, #tpu.memory_space<hbm>>)
        tpu.yield
      }) : () -> ()
    } else {
    }
    %eq3A_213 = arith.constant 0 : i32
    %eq3A_214 = arith.cmpi eq, %arg1, %eq3A_213 : i32
    %convert_element_type3A_215 = arith.extui %eq3A_214 : i1 to i32
    %cond3A_216 = arith.constant 0 : i32
    %cond3A_217 = arith.cmpi ne, %convert_element_type3A_215, %cond3A_216 : i32
    scf.if %cond3A_217 {
      "tpu.region"() ({
        %run_scoped3A = tpu.sem_alloc : memref<!tpu.dma_semaphore, #tpu.memory_space<semaphore_mem>>
        %dma_start3A_218 = arith.constant 0 : i32
        %dma_start3A_219 = tpu.memref_slice %arg8[%arg0, %dma_start3A_218] : memref<2x10000xf32, #tpu.memory_space<hbm>> -> memref<1x10000xf32, #tpu.memory_space<hbm>>
        %dma_start3A_220 = tpu.memref_squeeze %dma_start3A_219 : memref<1x10000xf32, #tpu.memory_space<hbm>> -> memref<10000xf32, #tpu.memory_space<hbm>>
        tpu.enqueue_dma source(%arg26 : memref<10000xf32, #tpu.memory_space<vmem_shared>>) target(%dma_start3A_220 : memref<10000xf32, #tpu.memory_space<hbm>>) target_semaphore(%run_scoped3A : memref<!tpu.dma_semaphore, #tpu.memory_space<semaphore_mem>>)
        %dma_wait3A_221 = arith.constant 0 : i32
        %dma_wait3A_222 = tpu.memref_slice %arg8[%arg0, %dma_wait3A_221] : memref<2x10000xf32, #tpu.memory_space<hbm>> -> memref<1x10000xf32, #tpu.memory_space<hbm>>
        %dma_wait3A_223 = tpu.memref_squeeze %dma_wait3A_222 : memref<1x10000xf32, #tpu.memory_space<hbm>> -> memref<10000xf32, #tpu.memory_space<hbm>>
        tpu.wait_dma2 semaphore(%run_scoped3A : memref<!tpu.dma_semaphore, #tpu.memory_space<semaphore_mem>>) src(%arg26 : memref<10000xf32, #tpu.memory_space<vmem_shared>>) dst(%dma_wait3A_223 : memref<10000xf32, #tpu.memory_space<hbm>>)
        tpu.yield
      }) : () -> ()
    } else {
    }
    return
  }
}

#map = affine_map<(d0, d1) -> (0, 0)>
#map1 = affine_map<(d0, d1) -> (0)>
#map2 = affine_map<(d0, d1) -> (0, 0, 0)>
module attributes {stable_mosaic.version = 14 : i64} {
  func.func @body(%arg0: i32, %arg1: i32, %arg2: memref<10000x128xf32, #tpu.memory_space<hbm>>, %arg3: memref<320000xi32, #tpu.memory_space<hbm>>, %arg4: memref<320000xi32, #tpu.memory_space<hbm>>, %arg5: memref<640x128xf32, #tpu.memory_space<hbm>>, %arg6: memref<10000xf32, #tpu.memory_space<hbm>>, %arg7: memref<2x10000x128xf32, #tpu.memory_space<hbm>>, %arg8: memref<10000x128xf32, #tpu.memory_space<vmem_shared>>, %arg9: memref<80xi32, #tpu.memory_space<vmem>>, %arg10: memref<80xi32, #tpu.memory_space<vmem>>, %arg11: memref<80xi32, #tpu.memory_space<vmem>>, %arg12: memref<80xi32, #tpu.memory_space<vmem>>, %arg13: memref<80xi32, #tpu.memory_space<vmem>>, %arg14: memref<80xi32, #tpu.memory_space<vmem>>, %arg15: memref<80xi32, #tpu.memory_space<vmem>>, %arg16: memref<80xi32, #tpu.memory_space<vmem>>, %arg17: memref<80x128xf32, #tpu.memory_space<vmem>>, %arg18: memref<80x128xf32, #tpu.memory_space<vmem>>, %arg19: memref<80x128xf32, #tpu.memory_space<vmem>>, %arg20: memref<80x128xf32, #tpu.memory_space<vmem>>, %arg21: memref<!tpu.dma_semaphore, #tpu.memory_space<semaphore_mem>>, %arg22: memref<!tpu.dma_semaphore, #tpu.memory_space<semaphore_mem>>, %arg23: memref<!tpu.dma_semaphore, #tpu.memory_space<semaphore_mem>>, %arg24: memref<!tpu.dma_semaphore, #tpu.memory_space<semaphore_mem>>) attributes {dimension_semantics = [#tpu.dimension_semantics<core_parallel>, #tpu.dimension_semantics<subcore_parallel>], iteration_bounds = array<i64: 2, 16>, scalar_prefetch = 0 : i64, scratch_operands = 17 : i64, tpu.core_type = #tpu.core_type<sc_vector_subcore>, window_params = [{transform_indices = #map}, {transform_indices = #map1}, {transform_indices = #map1}, {transform_indices = #map}, {transform_indices = #map1}, {transform_indices = #map2}]} {
    %mul3A = arith.constant 16 : i32
    %mul3A_0 = arith.muli %arg0, %mul3A : i32
    %add3A = arith.addi %mul3A_0, %arg1 : i32
    %mul3A_1 = arith.constant 624 : i32
    %mul3A_2 = arith.muli %arg1, %mul3A_1 : i32
    %multiple_of3A = tpu.assume_multiple %mul3A_2, 8 : i32
    %lt3A = arith.constant 15 : i32
    %lt3A_3 = arith.cmpi slt, %arg1, %lt3A : i32
    %convert_element_type3A = arith.extui %lt3A_3 : i1 to i32
    %cond3A = arith.constant 0 : i32
    %cond3A_4 = arith.cmpi ne, %convert_element_type3A, %cond3A : i32
    scf.if %cond3A_4 {
      "tpu.region"() ({
        %run_scoped3A = tpu.sem_alloc : memref<!tpu.dma_semaphore, #tpu.memory_space<semaphore_mem>>
        %dma_start3A_160 = arith.constant 0 : i32
        %dma_start3A_161 = tpu.memref_slice %arg8[%multiple_of3A, %dma_start3A_160] : memref<10000x128xf32, #tpu.memory_space<vmem_shared>> -> memref<624x128xf32, #tpu.memory_space<vmem_shared>>
        %dma_start3A_162 = arith.constant 0 : i32
        %dma_start3A_163 = arith.constant 0 : i32
        %dma_start3A_164 = tpu.memref_slice %arg5[%dma_start3A_162, %dma_start3A_163] : memref<640x128xf32, #tpu.memory_space<hbm>> -> memref<624x128xf32, #tpu.memory_space<hbm>>
        tpu.enqueue_dma source(%dma_start3A_164 : memref<624x128xf32, #tpu.memory_space<hbm>>) target(%dma_start3A_161 : memref<624x128xf32, #tpu.memory_space<vmem_shared>>) target_semaphore(%run_scoped3A : memref<!tpu.dma_semaphore, #tpu.memory_space<semaphore_mem>>)
        %dma_wait3A_165 = arith.constant 0 : i32
        %dma_wait3A_166 = tpu.memref_slice %arg8[%multiple_of3A, %dma_wait3A_165] : memref<10000x128xf32, #tpu.memory_space<vmem_shared>> -> memref<624x128xf32, #tpu.memory_space<vmem_shared>>
        %dma_wait3A_167 = arith.constant 0 : i32
        %dma_wait3A_168 = arith.constant 0 : i32
        %dma_wait3A_169 = tpu.memref_slice %arg5[%dma_wait3A_167, %dma_wait3A_168] : memref<640x128xf32, #tpu.memory_space<hbm>> -> memref<624x128xf32, #tpu.memory_space<hbm>>
        tpu.wait_dma2 semaphore(%run_scoped3A : memref<!tpu.dma_semaphore, #tpu.memory_space<semaphore_mem>>) src(%dma_wait3A_169 : memref<624x128xf32, #tpu.memory_space<hbm>>) dst(%dma_wait3A_166 : memref<624x128xf32, #tpu.memory_space<vmem_shared>>)
        tpu.yield
      }) : () -> ()
    } else {
    }
    %eq3A = arith.constant 15 : i32
    %eq3A_5 = arith.cmpi eq, %arg1, %eq3A : i32
    %convert_element_type3A_6 = arith.extui %eq3A_5 : i1 to i32
    %cond3A_7 = arith.constant 0 : i32
    %cond3A_8 = arith.cmpi ne, %convert_element_type3A_6, %cond3A_7 : i32
    scf.if %cond3A_8 {
      "tpu.region"() ({
        %run_scoped3A = tpu.sem_alloc : memref<!tpu.dma_semaphore, #tpu.memory_space<semaphore_mem>>
        %dma_start3A_160 = arith.constant 9360 : i32
        %dma_start3A_161 = arith.constant 0 : i32
        %dma_start3A_162 = tpu.memref_slice %arg8[%dma_start3A_160, %dma_start3A_161] : memref<10000x128xf32, #tpu.memory_space<vmem_shared>> -> memref<640x128xf32, #tpu.memory_space<vmem_shared>>
        tpu.enqueue_dma source(%arg5 : memref<640x128xf32, #tpu.memory_space<hbm>>) target(%dma_start3A_162 : memref<640x128xf32, #tpu.memory_space<vmem_shared>>) target_semaphore(%run_scoped3A : memref<!tpu.dma_semaphore, #tpu.memory_space<semaphore_mem>>)
        %dma_wait3A_163 = arith.constant 9360 : i32
        %dma_wait3A_164 = arith.constant 0 : i32
        %dma_wait3A_165 = tpu.memref_slice %arg8[%dma_wait3A_163, %dma_wait3A_164] : memref<10000x128xf32, #tpu.memory_space<vmem_shared>> -> memref<640x128xf32, #tpu.memory_space<vmem_shared>>
        tpu.wait_dma2 semaphore(%run_scoped3A : memref<!tpu.dma_semaphore, #tpu.memory_space<semaphore_mem>>) src(%arg5 : memref<640x128xf32, #tpu.memory_space<hbm>>) dst(%dma_wait3A_165 : memref<640x128xf32, #tpu.memory_space<vmem_shared>>)
        tpu.yield
      }) : () -> ()
    } else {
    }
    %barrier3A = arith.constant 0 : index
    tpu.barrier barrier_id(%barrier3A)
    %mul3A_9 = arith.constant 10000 : i32
    %mul3A_10 = arith.muli %add3A, %mul3A_9 : i32
    %add3A_11 = arith.constant 0 : i32
    %add3A_12 = arith.addi %mul3A_10, %add3A_11 : i32
    %multiple_of3A_13 = tpu.assume_multiple %add3A_12, 8 : i32
    %dma_start3A = tpu.memref_slice %arg3[%multiple_of3A_13] : memref<320000xi32, #tpu.memory_space<hbm>> -> memref<80xi32, #tpu.memory_space<hbm>>
    %dma_start3A_14 = tpu.memref_slice %arg3[%multiple_of3A_13] : memref<320000xi32, #tpu.memory_space<hbm>> -> memref<80xi32, #tpu.memory_space<hbm>>
    tpu.enqueue_dma source(%dma_start3A_14 : memref<80xi32, #tpu.memory_space<hbm>>) target(%arg9 : memref<80xi32, #tpu.memory_space<vmem>>) target_semaphore(%arg22 : memref<!tpu.dma_semaphore, #tpu.memory_space<semaphore_mem>>)
    %dma_start3A_15 = tpu.memref_slice %arg4[%multiple_of3A_13] : memref<320000xi32, #tpu.memory_space<hbm>> -> memref<80xi32, #tpu.memory_space<hbm>>
    %dma_start3A_16 = tpu.memref_slice %arg4[%multiple_of3A_13] : memref<320000xi32, #tpu.memory_space<hbm>> -> memref<80xi32, #tpu.memory_space<hbm>>
    tpu.enqueue_dma source(%dma_start3A_16 : memref<80xi32, #tpu.memory_space<hbm>>) target(%arg13 : memref<80xi32, #tpu.memory_space<vmem>>) target_semaphore(%arg22 : memref<!tpu.dma_semaphore, #tpu.memory_space<semaphore_mem>>)
    %dma_wait3A = arith.constant 0 : i32
    %dma_wait3A_17 = tpu.memref_slice %arg3[%dma_wait3A] : memref<320000xi32, #tpu.memory_space<hbm>> -> memref<80xi32, #tpu.memory_space<hbm>>
    %dma_wait3A_18 = arith.constant 0 : i32
    %dma_wait3A_19 = tpu.memref_slice %arg3[%dma_wait3A_18] : memref<320000xi32, #tpu.memory_space<hbm>> -> memref<80xi32, #tpu.memory_space<hbm>>
    tpu.wait_dma2 semaphore(%arg22 : memref<!tpu.dma_semaphore, #tpu.memory_space<semaphore_mem>>) src(%dma_wait3A_19 : memref<80xi32, #tpu.memory_space<hbm>>) dst(%arg9 : memref<80xi32, #tpu.memory_space<vmem>>)
    %dma_wait3A_20 = arith.constant 0 : i32
    %dma_wait3A_21 = tpu.memref_slice %arg4[%dma_wait3A_20] : memref<320000xi32, #tpu.memory_space<hbm>> -> memref<80xi32, #tpu.memory_space<hbm>>
    %dma_wait3A_22 = arith.constant 0 : i32
    %dma_wait3A_23 = tpu.memref_slice %arg4[%dma_wait3A_22] : memref<320000xi32, #tpu.memory_space<hbm>> -> memref<80xi32, #tpu.memory_space<hbm>>
    tpu.wait_dma2 semaphore(%arg22 : memref<!tpu.dma_semaphore, #tpu.memory_space<semaphore_mem>>) src(%dma_wait3A_23 : memref<80xi32, #tpu.memory_space<hbm>>) dst(%arg13 : memref<80xi32, #tpu.memory_space<vmem>>)
    %dma_start3A_24 = arith.constant 0 : i32
    %dma_start3A_25 = arith.constant 0 : i32
    %dma_start3A_26 = tpu.memref_slice %arg2[%dma_start3A_24, %dma_start3A_25] : memref<10000x128xf32, #tpu.memory_space<hbm>> -> memref<10000x128xf32, #tpu.memory_space<hbm>>
    tpu.enqueue_indirect_dma source(%dma_start3A_26 : memref<10000x128xf32, #tpu.memory_space<hbm>>) target(%arg17 : memref<80x128xf32, #tpu.memory_space<vmem>>) offsets(%arg9 : memref<80xi32, #tpu.memory_space<vmem>>) semaphore(%arg21 : memref<!tpu.dma_semaphore, #tpu.memory_space<semaphore_mem>>)
    %add3A_27 = arith.constant 80 : i32
    %add3A_28 = arith.addi %mul3A_10, %add3A_27 : i32
    %multiple_of3A_29 = tpu.assume_multiple %add3A_28, 8 : i32
    %dma_start3A_30 = tpu.memref_slice %arg3[%multiple_of3A_29] : memref<320000xi32, #tpu.memory_space<hbm>> -> memref<80xi32, #tpu.memory_space<hbm>>
    %dma_start3A_31 = tpu.memref_slice %arg3[%multiple_of3A_29] : memref<320000xi32, #tpu.memory_space<hbm>> -> memref<80xi32, #tpu.memory_space<hbm>>
    tpu.enqueue_dma source(%dma_start3A_31 : memref<80xi32, #tpu.memory_space<hbm>>) target(%arg10 : memref<80xi32, #tpu.memory_space<vmem>>) target_semaphore(%arg22 : memref<!tpu.dma_semaphore, #tpu.memory_space<semaphore_mem>>)
    %dma_start3A_32 = tpu.memref_slice %arg4[%multiple_of3A_29] : memref<320000xi32, #tpu.memory_space<hbm>> -> memref<80xi32, #tpu.memory_space<hbm>>
    %dma_start3A_33 = tpu.memref_slice %arg4[%multiple_of3A_29] : memref<320000xi32, #tpu.memory_space<hbm>> -> memref<80xi32, #tpu.memory_space<hbm>>
    tpu.enqueue_dma source(%dma_start3A_33 : memref<80xi32, #tpu.memory_space<hbm>>) target(%arg14 : memref<80xi32, #tpu.memory_space<vmem>>) target_semaphore(%arg22 : memref<!tpu.dma_semaphore, #tpu.memory_space<semaphore_mem>>)
    %dma_wait3A_34 = arith.constant 0 : i32
    %dma_wait3A_35 = tpu.memref_slice %arg3[%dma_wait3A_34] : memref<320000xi32, #tpu.memory_space<hbm>> -> memref<80xi32, #tpu.memory_space<hbm>>
    %dma_wait3A_36 = arith.constant 0 : i32
    %dma_wait3A_37 = tpu.memref_slice %arg3[%dma_wait3A_36] : memref<320000xi32, #tpu.memory_space<hbm>> -> memref<80xi32, #tpu.memory_space<hbm>>
    tpu.wait_dma2 semaphore(%arg22 : memref<!tpu.dma_semaphore, #tpu.memory_space<semaphore_mem>>) src(%dma_wait3A_37 : memref<80xi32, #tpu.memory_space<hbm>>) dst(%arg9 : memref<80xi32, #tpu.memory_space<vmem>>)
    %dma_wait3A_38 = arith.constant 0 : i32
    %dma_wait3A_39 = tpu.memref_slice %arg4[%dma_wait3A_38] : memref<320000xi32, #tpu.memory_space<hbm>> -> memref<80xi32, #tpu.memory_space<hbm>>
    %dma_wait3A_40 = arith.constant 0 : i32
    %dma_wait3A_41 = tpu.memref_slice %arg4[%dma_wait3A_40] : memref<320000xi32, #tpu.memory_space<hbm>> -> memref<80xi32, #tpu.memory_space<hbm>>
    tpu.wait_dma2 semaphore(%arg22 : memref<!tpu.dma_semaphore, #tpu.memory_space<semaphore_mem>>) src(%dma_wait3A_41 : memref<80xi32, #tpu.memory_space<hbm>>) dst(%arg13 : memref<80xi32, #tpu.memory_space<vmem>>)
    %dma_start3A_42 = arith.constant 0 : i32
    %dma_start3A_43 = arith.constant 0 : i32
    %dma_start3A_44 = tpu.memref_slice %arg2[%dma_start3A_42, %dma_start3A_43] : memref<10000x128xf32, #tpu.memory_space<hbm>> -> memref<10000x128xf32, #tpu.memory_space<hbm>>
    tpu.enqueue_indirect_dma source(%dma_start3A_44 : memref<10000x128xf32, #tpu.memory_space<hbm>>) target(%arg18 : memref<80x128xf32, #tpu.memory_space<vmem>>) offsets(%arg10 : memref<80xi32, #tpu.memory_space<vmem>>) semaphore(%arg21 : memref<!tpu.dma_semaphore, #tpu.memory_space<semaphore_mem>>)
    %add3A_45 = arith.constant 160 : i32
    %add3A_46 = arith.addi %mul3A_10, %add3A_45 : i32
    %multiple_of3A_47 = tpu.assume_multiple %add3A_46, 8 : i32
    %dma_start3A_48 = tpu.memref_slice %arg3[%multiple_of3A_47] : memref<320000xi32, #tpu.memory_space<hbm>> -> memref<80xi32, #tpu.memory_space<hbm>>
    %dma_start3A_49 = tpu.memref_slice %arg3[%multiple_of3A_47] : memref<320000xi32, #tpu.memory_space<hbm>> -> memref<80xi32, #tpu.memory_space<hbm>>
    tpu.enqueue_dma source(%dma_start3A_49 : memref<80xi32, #tpu.memory_space<hbm>>) target(%arg11 : memref<80xi32, #tpu.memory_space<vmem>>) target_semaphore(%arg22 : memref<!tpu.dma_semaphore, #tpu.memory_space<semaphore_mem>>)
    %dma_start3A_50 = tpu.memref_slice %arg4[%multiple_of3A_47] : memref<320000xi32, #tpu.memory_space<hbm>> -> memref<80xi32, #tpu.memory_space<hbm>>
    %dma_start3A_51 = tpu.memref_slice %arg4[%multiple_of3A_47] : memref<320000xi32, #tpu.memory_space<hbm>> -> memref<80xi32, #tpu.memory_space<hbm>>
    tpu.enqueue_dma source(%dma_start3A_51 : memref<80xi32, #tpu.memory_space<hbm>>) target(%arg15 : memref<80xi32, #tpu.memory_space<vmem>>) target_semaphore(%arg22 : memref<!tpu.dma_semaphore, #tpu.memory_space<semaphore_mem>>)
    %dma_wait3A_52 = arith.constant 0 : i32
    %dma_wait3A_53 = arith.constant 0 : i32
    %dma_wait3A_54 = tpu.memref_slice %arg2[%dma_wait3A_52, %dma_wait3A_53] : memref<10000x128xf32, #tpu.memory_space<hbm>> -> memref<10000x128xf32, #tpu.memory_space<hbm>>
    tpu.wait_indirect_dma semaphore(%arg21 : memref<!tpu.dma_semaphore, #tpu.memory_space<semaphore_mem>>) src(%dma_wait3A_54 : memref<10000x128xf32, #tpu.memory_space<hbm>>) dst(%arg17 : memref<80x128xf32, #tpu.memory_space<vmem>>)
    %dma_wait3A_55 = arith.constant 0 : i32
    %dma_wait3A_56 = tpu.memref_slice %arg3[%dma_wait3A_55] : memref<320000xi32, #tpu.memory_space<hbm>> -> memref<80xi32, #tpu.memory_space<hbm>>
    %dma_wait3A_57 = arith.constant 0 : i32
    %dma_wait3A_58 = tpu.memref_slice %arg3[%dma_wait3A_57] : memref<320000xi32, #tpu.memory_space<hbm>> -> memref<80xi32, #tpu.memory_space<hbm>>
    tpu.wait_dma2 semaphore(%arg22 : memref<!tpu.dma_semaphore, #tpu.memory_space<semaphore_mem>>) src(%dma_wait3A_58 : memref<80xi32, #tpu.memory_space<hbm>>) dst(%arg9 : memref<80xi32, #tpu.memory_space<vmem>>)
    %dma_wait3A_59 = arith.constant 0 : i32
    %dma_wait3A_60 = tpu.memref_slice %arg4[%dma_wait3A_59] : memref<320000xi32, #tpu.memory_space<hbm>> -> memref<80xi32, #tpu.memory_space<hbm>>
    %dma_wait3A_61 = arith.constant 0 : i32
    %dma_wait3A_62 = tpu.memref_slice %arg4[%dma_wait3A_61] : memref<320000xi32, #tpu.memory_space<hbm>> -> memref<80xi32, #tpu.memory_space<hbm>>
    tpu.wait_dma2 semaphore(%arg22 : memref<!tpu.dma_semaphore, #tpu.memory_space<semaphore_mem>>) src(%dma_wait3A_62 : memref<80xi32, #tpu.memory_space<hbm>>) dst(%arg13 : memref<80xi32, #tpu.memory_space<vmem>>)
    %dma_start3A_63 = arith.constant 0 : i32
    %dma_start3A_64 = arith.constant 0 : i32
    %dma_start3A_65 = tpu.memref_slice %arg2[%dma_start3A_63, %dma_start3A_64] : memref<10000x128xf32, #tpu.memory_space<hbm>> -> memref<10000x128xf32, #tpu.memory_space<hbm>>
    tpu.enqueue_indirect_dma source(%dma_start3A_65 : memref<10000x128xf32, #tpu.memory_space<hbm>>) target(%arg19 : memref<80x128xf32, #tpu.memory_space<vmem>>) offsets(%arg11 : memref<80xi32, #tpu.memory_space<vmem>>) semaphore(%arg21 : memref<!tpu.dma_semaphore, #tpu.memory_space<semaphore_mem>>)
    %dma_start3A_66 = arith.constant 0 : i32
    %dma_start3A_67 = arith.constant 0 : i32
    %dma_start3A_68 = tpu.memref_slice %arg8[%dma_start3A_66, %dma_start3A_67] : memref<10000x128xf32, #tpu.memory_space<vmem_shared>> -> memref<10000x128xf32, #tpu.memory_space<vmem_shared>>
    tpu.enqueue_indirect_dma source(%arg17 : memref<80x128xf32, #tpu.memory_space<vmem>>) target(%dma_start3A_68 : memref<10000x128xf32, #tpu.memory_space<vmem_shared>>) offsets(%arg13 : memref<80xi32, #tpu.memory_space<vmem>>) semaphore(%arg23 : memref<!tpu.dma_semaphore, #tpu.memory_space<semaphore_mem>>) {add = true}
    %add3A_69 = arith.constant 240 : i32
    %add3A_70 = arith.addi %mul3A_10, %add3A_69 : i32
    %multiple_of3A_71 = tpu.assume_multiple %add3A_70, 8 : i32
    %dma_start3A_72 = tpu.memref_slice %arg3[%multiple_of3A_71] : memref<320000xi32, #tpu.memory_space<hbm>> -> memref<80xi32, #tpu.memory_space<hbm>>
    %dma_start3A_73 = tpu.memref_slice %arg3[%multiple_of3A_71] : memref<320000xi32, #tpu.memory_space<hbm>> -> memref<80xi32, #tpu.memory_space<hbm>>
    tpu.enqueue_dma source(%dma_start3A_73 : memref<80xi32, #tpu.memory_space<hbm>>) target(%arg12 : memref<80xi32, #tpu.memory_space<vmem>>) target_semaphore(%arg22 : memref<!tpu.dma_semaphore, #tpu.memory_space<semaphore_mem>>)
    %dma_start3A_74 = tpu.memref_slice %arg4[%multiple_of3A_71] : memref<320000xi32, #tpu.memory_space<hbm>> -> memref<80xi32, #tpu.memory_space<hbm>>
    %dma_start3A_75 = tpu.memref_slice %arg4[%multiple_of3A_71] : memref<320000xi32, #tpu.memory_space<hbm>> -> memref<80xi32, #tpu.memory_space<hbm>>
    tpu.enqueue_dma source(%dma_start3A_75 : memref<80xi32, #tpu.memory_space<hbm>>) target(%arg16 : memref<80xi32, #tpu.memory_space<vmem>>) target_semaphore(%arg22 : memref<!tpu.dma_semaphore, #tpu.memory_space<semaphore_mem>>)
    %scan3A = arith.constant 0 : i32
    %scan3A_76 = arith.constant 0 : i32
    %scan3A_77 = arith.constant 30 : i32
    %scan3A_78 = arith.addi %scan3A_76, %scan3A_77 : i32
    %scan3A_79 = arith.constant 1 : i32
    scf.for %scan3A_160 = %scan3A_76 to %scan3A_78 step %scan3A_79  : i32 {
      %mul3A_161 = arith.constant 4 : i32
      %mul3A_162 = arith.muli %scan3A_160, %mul3A_161 : i32
      %add3A_163 = arith.constant 1 : i32
      %add3A_164 = arith.addi %add3A_163, %mul3A_162 : i32
      %dma_wait3A_165 = arith.constant 0 : i32
      %dma_wait3A_166 = arith.constant 0 : i32
      %dma_wait3A_167 = tpu.memref_slice %arg2[%dma_wait3A_165, %dma_wait3A_166] : memref<10000x128xf32, #tpu.memory_space<hbm>> -> memref<10000x128xf32, #tpu.memory_space<hbm>>
      tpu.wait_indirect_dma semaphore(%arg21 : memref<!tpu.dma_semaphore, #tpu.memory_space<semaphore_mem>>) src(%dma_wait3A_167 : memref<10000x128xf32, #tpu.memory_space<hbm>>) dst(%arg18 : memref<80x128xf32, #tpu.memory_space<vmem>>)
      %dma_wait3A_168 = arith.constant 0 : i32
      %dma_wait3A_169 = tpu.memref_slice %arg3[%dma_wait3A_168] : memref<320000xi32, #tpu.memory_space<hbm>> -> memref<80xi32, #tpu.memory_space<hbm>>
      %dma_wait3A_170 = arith.constant 0 : i32
      %dma_wait3A_171 = tpu.memref_slice %arg3[%dma_wait3A_170] : memref<320000xi32, #tpu.memory_space<hbm>> -> memref<80xi32, #tpu.memory_space<hbm>>
      tpu.wait_dma2 semaphore(%arg22 : memref<!tpu.dma_semaphore, #tpu.memory_space<semaphore_mem>>) src(%dma_wait3A_171 : memref<80xi32, #tpu.memory_space<hbm>>) dst(%arg9 : memref<80xi32, #tpu.memory_space<vmem>>)
      %dma_wait3A_172 = arith.constant 0 : i32
      %dma_wait3A_173 = tpu.memref_slice %arg4[%dma_wait3A_172] : memref<320000xi32, #tpu.memory_space<hbm>> -> memref<80xi32, #tpu.memory_space<hbm>>
      %dma_wait3A_174 = arith.constant 0 : i32
      %dma_wait3A_175 = tpu.memref_slice %arg4[%dma_wait3A_174] : memref<320000xi32, #tpu.memory_space<hbm>> -> memref<80xi32, #tpu.memory_space<hbm>>
      tpu.wait_dma2 semaphore(%arg22 : memref<!tpu.dma_semaphore, #tpu.memory_space<semaphore_mem>>) src(%dma_wait3A_175 : memref<80xi32, #tpu.memory_space<hbm>>) dst(%arg13 : memref<80xi32, #tpu.memory_space<vmem>>)
      %dma_wait3A_176 = arith.constant 0 : i32
      %dma_wait3A_177 = arith.constant 0 : i32
      %dma_wait3A_178 = tpu.memref_slice %arg8[%dma_wait3A_176, %dma_wait3A_177] : memref<10000x128xf32, #tpu.memory_space<vmem_shared>> -> memref<10000x128xf32, #tpu.memory_space<vmem_shared>>
      tpu.wait_indirect_dma semaphore(%arg23 : memref<!tpu.dma_semaphore, #tpu.memory_space<semaphore_mem>>) src(%arg17 : memref<80x128xf32, #tpu.memory_space<vmem>>) dst(%dma_wait3A_178 : memref<10000x128xf32, #tpu.memory_space<vmem_shared>>)
      %dma_start3A_179 = arith.constant 0 : i32
      %dma_start3A_180 = arith.constant 0 : i32
      %dma_start3A_181 = tpu.memref_slice %arg2[%dma_start3A_179, %dma_start3A_180] : memref<10000x128xf32, #tpu.memory_space<hbm>> -> memref<10000x128xf32, #tpu.memory_space<hbm>>
      tpu.enqueue_indirect_dma source(%dma_start3A_181 : memref<10000x128xf32, #tpu.memory_space<hbm>>) target(%arg20 : memref<80x128xf32, #tpu.memory_space<vmem>>) offsets(%arg12 : memref<80xi32, #tpu.memory_space<vmem>>) semaphore(%arg21 : memref<!tpu.dma_semaphore, #tpu.memory_space<semaphore_mem>>)
      %dma_start3A_182 = arith.constant 0 : i32
      %dma_start3A_183 = arith.constant 0 : i32
      %dma_start3A_184 = tpu.memref_slice %arg8[%dma_start3A_182, %dma_start3A_183] : memref<10000x128xf32, #tpu.memory_space<vmem_shared>> -> memref<10000x128xf32, #tpu.memory_space<vmem_shared>>
      tpu.enqueue_indirect_dma source(%arg18 : memref<80x128xf32, #tpu.memory_space<vmem>>) target(%dma_start3A_184 : memref<10000x128xf32, #tpu.memory_space<vmem_shared>>) offsets(%arg14 : memref<80xi32, #tpu.memory_space<vmem>>) semaphore(%arg23 : memref<!tpu.dma_semaphore, #tpu.memory_space<semaphore_mem>>) {add = true}
      %add3A_185 = arith.constant 3 : i32
      %add3A_186 = arith.addi %add3A_164, %add3A_185 : i32
      %mul3A_187 = arith.constant 80 : i32
      %mul3A_188 = arith.muli %add3A_186, %mul3A_187 : i32
      %add3A_189 = arith.addi %mul3A_10, %mul3A_188 : i32
      %multiple_of3A_190 = tpu.assume_multiple %add3A_189, 8 : i32
      %dma_start3A_191 = tpu.memref_slice %arg3[%multiple_of3A_190] : memref<320000xi32, #tpu.memory_space<hbm>> -> memref<80xi32, #tpu.memory_space<hbm>>
      %dma_start3A_192 = tpu.memref_slice %arg3[%multiple_of3A_190] : memref<320000xi32, #tpu.memory_space<hbm>> -> memref<80xi32, #tpu.memory_space<hbm>>
      tpu.enqueue_dma source(%dma_start3A_192 : memref<80xi32, #tpu.memory_space<hbm>>) target(%arg9 : memref<80xi32, #tpu.memory_space<vmem>>) target_semaphore(%arg22 : memref<!tpu.dma_semaphore, #tpu.memory_space<semaphore_mem>>)
      %dma_start3A_193 = tpu.memref_slice %arg4[%multiple_of3A_190] : memref<320000xi32, #tpu.memory_space<hbm>> -> memref<80xi32, #tpu.memory_space<hbm>>
      %dma_start3A_194 = tpu.memref_slice %arg4[%multiple_of3A_190] : memref<320000xi32, #tpu.memory_space<hbm>> -> memref<80xi32, #tpu.memory_space<hbm>>
      tpu.enqueue_dma source(%dma_start3A_194 : memref<80xi32, #tpu.memory_space<hbm>>) target(%arg13 : memref<80xi32, #tpu.memory_space<vmem>>) target_semaphore(%arg22 : memref<!tpu.dma_semaphore, #tpu.memory_space<semaphore_mem>>)
      %add3A_195 = arith.constant 1 : i32
      %add3A_196 = arith.addi %add3A_164, %add3A_195 : i32
      %dma_wait3A_197 = arith.constant 0 : i32
      %dma_wait3A_198 = arith.constant 0 : i32
      %dma_wait3A_199 = tpu.memref_slice %arg2[%dma_wait3A_197, %dma_wait3A_198] : memref<10000x128xf32, #tpu.memory_space<hbm>> -> memref<10000x128xf32, #tpu.memory_space<hbm>>
      tpu.wait_indirect_dma semaphore(%arg21 : memref<!tpu.dma_semaphore, #tpu.memory_space<semaphore_mem>>) src(%dma_wait3A_199 : memref<10000x128xf32, #tpu.memory_space<hbm>>) dst(%arg19 : memref<80x128xf32, #tpu.memory_space<vmem>>)
      %dma_wait3A_200 = arith.constant 0 : i32
      %dma_wait3A_201 = tpu.memref_slice %arg3[%dma_wait3A_200] : memref<320000xi32, #tpu.memory_space<hbm>> -> memref<80xi32, #tpu.memory_space<hbm>>
      %dma_wait3A_202 = arith.constant 0 : i32
      %dma_wait3A_203 = tpu.memref_slice %arg3[%dma_wait3A_202] : memref<320000xi32, #tpu.memory_space<hbm>> -> memref<80xi32, #tpu.memory_space<hbm>>
      tpu.wait_dma2 semaphore(%arg22 : memref<!tpu.dma_semaphore, #tpu.memory_space<semaphore_mem>>) src(%dma_wait3A_203 : memref<80xi32, #tpu.memory_space<hbm>>) dst(%arg9 : memref<80xi32, #tpu.memory_space<vmem>>)
      %dma_wait3A_204 = arith.constant 0 : i32
      %dma_wait3A_205 = tpu.memref_slice %arg4[%dma_wait3A_204] : memref<320000xi32, #tpu.memory_space<hbm>> -> memref<80xi32, #tpu.memory_space<hbm>>
      %dma_wait3A_206 = arith.constant 0 : i32
      %dma_wait3A_207 = tpu.memref_slice %arg4[%dma_wait3A_206] : memref<320000xi32, #tpu.memory_space<hbm>> -> memref<80xi32, #tpu.memory_space<hbm>>
      tpu.wait_dma2 semaphore(%arg22 : memref<!tpu.dma_semaphore, #tpu.memory_space<semaphore_mem>>) src(%dma_wait3A_207 : memref<80xi32, #tpu.memory_space<hbm>>) dst(%arg13 : memref<80xi32, #tpu.memory_space<vmem>>)
      %dma_wait3A_208 = arith.constant 0 : i32
      %dma_wait3A_209 = arith.constant 0 : i32
      %dma_wait3A_210 = tpu.memref_slice %arg8[%dma_wait3A_208, %dma_wait3A_209] : memref<10000x128xf32, #tpu.memory_space<vmem_shared>> -> memref<10000x128xf32, #tpu.memory_space<vmem_shared>>
      tpu.wait_indirect_dma semaphore(%arg23 : memref<!tpu.dma_semaphore, #tpu.memory_space<semaphore_mem>>) src(%arg18 : memref<80x128xf32, #tpu.memory_space<vmem>>) dst(%dma_wait3A_210 : memref<10000x128xf32, #tpu.memory_space<vmem_shared>>)
      %dma_start3A_211 = arith.constant 0 : i32
      %dma_start3A_212 = arith.constant 0 : i32
      %dma_start3A_213 = tpu.memref_slice %arg2[%dma_start3A_211, %dma_start3A_212] : memref<10000x128xf32, #tpu.memory_space<hbm>> -> memref<10000x128xf32, #tpu.memory_space<hbm>>
      tpu.enqueue_indirect_dma source(%dma_start3A_213 : memref<10000x128xf32, #tpu.memory_space<hbm>>) target(%arg17 : memref<80x128xf32, #tpu.memory_space<vmem>>) offsets(%arg9 : memref<80xi32, #tpu.memory_space<vmem>>) semaphore(%arg21 : memref<!tpu.dma_semaphore, #tpu.memory_space<semaphore_mem>>)
      %dma_start3A_214 = arith.constant 0 : i32
      %dma_start3A_215 = arith.constant 0 : i32
      %dma_start3A_216 = tpu.memref_slice %arg8[%dma_start3A_214, %dma_start3A_215] : memref<10000x128xf32, #tpu.memory_space<vmem_shared>> -> memref<10000x128xf32, #tpu.memory_space<vmem_shared>>
      tpu.enqueue_indirect_dma source(%arg19 : memref<80x128xf32, #tpu.memory_space<vmem>>) target(%dma_start3A_216 : memref<10000x128xf32, #tpu.memory_space<vmem_shared>>) offsets(%arg15 : memref<80xi32, #tpu.memory_space<vmem>>) semaphore(%arg23 : memref<!tpu.dma_semaphore, #tpu.memory_space<semaphore_mem>>) {add = true}
      %add3A_217 = arith.constant 3 : i32
      %add3A_218 = arith.addi %add3A_196, %add3A_217 : i32
      %mul3A_219 = arith.constant 80 : i32
      %mul3A_220 = arith.muli %add3A_218, %mul3A_219 : i32
      %add3A_221 = arith.addi %mul3A_10, %mul3A_220 : i32
      %multiple_of3A_222 = tpu.assume_multiple %add3A_221, 8 : i32
      %dma_start3A_223 = tpu.memref_slice %arg3[%multiple_of3A_222] : memref<320000xi32, #tpu.memory_space<hbm>> -> memref<80xi32, #tpu.memory_space<hbm>>
      %dma_start3A_224 = tpu.memref_slice %arg3[%multiple_of3A_222] : memref<320000xi32, #tpu.memory_space<hbm>> -> memref<80xi32, #tpu.memory_space<hbm>>
      tpu.enqueue_dma source(%dma_start3A_224 : memref<80xi32, #tpu.memory_space<hbm>>) target(%arg10 : memref<80xi32, #tpu.memory_space<vmem>>) target_semaphore(%arg22 : memref<!tpu.dma_semaphore, #tpu.memory_space<semaphore_mem>>)
      %dma_start3A_225 = tpu.memref_slice %arg4[%multiple_of3A_222] : memref<320000xi32, #tpu.memory_space<hbm>> -> memref<80xi32, #tpu.memory_space<hbm>>
      %dma_start3A_226 = tpu.memref_slice %arg4[%multiple_of3A_222] : memref<320000xi32, #tpu.memory_space<hbm>> -> memref<80xi32, #tpu.memory_space<hbm>>
      tpu.enqueue_dma source(%dma_start3A_226 : memref<80xi32, #tpu.memory_space<hbm>>) target(%arg14 : memref<80xi32, #tpu.memory_space<vmem>>) target_semaphore(%arg22 : memref<!tpu.dma_semaphore, #tpu.memory_space<semaphore_mem>>)
      %add3A_227 = arith.constant 2 : i32
      %add3A_228 = arith.addi %add3A_164, %add3A_227 : i32
      %dma_wait3A_229 = arith.constant 0 : i32
      %dma_wait3A_230 = arith.constant 0 : i32
      %dma_wait3A_231 = tpu.memref_slice %arg2[%dma_wait3A_229, %dma_wait3A_230] : memref<10000x128xf32, #tpu.memory_space<hbm>> -> memref<10000x128xf32, #tpu.memory_space<hbm>>
      tpu.wait_indirect_dma semaphore(%arg21 : memref<!tpu.dma_semaphore, #tpu.memory_space<semaphore_mem>>) src(%dma_wait3A_231 : memref<10000x128xf32, #tpu.memory_space<hbm>>) dst(%arg20 : memref<80x128xf32, #tpu.memory_space<vmem>>)
      %dma_wait3A_232 = arith.constant 0 : i32
      %dma_wait3A_233 = tpu.memref_slice %arg3[%dma_wait3A_232] : memref<320000xi32, #tpu.memory_space<hbm>> -> memref<80xi32, #tpu.memory_space<hbm>>
      %dma_wait3A_234 = arith.constant 0 : i32
      %dma_wait3A_235 = tpu.memref_slice %arg3[%dma_wait3A_234] : memref<320000xi32, #tpu.memory_space<hbm>> -> memref<80xi32, #tpu.memory_space<hbm>>
      tpu.wait_dma2 semaphore(%arg22 : memref<!tpu.dma_semaphore, #tpu.memory_space<semaphore_mem>>) src(%dma_wait3A_235 : memref<80xi32, #tpu.memory_space<hbm>>) dst(%arg9 : memref<80xi32, #tpu.memory_space<vmem>>)
      %dma_wait3A_236 = arith.constant 0 : i32
      %dma_wait3A_237 = tpu.memref_slice %arg4[%dma_wait3A_236] : memref<320000xi32, #tpu.memory_space<hbm>> -> memref<80xi32, #tpu.memory_space<hbm>>
      %dma_wait3A_238 = arith.constant 0 : i32
      %dma_wait3A_239 = tpu.memref_slice %arg4[%dma_wait3A_238] : memref<320000xi32, #tpu.memory_space<hbm>> -> memref<80xi32, #tpu.memory_space<hbm>>
      tpu.wait_dma2 semaphore(%arg22 : memref<!tpu.dma_semaphore, #tpu.memory_space<semaphore_mem>>) src(%dma_wait3A_239 : memref<80xi32, #tpu.memory_space<hbm>>) dst(%arg13 : memref<80xi32, #tpu.memory_space<vmem>>)
      %dma_wait3A_240 = arith.constant 0 : i32
      %dma_wait3A_241 = arith.constant 0 : i32
      %dma_wait3A_242 = tpu.memref_slice %arg8[%dma_wait3A_240, %dma_wait3A_241] : memref<10000x128xf32, #tpu.memory_space<vmem_shared>> -> memref<10000x128xf32, #tpu.memory_space<vmem_shared>>
      tpu.wait_indirect_dma semaphore(%arg23 : memref<!tpu.dma_semaphore, #tpu.memory_space<semaphore_mem>>) src(%arg19 : memref<80x128xf32, #tpu.memory_space<vmem>>) dst(%dma_wait3A_242 : memref<10000x128xf32, #tpu.memory_space<vmem_shared>>)
      %dma_start3A_243 = arith.constant 0 : i32
      %dma_start3A_244 = arith.constant 0 : i32
      %dma_start3A_245 = tpu.memref_slice %arg2[%dma_start3A_243, %dma_start3A_244] : memref<10000x128xf32, #tpu.memory_space<hbm>> -> memref<10000x128xf32, #tpu.memory_space<hbm>>
      tpu.enqueue_indirect_dma source(%dma_start3A_245 : memref<10000x128xf32, #tpu.memory_space<hbm>>) target(%arg18 : memref<80x128xf32, #tpu.memory_space<vmem>>) offsets(%arg10 : memref<80xi32, #tpu.memory_space<vmem>>) semaphore(%arg21 : memref<!tpu.dma_semaphore, #tpu.memory_space<semaphore_mem>>)
      %dma_start3A_246 = arith.constant 0 : i32
      %dma_start3A_247 = arith.constant 0 : i32
      %dma_start3A_248 = tpu.memref_slice %arg8[%dma_start3A_246, %dma_start3A_247] : memref<10000x128xf32, #tpu.memory_space<vmem_shared>> -> memref<10000x128xf32, #tpu.memory_space<vmem_shared>>
      tpu.enqueue_indirect_dma source(%arg20 : memref<80x128xf32, #tpu.memory_space<vmem>>) target(%dma_start3A_248 : memref<10000x128xf32, #tpu.memory_space<vmem_shared>>) offsets(%arg16 : memref<80xi32, #tpu.memory_space<vmem>>) semaphore(%arg23 : memref<!tpu.dma_semaphore, #tpu.memory_space<semaphore_mem>>) {add = true}
      %add3A_249 = arith.constant 3 : i32
      %add3A_250 = arith.addi %add3A_228, %add3A_249 : i32
      %mul3A_251 = arith.constant 80 : i32
      %mul3A_252 = arith.muli %add3A_250, %mul3A_251 : i32
      %add3A_253 = arith.addi %mul3A_10, %mul3A_252 : i32
      %multiple_of3A_254 = tpu.assume_multiple %add3A_253, 8 : i32
      %dma_start3A_255 = tpu.memref_slice %arg3[%multiple_of3A_254] : memref<320000xi32, #tpu.memory_space<hbm>> -> memref<80xi32, #tpu.memory_space<hbm>>
      %dma_start3A_256 = tpu.memref_slice %arg3[%multiple_of3A_254] : memref<320000xi32, #tpu.memory_space<hbm>> -> memref<80xi32, #tpu.memory_space<hbm>>
      tpu.enqueue_dma source(%dma_start3A_256 : memref<80xi32, #tpu.memory_space<hbm>>) target(%arg11 : memref<80xi32, #tpu.memory_space<vmem>>) target_semaphore(%arg22 : memref<!tpu.dma_semaphore, #tpu.memory_space<semaphore_mem>>)
      %dma_start3A_257 = tpu.memref_slice %arg4[%multiple_of3A_254] : memref<320000xi32, #tpu.memory_space<hbm>> -> memref<80xi32, #tpu.memory_space<hbm>>
      %dma_start3A_258 = tpu.memref_slice %arg4[%multiple_of3A_254] : memref<320000xi32, #tpu.memory_space<hbm>> -> memref<80xi32, #tpu.memory_space<hbm>>
      tpu.enqueue_dma source(%dma_start3A_258 : memref<80xi32, #tpu.memory_space<hbm>>) target(%arg15 : memref<80xi32, #tpu.memory_space<vmem>>) target_semaphore(%arg22 : memref<!tpu.dma_semaphore, #tpu.memory_space<semaphore_mem>>)
      %add3A_259 = arith.constant 3 : i32
      %add3A_260 = arith.addi %add3A_164, %add3A_259 : i32
      %dma_wait3A_261 = arith.constant 0 : i32
      %dma_wait3A_262 = arith.constant 0 : i32
      %dma_wait3A_263 = tpu.memref_slice %arg2[%dma_wait3A_261, %dma_wait3A_262] : memref<10000x128xf32, #tpu.memory_space<hbm>> -> memref<10000x128xf32, #tpu.memory_space<hbm>>
      tpu.wait_indirect_dma semaphore(%arg21 : memref<!tpu.dma_semaphore, #tpu.memory_space<semaphore_mem>>) src(%dma_wait3A_263 : memref<10000x128xf32, #tpu.memory_space<hbm>>) dst(%arg17 : memref<80x128xf32, #tpu.memory_space<vmem>>)
      %dma_wait3A_264 = arith.constant 0 : i32
      %dma_wait3A_265 = tpu.memref_slice %arg3[%dma_wait3A_264] : memref<320000xi32, #tpu.memory_space<hbm>> -> memref<80xi32, #tpu.memory_space<hbm>>
      %dma_wait3A_266 = arith.constant 0 : i32
      %dma_wait3A_267 = tpu.memref_slice %arg3[%dma_wait3A_266] : memref<320000xi32, #tpu.memory_space<hbm>> -> memref<80xi32, #tpu.memory_space<hbm>>
      tpu.wait_dma2 semaphore(%arg22 : memref<!tpu.dma_semaphore, #tpu.memory_space<semaphore_mem>>) src(%dma_wait3A_267 : memref<80xi32, #tpu.memory_space<hbm>>) dst(%arg9 : memref<80xi32, #tpu.memory_space<vmem>>)
      %dma_wait3A_268 = arith.constant 0 : i32
      %dma_wait3A_269 = tpu.memref_slice %arg4[%dma_wait3A_268] : memref<320000xi32, #tpu.memory_space<hbm>> -> memref<80xi32, #tpu.memory_space<hbm>>
      %dma_wait3A_270 = arith.constant 0 : i32
      %dma_wait3A_271 = tpu.memref_slice %arg4[%dma_wait3A_270] : memref<320000xi32, #tpu.memory_space<hbm>> -> memref<80xi32, #tpu.memory_space<hbm>>
      tpu.wait_dma2 semaphore(%arg22 : memref<!tpu.dma_semaphore, #tpu.memory_space<semaphore_mem>>) src(%dma_wait3A_271 : memref<80xi32, #tpu.memory_space<hbm>>) dst(%arg13 : memref<80xi32, #tpu.memory_space<vmem>>)
      %dma_wait3A_272 = arith.constant 0 : i32
      %dma_wait3A_273 = arith.constant 0 : i32
      %dma_wait3A_274 = tpu.memref_slice %arg8[%dma_wait3A_272, %dma_wait3A_273] : memref<10000x128xf32, #tpu.memory_space<vmem_shared>> -> memref<10000x128xf32, #tpu.memory_space<vmem_shared>>
      tpu.wait_indirect_dma semaphore(%arg23 : memref<!tpu.dma_semaphore, #tpu.memory_space<semaphore_mem>>) src(%arg20 : memref<80x128xf32, #tpu.memory_space<vmem>>) dst(%dma_wait3A_274 : memref<10000x128xf32, #tpu.memory_space<vmem_shared>>)
      %dma_start3A_275 = arith.constant 0 : i32
      %dma_start3A_276 = arith.constant 0 : i32
      %dma_start3A_277 = tpu.memref_slice %arg2[%dma_start3A_275, %dma_start3A_276] : memref<10000x128xf32, #tpu.memory_space<hbm>> -> memref<10000x128xf32, #tpu.memory_space<hbm>>
      tpu.enqueue_indirect_dma source(%dma_start3A_277 : memref<10000x128xf32, #tpu.memory_space<hbm>>) target(%arg19 : memref<80x128xf32, #tpu.memory_space<vmem>>) offsets(%arg11 : memref<80xi32, #tpu.memory_space<vmem>>) semaphore(%arg21 : memref<!tpu.dma_semaphore, #tpu.memory_space<semaphore_mem>>)
      %dma_start3A_278 = arith.constant 0 : i32
      %dma_start3A_279 = arith.constant 0 : i32
      %dma_start3A_280 = tpu.memref_slice %arg8[%dma_start3A_278, %dma_start3A_279] : memref<10000x128xf32, #tpu.memory_space<vmem_shared>> -> memref<10000x128xf32, #tpu.memory_space<vmem_shared>>
      tpu.enqueue_indirect_dma source(%arg17 : memref<80x128xf32, #tpu.memory_space<vmem>>) target(%dma_start3A_280 : memref<10000x128xf32, #tpu.memory_space<vmem_shared>>) offsets(%arg13 : memref<80xi32, #tpu.memory_space<vmem>>) semaphore(%arg23 : memref<!tpu.dma_semaphore, #tpu.memory_space<semaphore_mem>>) {add = true}
      %add3A_281 = arith.constant 3 : i32
      %add3A_282 = arith.addi %add3A_260, %add3A_281 : i32
      %mul3A_283 = arith.constant 80 : i32
      %mul3A_284 = arith.muli %add3A_282, %mul3A_283 : i32
      %add3A_285 = arith.addi %mul3A_10, %mul3A_284 : i32
      %multiple_of3A_286 = tpu.assume_multiple %add3A_285, 8 : i32
      %dma_start3A_287 = tpu.memref_slice %arg3[%multiple_of3A_286] : memref<320000xi32, #tpu.memory_space<hbm>> -> memref<80xi32, #tpu.memory_space<hbm>>
      %dma_start3A_288 = tpu.memref_slice %arg3[%multiple_of3A_286] : memref<320000xi32, #tpu.memory_space<hbm>> -> memref<80xi32, #tpu.memory_space<hbm>>
      tpu.enqueue_dma source(%dma_start3A_288 : memref<80xi32, #tpu.memory_space<hbm>>) target(%arg12 : memref<80xi32, #tpu.memory_space<vmem>>) target_semaphore(%arg22 : memref<!tpu.dma_semaphore, #tpu.memory_space<semaphore_mem>>)
      %dma_start3A_289 = tpu.memref_slice %arg4[%multiple_of3A_286] : memref<320000xi32, #tpu.memory_space<hbm>> -> memref<80xi32, #tpu.memory_space<hbm>>
      %dma_start3A_290 = tpu.memref_slice %arg4[%multiple_of3A_286] : memref<320000xi32, #tpu.memory_space<hbm>> -> memref<80xi32, #tpu.memory_space<hbm>>
      tpu.enqueue_dma source(%dma_start3A_290 : memref<80xi32, #tpu.memory_space<hbm>>) target(%arg16 : memref<80xi32, #tpu.memory_space<vmem>>) target_semaphore(%arg22 : memref<!tpu.dma_semaphore, #tpu.memory_space<semaphore_mem>>)
    }
    %scan3A_80 = arith.constant 30 : i32
    %dma_wait3A_81 = arith.constant 0 : i32
    %dma_wait3A_82 = arith.constant 0 : i32
    %dma_wait3A_83 = tpu.memref_slice %arg2[%dma_wait3A_81, %dma_wait3A_82] : memref<10000x128xf32, #tpu.memory_space<hbm>> -> memref<10000x128xf32, #tpu.memory_space<hbm>>
    tpu.wait_indirect_dma semaphore(%arg21 : memref<!tpu.dma_semaphore, #tpu.memory_space<semaphore_mem>>) src(%dma_wait3A_83 : memref<10000x128xf32, #tpu.memory_space<hbm>>) dst(%arg18 : memref<80x128xf32, #tpu.memory_space<vmem>>)
    %dma_wait3A_84 = arith.constant 0 : i32
    %dma_wait3A_85 = tpu.memref_slice %arg3[%dma_wait3A_84] : memref<320000xi32, #tpu.memory_space<hbm>> -> memref<80xi32, #tpu.memory_space<hbm>>
    %dma_wait3A_86 = arith.constant 0 : i32
    %dma_wait3A_87 = tpu.memref_slice %arg3[%dma_wait3A_86] : memref<320000xi32, #tpu.memory_space<hbm>> -> memref<80xi32, #tpu.memory_space<hbm>>
    tpu.wait_dma2 semaphore(%arg22 : memref<!tpu.dma_semaphore, #tpu.memory_space<semaphore_mem>>) src(%dma_wait3A_87 : memref<80xi32, #tpu.memory_space<hbm>>) dst(%arg9 : memref<80xi32, #tpu.memory_space<vmem>>)
    %dma_wait3A_88 = arith.constant 0 : i32
    %dma_wait3A_89 = tpu.memref_slice %arg4[%dma_wait3A_88] : memref<320000xi32, #tpu.memory_space<hbm>> -> memref<80xi32, #tpu.memory_space<hbm>>
    %dma_wait3A_90 = arith.constant 0 : i32
    %dma_wait3A_91 = tpu.memref_slice %arg4[%dma_wait3A_90] : memref<320000xi32, #tpu.memory_space<hbm>> -> memref<80xi32, #tpu.memory_space<hbm>>
    tpu.wait_dma2 semaphore(%arg22 : memref<!tpu.dma_semaphore, #tpu.memory_space<semaphore_mem>>) src(%dma_wait3A_91 : memref<80xi32, #tpu.memory_space<hbm>>) dst(%arg13 : memref<80xi32, #tpu.memory_space<vmem>>)
    %dma_wait3A_92 = arith.constant 0 : i32
    %dma_wait3A_93 = arith.constant 0 : i32
    %dma_wait3A_94 = tpu.memref_slice %arg8[%dma_wait3A_92, %dma_wait3A_93] : memref<10000x128xf32, #tpu.memory_space<vmem_shared>> -> memref<10000x128xf32, #tpu.memory_space<vmem_shared>>
    tpu.wait_indirect_dma semaphore(%arg23 : memref<!tpu.dma_semaphore, #tpu.memory_space<semaphore_mem>>) src(%arg17 : memref<80x128xf32, #tpu.memory_space<vmem>>) dst(%dma_wait3A_94 : memref<10000x128xf32, #tpu.memory_space<vmem_shared>>)
    %dma_start3A_95 = arith.constant 0 : i32
    %dma_start3A_96 = arith.constant 0 : i32
    %dma_start3A_97 = tpu.memref_slice %arg2[%dma_start3A_95, %dma_start3A_96] : memref<10000x128xf32, #tpu.memory_space<hbm>> -> memref<10000x128xf32, #tpu.memory_space<hbm>>
    tpu.enqueue_indirect_dma source(%dma_start3A_97 : memref<10000x128xf32, #tpu.memory_space<hbm>>) target(%arg20 : memref<80x128xf32, #tpu.memory_space<vmem>>) offsets(%arg12 : memref<80xi32, #tpu.memory_space<vmem>>) semaphore(%arg21 : memref<!tpu.dma_semaphore, #tpu.memory_space<semaphore_mem>>)
    %dma_start3A_98 = arith.constant 0 : i32
    %dma_start3A_99 = arith.constant 0 : i32
    %dma_start3A_100 = tpu.memref_slice %arg8[%dma_start3A_98, %dma_start3A_99] : memref<10000x128xf32, #tpu.memory_space<vmem_shared>> -> memref<10000x128xf32, #tpu.memory_space<vmem_shared>>
    tpu.enqueue_indirect_dma source(%arg18 : memref<80x128xf32, #tpu.memory_space<vmem>>) target(%dma_start3A_100 : memref<10000x128xf32, #tpu.memory_space<vmem_shared>>) offsets(%arg14 : memref<80xi32, #tpu.memory_space<vmem>>) semaphore(%arg23 : memref<!tpu.dma_semaphore, #tpu.memory_space<semaphore_mem>>) {add = true}
    %add3A_101 = arith.constant 9920 : i32
    %add3A_102 = arith.addi %mul3A_10, %add3A_101 : i32
    %multiple_of3A_103 = tpu.assume_multiple %add3A_102, 8 : i32
    %dma_start3A_104 = tpu.memref_slice %arg3[%multiple_of3A_103] : memref<320000xi32, #tpu.memory_space<hbm>> -> memref<80xi32, #tpu.memory_space<hbm>>
    %dma_start3A_105 = tpu.memref_slice %arg3[%multiple_of3A_103] : memref<320000xi32, #tpu.memory_space<hbm>> -> memref<80xi32, #tpu.memory_space<hbm>>
    tpu.enqueue_dma source(%dma_start3A_105 : memref<80xi32, #tpu.memory_space<hbm>>) target(%arg9 : memref<80xi32, #tpu.memory_space<vmem>>) target_semaphore(%arg22 : memref<!tpu.dma_semaphore, #tpu.memory_space<semaphore_mem>>)
    %dma_start3A_106 = tpu.memref_slice %arg4[%multiple_of3A_103] : memref<320000xi32, #tpu.memory_space<hbm>> -> memref<80xi32, #tpu.memory_space<hbm>>
    %dma_start3A_107 = tpu.memref_slice %arg4[%multiple_of3A_103] : memref<320000xi32, #tpu.memory_space<hbm>> -> memref<80xi32, #tpu.memory_space<hbm>>
    tpu.enqueue_dma source(%dma_start3A_107 : memref<80xi32, #tpu.memory_space<hbm>>) target(%arg13 : memref<80xi32, #tpu.memory_space<vmem>>) target_semaphore(%arg22 : memref<!tpu.dma_semaphore, #tpu.memory_space<semaphore_mem>>)
    %dma_wait3A_108 = arith.constant 0 : i32
    %dma_wait3A_109 = arith.constant 0 : i32
    %dma_wait3A_110 = tpu.memref_slice %arg2[%dma_wait3A_108, %dma_wait3A_109] : memref<10000x128xf32, #tpu.memory_space<hbm>> -> memref<10000x128xf32, #tpu.memory_space<hbm>>
    tpu.wait_indirect_dma semaphore(%arg21 : memref<!tpu.dma_semaphore, #tpu.memory_space<semaphore_mem>>) src(%dma_wait3A_110 : memref<10000x128xf32, #tpu.memory_space<hbm>>) dst(%arg19 : memref<80x128xf32, #tpu.memory_space<vmem>>)
    %dma_wait3A_111 = arith.constant 0 : i32
    %dma_wait3A_112 = tpu.memref_slice %arg3[%dma_wait3A_111] : memref<320000xi32, #tpu.memory_space<hbm>> -> memref<80xi32, #tpu.memory_space<hbm>>
    %dma_wait3A_113 = arith.constant 0 : i32
    %dma_wait3A_114 = tpu.memref_slice %arg3[%dma_wait3A_113] : memref<320000xi32, #tpu.memory_space<hbm>> -> memref<80xi32, #tpu.memory_space<hbm>>
    tpu.wait_dma2 semaphore(%arg22 : memref<!tpu.dma_semaphore, #tpu.memory_space<semaphore_mem>>) src(%dma_wait3A_114 : memref<80xi32, #tpu.memory_space<hbm>>) dst(%arg9 : memref<80xi32, #tpu.memory_space<vmem>>)
    %dma_wait3A_115 = arith.constant 0 : i32
    %dma_wait3A_116 = tpu.memref_slice %arg4[%dma_wait3A_115] : memref<320000xi32, #tpu.memory_space<hbm>> -> memref<80xi32, #tpu.memory_space<hbm>>
    %dma_wait3A_117 = arith.constant 0 : i32
    %dma_wait3A_118 = tpu.memref_slice %arg4[%dma_wait3A_117] : memref<320000xi32, #tpu.memory_space<hbm>> -> memref<80xi32, #tpu.memory_space<hbm>>
    tpu.wait_dma2 semaphore(%arg22 : memref<!tpu.dma_semaphore, #tpu.memory_space<semaphore_mem>>) src(%dma_wait3A_118 : memref<80xi32, #tpu.memory_space<hbm>>) dst(%arg13 : memref<80xi32, #tpu.memory_space<vmem>>)
    %dma_wait3A_119 = arith.constant 0 : i32
    %dma_wait3A_120 = arith.constant 0 : i32
    %dma_wait3A_121 = tpu.memref_slice %arg8[%dma_wait3A_119, %dma_wait3A_120] : memref<10000x128xf32, #tpu.memory_space<vmem_shared>> -> memref<10000x128xf32, #tpu.memory_space<vmem_shared>>
    tpu.wait_indirect_dma semaphore(%arg23 : memref<!tpu.dma_semaphore, #tpu.memory_space<semaphore_mem>>) src(%arg18 : memref<80x128xf32, #tpu.memory_space<vmem>>) dst(%dma_wait3A_121 : memref<10000x128xf32, #tpu.memory_space<vmem_shared>>)
    %dma_start3A_122 = arith.constant 0 : i32
    %dma_start3A_123 = arith.constant 0 : i32
    %dma_start3A_124 = tpu.memref_slice %arg2[%dma_start3A_122, %dma_start3A_123] : memref<10000x128xf32, #tpu.memory_space<hbm>> -> memref<10000x128xf32, #tpu.memory_space<hbm>>
    tpu.enqueue_indirect_dma source(%dma_start3A_124 : memref<10000x128xf32, #tpu.memory_space<hbm>>) target(%arg17 : memref<80x128xf32, #tpu.memory_space<vmem>>) offsets(%arg9 : memref<80xi32, #tpu.memory_space<vmem>>) semaphore(%arg21 : memref<!tpu.dma_semaphore, #tpu.memory_space<semaphore_mem>>)
    %dma_start3A_125 = arith.constant 0 : i32
    %dma_start3A_126 = arith.constant 0 : i32
    %dma_start3A_127 = tpu.memref_slice %arg8[%dma_start3A_125, %dma_start3A_126] : memref<10000x128xf32, #tpu.memory_space<vmem_shared>> -> memref<10000x128xf32, #tpu.memory_space<vmem_shared>>
    tpu.enqueue_indirect_dma source(%arg19 : memref<80x128xf32, #tpu.memory_space<vmem>>) target(%dma_start3A_127 : memref<10000x128xf32, #tpu.memory_space<vmem_shared>>) offsets(%arg15 : memref<80xi32, #tpu.memory_space<vmem>>) semaphore(%arg23 : memref<!tpu.dma_semaphore, #tpu.memory_space<semaphore_mem>>) {add = true}
    %dma_wait3A_128 = arith.constant 0 : i32
    %dma_wait3A_129 = arith.constant 0 : i32
    %dma_wait3A_130 = tpu.memref_slice %arg2[%dma_wait3A_128, %dma_wait3A_129] : memref<10000x128xf32, #tpu.memory_space<hbm>> -> memref<10000x128xf32, #tpu.memory_space<hbm>>
    tpu.wait_indirect_dma semaphore(%arg21 : memref<!tpu.dma_semaphore, #tpu.memory_space<semaphore_mem>>) src(%dma_wait3A_130 : memref<10000x128xf32, #tpu.memory_space<hbm>>) dst(%arg20 : memref<80x128xf32, #tpu.memory_space<vmem>>)
    %dma_wait3A_131 = arith.constant 0 : i32
    %dma_wait3A_132 = arith.constant 0 : i32
    %dma_wait3A_133 = tpu.memref_slice %arg8[%dma_wait3A_131, %dma_wait3A_132] : memref<10000x128xf32, #tpu.memory_space<vmem_shared>> -> memref<10000x128xf32, #tpu.memory_space<vmem_shared>>
    tpu.wait_indirect_dma semaphore(%arg23 : memref<!tpu.dma_semaphore, #tpu.memory_space<semaphore_mem>>) src(%arg19 : memref<80x128xf32, #tpu.memory_space<vmem>>) dst(%dma_wait3A_133 : memref<10000x128xf32, #tpu.memory_space<vmem_shared>>)
    %dma_start3A_134 = arith.constant 0 : i32
    %dma_start3A_135 = arith.constant 0 : i32
    %dma_start3A_136 = tpu.memref_slice %arg8[%dma_start3A_134, %dma_start3A_135] : memref<10000x128xf32, #tpu.memory_space<vmem_shared>> -> memref<10000x128xf32, #tpu.memory_space<vmem_shared>>
    tpu.enqueue_indirect_dma source(%arg20 : memref<80x128xf32, #tpu.memory_space<vmem>>) target(%dma_start3A_136 : memref<10000x128xf32, #tpu.memory_space<vmem_shared>>) offsets(%arg16 : memref<80xi32, #tpu.memory_space<vmem>>) semaphore(%arg23 : memref<!tpu.dma_semaphore, #tpu.memory_space<semaphore_mem>>) {add = true}
    %dma_wait3A_137 = arith.constant 0 : i32
    %dma_wait3A_138 = arith.constant 0 : i32
    %dma_wait3A_139 = tpu.memref_slice %arg2[%dma_wait3A_137, %dma_wait3A_138] : memref<10000x128xf32, #tpu.memory_space<hbm>> -> memref<10000x128xf32, #tpu.memory_space<hbm>>
    tpu.wait_indirect_dma semaphore(%arg21 : memref<!tpu.dma_semaphore, #tpu.memory_space<semaphore_mem>>) src(%dma_wait3A_139 : memref<10000x128xf32, #tpu.memory_space<hbm>>) dst(%arg17 : memref<80x128xf32, #tpu.memory_space<vmem>>)
    %dma_wait3A_140 = arith.constant 0 : i32
    %dma_wait3A_141 = arith.constant 0 : i32
    %dma_wait3A_142 = tpu.memref_slice %arg8[%dma_wait3A_140, %dma_wait3A_141] : memref<10000x128xf32, #tpu.memory_space<vmem_shared>> -> memref<10000x128xf32, #tpu.memory_space<vmem_shared>>
    tpu.wait_indirect_dma semaphore(%arg23 : memref<!tpu.dma_semaphore, #tpu.memory_space<semaphore_mem>>) src(%arg20 : memref<80x128xf32, #tpu.memory_space<vmem>>) dst(%dma_wait3A_142 : memref<10000x128xf32, #tpu.memory_space<vmem_shared>>)
    %dma_start3A_143 = arith.constant 0 : i32
    %dma_start3A_144 = arith.constant 0 : i32
    %dma_start3A_145 = tpu.memref_slice %arg8[%dma_start3A_143, %dma_start3A_144] : memref<10000x128xf32, #tpu.memory_space<vmem_shared>> -> memref<10000x128xf32, #tpu.memory_space<vmem_shared>>
    tpu.enqueue_indirect_dma source(%arg17 : memref<80x128xf32, #tpu.memory_space<vmem>>) target(%dma_start3A_145 : memref<10000x128xf32, #tpu.memory_space<vmem_shared>>) offsets(%arg13 : memref<80xi32, #tpu.memory_space<vmem>>) semaphore(%arg23 : memref<!tpu.dma_semaphore, #tpu.memory_space<semaphore_mem>>) {add = true}
    %dma_wait3A_146 = arith.constant 0 : i32
    %dma_wait3A_147 = arith.constant 0 : i32
    %dma_wait3A_148 = tpu.memref_slice %arg8[%dma_wait3A_146, %dma_wait3A_147] : memref<10000x128xf32, #tpu.memory_space<vmem_shared>> -> memref<10000x128xf32, #tpu.memory_space<vmem_shared>>
    tpu.wait_indirect_dma semaphore(%arg23 : memref<!tpu.dma_semaphore, #tpu.memory_space<semaphore_mem>>) src(%arg17 : memref<80x128xf32, #tpu.memory_space<vmem>>) dst(%dma_wait3A_148 : memref<10000x128xf32, #tpu.memory_space<vmem_shared>>)
    %barrier3A_149 = arith.constant 0 : index
    tpu.barrier barrier_id(%barrier3A_149)
    %lt3A_150 = arith.constant 15 : i32
    %lt3A_151 = arith.cmpi slt, %arg1, %lt3A_150 : i32
    %convert_element_type3A_152 = arith.extui %lt3A_151 : i1 to i32
    %cond3A_153 = arith.constant 0 : i32
    %cond3A_154 = arith.cmpi ne, %convert_element_type3A_152, %cond3A_153 : i32
    scf.if %cond3A_154 {
      "tpu.region"() ({
        %run_scoped3A = tpu.sem_alloc : memref<!tpu.dma_semaphore, #tpu.memory_space<semaphore_mem>>
        %dma_start3A_160 = arith.constant 0 : i32
        %dma_start3A_161 = tpu.memref_slice %arg7[%arg0, %multiple_of3A, %dma_start3A_160] : memref<2x10000x128xf32, #tpu.memory_space<hbm>> -> memref<1x624x128xf32, #tpu.memory_space<hbm>>
        %dma_start3A_162 = tpu.memref_squeeze %dma_start3A_161 : memref<1x624x128xf32, #tpu.memory_space<hbm>> -> memref<624x128xf32, #tpu.memory_space<hbm>>
        %dma_start3A_163 = arith.constant 0 : i32
        %dma_start3A_164 = tpu.memref_slice %arg8[%multiple_of3A, %dma_start3A_163] : memref<10000x128xf32, #tpu.memory_space<vmem_shared>> -> memref<624x128xf32, #tpu.memory_space<vmem_shared>>
        tpu.enqueue_dma source(%dma_start3A_164 : memref<624x128xf32, #tpu.memory_space<vmem_shared>>) target(%dma_start3A_162 : memref<624x128xf32, #tpu.memory_space<hbm>>) target_semaphore(%run_scoped3A : memref<!tpu.dma_semaphore, #tpu.memory_space<semaphore_mem>>)
        %dma_wait3A_165 = arith.constant 0 : i32
        %dma_wait3A_166 = tpu.memref_slice %arg7[%arg0, %multiple_of3A, %dma_wait3A_165] : memref<2x10000x128xf32, #tpu.memory_space<hbm>> -> memref<1x624x128xf32, #tpu.memory_space<hbm>>
        %dma_wait3A_167 = tpu.memref_squeeze %dma_wait3A_166 : memref<1x624x128xf32, #tpu.memory_space<hbm>> -> memref<624x128xf32, #tpu.memory_space<hbm>>
        %dma_wait3A_168 = arith.constant 0 : i32
        %dma_wait3A_169 = tpu.memref_slice %arg8[%multiple_of3A, %dma_wait3A_168] : memref<10000x128xf32, #tpu.memory_space<vmem_shared>> -> memref<624x128xf32, #tpu.memory_space<vmem_shared>>
        tpu.wait_dma2 semaphore(%run_scoped3A : memref<!tpu.dma_semaphore, #tpu.memory_space<semaphore_mem>>) src(%dma_wait3A_169 : memref<624x128xf32, #tpu.memory_space<vmem_shared>>) dst(%dma_wait3A_167 : memref<624x128xf32, #tpu.memory_space<hbm>>)
        tpu.yield
      }) : () -> ()
    } else {
    }
    %eq3A_155 = arith.constant 15 : i32
    %eq3A_156 = arith.cmpi eq, %arg1, %eq3A_155 : i32
    %convert_element_type3A_157 = arith.extui %eq3A_156 : i1 to i32
    %cond3A_158 = arith.constant 0 : i32
    %cond3A_159 = arith.cmpi ne, %convert_element_type3A_157, %cond3A_158 : i32
    scf.if %cond3A_159 {
      "tpu.region"() ({
        %run_scoped3A = tpu.sem_alloc : memref<!tpu.dma_semaphore, #tpu.memory_space<semaphore_mem>>
        %dma_start3A_160 = arith.constant 9360 : i32
        %dma_start3A_161 = arith.constant 0 : i32
        %dma_start3A_162 = tpu.memref_slice %arg7[%arg0, %dma_start3A_160, %dma_start3A_161] : memref<2x10000x128xf32, #tpu.memory_space<hbm>> -> memref<1x640x128xf32, #tpu.memory_space<hbm>>
        %dma_start3A_163 = tpu.memref_squeeze %dma_start3A_162 : memref<1x640x128xf32, #tpu.memory_space<hbm>> -> memref<640x128xf32, #tpu.memory_space<hbm>>
        %dma_start3A_164 = arith.constant 9360 : i32
        %dma_start3A_165 = arith.constant 0 : i32
        %dma_start3A_166 = tpu.memref_slice %arg8[%dma_start3A_164, %dma_start3A_165] : memref<10000x128xf32, #tpu.memory_space<vmem_shared>> -> memref<640x128xf32, #tpu.memory_space<vmem_shared>>
        tpu.enqueue_dma source(%dma_start3A_166 : memref<640x128xf32, #tpu.memory_space<vmem_shared>>) target(%dma_start3A_163 : memref<640x128xf32, #tpu.memory_space<hbm>>) target_semaphore(%run_scoped3A : memref<!tpu.dma_semaphore, #tpu.memory_space<semaphore_mem>>)
        %dma_wait3A_167 = arith.constant 9360 : i32
        %dma_wait3A_168 = arith.constant 0 : i32
        %dma_wait3A_169 = tpu.memref_slice %arg7[%arg0, %dma_wait3A_167, %dma_wait3A_168] : memref<2x10000x128xf32, #tpu.memory_space<hbm>> -> memref<1x640x128xf32, #tpu.memory_space<hbm>>
        %dma_wait3A_170 = tpu.memref_squeeze %dma_wait3A_169 : memref<1x640x128xf32, #tpu.memory_space<hbm>> -> memref<640x128xf32, #tpu.memory_space<hbm>>
        %dma_wait3A_171 = arith.constant 9360 : i32
        %dma_wait3A_172 = arith.constant 0 : i32
        %dma_wait3A_173 = tpu.memref_slice %arg8[%dma_wait3A_171, %dma_wait3A_172] : memref<10000x128xf32, #tpu.memory_space<vmem_shared>> -> memref<640x128xf32, #tpu.memory_space<vmem_shared>>
        tpu.wait_dma2 semaphore(%run_scoped3A : memref<!tpu.dma_semaphore, #tpu.memory_space<semaphore_mem>>) src(%dma_wait3A_173 : memref<640x128xf32, #tpu.memory_space<vmem_shared>>) dst(%dma_wait3A_170 : memref<640x128xf32, #tpu.memory_space<hbm>>)
        tpu.yield
      }) : () -> ()
    } else {
    }
    return
  }
}

module attributes {stable_mosaic.version = 14 : i64} {
  func.func @body(%arg0: i32, %arg1: memref<2x2048x128xf32, #tpu.memory_space<vmem>>, %arg2: memref<2048x128xf32, #tpu.memory_space<vmem>>, %arg3: memref<2x2048xf32, #tpu.memory_space<vmem>>, %arg4: memref<128x128xf32, #tpu.memory_space<vmem>>, %arg5: memref<128x128xf32, #tpu.memory_space<vmem>>, %arg6: memref<1x128xf32, #tpu.memory_space<vmem>>, %arg7: memref<2048x128xf32, #tpu.memory_space<vmem>>, %arg8: memref<2048x128xf32, #tpu.memory_space<vmem>>) attributes {dimension_semantics = [#tpu.dimension_semantics<arbitrary>], iteration_bounds = array<i64: 5>, scalar_prefetch = 0 : i64, scratch_operands = 0 : i64, tpu.core_type = #tpu.core_type<tc>, window_params = [{transform_indices = @transform_0, window_bounds = array<i64: 2, 2048, 128>}, {transform_indices = @transform_1, window_bounds = array<i64: 2048, 128>}, {transform_indices = @transform_2, window_bounds = array<i64: 2, 2048>}, {pipeline_mode = #tpu.pipeline_mode<synchronous>, transform_indices = @transform_3, window_bounds = array<i64: 128, 128>}, {pipeline_mode = #tpu.pipeline_mode<synchronous>, transform_indices = @transform_4, window_bounds = array<i64: 128, 128>}, {pipeline_mode = #tpu.pipeline_mode<synchronous>, transform_indices = @transform_5, window_bounds = array<i64: 1, 128>}, {transform_indices = @transform_6, window_bounds = array<i64: 2048, 128>}, {transform_indices = @transform_7, window_bounds = array<i64: 2048, 128>}]} {
    %get3A = arith.constant 0 : index
    %get3A_0 = arith.constant 0 : index
    %get3A_1 = arith.constant 0 : index
    %get3A_2 = vector.load %arg1[%get3A, %get3A_0, %get3A_1] : memref<2x2048x128xf32, #tpu.memory_space<vmem>>, vector<2x2048x128xf32>
    %get3A_3 = arith.constant 0 : index
    %get3A_4 = arith.constant 0 : index
    %get3A_5 = vector.load %arg3[%get3A_3, %get3A_4] : memref<2x2048xf32, #tpu.memory_space<vmem>>, vector<1x2048xf32>
    %get3A_6 = vector.shape_cast %get3A_5 : vector<1x2048xf32> to vector<2048xf32>
    %get3A_7 = arith.constant 1 : index
    %get3A_8 = arith.constant 0 : index
    %get3A_9 = vector.load %arg3[%get3A_7, %get3A_8] : memref<2x2048xf32, #tpu.memory_space<vmem>>, vector<1x2048xf32>
    %get3A_10 = vector.shape_cast %get3A_9 : vector<1x2048xf32> to vector<2048xf32>
    %add3A = arith.addf %get3A_6, %get3A_10 : vector<2048xf32>
    %max3A = arith.constant 1.000000e+00 : f32
    %max3A_11 = vector.broadcast %max3A : f32 to vector<2048xf32>
    %max3A_12 = arith.maximumf %add3A, %max3A_11 : vector<2048xf32>
    %div3A = arith.constant 1.000000e+00 : f32
    %div3A_13 = vector.broadcast %div3A : f32 to vector<2048xf32>
    %div3A_14 = arith.divf %div3A_13, %max3A_12 : vector<2048xf32>
    %broadcast_in_dim3A = vector.shape_cast %div3A_14 : vector<2048xf32> to vector<2048x1xf32>
    %slice3A = vector.extract_strided_slice %get3A_2 {offsets = [0, 0, 0], sizes = [1, 2048, 128], strides = [1, 1, 1]} : vector<2x2048x128xf32> to vector<1x2048x128xf32>
    %squeeze3A = vector.shape_cast %slice3A : vector<1x2048x128xf32> to vector<2048x128xf32>
    %slice3A_15 = vector.extract_strided_slice %get3A_2 {offsets = [1, 0, 0], sizes = [1, 2048, 128], strides = [1, 1, 1]} : vector<2x2048x128xf32> to vector<1x2048x128xf32>
    %squeeze3A_16 = vector.shape_cast %slice3A_15 : vector<1x2048x128xf32> to vector<2048x128xf32>
    %add3A_17 = arith.addf %squeeze3A, %squeeze3A_16 : vector<2048x128xf32>
    %mul3A = vector.broadcast %broadcast_in_dim3A : vector<2048x1xf32> to vector<2048x128xf32>
    %mul3A_18 = arith.mulf %add3A_17, %mul3A : vector<2048x128xf32>
    %get3A_19 = arith.constant 0 : index
    %get3A_20 = arith.constant 0 : index
    %get3A_21 = vector.load %arg2[%get3A_19, %get3A_20] : memref<2048x128xf32, #tpu.memory_space<vmem>>, vector<2048x128xf32>
    %add3A_22 = arith.addf %mul3A_18, %get3A_21 : vector<2048x128xf32>
    %max3A_23 = arith.constant 0.000000e+00 : f32
    %max3A_24 = vector.broadcast %max3A_23 : f32 to vector<2048x128xf32>
    %max3A_25 = arith.maximumf %add3A_22, %max3A_24 : vector<2048x128xf32>
    %get3A_26 = arith.constant 0 : index
    %get3A_27 = arith.constant 0 : index
    %get3A_28 = vector.load %arg4[%get3A_26, %get3A_27] : memref<128x128xf32, #tpu.memory_space<vmem>>, vector<128x128xf32>
    %dot_general3A = arith.constant dense<0.000000e+00> : vector<2048x128xf32>
    %dot_general3A_29 = tpu.matmul %max3A_25, %get3A_28, %dot_general3A {dimension_numbers = #tpu.dot_dimension_numbers<[1], [1], [0], [0], [0, 0, 1, 0], [], []>, transpose_lhs_hint = false} : vector<2048x128xf32>, vector<128x128xf32>, vector<2048x128xf32> -> vector<2048x128xf32>
    %swap3A = arith.constant 0 : index
    %swap3A_30 = arith.constant 0 : index
    %swap3A_31 = vector.load %arg7[%swap3A, %swap3A_30] : memref<2048x128xf32, #tpu.memory_space<vmem>>, vector<2048x128xf32>
    tpu.vector_store %arg7[%swap3A, %swap3A_30], %dot_general3A_29 {strides = array<i32>} : memref<2048x128xf32, #tpu.memory_space<vmem>>, vector<2048x128xf32>,
    %get3A_32 = arith.constant 0 : index
    %get3A_33 = arith.constant 0 : index
    %get3A_34 = vector.load %arg5[%get3A_32, %get3A_33] : memref<128x128xf32, #tpu.memory_space<vmem>>, vector<128x128xf32>
    %dot_general3A_35 = arith.constant dense<0.000000e+00> : vector<2048x128xf32>
    %dot_general3A_36 = tpu.matmul %max3A_25, %get3A_34, %dot_general3A_35 {dimension_numbers = #tpu.dot_dimension_numbers<[1], [1], [0], [0], [0, 0, 1, 0], [], []>, transpose_lhs_hint = false} : vector<2048x128xf32>, vector<128x128xf32>, vector<2048x128xf32> -> vector<2048x128xf32>
    %get3A_37 = arith.constant 0 : index
    %get3A_38 = arith.constant 0 : index
    %get3A_39 = vector.load %arg6[%get3A_37, %get3A_38] : memref<1x128xf32, #tpu.memory_space<vmem>>, vector<1x128xf32>
    %add3A_40 = vector.broadcast %get3A_39 : vector<1x128xf32> to vector<2048x128xf32>
    %add3A_41 = arith.addf %dot_general3A_36, %add3A_40 : vector<2048x128xf32>
    %swap3A_42 = arith.constant 0 : index
    %swap3A_43 = arith.constant 0 : index
    %swap3A_44 = vector.load %arg8[%swap3A_42, %swap3A_43] : memref<2048x128xf32, #tpu.memory_space<vmem>>, vector<2048x128xf32>
    tpu.vector_store %arg8[%swap3A_42, %swap3A_43], %add3A_41 {strides = array<i32>} : memref<2048x128xf32, #tpu.memory_space<vmem>>, vector<2048x128xf32>,
    return
  }
  func.func @transform_0(%arg0: i32) -> (i32, i32, i32) {
    %c0_i32 = arith.constant 0 : i32
    %c0_i32_0 = arith.constant 0 : i32
    %c0_i32_1 = arith.constant 0 : i32
    return %c0_i32, %arg0, %c0_i32_0 : i32, i32, i32
  }
  func.func @transform_1(%arg0: i32) -> (i32, i32) {
    %c0_i32 = arith.constant 0 : i32
    %c0_i32_0 = arith.constant 0 : i32
    return %arg0, %c0_i32 : i32, i32
  }
  func.func @transform_2(%arg0: i32) -> (i32, i32) {
    %c0_i32 = arith.constant 0 : i32
    %c0_i32_0 = arith.constant 0 : i32
    return %c0_i32, %arg0 : i32, i32
  }
  func.func @transform_3(%arg0: i32) -> (i32, i32) {
    %c0_i32 = arith.constant 0 : i32
    %c0_i32_0 = arith.constant 0 : i32
    %c0_i32_1 = arith.constant 0 : i32
    return %c0_i32, %c0_i32_0 : i32, i32
  }
  func.func @transform_4(%arg0: i32) -> (i32, i32) {
    %c0_i32 = arith.constant 0 : i32
    %c0_i32_0 = arith.constant 0 : i32
    %c0_i32_1 = arith.constant 0 : i32
    return %c0_i32, %c0_i32_0 : i32, i32
  }
  func.func @transform_5(%arg0: i32) -> (i32, i32) {
    %c0_i32 = arith.constant 0 : i32
    %c0_i32_0 = arith.constant 0 : i32
    %c0_i32_1 = arith.constant 0 : i32
    return %c0_i32, %c0_i32_0 : i32, i32
  }
  func.func @transform_6(%arg0: i32) -> (i32, i32) {
    %c0_i32 = arith.constant 0 : i32
    %c0_i32_0 = arith.constant 0 : i32
    return %arg0, %c0_i32 : i32, i32
  }
  func.func @transform_7(%arg0: i32) -> (i32, i32) {
    %c0_i32 = arith.constant 0 : i32
    %c0_i32_0 = arith.constant 0 : i32
    return %arg0, %c0_i32 : i32, i32
  }
}

module attributes {stable_mosaic.version = 14 : i64} {
  func.func @body(%arg0: i32, %arg1: memref<2048x128xf32, #tpu.memory_space<vmem>>, %arg2: memref<128x128xf32, #tpu.memory_space<vmem>>, %arg3: memref<128x128xf32, #tpu.memory_space<vmem>>, %arg4: memref<1x128xf32, #tpu.memory_space<vmem>>, %arg5: memref<2x320000xi32, #tpu.memory_space<vmem>>, %arg6: memref<2048x128xf32, #tpu.memory_space<vmem>>, %arg7: memref<2048x128xf32, #tpu.memory_space<vmem>>, %arg8: memref<320000xi32, #tpu.memory_space<vmem>>, %arg9: memref<320000xi32, #tpu.memory_space<vmem>>) attributes {dimension_semantics = [#tpu.dimension_semantics<arbitrary>], iteration_bounds = array<i64: 5>, scalar_prefetch = 0 : i64, scratch_operands = 0 : i64, tpu.core_type = #tpu.core_type<tc>, window_params = [{transform_indices = @transform_0, window_bounds = array<i64: 2048, 128>}, {pipeline_mode = #tpu.pipeline_mode<synchronous>, transform_indices = @transform_1, window_bounds = array<i64: 128, 128>}, {pipeline_mode = #tpu.pipeline_mode<synchronous>, transform_indices = @transform_2, window_bounds = array<i64: 128, 128>}, {pipeline_mode = #tpu.pipeline_mode<synchronous>, transform_indices = @transform_3, window_bounds = array<i64: 1, 128>}, {pipeline_mode = #tpu.pipeline_mode<synchronous>, transform_indices = @transform_4, window_bounds = array<i64: 2, 320000>}, {transform_indices = @transform_5, window_bounds = array<i64: 2048, 128>}, {transform_indices = @transform_6, window_bounds = array<i64: 2048, 128>}, {pipeline_mode = #tpu.pipeline_mode<synchronous>, transform_indices = @transform_7, window_bounds = array<i64: 320000>}, {pipeline_mode = #tpu.pipeline_mode<synchronous>, transform_indices = @transform_8, window_bounds = array<i64: 320000>}]} {
    %get3A = arith.constant 0 : index
    %get3A_0 = arith.constant 0 : index
    %get3A_1 = vector.load %arg1[%get3A, %get3A_0] : memref<2048x128xf32, #tpu.memory_space<vmem>>, vector<2048x128xf32>
    %get3A_2 = arith.constant 0 : index
    %get3A_3 = arith.constant 0 : index
    %get3A_4 = vector.load %arg2[%get3A_2, %get3A_3] : memref<128x128xf32, #tpu.memory_space<vmem>>, vector<128x128xf32>
    %dot_general3A = arith.constant dense<0.000000e+00> : vector<2048x128xf32>
    %dot_general3A_5 = tpu.matmul %get3A_1, %get3A_4, %dot_general3A {dimension_numbers = #tpu.dot_dimension_numbers<[1], [1], [0], [0], [0, 0, 1, 0], [], []>, transpose_lhs_hint = false} : vector<2048x128xf32>, vector<128x128xf32>, vector<2048x128xf32> -> vector<2048x128xf32>
    %swap3A = arith.constant 0 : index
    %swap3A_6 = arith.constant 0 : index
    %swap3A_7 = vector.load %arg6[%swap3A, %swap3A_6] : memref<2048x128xf32, #tpu.memory_space<vmem>>, vector<2048x128xf32>
    tpu.vector_store %arg6[%swap3A, %swap3A_6], %dot_general3A_5 {strides = array<i32>} : memref<2048x128xf32, #tpu.memory_space<vmem>>, vector<2048x128xf32>,
    %get3A_8 = arith.constant 0 : index
    %get3A_9 = arith.constant 0 : index
    %get3A_10 = vector.load %arg3[%get3A_8, %get3A_9] : memref<128x128xf32, #tpu.memory_space<vmem>>, vector<128x128xf32>
    %dot_general3A_11 = arith.constant dense<0.000000e+00> : vector<2048x128xf32>
    %dot_general3A_12 = tpu.matmul %get3A_1, %get3A_10, %dot_general3A_11 {dimension_numbers = #tpu.dot_dimension_numbers<[1], [1], [0], [0], [0, 0, 1, 0], [], []>, transpose_lhs_hint = false} : vector<2048x128xf32>, vector<128x128xf32>, vector<2048x128xf32> -> vector<2048x128xf32>
    %get3A_13 = arith.constant 0 : index
    %get3A_14 = arith.constant 0 : index
    %get3A_15 = vector.load %arg4[%get3A_13, %get3A_14] : memref<1x128xf32, #tpu.memory_space<vmem>>, vector<1x128xf32>
    %add3A = vector.broadcast %get3A_15 : vector<1x128xf32> to vector<2048x128xf32>
    %add3A_16 = arith.addf %dot_general3A_12, %add3A : vector<2048x128xf32>
    %swap3A_17 = arith.constant 0 : index
    %swap3A_18 = arith.constant 0 : index
    %swap3A_19 = vector.load %arg7[%swap3A_17, %swap3A_18] : memref<2048x128xf32, #tpu.memory_space<vmem>>, vector<2048x128xf32>
    tpu.vector_store %arg7[%swap3A_17, %swap3A_18], %add3A_16 {strides = array<i32>} : memref<2048x128xf32, #tpu.memory_space<vmem>>, vector<2048x128xf32>,
    %eq3A = arith.constant 0 : i32
    %eq3A_20 = arith.cmpi eq, %arg0, %eq3A : i32
    %convert_element_type3A = arith.extui %eq3A_20 : i1 to i32
    %cond3A = arith.constant 0 : i32
    %cond3A_21 = arith.cmpi ne, %convert_element_type3A, %cond3A : i32
    scf.if %cond3A_21 {
      %get3A_22 = arith.constant 0 : index
      %get3A_23 = arith.constant 0 : index
      %get3A_24 = vector.load %arg5[%get3A_22, %get3A_23] : memref<2x320000xi32, #tpu.memory_space<vmem>>, vector<1x320000xi32>
      %get3A_25 = vector.shape_cast %get3A_24 : vector<1x320000xi32> to vector<320000xi32>
      %swap3A_26 = arith.constant 0 : index
      %swap3A_27 = vector.load %arg8[%swap3A_26] : memref<320000xi32, #tpu.memory_space<vmem>>, vector<320000xi32>
      tpu.vector_store %arg8[%swap3A_26], %get3A_25 {strides = array<i32>} : memref<320000xi32, #tpu.memory_space<vmem>>, vector<320000xi32>,
      %get3A_28 = arith.constant 1 : index
      %get3A_29 = arith.constant 0 : index
      %get3A_30 = vector.load %arg5[%get3A_28, %get3A_29] : memref<2x320000xi32, #tpu.memory_space<vmem>>, vector<1x320000xi32>
      %get3A_31 = vector.shape_cast %get3A_30 : vector<1x320000xi32> to vector<320000xi32>
      %swap3A_32 = arith.constant 0 : index
      %swap3A_33 = vector.load %arg9[%swap3A_32] : memref<320000xi32, #tpu.memory_space<vmem>>, vector<320000xi32>
      tpu.vector_store %arg9[%swap3A_32], %get3A_31 {strides = array<i32>} : memref<320000xi32, #tpu.memory_space<vmem>>, vector<320000xi32>,
    } else {
    }
    return
  }
  func.func @transform_0(%arg0: i32) -> (i32, i32) {
    %c0_i32 = arith.constant 0 : i32
    %c0_i32_0 = arith.constant 0 : i32
    return %arg0, %c0_i32 : i32, i32
  }
  func.func @transform_1(%arg0: i32) -> (i32, i32) {
    %c0_i32 = arith.constant 0 : i32
    %c0_i32_0 = arith.constant 0 : i32
    %c0_i32_1 = arith.constant 0 : i32
    return %c0_i32, %c0_i32_0 : i32, i32
  }
  func.func @transform_2(%arg0: i32) -> (i32, i32) {
    %c0_i32 = arith.constant 0 : i32
    %c0_i32_0 = arith.constant 0 : i32
    %c0_i32_1 = arith.constant 0 : i32
    return %c0_i32, %c0_i32_0 : i32, i32
  }
  func.func @transform_3(%arg0: i32) -> (i32, i32) {
    %c0_i32 = arith.constant 0 : i32
    %c0_i32_0 = arith.constant 0 : i32
    %c0_i32_1 = arith.constant 0 : i32
    return %c0_i32, %c0_i32_0 : i32, i32
  }
  func.func @transform_4(%arg0: i32) -> (i32, i32) {
    %c0_i32 = arith.constant 0 : i32
    %c0_i32_0 = arith.constant 0 : i32
    %c0_i32_1 = arith.constant 0 : i32
    return %c0_i32, %c0_i32_0 : i32, i32
  }
  func.func @transform_5(%arg0: i32) -> (i32, i32) {
    %c0_i32 = arith.constant 0 : i32
    %c0_i32_0 = arith.constant 0 : i32
    return %arg0, %c0_i32 : i32, i32
  }
  func.func @transform_6(%arg0: i32) -> (i32, i32) {
    %c0_i32 = arith.constant 0 : i32
    %c0_i32_0 = arith.constant 0 : i32
    return %arg0, %c0_i32 : i32, i32
  }
  func.func @transform_7(%arg0: i32) -> i32 {
    %c0_i32 = arith.constant 0 : i32
    %c0_i32_0 = arith.constant 0 : i32
    return %c0_i32 : i32
  }
  func.func @transform_8(%arg0: i32) -> i32 {
    %c0_i32 = arith.constant 0 : i32
    %c0_i32_0 = arith.constant 0 : i32
    return %c0_i32 : i32
  }
}

module attributes {stable_mosaic.version = 14 : i64} {
  func.func @body(%arg0: i32, %arg1: memref<2x2048x128xf32, #tpu.memory_space<vmem>>, %arg2: memref<2048x40xf32, #tpu.memory_space<vmem>>, %arg3: memref<2x2048xf32, #tpu.memory_space<vmem>>, %arg4: memref<40x128xf32, #tpu.memory_space<vmem>>, %arg5: memref<2048x40xf32, #tpu.memory_space<vmem>>) attributes {dimension_semantics = [#tpu.dimension_semantics<arbitrary>], iteration_bounds = array<i64: 5>, scalar_prefetch = 0 : i64, scratch_operands = 0 : i64, tpu.core_type = #tpu.core_type<tc>, window_params = [{transform_indices = @transform_0, window_bounds = array<i64: 2, 2048, 128>}, {transform_indices = @transform_1, window_bounds = array<i64: 2048, 40>}, {transform_indices = @transform_2, window_bounds = array<i64: 2, 2048>}, {pipeline_mode = #tpu.pipeline_mode<synchronous>, transform_indices = @transform_3, window_bounds = array<i64: 40, 128>}, {transform_indices = @transform_4, window_bounds = array<i64: 2048, 40>}]} {
    %get3A = arith.constant 0 : index
    %get3A_0 = arith.constant 0 : index
    %get3A_1 = arith.constant 0 : index
    %get3A_2 = vector.load %arg1[%get3A, %get3A_0, %get3A_1] : memref<2x2048x128xf32, #tpu.memory_space<vmem>>, vector<2x2048x128xf32>
    %get3A_3 = arith.constant 0 : index
    %get3A_4 = arith.constant 0 : index
    %get3A_5 = vector.load %arg3[%get3A_3, %get3A_4] : memref<2x2048xf32, #tpu.memory_space<vmem>>, vector<1x2048xf32>
    %get3A_6 = vector.shape_cast %get3A_5 : vector<1x2048xf32> to vector<2048xf32>
    %get3A_7 = arith.constant 1 : index
    %get3A_8 = arith.constant 0 : index
    %get3A_9 = vector.load %arg3[%get3A_7, %get3A_8] : memref<2x2048xf32, #tpu.memory_space<vmem>>, vector<1x2048xf32>
    %get3A_10 = vector.shape_cast %get3A_9 : vector<1x2048xf32> to vector<2048xf32>
    %add3A = arith.addf %get3A_6, %get3A_10 : vector<2048xf32>
    %max3A = arith.constant 1.000000e+00 : f32
    %max3A_11 = vector.broadcast %max3A : f32 to vector<2048xf32>
    %max3A_12 = arith.maximumf %add3A, %max3A_11 : vector<2048xf32>
    %div3A = arith.constant 1.000000e+00 : f32
    %div3A_13 = vector.broadcast %div3A : f32 to vector<2048xf32>
    %div3A_14 = arith.divf %div3A_13, %max3A_12 : vector<2048xf32>
    %broadcast_in_dim3A = vector.shape_cast %div3A_14 : vector<2048xf32> to vector<2048x1xf32>
    %slice3A = vector.extract_strided_slice %get3A_2 {offsets = [0, 0, 0], sizes = [1, 2048, 128], strides = [1, 1, 1]} : vector<2x2048x128xf32> to vector<1x2048x128xf32>
    %squeeze3A = vector.shape_cast %slice3A : vector<1x2048x128xf32> to vector<2048x128xf32>
    %slice3A_15 = vector.extract_strided_slice %get3A_2 {offsets = [1, 0, 0], sizes = [1, 2048, 128], strides = [1, 1, 1]} : vector<2x2048x128xf32> to vector<1x2048x128xf32>
    %squeeze3A_16 = vector.shape_cast %slice3A_15 : vector<1x2048x128xf32> to vector<2048x128xf32>
    %add3A_17 = arith.addf %squeeze3A, %squeeze3A_16 : vector<2048x128xf32>
    %mul3A = vector.broadcast %broadcast_in_dim3A : vector<2048x1xf32> to vector<2048x128xf32>
    %mul3A_18 = arith.mulf %add3A_17, %mul3A : vector<2048x128xf32>
    %get3A_19 = arith.constant 0 : index
    %get3A_20 = arith.constant 0 : index
    %get3A_21 = vector.load %arg4[%get3A_19, %get3A_20] : memref<40x128xf32, #tpu.memory_space<vmem>>, vector<40x128xf32>
    %dot_general3A = arith.constant dense<0.000000e+00> : vector<2048x40xf32>
    %dot_general3A_22 = tpu.matmul %mul3A_18, %get3A_21, %dot_general3A {dimension_numbers = #tpu.dot_dimension_numbers<[1], [1], [0], [0], [0, 0, 1, 0], [], []>, transpose_lhs_hint = false} : vector<2048x128xf32>, vector<40x128xf32>, vector<2048x40xf32> -> vector<2048x40xf32>
    %get3A_23 = arith.constant 0 : index
    %get3A_24 = arith.constant 0 : index
    %get3A_25 = vector.load %arg2[%get3A_23, %get3A_24] : memref<2048x40xf32, #tpu.memory_space<vmem>>, vector<2048x40xf32>
    %add3A_26 = arith.addf %dot_general3A_22, %get3A_25 : vector<2048x40xf32>
    %reduce_max3A = arith.constant dense<0xFF800000> : vector<2048xf32>
    %reduce_max3A_27 = vector.multi_reduction <maximumf>, %add3A_26, %reduce_max3A [1] : vector<2048x40xf32> to vector<2048xf32>
    %broadcast_in_dim3A_28 = vector.shape_cast %reduce_max3A_27 : vector<2048xf32> to vector<2048x1xf32>
    %sub3A = vector.broadcast %broadcast_in_dim3A_28 : vector<2048x1xf32> to vector<2048x40xf32>
    %sub3A_29 = arith.subf %add3A_26, %sub3A : vector<2048x40xf32>
    %exp3A = math.exp %sub3A_29 : vector<2048x40xf32>
    %reduce_sum3A = arith.constant dense<0.000000e+00> : vector<2048xf32>
    %reduce_sum3A_30 = vector.multi_reduction <add>, %exp3A, %reduce_sum3A [1] : vector<2048x40xf32> to vector<2048xf32>
    %broadcast_in_dim3A_31 = vector.shape_cast %reduce_sum3A_30 : vector<2048xf32> to vector<2048x1xf32>
    %log3A = math.log %broadcast_in_dim3A_31 : vector<2048x1xf32>
    %sub3A_32 = vector.broadcast %broadcast_in_dim3A_28 : vector<2048x1xf32> to vector<2048x40xf32>
    %sub3A_33 = arith.subf %add3A_26, %sub3A_32 : vector<2048x40xf32>
    %sub3A_34 = vector.broadcast %log3A : vector<2048x1xf32> to vector<2048x40xf32>
    %sub3A_35 = arith.subf %sub3A_33, %sub3A_34 : vector<2048x40xf32>
    %swap3A = arith.constant 0 : index
    %swap3A_36 = arith.constant 0 : index
    %swap3A_37 = vector.load %arg5[%swap3A, %swap3A_36] : memref<2048x40xf32, #tpu.memory_space<vmem>>, vector<2048x40xf32>
    tpu.vector_store %arg5[%swap3A, %swap3A_36], %sub3A_35 {strides = array<i32>} : memref<2048x40xf32, #tpu.memory_space<vmem>>, vector<2048x40xf32>,
    return
  }
  func.func @transform_0(%arg0: i32) -> (i32, i32, i32) {
    %c0_i32 = arith.constant 0 : i32
    %c0_i32_0 = arith.constant 0 : i32
    %c0_i32_1 = arith.constant 0 : i32
    return %c0_i32, %arg0, %c0_i32_0 : i32, i32, i32
  }
  func.func @transform_1(%arg0: i32) -> (i32, i32) {
    %c0_i32 = arith.constant 0 : i32
    %c0_i32_0 = arith.constant 0 : i32
    return %arg0, %c0_i32 : i32, i32
  }
  func.func @transform_2(%arg0: i32) -> (i32, i32) {
    %c0_i32 = arith.constant 0 : i32
    %c0_i32_0 = arith.constant 0 : i32
    return %c0_i32, %arg0 : i32, i32
  }
  func.func @transform_3(%arg0: i32) -> (i32, i32) {
    %c0_i32 = arith.constant 0 : i32
    %c0_i32_0 = arith.constant 0 : i32
    %c0_i32_1 = arith.constant 0 : i32
    return %c0_i32, %c0_i32_0 : i32, i32
  }
  func.func @transform_4(%arg0: i32) -> (i32, i32) {
    %c0_i32 = arith.constant 0 : i32
    %c0_i32_0 = arith.constant 0 : i32
    return %arg0, %c0_i32 : i32, i32
  }
}

module attributes {stable_mosaic.version = 14 : i64} {
  func.func @body(%arg0: i32, %arg1: memref<2x2048x128xf32, #tpu.memory_space<vmem>>, %arg2: memref<2048x128xf32, #tpu.memory_space<vmem>>, %arg3: memref<2x2048xf32, #tpu.memory_space<vmem>>, %arg4: memref<40x128xf32, #tpu.memory_space<vmem>>, %arg5: memref<1x40xf32, #tpu.memory_space<vmem>>, %arg6: memref<2048x128xf32, #tpu.memory_space<vmem>>, %arg7: memref<2048x40xf32, #tpu.memory_space<vmem>>) attributes {dimension_semantics = [#tpu.dimension_semantics<arbitrary>], iteration_bounds = array<i64: 5>, scalar_prefetch = 0 : i64, scratch_operands = 0 : i64, tpu.core_type = #tpu.core_type<tc>, window_params = [{transform_indices = @transform_0, window_bounds = array<i64: 2, 2048, 128>}, {transform_indices = @transform_1, window_bounds = array<i64: 2048, 128>}, {transform_indices = @transform_2, window_bounds = array<i64: 2, 2048>}, {pipeline_mode = #tpu.pipeline_mode<synchronous>, transform_indices = @transform_3, window_bounds = array<i64: 40, 128>}, {pipeline_mode = #tpu.pipeline_mode<synchronous>, transform_indices = @transform_4, window_bounds = array<i64: 1, 40>}, {transform_indices = @transform_5, window_bounds = array<i64: 2048, 128>}, {transform_indices = @transform_6, window_bounds = array<i64: 2048, 40>}]} {
    %get3A = arith.constant 0 : index
    %get3A_0 = arith.constant 0 : index
    %get3A_1 = arith.constant 0 : index
    %get3A_2 = vector.load %arg1[%get3A, %get3A_0, %get3A_1] : memref<2x2048x128xf32, #tpu.memory_space<vmem>>, vector<2x2048x128xf32>
    %get3A_3 = arith.constant 0 : index
    %get3A_4 = arith.constant 0 : index
    %get3A_5 = vector.load %arg3[%get3A_3, %get3A_4] : memref<2x2048xf32, #tpu.memory_space<vmem>>, vector<1x2048xf32>
    %get3A_6 = vector.shape_cast %get3A_5 : vector<1x2048xf32> to vector<2048xf32>
    %get3A_7 = arith.constant 1 : index
    %get3A_8 = arith.constant 0 : index
    %get3A_9 = vector.load %arg3[%get3A_7, %get3A_8] : memref<2x2048xf32, #tpu.memory_space<vmem>>, vector<1x2048xf32>
    %get3A_10 = vector.shape_cast %get3A_9 : vector<1x2048xf32> to vector<2048xf32>
    %add3A = arith.addf %get3A_6, %get3A_10 : vector<2048xf32>
    %max3A = arith.constant 1.000000e+00 : f32
    %max3A_11 = vector.broadcast %max3A : f32 to vector<2048xf32>
    %max3A_12 = arith.maximumf %add3A, %max3A_11 : vector<2048xf32>
    %div3A = arith.constant 1.000000e+00 : f32
    %div3A_13 = vector.broadcast %div3A : f32 to vector<2048xf32>
    %div3A_14 = arith.divf %div3A_13, %max3A_12 : vector<2048xf32>
    %broadcast_in_dim3A = vector.shape_cast %div3A_14 : vector<2048xf32> to vector<2048x1xf32>
    %slice3A = vector.extract_strided_slice %get3A_2 {offsets = [0, 0, 0], sizes = [1, 2048, 128], strides = [1, 1, 1]} : vector<2x2048x128xf32> to vector<1x2048x128xf32>
    %squeeze3A = vector.shape_cast %slice3A : vector<1x2048x128xf32> to vector<2048x128xf32>
    %slice3A_15 = vector.extract_strided_slice %get3A_2 {offsets = [1, 0, 0], sizes = [1, 2048, 128], strides = [1, 1, 1]} : vector<2x2048x128xf32> to vector<1x2048x128xf32>
    %squeeze3A_16 = vector.shape_cast %slice3A_15 : vector<1x2048x128xf32> to vector<2048x128xf32>
    %add3A_17 = arith.addf %squeeze3A, %squeeze3A_16 : vector<2048x128xf32>
    %mul3A = vector.broadcast %broadcast_in_dim3A : vector<2048x1xf32> to vector<2048x128xf32>
    %mul3A_18 = arith.mulf %add3A_17, %mul3A : vector<2048x128xf32>
    %get3A_19 = arith.constant 0 : index
    %get3A_20 = arith.constant 0 : index
    %get3A_21 = vector.load %arg2[%get3A_19, %get3A_20] : memref<2048x128xf32, #tpu.memory_space<vmem>>, vector<2048x128xf32>
    %add3A_22 = arith.addf %mul3A_18, %get3A_21 : vector<2048x128xf32>
    %max3A_23 = arith.constant 0.000000e+00 : f32
    %max3A_24 = vector.broadcast %max3A_23 : f32 to vector<2048x128xf32>
    %max3A_25 = arith.maximumf %add3A_22, %max3A_24 : vector<2048x128xf32>
    %swap3A = arith.constant 0 : index
    %swap3A_26 = arith.constant 0 : index
    %swap3A_27 = vector.load %arg6[%swap3A, %swap3A_26] : memref<2048x128xf32, #tpu.memory_space<vmem>>, vector<2048x128xf32>
    tpu.vector_store %arg6[%swap3A, %swap3A_26], %max3A_25 {strides = array<i32>} : memref<2048x128xf32, #tpu.memory_space<vmem>>, vector<2048x128xf32>,
    %get3A_28 = arith.constant 0 : index
    %get3A_29 = arith.constant 0 : index
    %get3A_30 = vector.load %arg4[%get3A_28, %get3A_29] : memref<40x128xf32, #tpu.memory_space<vmem>>, vector<40x128xf32>
    %dot_general3A = arith.constant dense<0.000000e+00> : vector<2048x40xf32>
    %dot_general3A_31 = tpu.matmul %max3A_25, %get3A_30, %dot_general3A {dimension_numbers = #tpu.dot_dimension_numbers<[1], [1], [0], [0], [0, 0, 1, 0], [], []>, transpose_lhs_hint = false} : vector<2048x128xf32>, vector<40x128xf32>, vector<2048x40xf32> -> vector<2048x40xf32>
    %get3A_32 = arith.constant 0 : index
    %get3A_33 = arith.constant 0 : index
    %get3A_34 = vector.load %arg5[%get3A_32, %get3A_33] : memref<1x40xf32, #tpu.memory_space<vmem>>, vector<1x40xf32>
    %add3A_35 = vector.broadcast %get3A_34 : vector<1x40xf32> to vector<2048x40xf32>
    %add3A_36 = arith.addf %dot_general3A_31, %add3A_35 : vector<2048x40xf32>
    %swap3A_37 = arith.constant 0 : index
    %swap3A_38 = arith.constant 0 : index
    %swap3A_39 = vector.load %arg7[%swap3A_37, %swap3A_38] : memref<2048x40xf32, #tpu.memory_space<vmem>>, vector<2048x40xf32>
    tpu.vector_store %arg7[%swap3A_37, %swap3A_38], %add3A_36 {strides = array<i32>} : memref<2048x40xf32, #tpu.memory_space<vmem>>, vector<2048x40xf32>,
    return
  }
  func.func @transform_0(%arg0: i32) -> (i32, i32, i32) {
    %c0_i32 = arith.constant 0 : i32
    %c0_i32_0 = arith.constant 0 : i32
    %c0_i32_1 = arith.constant 0 : i32
    return %c0_i32, %arg0, %c0_i32_0 : i32, i32, i32
  }
  func.func @transform_1(%arg0: i32) -> (i32, i32) {
    %c0_i32 = arith.constant 0 : i32
    %c0_i32_0 = arith.constant 0 : i32
    return %arg0, %c0_i32 : i32, i32
  }
  func.func @transform_2(%arg0: i32) -> (i32, i32) {
    %c0_i32 = arith.constant 0 : i32
    %c0_i32_0 = arith.constant 0 : i32
    return %c0_i32, %arg0 : i32, i32
  }
  func.func @transform_3(%arg0: i32) -> (i32, i32) {
    %c0_i32 = arith.constant 0 : i32
    %c0_i32_0 = arith.constant 0 : i32
    %c0_i32_1 = arith.constant 0 : i32
    return %c0_i32, %c0_i32_0 : i32, i32
  }
  func.func @transform_4(%arg0: i32) -> (i32, i32) {
    %c0_i32 = arith.constant 0 : i32
    %c0_i32_0 = arith.constant 0 : i32
    %c0_i32_1 = arith.constant 0 : i32
    return %c0_i32, %c0_i32_0 : i32, i32
  }
  func.func @transform_5(%arg0: i32) -> (i32, i32) {
    %c0_i32 = arith.constant 0 : i32
    %c0_i32_0 = arith.constant 0 : i32
    return %arg0, %c0_i32 : i32, i32
  }
  func.func @transform_6(%arg0: i32) -> (i32, i32) {
    %c0_i32 = arith.constant 0 : i32
    %c0_i32_0 = arith.constant 0 : i32
    return %arg0, %c0_i32 : i32, i32
  }
}

</mosaic_0001>

<sc_bundles>
// kernel: kernel.12.cloned.1.call-start
scs
__scs_entry_jumppad:
0x0: {  	(pc) =	sbr.rel $0x88, $3  }
0x1: {  	(tag) =	ssettag $0x0;
	lr =	simm.s32 $0x1  }
0x2: {  	[smem:$0x3F96] =	sst lr;
	_ =	strace $0xD0000000  }
0x3: {  	_ = 	snop  }
0x4: {  	_ = 	snop  }
0x5: {  	_ = 	snop  }
0x6: {  	_ = 	snop  }
0x7: {  	_ = 	snop  }
__scs_overlays_trampoline_lowered:
0x8: {  	[smem:$0x3FA5] =	sst s0  }
0x9: {  	[smem:$0x3FA6] =	sst s1  }
0xa: {  	[smem:$0x3FA7] =	sst s2  }
0xb: {  	[smem:$0x3FA8] =	sst s3  }
0xc: {  	[smem:$0x3FA9] =	sst s4  }
0xd: {  	[smem:$0x3FAA] =	sst s5  }
0xe: {  	[smem:$0x3FAB] =	sst s6  }
0xf: {  	[smem:$0x3FAC] =	sst s7  }
0x10: {  	[smem:$0x3FAD] =	sst s8  }
0x11: {  	[smem:$0x3FAE] =	sst s9;
	s0 =	simm.s32 @!p0 $0x0  }
0x12: {  	s1 =	sld [smem:$0x3F94];
	s0 =	simm.s32 @p0 $0x1  }
0x13: {  	[smem:$0x3FAF] =	sst s0;
	s0 =	simm.s32 @!p1 $0x0  }
0x14: {  	s2 =	sld [smem:$0x3F93];
	s0 =	simm.s32 @p1 $0x1  }
0x15: {  	[smem:$0x3FB0] =	sst s0;
	s0 =	simm.s32 @!p2 $0x0  }
0x16: {  	s3 =	sld [smem:$0x3FDB];
	s0 =	simm.s32 @p2 $0x1  }
0x17: {  	s4 =	simm.s32 $0x1BF5;
	[smem:$0x3FB2] =	sst s0  }
0x18: {  	s0 =	sld [smem:$0x3F95];
	_ =	swait.ge [sflag:s4], $0x0  }
0x19: {  	s7 =	sld [smem:$0x3F96]  }
0x1a: {  	s8 =	sadd.s32 $0xFFFFE003, lr  }
0x1b: {  	s9 =	sadd.s32 $0xFFFFFEF7, lr;
	s5 =	simm.s32 $0xFFFFFFFF;
	p2 =	slt.u32 s8, $0xFFFFF086  }
0x1c: {  	p1 =	slt.u32 s9, $0xF7A;
	s5 =	simm.s32 @!p2 $0x0  }
0x1d: {  	s5 =	simm.s32 @p1 $0x1;
	p0 =	seq.s32 s7, s2  }
0x1e: {  	s7 =	smul.u32 @!p0 $0xF7A, s2;
	p2 =	seq.s32 @!p0 s5, $0x0  }
0x1f: {  	s9 =	smul.u32 $0xF7A, s1;
	s8 =	simm.s32 @!p0 $0x1BF5;
	p2 =	por !p2, p0  }
0x20: {  	[sflag:s8] =	ssyncset.s32 @!p0 $0xFFFFF086;
	s6 =	sadd.s32 @!p0 s3, s7;
	s7 =	simm.s32 @!p0 $0x108  }
0x21: {  	s3 =	sadd.s32 s3, s9;
	s6 =	sadd.s32 @!p0 $0x88, s6;
	s7 =	simm.s32 @p2 $0x1082  }
0x22: {  	[simem:s7], [sflag:s8] =	dma.local @!p0 [hbm:s6], $0xF7A  }
0x23: {  	s9 =	sor.u32 $0xD0000000, s2;
	s6 =	simm.s32 $0x108;
	_ =	swait.ge @!p0 [sflag:s8], $0x0  }
0x24: {  	s3 =	sadd.s32 $0x88, s3;
	s6 =	simm.s32 @!p1 $0x1082;
	[sflag:s4] =	ssyncset.s32 $0xFFFFF086  }
0x25: {  	[simem:s6], [sflag:s4] =	dma.local [hbm:s3], $0xF7A  }
0x26: {  	[smem:$0x3F96] =	sst s1;
	(tag) =	ssettag s2;
	_ =	strace s9  }
0x27: {  	s1 =	sld [smem:$0x3FA6]  }
0x28: {  	s2 =	sld [smem:$0x3FA7]  }
0x29: {  	s4 =	sld [smem:$0x3FA9]  }
0x2a: {  	p0 =	seq.s32 s5, $0x0;
	s5 =	sld [smem:$0x3FAA]  }
0x2b: {  	s6 =	sld [smem:$0x3FAB]  }
0x2c: {  	s7 =	sld [smem:$0x3FAC]  }
0x2d: {  	s3 =	simm.s32 $0x108;
	s8 =	sld [smem:$0x3FAD]  }
0x2e: {  	s3 =	simm.s32 @!p0 $0x1082;
	s9 =	sld [smem:$0x3FAE]  }
0x2f: {  	lr =	sadd.s32 s0, s3;
	s0 =	sld [smem:$0x3FA5]  }
0x30: {  	s3 =	sld [smem:$0x3FA8]  }
0x31: {  	[smem:$0x3FB1] =	sst s10  }
0x32: {  	s10 =	sld [smem:$0x3FAF];
	_ =	sdelay $0x3  }
0x33: {  	p0 =	seq.s32 s10, $0x1;
	s10 =	sld [smem:$0x3FB1];
	_ =	sdelay $0x3  }
0x34: {  	[smem:$0x3FB1] =	sst s10  }
0x35: {  	s10 =	sld [smem:$0x3FB0];
	_ =	sdelay $0x3  }
0x36: {  	p1 =	seq.s32 s10, $0x1;
	s10 =	sld [smem:$0x3FB1];
	_ =	sdelay $0x3  }
0x37: {  	[smem:$0x3FB1] =	sst s10  }
0x38: {  	s10 =	sld [smem:$0x3FB2]  }
0x39: {  	_ = 	snop;
	(pc) =	sbr.ind lr, $3  }
0x3a: {  	_ = 	snop  }
0x3b: {  	_ = 	snop  }
0x3c: {  	p2 =	seq.s32 s10, $0x1;
	s10 =	sld [smem:$0x3FB1]  }
0x3d: {  	_ =	shalt  }
0x3e: {  	_ =	shalt  }
0x3f: {  	_ =	shalt  }
0x40: {  	_ =	shalt  }
0x41: {  	_ =	shalt  }
0x42: {  	_ =	shalt  }
0x43: {  	_ =	shalt  }
0x44: {  	_ =	shalt  }
0x45: {  	_ =	shalt  }
0x46: {  	_ =	shalt  }
0x47: {  	_ =	shalt  }
0x48: {  	_ =	shalt  }
0x49: {  	_ =	shalt  }
0x4a: {  	_ =	shalt  }
0x4b: {  	_ =	shalt  }
0x4c: {  	_ =	shalt  }
0x4d: {  	_ =	shalt  }
0x4e: {  	_ =	shalt  }
0x4f: {  	_ =	shalt  }
0x50: {  	_ =	shalt  }
0x51: {  	_ =	shalt  }
0x52: {  	_ =	shalt  }
0x53: {  	_ =	shalt  }
0x54: {  	_ =	shalt  }
0x55: {  	_ =	shalt  }
0x56: {  	_ =	shalt  }
0x57: {  	_ =	shalt  }
0x58: {  	_ =	shalt  }
0x59: {  	_ =	shalt  }
0x5a: {  	_ =	shalt  }
0x5b: {  	_ =	shalt  }
0x5c: {  	_ =	shalt  }
0x5d: {  	_ =	shalt  }
0x5e: {  	_ =	shalt  }
0x5f: {  	_ =	shalt  }
0x60: {  	_ =	shalt  }
0x61: {  	_ =	shalt  }
0x62: {  	_ =	shalt  }
0x63: {  	_ =	shalt  }
0x64: {  	_ =	shalt  }
0x65: {  	_ =	shalt  }
0x66: {  	_ =	shalt  }
0x67: {  	_ =	shalt  }
0x68: {  	_ =	shalt  }
0x69: {  	_ =	shalt  }
0x6a: {  	_ =	shalt  }
0x6b: {  	_ =	shalt  }
0x6c: {  	_ =	shalt  }
0x6d: {  	_ =	shalt  }
0x6e: {  	_ =	shalt  }
0x6f: {  	_ =	shalt  }
0x70: {  	_ =	shalt  }
0x71: {  	_ =	shalt  }
0x72: {  	_ =	shalt  }
0x73: {  	_ =	shalt  }
0x74: {  	_ =	shalt  }
0x75: {  	_ =	shalt  }
0x76: {  	_ =	shalt  }
0x77: {  	_ =	shalt  }
0x78: {  	_ =	shalt  }
0x79: {  	_ =	shalt  }
0x7a: {  	_ =	shalt  }
0x7b: {  	_ =	shalt  }
0x7c: {  	_ =	shalt  }
0x7d: {  	_ =	shalt  }
0x7e: {  	_ =	shalt  }
0x7f: {  	_ =	shalt  }
0x80: {  	_ =	shalt  }
0x81: {  	_ =	shalt  }
0x82: {  	_ =	shalt  }
0x83: {  	_ =	shalt  }
0x84: {  	_ =	shalt  }
0x85: {  	_ =	shalt  }
0x86: {  	_ =	shalt  }
0x87: {  	_ =	shalt  }
.Lfunc_end0:
.L_simem_size_0:
called_computation.1_lowered:
.L_overlay_start_0:
0x88: {  	s2 =	sld [smem:$0x3FD9]  }
0x89: {  	s3 =	sld [smem:$0x3FFE];
	_ =	sdelay $0x1  }
0x8a: {  	s1 =	srdreg.scid  }
0x8b: {  	s0 =	sand.u32 $0x1, s1  }
0x8c: {  	s17 =	sshll.u32 s0, $0xA;
	s2 =	sadd.s32 s3, s2  }
0x8d: {  	s2 =	sadd.s32 s2, s17  }
0x8e: {  	[smem:$0x3FBD] =	sst s2  }
0x8f: {  	_ = 	snop  }
0x90: {  	s2 =	sld [smem:$0x3FD0];
	(tm) =	ssettm $0x1  }
0x91: {  	s18 =	sld [smem:$0x3FFB];
	_ =	sdelay $0x3  }
0x92: {  	_ =	strace s18  }
0x93: {  	s3 =	sld [smem:$0x3FFC];
	_ =	sdelay $0x3  }
0x94: {  	_ =	strace s3  }
0x95: {  	s3 =	sld [smem:$0x3FFD];
	_ =	sdelay $0x3  }
0x96: {  	_ =	strace s3  }
0x97: {  	_ =	strace $0x8FFFFFFF  }
0x98: {  	s19 =	sld [smem:$0x3FDB];
	_ =	sdelay $0x1  }
0x99: {  	s4 =	simm.s32 $_scs_section_size  }
0x9a: {  	s5 =	simm.s32 $_size__tile_overlayer_lowered;
	s6 =	simm.s32 $_tile_overlayer_lowered  }
0x9b: {  	s22 =	simm.s32 $0x1BFF;
	s21 =	sshll.u32 s6, $0x1;
	s3 =	sadd.s32 s4, s19  }
0x9c: {  	s7 =	simm.s32 $0x0;
	s20 =	sshll.u32 s5, $0x1;
	s5 =	sadd.s32 s21, s3  }
0x9d: {  	[timem:s7], [sflag:s22] =	dma.local [hbm:s5], s20  }
0x9e: {  	_ =	swait.ge [sflag:s22], s20  }
0x9f: {  	s4 =	ssub.s32 $0x0, s20;
	[sflag:s22] =	ssyncset.done $0x0  }
0xa0: {  	[sflag:s22] =	ssyncadd.s32 s4;
	_ =	sdelay $0x1  }
0xa1: {  	s23 =	simm.s32 $0x1B8B  }
0xa2: {  	_ =	swait.ge [sflag:s23], $0x1  }
0xa3: {  	[sflag:s23] =	ssyncset.done $0x0  }
0xa4: {  	s25 =	simm.s32 $0x1B8E;
	s24 =	sld [smem:$0x3FFE];
	[sflag:s23] =	ssyncadd.s32 $0xFFFFFFFF  }
0xa5: {  	s26 =	simm.s32 $execute0_lowered;
	[smem:$0x3FD2] =	sst s25  }
0xa6: {  	s5 =	sshll.u32 s26, $0x1;
	_ =	strace $0x80000049;
	[dreg:$0x1] =	wrdreg $0xFFFFFFFF  }
0xa7: {  	s28 =	simm.s32 $_size_execute0_lowered;
	s3 =	sadd.s32 s3, s5;
	[dreg:$0x0] =	wrdreg $0x0  }
0xa8: {  	s5 =	sshll.u32 s28, $0x1;
	[dreg:$0x2] =	wrdreg s3  }
0xa9: {  	[dreg:$0x3] =	wrdreg s5  }
0xaa: {  	[dreg:$0x4] =	wrdreg $0xC0  }
0xab: {  	_ =	task [dreg:s7], $0x5FFFF  }
0xac: {  	[dreg:$0x1] =	wrdreg $0xFFFFFFFF  }
0xad: {  	[dreg:$0x0] =	wrdreg $0x60  }
0xae: {  	[dreg:$0x2] =	wrdreg s24  }
0xaf: {  	[dreg:$0x3] =	wrdreg s2  }
0xb0: {  	[dreg:$0x4] =	wrdreg $0x0  }
0xb1: {  	[dreg:$0x5] =	wrdreg $0x9  }
0xb2: {  	_ =	task.clear_ibuf [dreg:s7], $0x6FFFF;
	_ =	strace $0x90000049  }
0xb3: {  	s29 =	simm.s32 $0x9;
	_ =	strace $0x8000004B  }
0xb4: {  	_ =	swait.ge [sflag:s29], $0x1  }
0xb5: {  	[sflag:s29] =	ssyncadd.s32 $0xFFFFFFFF  }
0xb6: {  	_ =	strace $0x9000004B  }
0xb7: {  	_ =	sfence  }
0xb8: {  	s30 =	sld [smem:$0x0];
	_ =	sdelay $0x2  }
0xb9: {  	s31 =	sshll.u32 s1, $0xD;
	s1 =	sshrl.u32 s1, $0x2  }
0xba: {  	s3 =	sand.u32 $0x4000, s31;
	s1 =	sadd.s32 s1, s30  }
0xbb: {  	s0 =	sor.u32 s3, s0;
	s1 =	sshll.u32 s1, $0x11  }
0xbc: {  	s0 =	sor.u32 s1, s0  }
0xbd: {  	s0 =	sadd.s32 $0x8F2B, s0  }
0xbe: {  	[sflag:s0] =	ssyncadd.remote.s32 $0x1  }
0xbf: {  	_ =	sfence.sel $0xFFFF  }
0xc0: {  	[dreg:$0x0] =	wrdreg $0xFFFFFFFF;
	(pc) =	sbr.abs _section_cstart, $3  }
0xc1: {  	[dreg:$0x1] =	wrdreg $0xFFFFFFFF  }
0xc2: {  	_ =	task.clear_ibuf [dreg:s7], $0x2FFFF;
	_ =	strace $0x9FFFFFFF  }
0xc3: {  	(tm) =	ssettm $0x7FFFFFFF  }
tec
execute0_lowered:
.L_overlay_start_1:
0x0: {  	(tag) =	ssettag $0x1  }
0x1: {  	s0 =	rddreg [dreg:$0x0]  }
0x2: {  	s1 =	rddreg [dreg:$0x1]  }
0x3: {  	s2 =	rddreg [dreg:$0x2];
	s3 =	simm.s32 $0x0  }
0x4: {  	s4 =	srdreg.scid;
	s14 =	stileid.u32;
	s28 =	simm.s32 $0x50  }
0x5: {  	s29 =	simm.s32 $0x13C80;
	s30 =	simm.s32 $0x13900;
	s31 =	simm.s32 $0x13B00  }
0x6: {  	[smem:$0x7FF] =	sst s3;
	s5 =	sadd.s32 $0xD800, s0;
	s4 =	sand.u32 $0x1, s4  }
0x7: {  	s6 =	sadd.s32 $0x3A00, s0;
	s10 =	smul.u32 $0x4E000, s14;
	s12 =	sadd.s32 $0x35000, s0  }
0x8: {  	s0 =	sadd.s32 $0x37800, s0;
	s15 =	sadd.s32 $0x124800, s2;
	s25 =	smul.u32 $0x13800, s14  }
0x9: {  	p0 =	seq.s32 s14, $0xF;
	_ =	strace $0x8000004A;
	[dreg:$0xa] =	wrdreg s12  }
0xa: {  	s7 =	sshll.u32 s4, $0x4;
	s8 =	ssub.s32 $0x2, s4;
	[dreg:$0xc] =	wrdreg s15  }
0xb: {  	s18 =	smul.u32 $0x27100, s4;
	s9 =	sor.u32 s14, s7;
	s10 =	sshrl.u32 s10, $0x2  }
0xc: {  	s11 =	sshrl.u32 s8, $0x1;
	s9 =	smul.u32 $0x2710, s9;
	s13 =	sadd.s32 s10, s2  }
0xd: {  	s4 =	smul.u32 $0x138800, s4;
	s8 =	ssub.s32 s8, s11;
	[dreg:$0xb] =	wrdreg s13  }
0xe: {  	s13 =	smul.u32 $0x2710, s14;
	s14 =	simm.s32 $0x1B480;
	s9 =	sshrl.u32 s9, $0x3  }
0xf: {  	s16 =	sadd.s32 s1, s9;
	s17 =	sadd.s32 s6, s9;
	s19 =	sadd.s32 $0xA, s9  }
0x10: {  	s12 =	sadd.s32 $0x14, s9;
	s10 =	sadd.s32 s13, s18;
	[dreg:$0xd] =	wrdreg s16  }
0x11: {  	s24 =	sadd.s32 $0x1E, s9;
	[dreg:$0xe] =	wrdreg s17;
	s20 =	sadd.s32 s1, s19  }
0x12: {  	s9 =	sadd.s32 $0x4D8, s9;
	s21 =	sadd.s32 s6, s19;
	[dreg:$0xf] =	wrdreg s20  }
0x13: {  	s22 =	sadd.s32 s1, s12;
	s23 =	sadd.s32 s6, s12;
	[dreg:$0x10] =	wrdreg s21  }
0x14: {  	s13 =	sadd.s32 $0x230, s10;
	s26 =	sadd.s32 s1, s24;
	[dreg:$0x11] =	wrdreg s22  }
0x15: {  	s11 =	sadd.s32 s6, s24;
	s12 =	sadd.s32 s25, s4;
	[dreg:$0x12] =	wrdreg s23  }
0x16: {  	s16 =	sadd.s32 $0x1E0, s10;
	s4 =	sshrl.u32 s4, $0x3;
	[dreg:$0x13] =	wrdreg s26  }
0x17: {  	[dreg:$0x14] =	wrdreg s11;
	s15 =	sshrl.u32 s13, $0x3;
	s12 =	sshrl.u32 s12, $0x3  }
0x18: {  	s18 =	sshrl.u32 s16, $0x3;
	s20 =	sadd.s32 $0x190, s10;
	s21 =	sadd.s32 s1, s9  }
0x19: {  	s23 =	sadd.s32 s6, s9;
	s26 =	smax.u32 s8, $0x1;
	[dreg:$0x16] =	wrdreg s21  }
0x1a: {  	s8 =	simm.s32 $0x13B80;
	s9 =	simm.s32 $0x1;
	[dreg:$0x17] =	wrdreg s23  }
0x1b: {  	s13 =	sadd.s32 s15, s6;
	s17 =	sadd.s32 s0, s12;
	[dreg:$0x19] =	wrdreg s26  }
0x1c: {  	s11 =	sadd.s32 s15, s1;
	s19 =	sadd.s32 s18, s6;
	[dreg:$0x4] =	wrdreg s13  }
0x1d: {  	s0 =	sadd.s32 s0, s4;
	s22 =	sadd.s32 s18, s1;
	[dreg:$0x15] =	wrdreg s17  }
0x1e: {  	s4 =	sshrl.u32 s20, $0x3;
	s23 =	sadd.s32 $0x140, s10;
	[dreg:$0x5] =	wrdreg s11  }
0x1f: {  	s26 =	simm.s32 $0x2;
	s10 =	simm.s32 $0x18C80;
	[dreg:$0x6] =	wrdreg s19  }
0x20: {  	s12 =	simm.s32 $0x13C00;
	[dreg:$0x7] =	wrdreg s22;
	s0 =	sadd.s32 $0x24900, s0  }
0x21: {  	s15 =	simm.s32 $0x0;
	s24 =	sadd.s32 s4, s6;
	[dreg:$0x18] =	wrdreg s0  }
0x22: {  	s25 =	sadd.s32 s4, s1;
	s4 =	simm.s32 $0x13980;
	[dreg:$0x8] =	wrdreg s24  }
0x23: {  	s11 =	simm.s32 $0x13A00;
	s13 =	simm.s32 $0x3;
	[dreg:$0x9] =	wrdreg s25  }
0x24: {  	s24 =	simm.s32 $0x13880;
	s25 =	simm.s32 $0x13A80;
	s0 =	simm.s32 $0x16480  }
.LBB2_1:
0x25: {  	s7 =	rddreg [dreg:$0xc]  }
0x26: {  	s17 =	simm.s32 @p0 $0x1FC4;
	s19 =	rddreg [dreg:$0xa];
	s16 =	sshrl.u32 @p0 s7, $0x3  }
0x27: {  	[spmem:s16], [sflag:s17] =	dma.local @p0 [hbm:s19], $0x2800  }
0x28: {  	s17 =	simm.s32 @p0 $0x4  }
0x29: {  	s7 =	stileid.u32;
	_ =	swait.ge @p0 [sflag:s17], $0x2800  }
0x2a: {  	s18 =	sshll.u32 @!p0 s7, $0x6;
	[sflag:s17] =	ssyncset.done @p0 $0x0;
	s7 =	rddreg [dreg:$0xb]  }
0x2b: {  	[sflag:s17] =	ssyncadd.s32 @p0 $0xFFFFD800;
	s17 =	sor.u32 @!p0 $0x1C04, s18;
	s18 =	sshrl.u32 @!p0 s7, $0x3  }
0x2c: {  	[spmem:s18], [sflag:s17] =	dma.local @!p0 [hbm:s19], $0x2700  }
0x2d: {  	s19 =	simm.s32 @!p0 $0x4  }
0x2e: {  	_ =	swait.ge @!p0 [sflag:s19], $0x2700  }
0x2f: {  	[sflag:s19] =	ssyncset.done @!p0 $0x0  }
0x30: {  	[sflag:s19] =	ssyncadd.s32 @!p0 $0xFFFFD900  }
0x31: {  	[bflag:$0x0] =	sbarrier.arrive $0xFFFF  }
0x32: {  	s21 =	rddreg [dreg:$0xd]  }
0x33: {  	[tilespmem:s24], [sflag:$0x2] =	stream.linear.gather [hbm4b:s21+s3], $0x50, $0x38;
	[tilespmem:$0x1DC80] =	vst v63  }
0x34: {  	s22 =	rddreg [dreg:$0xe]  }
0x35: {  	[tilespmem:s25], [sflag:$0x2] =	stream.linear.gather [hbm4b:s22+s3], $0x50, $0x38;
	[tilespmem:$0x1DC80] =	vst v63  }
0x36: {  	_ =	swait.ge [sflag:s26], $0x50  }
0x37: {  	[sflag:s26] =	ssyncset.done $0x0  }
0x38: {  	[sflag:s26] =	ssyncadd.s32 $0xFFFFFFB0  }
0x39: {  	_ =	swait.ge [sflag:s26], $0x50  }
0x3a: {  	[sflag:s26] =	ssyncset.done $0x0  }
0x3b: {  	[sflag:s26] =	ssyncadd.s32 $0xFFFFFFB0  }
0x3c: {  	[tilespmem:s29], [sflag:$0x1] =	stream.indirect.gather [hbm4b:s5+s28], $0x80, s24, s28, $0xb8;
	[tilespmem:$0x1DC80] =	vst v63  }
0x3d: {  	s19 =	rddreg [dreg:$0xf]  }
0x3e: {  	[tilespmem:s30], [sflag:$0x2] =	stream.linear.gather [hbm4b:s19+s3], $0x50, $0x38;
	[tilespmem:$0x1DC80] =	vst v63  }
0x3f: {  	s20 =	rddreg [dreg:$0x10]  }
0x40: {  	[tilespmem:s31], [sflag:$0x2] =	stream.linear.gather [hbm4b:s20+s3], $0x50, $0x38;
	[tilespmem:$0x1DC80] =	vst v63  }
0x41: {  	_ =	swait.ge [sflag:s26], $0x50  }
0x42: {  	[sflag:s26] =	ssyncset.done $0x0  }
0x43: {  	[sflag:s26] =	ssyncadd.s32 $0xFFFFFFB0  }
0x44: {  	_ =	swait.ge [sflag:s26], $0x50  }
0x45: {  	[sflag:s26] =	ssyncset.done $0x0  }
0x46: {  	[sflag:s26] =	ssyncadd.s32 $0xFFFFFFB0  }
0x47: {  	[tilespmem:s0], [sflag:$0x1] =	stream.indirect.gather [hbm4b:s5+s28], $0x80, s30, s28, $0xb8;
	[tilespmem:$0x1DC80] =	vst v63  }
0x48: {  	s21 =	rddreg [dreg:$0x11]  }
0x49: {  	[tilespmem:s4], [sflag:$0x2] =	stream.linear.gather [hbm4b:s21+s3], $0x50, $0x38;
	[tilespmem:$0x1DC80] =	vst v63  }
0x4a: {  	s22 =	rddreg [dreg:$0x12]  }
0x4b: {  	[tilespmem:s8], [sflag:$0x2] =	stream.linear.gather [hbm4b:s22+s3], $0x50, $0x38;
	[tilespmem:$0x1DC80] =	vst v63  }
0x4c: {  	_ =	swait.ge [sflag:s9], $0x2800  }
0x4d: {  	[sflag:s9] =	ssyncset.done $0x0  }
0x4e: {  	[sflag:s9] =	ssyncadd.s32 $0xFFFFD800  }
0x4f: {  	_ =	swait.ge [sflag:s26], $0x50  }
0x50: {  	[sflag:s26] =	ssyncset.done $0x0  }
0x51: {  	[sflag:s26] =	ssyncadd.s32 $0xFFFFFFB0  }
0x52: {  	_ =	swait.ge [sflag:s26], $0x50  }
0x53: {  	[sflag:s26] =	ssyncset.done $0x0  }
0x54: {  	[sflag:s26] =	ssyncadd.s32 $0xFFFFFFB0  }
0x55: {  	[tilespmem:s10], [sflag:$0x1] =	stream.indirect.gather [hbm4b:s5+s28], $0x80, s4, s28, $0xb8;
	[tilespmem:$0x1DC80] =	vst v63  }
0x56: {  	_ = 	snop  }
0x57: {  	[spmem:s2] =	stream.indirect.scatter.add.f32 [tilespmem:s29], [sflag:$0x3], $0x80, s25, s28, $0xb8;
	[tilespmem:$0x1DC80] =	vst v63  }
0x58: {  	s19 =	rddreg [dreg:$0x13]  }
0x59: {  	[tilespmem:s11], [sflag:$0x2] =	stream.linear.gather [hbm4b:s19+s3], $0x50, $0x38;
	[tilespmem:$0x1DC80] =	vst v63  }
0x5a: {  	s20 =	rddreg [dreg:$0x14]  }
0x5b: {  	[tilespmem:s12], [sflag:$0x2] =	stream.linear.gather [hbm4b:s20+s3], $0x50, $0x38;
	[tilespmem:$0x1DC80] =	vst v63  }
0x5c: {  	_ =	swait.ge [sflag:s9], $0x2800  }
0x5d: {  	[sflag:s9] =	ssyncset.done $0x0  }
0x5e: {  	[sflag:s9] =	ssyncadd.s32 $0xFFFFD800  }
0x5f: {  	_ =	swait.ge [sflag:s26], $0x50  }
0x60: {  	[sflag:s26] =	ssyncset.done $0x0  }
0x61: {  	[sflag:s26] =	ssyncadd.s32 $0xFFFFFFB0  }
0x62: {  	_ =	swait.ge [sflag:s26], $0x50  }
0x63: {  	[sflag:s26] =	ssyncset.done $0x0  }
0x64: {  	[sflag:s26] =	ssyncadd.s32 $0xFFFFFFB0  }
0x65: {  	_ =	swait.ge [sflag:s13], $0x2800  }
0x66: {  	[sflag:s13] =	ssyncset.done $0x0  }
0x67: {  	[sflag:s13] =	ssyncadd.s32 $0xFFFFD800  }
0x68: {  	[tilespmem:s14], [sflag:$0x1] =	stream.indirect.gather [hbm4b:s5+s28], $0x80, s11, s28, $0xb8;
	[tilespmem:$0x1DC80] =	vst v63  }
0x69: {  	s21 =	sshrl.u32 s23, $0x3  }
0x6a: {  	[spmem:s2] =	stream.indirect.scatter.add.f32 [tilespmem:s0], [sflag:$0x3], $0x80, s31, s28, $0xb8;
	[tilespmem:$0x1DC80] =	vst v63  }
0x6b: {  	s20 =	sadd.s32 s1, s21  }
0x6c: {  	[tilespmem:s24], [sflag:$0x2] =	stream.linear.gather [hbm4b:s20+s3], $0x50, $0x38;
	[tilespmem:$0x1DC80] =	vst v63  }
0x6d: {  	s19 =	sadd.s32 s6, s21  }
0x6e: {  	[tilespmem:s25], [sflag:$0x2] =	stream.linear.gather [hbm4b:s19+s3], $0x50, $0x38;
	[tilespmem:$0x1DC80] =	vst v63  }
0x6f: {  	_ =	swait.ge [sflag:s9], $0x2800  }
0x70: {  	[sflag:s9] =	ssyncset.done $0x0  }
0x71: {  	[sflag:s9] =	ssyncadd.s32 $0xFFFFD800  }
0x72: {  	_ =	swait.ge [sflag:s26], $0x50  }
0x73: {  	[sflag:s26] =	ssyncset.done $0x0  }
0x74: {  	[sflag:s26] =	ssyncadd.s32 $0xFFFFFFB0  }
0x75: {  	_ =	swait.ge [sflag:s26], $0x50  }
0x76: {  	[sflag:s26] =	ssyncset.done $0x0  }
0x77: {  	[sflag:s26] =	ssyncadd.s32 $0xFFFFFFB0  }
0x78: {  	_ =	swait.ge [sflag:s13], $0x2800  }
0x79: {  	[sflag:s13] =	ssyncset.done $0x0  }
0x7a: {  	[sflag:s13] =	ssyncadd.s32 $0xFFFFD800  }
0x7b: {  	[tilespmem:s29], [sflag:$0x1] =	stream.indirect.gather [hbm4b:s5+s28], $0x80, s24, s28, $0xb8;
	[tilespmem:$0x1DC80] =	vst v63  }
0x7c: {  	s22 =	rddreg [dreg:$0x9]  }
0x7d: {  	[spmem:s2] =	stream.indirect.scatter.add.f32 [tilespmem:s10], [sflag:$0x3], $0x80, s8, s28, $0xb8;
	[tilespmem:$0x1DC80] =	vst v63  }
0x7e: {  	s7 =	rddreg [dreg:$0x8];
	s19 =	sadd.s32 $0x0, s22  }
0x7f: {  	[tilespmem:s30], [sflag:$0x2] =	stream.linear.gather [hbm4b:s19+s3], $0x50, $0x38;
	[tilespmem:$0x1DC80] =	vst v63  }
0x80: {  	s21 =	sadd.s32 $0x0, s7  }
0x81: {  	[tilespmem:s31], [sflag:$0x2] =	stream.linear.gather [hbm4b:s21+s3], $0x50, $0x38;
	[tilespmem:$0x1DC80] =	vst v63  }
0x82: {  	_ =	swait.ge [sflag:s9], $0x2800  }
0x83: {  	[sflag:s9] =	ssyncset.done $0x0  }
0x84: {  	[sflag:s9] =	ssyncadd.s32 $0xFFFFD800  }
0x85: {  	_ =	swait.ge [sflag:s26], $0x50  }
0x86: {  	[sflag:s26] =	ssyncset.done $0x0  }
0x87: {  	[sflag:s26] =	ssyncadd.s32 $0xFFFFFFB0  }
0x88: {  	_ =	swait.ge [sflag:s26], $0x50  }
0x89: {  	[sflag:s26] =	ssyncset.done $0x0  }
0x8a: {  	[sflag:s26] =	ssyncadd.s32 $0xFFFFFFB0  }
0x8b: {  	_ =	swait.ge [sflag:s13], $0x2800  }
0x8c: {  	[sflag:s13] =	ssyncset.done $0x0  }
0x8d: {  	[sflag:s13] =	ssyncadd.s32 $0xFFFFD800  }
0x8e: {  	[tilespmem:s0], [sflag:$0x1] =	stream.indirect.gather [hbm4b:s5+s28], $0x80, s30, s28, $0xb8;
	[tilespmem:$0x1DC80] =	vst v63  }
0x8f: {  	s22 =	rddreg [dreg:$0x7]  }
0x90: {  	[spmem:s2] =	stream.indirect.scatter.add.f32 [tilespmem:s14], [sflag:$0x3], $0x80, s12, s28, $0xb8;
	[tilespmem:$0x1DC80] =	vst v63  }
0x91: {  	s7 =	rddreg [dreg:$0x6];
	s19 =	sadd.s32 $0x0, s22  }
0x92: {  	[tilespmem:s4], [sflag:$0x2] =	stream.linear.gather [hbm4b:s19+s3], $0x50, $0x38;
	[tilespmem:$0x1DC80] =	vst v63  }
0x93: {  	s20 =	sadd.s32 $0x0, s7  }
0x94: {  	[tilespmem:s8], [sflag:$0x2] =	stream.linear.gather [hbm4b:s20+s3], $0x50, $0x38;
	[tilespmem:$0x1DC80] =	vst v63  }
0x95: {  	_ =	swait.ge [sflag:s9], $0x2800  }
0x96: {  	[sflag:s9] =	ssyncset.done $0x0  }
0x97: {  	[sflag:s9] =	ssyncadd.s32 $0xFFFFD800  }
0x98: {  	_ =	swait.ge [sflag:s26], $0x50  }
0x99: {  	[sflag:s26] =	ssyncset.done $0x0  }
0x9a: {  	[sflag:s26] =	ssyncadd.s32 $0xFFFFFFB0  }
0x9b: {  	_ =	swait.ge [sflag:s26], $0x50  }
0x9c: {  	[sflag:s26] =	ssyncset.done $0x0  }
0x9d: {  	[sflag:s26] =	ssyncadd.s32 $0xFFFFFFB0  }
0x9e: {  	_ =	swait.ge [sflag:s13], $0x2800  }
0x9f: {  	[sflag:s13] =	ssyncset.done $0x0  }
0xa0: {  	[sflag:s13] =	ssyncadd.s32 $0xFFFFD800  }
0xa1: {  	[tilespmem:s10], [sflag:$0x1] =	stream.indirect.gather [hbm4b:s5+s28], $0x80, s4, s28, $0xb8;
	[tilespmem:$0x1DC80] =	vst v63  }
0xa2: {  	s21 =	rddreg [dreg:$0x5]  }
0xa3: {  	[spmem:s2] =	stream.indirect.scatter.add.f32 [tilespmem:s29], [sflag:$0x3], $0x80, s25, s28, $0xb8;
	[tilespmem:$0x1DC80] =	vst v63  }
0xa4: {  	s22 =	rddreg [dreg:$0x4];
	s19 =	sadd.s32 $0x0, s21  }
0xa5: {  	[tilespmem:s11], [sflag:$0x2] =	stream.linear.gather [hbm4b:s19+s3], $0x50, $0x38;
	[tilespmem:$0x1DC80] =	vst v63  }
0xa6: {  	s20 =	sadd.s32 $0x140, s23;
	s21 =	sadd.s32 $0x0, s22;
	s19 =	simm.s32 $0x28  }
.LBB2_2:
0xa7: {  	[tilespmem:s12], [sflag:$0x2] =	stream.linear.gather [hbm4b:s21+s3], $0x50, $0x38;
	[tilespmem:$0x1DC80] =	vst v63  }
0xa8: {  	_ =	swait.ge [sflag:s9], $0x2800  }
0xa9: {  	[sflag:s9] =	ssyncset.done $0x0  }
0xaa: {  	[sflag:s9] =	ssyncadd.s32 $0xFFFFD800  }
0xab: {  	_ =	swait.ge [sflag:s26], $0x50  }
0xac: {  	[sflag:s26] =	ssyncset.done $0x0  }
0xad: {  	[sflag:s26] =	ssyncadd.s32 $0xFFFFFFB0  }
0xae: {  	_ =	swait.ge [sflag:s26], $0x50  }
0xaf: {  	[sflag:s26] =	ssyncset.done $0x0  }
0xb0: {  	[sflag:s26] =	ssyncadd.s32 $0xFFFFFFB0  }
0xb1: {  	_ =	swait.ge [sflag:s13], $0x2800  }
0xb2: {  	[sflag:s13] =	ssyncset.done $0x0  }
0xb3: {  	[sflag:s13] =	ssyncadd.s32 $0xFFFFD800  }
0xb4: {  	[tilespmem:s14], [sflag:$0x1] =	stream.indirect.gather [hbm4b:s5+s28], $0x80, s11, s28, $0xb8;
	[tilespmem:$0x1DC80] =	vst v63  }
0xb5: {  	s22 =	sshrl.u32 s20, $0x3  }
0xb6: {  	[spmem:s2] =	stream.indirect.scatter.add.f32 [tilespmem:s0], [sflag:$0x3], $0x80, s31, s28, $0xb8;
	[tilespmem:$0x1DC80] =	vst v63  }
0xb7: {  	s7 =	sadd.s32 s1, s22  }
0xb8: {  	[tilespmem:s24], [sflag:$0x2] =	stream.linear.gather [hbm4b:s7+s3], $0x50, $0x38;
	[tilespmem:$0x1DC80] =	vst v63  }
0xb9: {  	s22 =	sadd.s32 s6, s22  }
0xba: {  	[tilespmem:s25], [sflag:$0x2] =	stream.linear.gather [hbm4b:s22+s3], $0x50, $0x38;
	[tilespmem:$0x1DC80] =	vst v63  }
0xbb: {  	_ =	swait.ge [sflag:s9], $0x2800  }
0xbc: {  	[sflag:s9] =	ssyncset.done $0x0  }
0xbd: {  	[sflag:s9] =	ssyncadd.s32 $0xFFFFD800  }
0xbe: {  	_ =	swait.ge [sflag:s26], $0x50  }
0xbf: {  	[sflag:s26] =	ssyncset.done $0x0  }
0xc0: {  	[sflag:s26] =	ssyncadd.s32 $0xFFFFFFB0  }
0xc1: {  	_ =	swait.ge [sflag:s26], $0x50  }
0xc2: {  	[sflag:s26] =	ssyncset.done $0x0  }
0xc3: {  	[sflag:s26] =	ssyncadd.s32 $0xFFFFFFB0  }
0xc4: {  	_ =	swait.ge [sflag:s13], $0x2800  }
0xc5: {  	[sflag:s13] =	ssyncset.done $0x0  }
0xc6: {  	[sflag:s13] =	ssyncadd.s32 $0xFFFFD800  }
0xc7: {  	[tilespmem:s29], [sflag:$0x1] =	stream.indirect.gather [hbm4b:s5+s28], $0x80, s24, s28, $0xb8;
	[tilespmem:$0x1DC80] =	vst v63  }
0xc8: {  	s21 =	smov.u32 s19;
	s7 =	rddreg [dreg:$0x9]  }
0xc9: {  	[spmem:s2] =	stream.indirect.scatter.add.f32 [tilespmem:s10], [sflag:$0x3], $0x80, s8, s28, $0xb8;
	[tilespmem:$0x1DC80] =	vst v63  }
0xca: {  	s22 =	rddreg [dreg:$0x8];
	s7 =	sadd.s32 s21, s7  }
0xcb: {  	[tilespmem:s30], [sflag:$0x2] =	stream.linear.gather [hbm4b:s7+s3], $0x50, $0x38;
	[tilespmem:$0x1DC80] =	vst v63  }
0xcc: {  	s22 =	sadd.s32 s21, s22  }
0xcd: {  	[tilespmem:s31], [sflag:$0x2] =	stream.linear.gather [hbm4b:s22+s3], $0x50, $0x38;
	[tilespmem:$0x1DC80] =	vst v63  }
0xce: {  	_ =	swait.ge [sflag:s9], $0x2800  }
0xcf: {  	[sflag:s9] =	ssyncset.done $0x0  }
0xd0: {  	[sflag:s9] =	ssyncadd.s32 $0xFFFFD800  }
0xd1: {  	_ =	swait.ge [sflag:s26], $0x50  }
0xd2: {  	[sflag:s26] =	ssyncset.done $0x0  }
0xd3: {  	[sflag:s26] =	ssyncadd.s32 $0xFFFFFFB0  }
0xd4: {  	_ =	swait.ge [sflag:s26], $0x50  }
0xd5: {  	[sflag:s26] =	ssyncset.done $0x0  }
0xd6: {  	[sflag:s26] =	ssyncadd.s32 $0xFFFFFFB0  }
0xd7: {  	_ =	swait.ge [sflag:s13], $0x2800  }
0xd8: {  	[sflag:s13] =	ssyncset.done $0x0  }
0xd9: {  	[sflag:s13] =	ssyncadd.s32 $0xFFFFD800  }
0xda: {  	[tilespmem:s0], [sflag:$0x1] =	stream.indirect.gather [hbm4b:s5+s28], $0x80, s30, s28, $0xb8;
	[tilespmem:$0x1DC80] =	vst v63  }
0xdb: {  	s7 =	rddreg [dreg:$0x7]  }
0xdc: {  	[spmem:s2] =	stream.indirect.scatter.add.f32 [tilespmem:s14], [sflag:$0x3], $0x80, s12, s28, $0xb8;
	[tilespmem:$0x1DC80] =	vst v63  }
0xdd: {  	s22 =	rddreg [dreg:$0x6];
	s7 =	sadd.s32 s21, s7  }
0xde: {  	[tilespmem:s4], [sflag:$0x2] =	stream.linear.gather [hbm4b:s7+s3], $0x50, $0x38;
	[tilespmem:$0x1DC80] =	vst v63  }
0xdf: {  	s22 =	sadd.s32 s21, s22  }
0xe0: {  	[tilespmem:s8], [sflag:$0x2] =	stream.linear.gather [hbm4b:s22+s3], $0x50, $0x38;
	[tilespmem:$0x1DC80] =	vst v63  }
0xe1: {  	_ =	swait.ge [sflag:s9], $0x2800  }
0xe2: {  	[sflag:s9] =	ssyncset.done $0x0  }
0xe3: {  	[sflag:s9] =	ssyncadd.s32 $0xFFFFD800  }
0xe4: {  	_ =	swait.ge [sflag:s26], $0x50  }
0xe5: {  	[sflag:s26] =	ssyncset.done $0x0  }
0xe6: {  	[sflag:s26] =	ssyncadd.s32 $0xFFFFFFB0  }
0xe7: {  	_ =	swait.ge [sflag:s26], $0x50  }
0xe8: {  	[sflag:s26] =	ssyncset.done $0x0  }
0xe9: {  	[sflag:s26] =	ssyncadd.s32 $0xFFFFFFB0  }
0xea: {  	_ =	swait.ge [sflag:s13], $0x2800  }
0xeb: {  	[sflag:s13] =	ssyncset.done $0x0  }
0xec: {  	p1 =	sne.s32 s19, $0x488;
	[sflag:s13] =	ssyncadd.s32 $0xFFFFD800  }
0xed: {  	[tilespmem:s10], [sflag:$0x1] =	stream.indirect.gather [hbm4b:s5+s28], $0x80, s4, s28, $0xb8;
	[tilespmem:$0x1DC80] =	vst v63  }
.Ltmp0:
0xee: {  	s7 =	rddreg [dreg:$0x5];
	(pc) =	sbr.rel @p1 .LBB2_2-.Ltmp0, $4  }
0xef: {  	s19 =	sadd.s32 $0x28, s19;
	s22 =	rddreg [dreg:$0x4]  }
0xf0: {  	[spmem:s2] =	stream.indirect.scatter.add.f32 [tilespmem:s29], [sflag:$0x3], $0x80, s25, s28, $0xb8;
	[tilespmem:$0x1DC80] =	vst v63  }
0xf1: {  	s20 =	sadd.s32 $0x140, s20;
	s7 =	sadd.s32 s21, s7;
	s21 =	sadd.s32 s21, s22  }
0xf2: {  	[tilespmem:s11], [sflag:$0x2] =	stream.linear.gather [hbm4b:s7+s3], $0x50, $0x38;
	[tilespmem:$0x1DC80] =	vst v63  }
0xf3: {  	[tilespmem:s12], [sflag:$0x2] =	stream.linear.gather [hbm4b:s21+s3], $0x50, $0x38;
	[tilespmem:$0x1DC80] =	vst v63  }
0xf4: {  	_ =	swait.ge [sflag:s9], $0x2800  }
0xf5: {  	[sflag:s9] =	ssyncset.done $0x0  }
0xf6: {  	[sflag:s9] =	ssyncadd.s32 $0xFFFFD800  }
0xf7: {  	_ =	swait.ge [sflag:s26], $0x50  }
0xf8: {  	[sflag:s26] =	ssyncset.done $0x0  }
0xf9: {  	[sflag:s26] =	ssyncadd.s32 $0xFFFFFFB0  }
0xfa: {  	_ =	swait.ge [sflag:s26], $0x50  }
0xfb: {  	[sflag:s26] =	ssyncset.done $0x0  }
0xfc: {  	[sflag:s26] =	ssyncadd.s32 $0xFFFFFFB0  }
0xfd: {  	_ =	swait.ge [sflag:s13], $0x2800  }
0xfe: {  	[sflag:s13] =	ssyncset.done $0x0  }
0xff: {  	[sflag:s13] =	ssyncadd.s32 $0xFFFFD800  }
0x100: {  	[tilespmem:s14], [sflag:$0x1] =	stream.indirect.gather [hbm4b:s5+s28], $0x80, s11, s28, $0xb8;
	[tilespmem:$0x1DC80] =	vst v63  }
0x101: {  	_ = 	snop  }
0x102: {  	[spmem:s2] =	stream.indirect.scatter.add.f32 [tilespmem:s0], [sflag:$0x3], $0x80, s31, s28, $0xb8;
	[tilespmem:$0x1DC80] =	vst v63  }
0x103: {  	s7 =	rddreg [dreg:$0x16]  }
0x104: {  	[tilespmem:s24], [sflag:$0x2] =	stream.linear.gather [hbm4b:s7+s3], $0x50, $0x38;
	[tilespmem:$0x1DC80] =	vst v63  }
0x105: {  	s21 =	rddreg [dreg:$0x17]  }
0x106: {  	[tilespmem:s25], [sflag:$0x2] =	stream.linear.gather [hbm4b:s21+s3], $0x50, $0x38;
	[tilespmem:$0x1DC80] =	vst v63  }
0x107: {  	_ =	swait.ge [sflag:s9], $0x2800  }
0x108: {  	[sflag:s9] =	ssyncset.done $0x0  }
0x109: {  	[sflag:s9] =	ssyncadd.s32 $0xFFFFD800  }
0x10a: {  	_ =	swait.ge [sflag:s26], $0x50  }
0x10b: {  	[sflag:s26] =	ssyncset.done $0x0  }
0x10c: {  	[sflag:s26] =	ssyncadd.s32 $0xFFFFFFB0  }
0x10d: {  	_ =	swait.ge [sflag:s26], $0x50  }
0x10e: {  	[sflag:s26] =	ssyncset.done $0x0  }
0x10f: {  	[sflag:s26] =	ssyncadd.s32 $0xFFFFFFB0  }
0x110: {  	_ =	swait.ge [sflag:s13], $0x2800  }
0x111: {  	[sflag:s13] =	ssyncset.done $0x0  }
0x112: {  	[sflag:s13] =	ssyncadd.s32 $0xFFFFD800  }
0x113: {  	[tilespmem:s29], [sflag:$0x1] =	stream.indirect.gather [hbm4b:s5+s28], $0x80, s24, s28, $0xb8;
	[tilespmem:$0x1DC80] =	vst v63  }
0x114: {  	_ = 	snop  }
0x115: {  	[spmem:s2] =	stream.indirect.scatter.add.f32 [tilespmem:s10], [sflag:$0x3], $0x80, s8, s28, $0xb8;
	[tilespmem:$0x1DC80] =	vst v63  }
0x116: {  	_ =	swait.ge [sflag:s9], $0x2800  }
0x117: {  	[sflag:s9] =	ssyncset.done $0x0  }
0x118: {  	[sflag:s9] =	ssyncadd.s32 $0xFFFFD800  }
0x119: {  	_ =	swait.ge [sflag:s13], $0x2800  }
0x11a: {  	[sflag:s13] =	ssyncset.done $0x0  }
0x11b: {  	[sflag:s13] =	ssyncadd.s32 $0xFFFFD800  }
0x11c: {  	[spmem:s2] =	stream.indirect.scatter.add.f32 [tilespmem:s14], [sflag:$0x3], $0x80, s12, s28, $0xb8;
	[tilespmem:$0x1DC80] =	vst v63  }
0x11d: {  	_ =	swait.ge [sflag:s9], $0x2800  }
0x11e: {  	[sflag:s9] =	ssyncset.done $0x0  }
0x11f: {  	[sflag:s9] =	ssyncadd.s32 $0xFFFFD800  }
0x120: {  	_ =	swait.ge [sflag:s13], $0x2800  }
0x121: {  	[sflag:s13] =	ssyncset.done $0x0  }
0x122: {  	[sflag:s13] =	ssyncadd.s32 $0xFFFFD800  }
0x123: {  	[spmem:s2] =	stream.indirect.scatter.add.f32 [tilespmem:s29], [sflag:$0x3], $0x80, s25, s28, $0xb8;
	[tilespmem:$0x1DC80] =	vst v63  }
0x124: {  	_ =	swait.ge [sflag:s13], $0x2800  }
0x125: {  	[sflag:s13] =	ssyncset.done $0x0  }
0x126: {  	[sflag:s13] =	ssyncadd.s32 $0xFFFFD800  }
0x127: {  	[bflag:$0x0] =	sbarrier.arrive $0xFFFF  }
0x128: {  	s7 =	simm.s32 @p0 $0x1FC4;
	s19 =	rddreg [dreg:$0x18]  }
0x129: {  	[hbm:s19], [sflag:s7] =	dma.local @p0 [spmem:s16], $0x2800  }
0x12a: {  	s7 =	simm.s32 @p0 $0x4  }
0x12b: {  	_ =	swait.ge @p0 [sflag:s7], $0x2800  }
0x12c: {  	[sflag:s7] =	ssyncset.done @p0 $0x0  }
0x12d: {  	[sflag:s7] =	ssyncadd.s32 @p0 $0xFFFFD800;
	s7 =	rddreg [dreg:$0x15]  }
0x12e: {  	[hbm:s7], [sflag:s17] =	dma.local @!p0 [spmem:s18], $0x2700  }
0x12f: {  	s7 =	simm.s32 @!p0 $0x4  }
0x130: {  	_ =	swait.ge @!p0 [sflag:s7], $0x2700  }
0x131: {  	s15 =	sadd.s32 $0x1, s15;
	s22 =	rddreg [dreg:$0x19]  }
0x132: {  	p1 =	sne.s32 s15, s22  }
.Ltmp1:
0x133: {  	_ = 	snop;
	(pc) =	sbr.rel @p1 .LBB2_1-.Ltmp1, $3  }
0x134: {  	_ =	sdelay $0x1  }
0x135: {  	[sflag:s7] =	ssyncset.done @!p0 $0x0  }
0x136: {  	[sflag:s7] =	ssyncadd.s32 @!p0 $0xFFFFD900  }
0x137: {  	_ =	sfence.sel $0x180000  }
0x138: {  	[bflag:$0x0] =	sbarrier.arrive $0xFFFF  }
0x139: {  	_ =	strace $0x9000004A  }
0x13a: {  	s0 =	stileid.u32;
	[bflag:$0x2] =	sbarrier.arrive $0xFFFF  }
0x13b: {  	p0 =	sne.s32 s0, $0x0;
	s0 =	rddreg [dreg:$0x3]  }
0x13c: {  	s0 =	sadd.s32 @!p0 $0x100000, s0  }
0x13d: {  	[sflag:s0] =	ssyncadd.tile.s32 @!p0 $0x1;
	_ =	shalt  }
.Lfunc_end2:
_tile_overlayer_lowered:
.L_overlay_start_2:
0x13e: {  	(tag) =	ssettag $0x2  }
0x13f: {  	s0 =	rddreg [dreg:$0x0];
	s2 =	stileid.u32  }
0x140: {  	s1 =	rddreg [dreg:$0x1];
	p0 =	sne.s32 s2, $0x0  }
0x141: {  	s3 =	rddreg [dreg:$0x2];
	[bflag:$0x3] =	sbarrier.arrive $0xFFFF;
	s2 =	simm.s32 @!p0 $0x1C04  }
0x142: {  	[timem:s3], [sflag:s2] =	dma.local @!p0 [hbm:s0], s1  }
0x143: {  	s0 =	simm.s32 @!p0 $0x4  }
0x144: {  	_ =	swait.ge @!p0 [sflag:s0], s1  }
0x145: {  	s1 =	ssub.s32 @!p0 $0x0, s1;
	[sflag:s0] =	ssyncset.done @!p0 $0x0  }
0x146: {  	[sflag:s0] =	ssyncadd.s32 @!p0 s1  }
0x147: {  	[bflag:$0x3] =	sbarrier.arrive $0xFFFF  }
0x148: {  	_ =	shalt  }

// kernel: kernel.15.cloned.1.call-start
scs
__scs_entry_jumppad:
0x0: {  	(pc) =	sbr.rel $0x88, $3  }
0x1: {  	(tag) =	ssettag $0x0;
	lr =	simm.s32 $0x1  }
0x2: {  	[smem:$0x3F96] =	sst lr;
	_ =	strace $0xD0000000  }
0x3: {  	_ = 	snop  }
0x4: {  	_ = 	snop  }
0x5: {  	_ = 	snop  }
0x6: {  	_ = 	snop  }
0x7: {  	_ = 	snop  }
__scs_overlays_trampoline_lowered:
0x8: {  	[smem:$0x3FA5] =	sst s0  }
0x9: {  	[smem:$0x3FA6] =	sst s1  }
0xa: {  	[smem:$0x3FA7] =	sst s2  }
0xb: {  	[smem:$0x3FA8] =	sst s3  }
0xc: {  	[smem:$0x3FA9] =	sst s4  }
0xd: {  	[smem:$0x3FAA] =	sst s5  }
0xe: {  	[smem:$0x3FAB] =	sst s6  }
0xf: {  	[smem:$0x3FAC] =	sst s7  }
0x10: {  	[smem:$0x3FAD] =	sst s8  }
0x11: {  	[smem:$0x3FAE] =	sst s9;
	s0 =	simm.s32 @!p0 $0x0  }
0x12: {  	s1 =	sld [smem:$0x3F94];
	s0 =	simm.s32 @p0 $0x1  }
0x13: {  	[smem:$0x3FAF] =	sst s0;
	s0 =	simm.s32 @!p1 $0x0  }
0x14: {  	s2 =	sld [smem:$0x3F93];
	s0 =	simm.s32 @p1 $0x1  }
0x15: {  	[smem:$0x3FB0] =	sst s0;
	s0 =	simm.s32 @!p2 $0x0  }
0x16: {  	s3 =	sld [smem:$0x3FDB];
	s0 =	simm.s32 @p2 $0x1  }
0x17: {  	s4 =	simm.s32 $0x1BF5;
	[smem:$0x3FB2] =	sst s0  }
0x18: {  	s0 =	sld [smem:$0x3F95];
	_ =	swait.ge [sflag:s4], $0x0  }
0x19: {  	s7 =	sld [smem:$0x3F96]  }
0x1a: {  	s8 =	sadd.s32 $0xFFFFE003, lr  }
0x1b: {  	s9 =	sadd.s32 $0xFFFFFEF7, lr;
	s5 =	simm.s32 $0xFFFFFFFF;
	p2 =	slt.u32 s8, $0xFFFFF086  }
0x1c: {  	p1 =	slt.u32 s9, $0xF7A;
	s5 =	simm.s32 @!p2 $0x0  }
0x1d: {  	s5 =	simm.s32 @p1 $0x1;
	p0 =	seq.s32 s7, s2  }
0x1e: {  	s7 =	smul.u32 @!p0 $0xF7A, s2;
	p2 =	seq.s32 @!p0 s5, $0x0  }
0x1f: {  	s9 =	smul.u32 $0xF7A, s1;
	s8 =	simm.s32 @!p0 $0x1BF5;
	p2 =	por !p2, p0  }
0x20: {  	[sflag:s8] =	ssyncset.s32 @!p0 $0xFFFFF086;
	s6 =	sadd.s32 @!p0 s3, s7;
	s7 =	simm.s32 @!p0 $0x108  }
0x21: {  	s3 =	sadd.s32 s3, s9;
	s6 =	sadd.s32 @!p0 $0x88, s6;
	s7 =	simm.s32 @p2 $0x1082  }
0x22: {  	[simem:s7], [sflag:s8] =	dma.local @!p0 [hbm:s6], $0xF7A  }
0x23: {  	s9 =	sor.u32 $0xD0000000, s2;
	s6 =	simm.s32 $0x108;
	_ =	swait.ge @!p0 [sflag:s8], $0x0  }
0x24: {  	s3 =	sadd.s32 $0x88, s3;
	s6 =	simm.s32 @!p1 $0x1082;
	[sflag:s4] =	ssyncset.s32 $0xFFFFF086  }
0x25: {  	[simem:s6], [sflag:s4] =	dma.local [hbm:s3], $0xF7A  }
0x26: {  	[smem:$0x3F96] =	sst s1;
	(tag) =	ssettag s2;
	_ =	strace s9  }
0x27: {  	s1 =	sld [smem:$0x3FA6]  }
0x28: {  	s2 =	sld [smem:$0x3FA7]  }
0x29: {  	s4 =	sld [smem:$0x3FA9]  }
0x2a: {  	p0 =	seq.s32 s5, $0x0;
	s5 =	sld [smem:$0x3FAA]  }
0x2b: {  	s6 =	sld [smem:$0x3FAB]  }
0x2c: {  	s7 =	sld [smem:$0x3FAC]  }
0x2d: {  	s3 =	simm.s32 $0x108;
	s8 =	sld [smem:$0x3FAD]  }
0x2e: {  	s3 =	simm.s32 @!p0 $0x1082;
	s9 =	sld [smem:$0x3FAE]  }
0x2f: {  	lr =	sadd.s32 s0, s3;
	s0 =	sld [smem:$0x3FA5]  }
0x30: {  	s3 =	sld [smem:$0x3FA8]  }
0x31: {  	[smem:$0x3FB1] =	sst s10  }
0x32: {  	s10 =	sld [smem:$0x3FAF];
	_ =	sdelay $0x3  }
0x33: {  	p0 =	seq.s32 s10, $0x1;
	s10 =	sld [smem:$0x3FB1];
	_ =	sdelay $0x3  }
0x34: {  	[smem:$0x3FB1] =	sst s10  }
0x35: {  	s10 =	sld [smem:$0x3FB0];
	_ =	sdelay $0x3  }
0x36: {  	p1 =	seq.s32 s10, $0x1;
	s10 =	sld [smem:$0x3FB1];
	_ =	sdelay $0x3  }
0x37: {  	[smem:$0x3FB1] =	sst s10  }
0x38: {  	s10 =	sld [smem:$0x3FB2]  }
0x39: {  	_ = 	snop;
	(pc) =	sbr.ind lr, $3  }
0x3a: {  	_ = 	snop  }
0x3b: {  	_ = 	snop  }
0x3c: {  	p2 =	seq.s32 s10, $0x1;
	s10 =	sld [smem:$0x3FB1]  }
0x3d: {  	_ =	shalt  }
0x3e: {  	_ =	shalt  }
0x3f: {  	_ =	shalt  }
0x40: {  	_ =	shalt  }
0x41: {  	_ =	shalt  }
0x42: {  	_ =	shalt  }
0x43: {  	_ =	shalt  }
0x44: {  	_ =	shalt  }
0x45: {  	_ =	shalt  }
0x46: {  	_ =	shalt  }
0x47: {  	_ =	shalt  }
0x48: {  	_ =	shalt  }
0x49: {  	_ =	shalt  }
0x4a: {  	_ =	shalt  }
0x4b: {  	_ =	shalt  }
0x4c: {  	_ =	shalt  }
0x4d: {  	_ =	shalt  }
0x4e: {  	_ =	shalt  }
0x4f: {  	_ =	shalt  }
0x50: {  	_ =	shalt  }
0x51: {  	_ =	shalt  }
0x52: {  	_ =	shalt  }
0x53: {  	_ =	shalt  }
0x54: {  	_ =	shalt  }
0x55: {  	_ =	shalt  }
0x56: {  	_ =	shalt  }
0x57: {  	_ =	shalt  }
0x58: {  	_ =	shalt  }
0x59: {  	_ =	shalt  }
0x5a: {  	_ =	shalt  }
0x5b: {  	_ =	shalt  }
0x5c: {  	_ =	shalt  }
0x5d: {  	_ =	shalt  }
0x5e: {  	_ =	shalt  }
0x5f: {  	_ =	shalt  }
0x60: {  	_ =	shalt  }
0x61: {  	_ =	shalt  }
0x62: {  	_ =	shalt  }
0x63: {  	_ =	shalt  }
0x64: {  	_ =	shalt  }
0x65: {  	_ =	shalt  }
0x66: {  	_ =	shalt  }
0x67: {  	_ =	shalt  }
0x68: {  	_ =	shalt  }
0x69: {  	_ =	shalt  }
0x6a: {  	_ =	shalt  }
0x6b: {  	_ =	shalt  }
0x6c: {  	_ =	shalt  }
0x6d: {  	_ =	shalt  }
0x6e: {  	_ =	shalt  }
0x6f: {  	_ =	shalt  }
0x70: {  	_ =	shalt  }
0x71: {  	_ =	shalt  }
0x72: {  	_ =	shalt  }
0x73: {  	_ =	shalt  }
0x74: {  	_ =	shalt  }
0x75: {  	_ =	shalt  }
0x76: {  	_ =	shalt  }
0x77: {  	_ =	shalt  }
0x78: {  	_ =	shalt  }
0x79: {  	_ =	shalt  }
0x7a: {  	_ =	shalt  }
0x7b: {  	_ =	shalt  }
0x7c: {  	_ =	shalt  }
0x7d: {  	_ =	shalt  }
0x7e: {  	_ =	shalt  }
0x7f: {  	_ =	shalt  }
0x80: {  	_ =	shalt  }
0x81: {  	_ =	shalt  }
0x82: {  	_ =	shalt  }
0x83: {  	_ =	shalt  }
0x84: {  	_ =	shalt  }
0x85: {  	_ =	shalt  }
0x86: {  	_ =	shalt  }
0x87: {  	_ =	shalt  }
.Lfunc_end0:
.L_simem_size_0:
called_computation.2_lowered:
.L_overlay_start_0:
0x88: {  	s2 =	sld [smem:$0x3FD9]  }
0x89: {  	s3 =	sld [smem:$0x3FFE];
	_ =	sdelay $0x1  }
0x8a: {  	s1 =	srdreg.scid  }
0x8b: {  	s0 =	sand.u32 $0x1, s1  }
0x8c: {  	s17 =	sshll.u32 s0, $0xA;
	s2 =	sadd.s32 s3, s2  }
0x8d: {  	s2 =	sadd.s32 s2, s17  }
0x8e: {  	[smem:$0x3FBD] =	sst s2  }
0x8f: {  	_ = 	snop  }
0x90: {  	s2 =	sld [smem:$0x3FD0];
	(tm) =	ssettm $0x1  }
0x91: {  	s18 =	sld [smem:$0x3FFB];
	_ =	sdelay $0x3  }
0x92: {  	_ =	strace s18  }
0x93: {  	s3 =	sld [smem:$0x3FFC];
	_ =	sdelay $0x3  }
0x94: {  	_ =	strace s3  }
0x95: {  	s3 =	sld [smem:$0x3FFD];
	_ =	sdelay $0x3  }
0x96: {  	_ =	strace s3  }
0x97: {  	_ =	strace $0x8FFFFFFF  }
0x98: {  	s19 =	sld [smem:$0x3FDB];
	_ =	sdelay $0x1  }
0x99: {  	s4 =	simm.s32 $_scs_section_size  }
0x9a: {  	s5 =	simm.s32 $_size__tile_overlayer_lowered;
	s6 =	simm.s32 $_tile_overlayer_lowered  }
0x9b: {  	s22 =	simm.s32 $0x1BFF;
	s21 =	sshll.u32 s6, $0x1;
	s3 =	sadd.s32 s4, s19  }
0x9c: {  	s7 =	simm.s32 $0x0;
	s20 =	sshll.u32 s5, $0x1;
	s5 =	sadd.s32 s21, s3  }
0x9d: {  	[timem:s7], [sflag:s22] =	dma.local [hbm:s5], s20  }
0x9e: {  	_ =	swait.ge [sflag:s22], s20  }
0x9f: {  	s4 =	ssub.s32 $0x0, s20;
	[sflag:s22] =	ssyncset.done $0x0  }
0xa0: {  	[sflag:s22] =	ssyncadd.s32 s4;
	_ =	sdelay $0x1  }
0xa1: {  	s23 =	simm.s32 $0x1B8B  }
0xa2: {  	_ =	swait.ge [sflag:s23], $0x1  }
0xa3: {  	[sflag:s23] =	ssyncset.done $0x0  }
0xa4: {  	s25 =	simm.s32 $0x1B8E;
	s24 =	sld [smem:$0x3FFE];
	[sflag:s23] =	ssyncadd.s32 $0xFFFFFFFF  }
0xa5: {  	s26 =	simm.s32 $execute0_lowered;
	[smem:$0x3FD2] =	sst s25  }
0xa6: {  	s5 =	sshll.u32 s26, $0x1;
	_ =	strace $0x8000004C;
	[dreg:$0x1] =	wrdreg $0xFFFFFFFF  }
0xa7: {  	s28 =	simm.s32 $_size_execute0_lowered;
	s3 =	sadd.s32 s3, s5;
	[dreg:$0x0] =	wrdreg $0x0  }
0xa8: {  	s5 =	sshll.u32 s28, $0x1;
	[dreg:$0x2] =	wrdreg s3  }
0xa9: {  	[dreg:$0x3] =	wrdreg s5  }
0xaa: {  	[dreg:$0x4] =	wrdreg $0xC0  }
0xab: {  	_ =	task [dreg:s7], $0x5FFFF  }
0xac: {  	[dreg:$0x1] =	wrdreg $0xFFFFFFFF  }
0xad: {  	[dreg:$0x0] =	wrdreg $0x60  }
0xae: {  	[dreg:$0x2] =	wrdreg s24  }
0xaf: {  	[dreg:$0x3] =	wrdreg s2  }
0xb0: {  	[dreg:$0x4] =	wrdreg $0x0  }
0xb1: {  	[dreg:$0x5] =	wrdreg $0x9  }
0xb2: {  	_ =	task.clear_ibuf [dreg:s7], $0x6FFFF;
	_ =	strace $0x9000004C  }
0xb3: {  	s29 =	simm.s32 $0x9;
	_ =	strace $0x8000004E  }
0xb4: {  	_ =	swait.ge [sflag:s29], $0x1  }
0xb5: {  	[sflag:s29] =	ssyncadd.s32 $0xFFFFFFFF  }
0xb6: {  	_ =	strace $0x9000004E  }
0xb7: {  	_ =	sfence  }
0xb8: {  	s30 =	sld [smem:$0x0];
	_ =	sdelay $0x2  }
0xb9: {  	s31 =	sshll.u32 s1, $0xD;
	s1 =	sshrl.u32 s1, $0x2  }
0xba: {  	s3 =	sand.u32 $0x4000, s31;
	s1 =	sadd.s32 s1, s30  }
0xbb: {  	s0 =	sor.u32 s3, s0;
	s1 =	sshll.u32 s1, $0x11  }
0xbc: {  	s0 =	sor.u32 s1, s0  }
0xbd: {  	s0 =	sadd.s32 $0x8F2B, s0  }
0xbe: {  	[sflag:s0] =	ssyncadd.remote.s32 $0x1  }
0xbf: {  	_ =	sfence.sel $0xFFFF  }
0xc0: {  	[dreg:$0x0] =	wrdreg $0xFFFFFFFF;
	(pc) =	sbr.abs _section_cstart, $3  }
0xc1: {  	[dreg:$0x1] =	wrdreg $0xFFFFFFFF  }
0xc2: {  	_ =	task.clear_ibuf [dreg:s7], $0x2FFFF;
	_ =	strace $0x9FFFFFFF  }
0xc3: {  	(tm) =	ssettm $0x7FFFFFFF  }
tec
execute0_lowered:
.L_overlay_start_1:
0x0: {  	(tag) =	ssettag $0x1  }
0x1: {  	s0 =	rddreg [dreg:$0x0]  }
0x2: {  	s1 =	rddreg [dreg:$0x1]  }
0x3: {  	s2 =	rddreg [dreg:$0x2];
	s3 =	simm.s32 $0x0  }
0x4: {  	s4 =	srdreg.scid;
	s14 =	stileid.u32;
	s28 =	simm.s32 $0x50  }
0x5: {  	s29 =	simm.s32 $0x13C80;
	s30 =	simm.s32 $0x13900;
	s31 =	simm.s32 $0x13B00  }
0x6: {  	[smem:$0x7FF] =	sst s3;
	s5 =	sadd.s32 $0xD800, s0;
	s4 =	sand.u32 $0x1, s4  }
0x7: {  	s6 =	sadd.s32 $0x3A00, s0;
	s10 =	smul.u32 $0x4E000, s14;
	s12 =	sadd.s32 $0x35000, s0  }
0x8: {  	s0 =	sadd.s32 $0x37800, s0;
	s15 =	sadd.s32 $0x124800, s2;
	s25 =	smul.u32 $0x13800, s14  }
0x9: {  	p0 =	seq.s32 s14, $0xF;
	_ =	strace $0x8000004D;
	[dreg:$0xa] =	wrdreg s12  }
0xa: {  	s7 =	sshll.u32 s4, $0x4;
	s8 =	ssub.s32 $0x2, s4;
	[dreg:$0xc] =	wrdreg s15  }
0xb: {  	s18 =	smul.u32 $0x27100, s4;
	s9 =	sor.u32 s14, s7;
	s10 =	sshrl.u32 s10, $0x2  }
0xc: {  	s11 =	sshrl.u32 s8, $0x1;
	s9 =	smul.u32 $0x2710, s9;
	s13 =	sadd.s32 s10, s2  }
0xd: {  	s4 =	smul.u32 $0x138800, s4;
	s8 =	ssub.s32 s8, s11;
	[dreg:$0xb] =	wrdreg s13  }
0xe: {  	s13 =	smul.u32 $0x2710, s14;
	s14 =	simm.s32 $0x1B480;
	s9 =	sshrl.u32 s9, $0x3  }
0xf: {  	s16 =	sadd.s32 s1, s9;
	s17 =	sadd.s32 s6, s9;
	s19 =	sadd.s32 $0xA, s9  }
0x10: {  	s12 =	sadd.s32 $0x14, s9;
	s10 =	sadd.s32 s13, s18;
	[dreg:$0xd] =	wrdreg s16  }
0x11: {  	s24 =	sadd.s32 $0x1E, s9;
	[dreg:$0xe] =	wrdreg s17;
	s20 =	sadd.s32 s1, s19  }
0x12: {  	s9 =	sadd.s32 $0x4D8, s9;
	s21 =	sadd.s32 s6, s19;
	[dreg:$0xf] =	wrdreg s20  }
0x13: {  	s22 =	sadd.s32 s1, s12;
	s23 =	sadd.s32 s6, s12;
	[dreg:$0x10] =	wrdreg s21  }
0x14: {  	s13 =	sadd.s32 $0x230, s10;
	s26 =	sadd.s32 s1, s24;
	[dreg:$0x11] =	wrdreg s22  }
0x15: {  	s11 =	sadd.s32 s6, s24;
	s12 =	sadd.s32 s25, s4;
	[dreg:$0x12] =	wrdreg s23  }
0x16: {  	s16 =	sadd.s32 $0x1E0, s10;
	s4 =	sshrl.u32 s4, $0x3;
	[dreg:$0x13] =	wrdreg s26  }
0x17: {  	[dreg:$0x14] =	wrdreg s11;
	s15 =	sshrl.u32 s13, $0x3;
	s12 =	sshrl.u32 s12, $0x3  }
0x18: {  	s18 =	sshrl.u32 s16, $0x3;
	s20 =	sadd.s32 $0x190, s10;
	s21 =	sadd.s32 s1, s9  }
0x19: {  	s23 =	sadd.s32 s6, s9;
	s26 =	smax.u32 s8, $0x1;
	[dreg:$0x16] =	wrdreg s21  }
0x1a: {  	s8 =	simm.s32 $0x13B80;
	s9 =	simm.s32 $0x1;
	[dreg:$0x17] =	wrdreg s23  }
0x1b: {  	s13 =	sadd.s32 s15, s6;
	s17 =	sadd.s32 s0, s12;
	[dreg:$0x19] =	wrdreg s26  }
0x1c: {  	s11 =	sadd.s32 s15, s1;
	s19 =	sadd.s32 s18, s6;
	[dreg:$0x4] =	wrdreg s13  }
0x1d: {  	s0 =	sadd.s32 s0, s4;
	s22 =	sadd.s32 s18, s1;
	[dreg:$0x15] =	wrdreg s17  }
0x1e: {  	s4 =	sshrl.u32 s20, $0x3;
	s23 =	sadd.s32 $0x140, s10;
	[dreg:$0x5] =	wrdreg s11  }
0x1f: {  	s26 =	simm.s32 $0x2;
	s10 =	simm.s32 $0x18C80;
	[dreg:$0x6] =	wrdreg s19  }
0x20: {  	s12 =	simm.s32 $0x13C00;
	[dreg:$0x7] =	wrdreg s22;
	s0 =	sadd.s32 $0x24900, s0  }
0x21: {  	s15 =	simm.s32 $0x0;
	s24 =	sadd.s32 s4, s6;
	[dreg:$0x18] =	wrdreg s0  }
0x22: {  	s25 =	sadd.s32 s4, s1;
	s4 =	simm.s32 $0x13980;
	[dreg:$0x8] =	wrdreg s24  }
0x23: {  	s11 =	simm.s32 $0x13A00;
	s13 =	simm.s32 $0x3;
	[dreg:$0x9] =	wrdreg s25  }
0x24: {  	s24 =	simm.s32 $0x13880;
	s25 =	simm.s32 $0x13A80;
	s0 =	simm.s32 $0x16480  }
.LBB2_1:
0x25: {  	s7 =	rddreg [dreg:$0xc]  }
0x26: {  	s17 =	simm.s32 @p0 $0x1FC4;
	s19 =	rddreg [dreg:$0xa];
	s16 =	sshrl.u32 @p0 s7, $0x3  }
0x27: {  	[spmem:s16], [sflag:s17] =	dma.local @p0 [hbm:s19], $0x2800  }
0x28: {  	s17 =	simm.s32 @p0 $0x4  }
0x29: {  	s7 =	stileid.u32;
	_ =	swait.ge @p0 [sflag:s17], $0x2800  }
0x2a: {  	s18 =	sshll.u32 @!p0 s7, $0x6;
	[sflag:s17] =	ssyncset.done @p0 $0x0;
	s7 =	rddreg [dreg:$0xb]  }
0x2b: {  	[sflag:s17] =	ssyncadd.s32 @p0 $0xFFFFD800;
	s17 =	sor.u32 @!p0 $0x1C04, s18;
	s18 =	sshrl.u32 @!p0 s7, $0x3  }
0x2c: {  	[spmem:s18], [sflag:s17] =	dma.local @!p0 [hbm:s19], $0x2700  }
0x2d: {  	s19 =	simm.s32 @!p0 $0x4  }
0x2e: {  	_ =	swait.ge @!p0 [sflag:s19], $0x2700  }
0x2f: {  	[sflag:s19] =	ssyncset.done @!p0 $0x0  }
0x30: {  	[sflag:s19] =	ssyncadd.s32 @!p0 $0xFFFFD900  }
0x31: {  	[bflag:$0x0] =	sbarrier.arrive $0xFFFF  }
0x32: {  	s21 =	rddreg [dreg:$0xd]  }
0x33: {  	[tilespmem:s24], [sflag:$0x2] =	stream.linear.gather [hbm4b:s21+s3], $0x50, $0x38;
	[tilespmem:$0x1DC80] =	vst v63  }
0x34: {  	s22 =	rddreg [dreg:$0xe]  }
0x35: {  	[tilespmem:s25], [sflag:$0x2] =	stream.linear.gather [hbm4b:s22+s3], $0x50, $0x38;
	[tilespmem:$0x1DC80] =	vst v63  }
0x36: {  	_ =	swait.ge [sflag:s26], $0x50  }
0x37: {  	[sflag:s26] =	ssyncset.done $0x0  }
0x38: {  	[sflag:s26] =	ssyncadd.s32 $0xFFFFFFB0  }
0x39: {  	_ =	swait.ge [sflag:s26], $0x50  }
0x3a: {  	[sflag:s26] =	ssyncset.done $0x0  }
0x3b: {  	[sflag:s26] =	ssyncadd.s32 $0xFFFFFFB0  }
0x3c: {  	[tilespmem:s29], [sflag:$0x1] =	stream.indirect.gather [hbm4b:s5+s28], $0x80, s24, s28, $0xb8;
	[tilespmem:$0x1DC80] =	vst v63  }
0x3d: {  	s19 =	rddreg [dreg:$0xf]  }
0x3e: {  	[tilespmem:s30], [sflag:$0x2] =	stream.linear.gather [hbm4b:s19+s3], $0x50, $0x38;
	[tilespmem:$0x1DC80] =	vst v63  }
0x3f: {  	s20 =	rddreg [dreg:$0x10]  }
0x40: {  	[tilespmem:s31], [sflag:$0x2] =	stream.linear.gather [hbm4b:s20+s3], $0x50, $0x38;
	[tilespmem:$0x1DC80] =	vst v63  }
0x41: {  	_ =	swait.ge [sflag:s26], $0x50  }
0x42: {  	[sflag:s26] =	ssyncset.done $0x0  }
0x43: {  	[sflag:s26] =	ssyncadd.s32 $0xFFFFFFB0  }
0x44: {  	_ =	swait.ge [sflag:s26], $0x50  }
0x45: {  	[sflag:s26] =	ssyncset.done $0x0  }
0x46: {  	[sflag:s26] =	ssyncadd.s32 $0xFFFFFFB0  }
0x47: {  	[tilespmem:s0], [sflag:$0x1] =	stream.indirect.gather [hbm4b:s5+s28], $0x80, s30, s28, $0xb8;
	[tilespmem:$0x1DC80] =	vst v63  }
0x48: {  	s21 =	rddreg [dreg:$0x11]  }
0x49: {  	[tilespmem:s4], [sflag:$0x2] =	stream.linear.gather [hbm4b:s21+s3], $0x50, $0x38;
	[tilespmem:$0x1DC80] =	vst v63  }
0x4a: {  	s22 =	rddreg [dreg:$0x12]  }
0x4b: {  	[tilespmem:s8], [sflag:$0x2] =	stream.linear.gather [hbm4b:s22+s3], $0x50, $0x38;
	[tilespmem:$0x1DC80] =	vst v63  }
0x4c: {  	_ =	swait.ge [sflag:s9], $0x2800  }
0x4d: {  	[sflag:s9] =	ssyncset.done $0x0  }
0x4e: {  	[sflag:s9] =	ssyncadd.s32 $0xFFFFD800  }
0x4f: {  	_ =	swait.ge [sflag:s26], $0x50  }
0x50: {  	[sflag:s26] =	ssyncset.done $0x0  }
0x51: {  	[sflag:s26] =	ssyncadd.s32 $0xFFFFFFB0  }
0x52: {  	_ =	swait.ge [sflag:s26], $0x50  }
0x53: {  	[sflag:s26] =	ssyncset.done $0x0  }
0x54: {  	[sflag:s26] =	ssyncadd.s32 $0xFFFFFFB0  }
0x55: {  	[tilespmem:s10], [sflag:$0x1] =	stream.indirect.gather [hbm4b:s5+s28], $0x80, s4, s28, $0xb8;
	[tilespmem:$0x1DC80] =	vst v63  }
0x56: {  	_ = 	snop  }
0x57: {  	[spmem:s2] =	stream.indirect.scatter.add.f32 [tilespmem:s29], [sflag:$0x3], $0x80, s25, s28, $0xb8;
	[tilespmem:$0x1DC80] =	vst v63  }
0x58: {  	s19 =	rddreg [dreg:$0x13]  }
0x59: {  	[tilespmem:s11], [sflag:$0x2] =	stream.linear.gather [hbm4b:s19+s3], $0x50, $0x38;
	[tilespmem:$0x1DC80] =	vst v63  }
0x5a: {  	s20 =	rddreg [dreg:$0x14]  }
0x5b: {  	[tilespmem:s12], [sflag:$0x2] =	stream.linear.gather [hbm4b:s20+s3], $0x50, $0x38;
	[tilespmem:$0x1DC80] =	vst v63  }
0x5c: {  	_ =	swait.ge [sflag:s9], $0x2800  }
0x5d: {  	[sflag:s9] =	ssyncset.done $0x0  }
0x5e: {  	[sflag:s9] =	ssyncadd.s32 $0xFFFFD800  }
0x5f: {  	_ =	swait.ge [sflag:s26], $0x50  }
0x60: {  	[sflag:s26] =	ssyncset.done $0x0  }
0x61: {  	[sflag:s26] =	ssyncadd.s32 $0xFFFFFFB0  }
0x62: {  	_ =	swait.ge [sflag:s26], $0x50  }
0x63: {  	[sflag:s26] =	ssyncset.done $0x0  }
0x64: {  	[sflag:s26] =	ssyncadd.s32 $0xFFFFFFB0  }
0x65: {  	_ =	swait.ge [sflag:s13], $0x2800  }
0x66: {  	[sflag:s13] =	ssyncset.done $0x0  }
0x67: {  	[sflag:s13] =	ssyncadd.s32 $0xFFFFD800  }
0x68: {  	[tilespmem:s14], [sflag:$0x1] =	stream.indirect.gather [hbm4b:s5+s28], $0x80, s11, s28, $0xb8;
	[tilespmem:$0x1DC80] =	vst v63  }
0x69: {  	s21 =	sshrl.u32 s23, $0x3  }
0x6a: {  	[spmem:s2] =	stream.indirect.scatter.add.f32 [tilespmem:s0], [sflag:$0x3], $0x80, s31, s28, $0xb8;
	[tilespmem:$0x1DC80] =	vst v63  }
0x6b: {  	s20 =	sadd.s32 s1, s21  }
0x6c: {  	[tilespmem:s24], [sflag:$0x2] =	stream.linear.gather [hbm4b:s20+s3], $0x50, $0x38;
	[tilespmem:$0x1DC80] =	vst v63  }
0x6d: {  	s19 =	sadd.s32 s6, s21  }
0x6e: {  	[tilespmem:s25], [sflag:$0x2] =	stream.linear.gather [hbm4b:s19+s3], $0x50, $0x38;
	[tilespmem:$0x1DC80] =	vst v63  }
0x6f: {  	_ =	swait.ge [sflag:s9], $0x2800  }
0x70: {  	[sflag:s9] =	ssyncset.done $0x0  }
0x71: {  	[sflag:s9] =	ssyncadd.s32 $0xFFFFD800  }
0x72: {  	_ =	swait.ge [sflag:s26], $0x50  }
0x73: {  	[sflag:s26] =	ssyncset.done $0x0  }
0x74: {  	[sflag:s26] =	ssyncadd.s32 $0xFFFFFFB0  }
0x75: {  	_ =	swait.ge [sflag:s26], $0x50  }
0x76: {  	[sflag:s26] =	ssyncset.done $0x0  }
0x77: {  	[sflag:s26] =	ssyncadd.s32 $0xFFFFFFB0  }
0x78: {  	_ =	swait.ge [sflag:s13], $0x2800  }
0x79: {  	[sflag:s13] =	ssyncset.done $0x0  }
0x7a: {  	[sflag:s13] =	ssyncadd.s32 $0xFFFFD800  }
0x7b: {  	[tilespmem:s29], [sflag:$0x1] =	stream.indirect.gather [hbm4b:s5+s28], $0x80, s24, s28, $0xb8;
	[tilespmem:$0x1DC80] =	vst v63  }
0x7c: {  	s22 =	rddreg [dreg:$0x9]  }
0x7d: {  	[spmem:s2] =	stream.indirect.scatter.add.f32 [tilespmem:s10], [sflag:$0x3], $0x80, s8, s28, $0xb8;
	[tilespmem:$0x1DC80] =	vst v63  }
0x7e: {  	s7 =	rddreg [dreg:$0x8];
	s19 =	sadd.s32 $0x0, s22  }
0x7f: {  	[tilespmem:s30], [sflag:$0x2] =	stream.linear.gather [hbm4b:s19+s3], $0x50, $0x38;
	[tilespmem:$0x1DC80] =	vst v63  }
0x80: {  	s21 =	sadd.s32 $0x0, s7  }
0x81: {  	[tilespmem:s31], [sflag:$0x2] =	stream.linear.gather [hbm4b:s21+s3], $0x50, $0x38;
	[tilespmem:$0x1DC80] =	vst v63  }
0x82: {  	_ =	swait.ge [sflag:s9], $0x2800  }
0x83: {  	[sflag:s9] =	ssyncset.done $0x0  }
0x84: {  	[sflag:s9] =	ssyncadd.s32 $0xFFFFD800  }
0x85: {  	_ =	swait.ge [sflag:s26], $0x50  }
0x86: {  	[sflag:s26] =	ssyncset.done $0x0  }
0x87: {  	[sflag:s26] =	ssyncadd.s32 $0xFFFFFFB0  }
0x88: {  	_ =	swait.ge [sflag:s26], $0x50  }
0x89: {  	[sflag:s26] =	ssyncset.done $0x0  }
0x8a: {  	[sflag:s26] =	ssyncadd.s32 $0xFFFFFFB0  }
0x8b: {  	_ =	swait.ge [sflag:s13], $0x2800  }
0x8c: {  	[sflag:s13] =	ssyncset.done $0x0  }
0x8d: {  	[sflag:s13] =	ssyncadd.s32 $0xFFFFD800  }
0x8e: {  	[tilespmem:s0], [sflag:$0x1] =	stream.indirect.gather [hbm4b:s5+s28], $0x80, s30, s28, $0xb8;
	[tilespmem:$0x1DC80] =	vst v63  }
0x8f: {  	s22 =	rddreg [dreg:$0x7]  }
0x90: {  	[spmem:s2] =	stream.indirect.scatter.add.f32 [tilespmem:s14], [sflag:$0x3], $0x80, s12, s28, $0xb8;
	[tilespmem:$0x1DC80] =	vst v63  }
0x91: {  	s7 =	rddreg [dreg:$0x6];
	s19 =	sadd.s32 $0x0, s22  }
0x92: {  	[tilespmem:s4], [sflag:$0x2] =	stream.linear.gather [hbm4b:s19+s3], $0x50, $0x38;
	[tilespmem:$0x1DC80] =	vst v63  }
0x93: {  	s20 =	sadd.s32 $0x0, s7  }
0x94: {  	[tilespmem:s8], [sflag:$0x2] =	stream.linear.gather [hbm4b:s20+s3], $0x50, $0x38;
	[tilespmem:$0x1DC80] =	vst v63  }
0x95: {  	_ =	swait.ge [sflag:s9], $0x2800  }
0x96: {  	[sflag:s9] =	ssyncset.done $0x0  }
0x97: {  	[sflag:s9] =	ssyncadd.s32 $0xFFFFD800  }
0x98: {  	_ =	swait.ge [sflag:s26], $0x50  }
0x99: {  	[sflag:s26] =	ssyncset.done $0x0  }
0x9a: {  	[sflag:s26] =	ssyncadd.s32 $0xFFFFFFB0  }
0x9b: {  	_ =	swait.ge [sflag:s26], $0x50  }
0x9c: {  	[sflag:s26] =	ssyncset.done $0x0  }
0x9d: {  	[sflag:s26] =	ssyncadd.s32 $0xFFFFFFB0  }
0x9e: {  	_ =	swait.ge [sflag:s13], $0x2800  }
0x9f: {  	[sflag:s13] =	ssyncset.done $0x0  }
0xa0: {  	[sflag:s13] =	ssyncadd.s32 $0xFFFFD800  }
0xa1: {  	[tilespmem:s10], [sflag:$0x1] =	stream.indirect.gather [hbm4b:s5+s28], $0x80, s4, s28, $0xb8;
	[tilespmem:$0x1DC80] =	vst v63  }
0xa2: {  	s21 =	rddreg [dreg:$0x5]  }
0xa3: {  	[spmem:s2] =	stream.indirect.scatter.add.f32 [tilespmem:s29], [sflag:$0x3], $0x80, s25, s28, $0xb8;
	[tilespmem:$0x1DC80] =	vst v63  }
0xa4: {  	s22 =	rddreg [dreg:$0x4];
	s19 =	sadd.s32 $0x0, s21  }
0xa5: {  	[tilespmem:s11], [sflag:$0x2] =	stream.linear.gather [hbm4b:s19+s3], $0x50, $0x38;
	[tilespmem:$0x1DC80] =	vst v63  }
0xa6: {  	s20 =	sadd.s32 $0x140, s23;
	s21 =	sadd.s32 $0x0, s22;
	s19 =	simm.s32 $0x28  }
.LBB2_2:
0xa7: {  	[tilespmem:s12], [sflag:$0x2] =	stream.linear.gather [hbm4b:s21+s3], $0x50, $0x38;
	[tilespmem:$0x1DC80] =	vst v63  }
0xa8: {  	_ =	swait.ge [sflag:s9], $0x2800  }
0xa9: {  	[sflag:s9] =	ssyncset.done $0x0  }
0xaa: {  	[sflag:s9] =	ssyncadd.s32 $0xFFFFD800  }
0xab: {  	_ =	swait.ge [sflag:s26], $0x50  }
0xac: {  	[sflag:s26] =	ssyncset.done $0x0  }
0xad: {  	[sflag:s26] =	ssyncadd.s32 $0xFFFFFFB0  }
0xae: {  	_ =	swait.ge [sflag:s26], $0x50  }
0xaf: {  	[sflag:s26] =	ssyncset.done $0x0  }
0xb0: {  	[sflag:s26] =	ssyncadd.s32 $0xFFFFFFB0  }
0xb1: {  	_ =	swait.ge [sflag:s13], $0x2800  }
0xb2: {  	[sflag:s13] =	ssyncset.done $0x0  }
0xb3: {  	[sflag:s13] =	ssyncadd.s32 $0xFFFFD800  }
0xb4: {  	[tilespmem:s14], [sflag:$0x1] =	stream.indirect.gather [hbm4b:s5+s28], $0x80, s11, s28, $0xb8;
	[tilespmem:$0x1DC80] =	vst v63  }
0xb5: {  	s22 =	sshrl.u32 s20, $0x3  }
0xb6: {  	[spmem:s2] =	stream.indirect.scatter.add.f32 [tilespmem:s0], [sflag:$0x3], $0x80, s31, s28, $0xb8;
	[tilespmem:$0x1DC80] =	vst v63  }
0xb7: {  	s7 =	sadd.s32 s1, s22  }
0xb8: {  	[tilespmem:s24], [sflag:$0x2] =	stream.linear.gather [hbm4b:s7+s3], $0x50, $0x38;
	[tilespmem:$0x1DC80] =	vst v63  }
0xb9: {  	s22 =	sadd.s32 s6, s22  }
0xba: {  	[tilespmem:s25], [sflag:$0x2] =	stream.linear.gather [hbm4b:s22+s3], $0x50, $0x38;
	[tilespmem:$0x1DC80] =	vst v63  }
0xbb: {  	_ =	swait.ge [sflag:s9], $0x2800  }
0xbc: {  	[sflag:s9] =	ssyncset.done $0x0  }
0xbd: {  	[sflag:s9] =	ssyncadd.s32 $0xFFFFD800  }
0xbe: {  	_ =	swait.ge [sflag:s26], $0x50  }
0xbf: {  	[sflag:s26] =	ssyncset.done $0x0  }
0xc0: {  	[sflag:s26] =	ssyncadd.s32 $0xFFFFFFB0  }
0xc1: {  	_ =	swait.ge [sflag:s26], $0x50  }
0xc2: {  	[sflag:s26] =	ssyncset.done $0x0  }
0xc3: {  	[sflag:s26] =	ssyncadd.s32 $0xFFFFFFB0  }
0xc4: {  	_ =	swait.ge [sflag:s13], $0x2800  }
0xc5: {  	[sflag:s13] =	ssyncset.done $0x0  }
0xc6: {  	[sflag:s13] =	ssyncadd.s32 $0xFFFFD800  }
0xc7: {  	[tilespmem:s29], [sflag:$0x1] =	stream.indirect.gather [hbm4b:s5+s28], $0x80, s24, s28, $0xb8;
	[tilespmem:$0x1DC80] =	vst v63  }
0xc8: {  	s21 =	smov.u32 s19;
	s7 =	rddreg [dreg:$0x9]  }
0xc9: {  	[spmem:s2] =	stream.indirect.scatter.add.f32 [tilespmem:s10], [sflag:$0x3], $0x80, s8, s28, $0xb8;
	[tilespmem:$0x1DC80] =	vst v63  }
0xca: {  	s22 =	rddreg [dreg:$0x8];
	s7 =	sadd.s32 s21, s7  }
0xcb: {  	[tilespmem:s30], [sflag:$0x2] =	stream.linear.gather [hbm4b:s7+s3], $0x50, $0x38;
	[tilespmem:$0x1DC80] =	vst v63  }
0xcc: {  	s22 =	sadd.s32 s21, s22  }
0xcd: {  	[tilespmem:s31], [sflag:$0x2] =	stream.linear.gather [hbm4b:s22+s3], $0x50, $0x38;
	[tilespmem:$0x1DC80] =	vst v63  }
0xce: {  	_ =	swait.ge [sflag:s9], $0x2800  }
0xcf: {  	[sflag:s9] =	ssyncset.done $0x0  }
0xd0: {  	[sflag:s9] =	ssyncadd.s32 $0xFFFFD800  }
0xd1: {  	_ =	swait.ge [sflag:s26], $0x50  }
0xd2: {  	[sflag:s26] =	ssyncset.done $0x0  }
0xd3: {  	[sflag:s26] =	ssyncadd.s32 $0xFFFFFFB0  }
0xd4: {  	_ =	swait.ge [sflag:s26], $0x50  }
0xd5: {  	[sflag:s26] =	ssyncset.done $0x0  }
0xd6: {  	[sflag:s26] =	ssyncadd.s32 $0xFFFFFFB0  }
0xd7: {  	_ =	swait.ge [sflag:s13], $0x2800  }
0xd8: {  	[sflag:s13] =	ssyncset.done $0x0  }
0xd9: {  	[sflag:s13] =	ssyncadd.s32 $0xFFFFD800  }
0xda: {  	[tilespmem:s0], [sflag:$0x1] =	stream.indirect.gather [hbm4b:s5+s28], $0x80, s30, s28, $0xb8;
	[tilespmem:$0x1DC80] =	vst v63  }
0xdb: {  	s7 =	rddreg [dreg:$0x7]  }
0xdc: {  	[spmem:s2] =	stream.indirect.scatter.add.f32 [tilespmem:s14], [sflag:$0x3], $0x80, s12, s28, $0xb8;
	[tilespmem:$0x1DC80] =	vst v63  }
0xdd: {  	s22 =	rddreg [dreg:$0x6];
	s7 =	sadd.s32 s21, s7  }
0xde: {  	[tilespmem:s4], [sflag:$0x2] =	stream.linear.gather [hbm4b:s7+s3], $0x50, $0x38;
	[tilespmem:$0x1DC80] =	vst v63  }
0xdf: {  	s22 =	sadd.s32 s21, s22  }
0xe0: {  	[tilespmem:s8], [sflag:$0x2] =	stream.linear.gather [hbm4b:s22+s3], $0x50, $0x38;
	[tilespmem:$0x1DC80] =	vst v63  }
0xe1: {  	_ =	swait.ge [sflag:s9], $0x2800  }
0xe2: {  	[sflag:s9] =	ssyncset.done $0x0  }
0xe3: {  	[sflag:s9] =	ssyncadd.s32 $0xFFFFD800  }
0xe4: {  	_ =	swait.ge [sflag:s26], $0x50  }
0xe5: {  	[sflag:s26] =	ssyncset.done $0x0  }
0xe6: {  	[sflag:s26] =	ssyncadd.s32 $0xFFFFFFB0  }
0xe7: {  	_ =	swait.ge [sflag:s26], $0x50  }
0xe8: {  	[sflag:s26] =	ssyncset.done $0x0  }
0xe9: {  	[sflag:s26] =	ssyncadd.s32 $0xFFFFFFB0  }
0xea: {  	_ =	swait.ge [sflag:s13], $0x2800  }
0xeb: {  	[sflag:s13] =	ssyncset.done $0x0  }
0xec: {  	p1 =	sne.s32 s19, $0x488;
	[sflag:s13] =	ssyncadd.s32 $0xFFFFD800  }
0xed: {  	[tilespmem:s10], [sflag:$0x1] =	stream.indirect.gather [hbm4b:s5+s28], $0x80, s4, s28, $0xb8;
	[tilespmem:$0x1DC80] =	vst v63  }
.Ltmp0:
0xee: {  	s7 =	rddreg [dreg:$0x5];
	(pc) =	sbr.rel @p1 .LBB2_2-.Ltmp0, $4  }
0xef: {  	s19 =	sadd.s32 $0x28, s19;
	s22 =	rddreg [dreg:$0x4]  }
0xf0: {  	[spmem:s2] =	stream.indirect.scatter.add.f32 [tilespmem:s29], [sflag:$0x3], $0x80, s25, s28, $0xb8;
	[tilespmem:$0x1DC80] =	vst v63  }
0xf1: {  	s20 =	sadd.s32 $0x140, s20;
	s7 =	sadd.s32 s21, s7;
	s21 =	sadd.s32 s21, s22  }
0xf2: {  	[tilespmem:s11], [sflag:$0x2] =	stream.linear.gather [hbm4b:s7+s3], $0x50, $0x38;
	[tilespmem:$0x1DC80] =	vst v63  }
0xf3: {  	[tilespmem:s12], [sflag:$0x2] =	stream.linear.gather [hbm4b:s21+s3], $0x50, $0x38;
	[tilespmem:$0x1DC80] =	vst v63  }
0xf4: {  	_ =	swait.ge [sflag:s9], $0x2800  }
0xf5: {  	[sflag:s9] =	ssyncset.done $0x0  }
0xf6: {  	[sflag:s9] =	ssyncadd.s32 $0xFFFFD800  }
0xf7: {  	_ =	swait.ge [sflag:s26], $0x50  }
0xf8: {  	[sflag:s26] =	ssyncset.done $0x0  }
0xf9: {  	[sflag:s26] =	ssyncadd.s32 $0xFFFFFFB0  }
0xfa: {  	_ =	swait.ge [sflag:s26], $0x50  }
0xfb: {  	[sflag:s26] =	ssyncset.done $0x0  }
0xfc: {  	[sflag:s26] =	ssyncadd.s32 $0xFFFFFFB0  }
0xfd: {  	_ =	swait.ge [sflag:s13], $0x2800  }
0xfe: {  	[sflag:s13] =	ssyncset.done $0x0  }
0xff: {  	[sflag:s13] =	ssyncadd.s32 $0xFFFFD800  }
0x100: {  	[tilespmem:s14], [sflag:$0x1] =	stream.indirect.gather [hbm4b:s5+s28], $0x80, s11, s28, $0xb8;
	[tilespmem:$0x1DC80] =	vst v63  }
0x101: {  	_ = 	snop  }
0x102: {  	[spmem:s2] =	stream.indirect.scatter.add.f32 [tilespmem:s0], [sflag:$0x3], $0x80, s31, s28, $0xb8;
	[tilespmem:$0x1DC80] =	vst v63  }
0x103: {  	s7 =	rddreg [dreg:$0x16]  }
0x104: {  	[tilespmem:s24], [sflag:$0x2] =	stream.linear.gather [hbm4b:s7+s3], $0x50, $0x38;
	[tilespmem:$0x1DC80] =	vst v63  }
0x105: {  	s21 =	rddreg [dreg:$0x17]  }
0x106: {  	[tilespmem:s25], [sflag:$0x2] =	stream.linear.gather [hbm4b:s21+s3], $0x50, $0x38;
	[tilespmem:$0x1DC80] =	vst v63  }
0x107: {  	_ =	swait.ge [sflag:s9], $0x2800  }
0x108: {  	[sflag:s9] =	ssyncset.done $0x0  }
0x109: {  	[sflag:s9] =	ssyncadd.s32 $0xFFFFD800  }
0x10a: {  	_ =	swait.ge [sflag:s26], $0x50  }
0x10b: {  	[sflag:s26] =	ssyncset.done $0x0  }
0x10c: {  	[sflag:s26] =	ssyncadd.s32 $0xFFFFFFB0  }
0x10d: {  	_ =	swait.ge [sflag:s26], $0x50  }
0x10e: {  	[sflag:s26] =	ssyncset.done $0x0  }
0x10f: {  	[sflag:s26] =	ssyncadd.s32 $0xFFFFFFB0  }
0x110: {  	_ =	swait.ge [sflag:s13], $0x2800  }
0x111: {  	[sflag:s13] =	ssyncset.done $0x0  }
0x112: {  	[sflag:s13] =	ssyncadd.s32 $0xFFFFD800  }
0x113: {  	[tilespmem:s29], [sflag:$0x1] =	stream.indirect.gather [hbm4b:s5+s28], $0x80, s24, s28, $0xb8;
	[tilespmem:$0x1DC80] =	vst v63  }
0x114: {  	_ = 	snop  }
0x115: {  	[spmem:s2] =	stream.indirect.scatter.add.f32 [tilespmem:s10], [sflag:$0x3], $0x80, s8, s28, $0xb8;
	[tilespmem:$0x1DC80] =	vst v63  }
0x116: {  	_ =	swait.ge [sflag:s9], $0x2800  }
0x117: {  	[sflag:s9] =	ssyncset.done $0x0  }
0x118: {  	[sflag:s9] =	ssyncadd.s32 $0xFFFFD800  }
0x119: {  	_ =	swait.ge [sflag:s13], $0x2800  }
0x11a: {  	[sflag:s13] =	ssyncset.done $0x0  }
0x11b: {  	[sflag:s13] =	ssyncadd.s32 $0xFFFFD800  }
0x11c: {  	[spmem:s2] =	stream.indirect.scatter.add.f32 [tilespmem:s14], [sflag:$0x3], $0x80, s12, s28, $0xb8;
	[tilespmem:$0x1DC80] =	vst v63  }
0x11d: {  	_ =	swait.ge [sflag:s9], $0x2800  }
0x11e: {  	[sflag:s9] =	ssyncset.done $0x0  }
0x11f: {  	[sflag:s9] =	ssyncadd.s32 $0xFFFFD800  }
0x120: {  	_ =	swait.ge [sflag:s13], $0x2800  }
0x121: {  	[sflag:s13] =	ssyncset.done $0x0  }
0x122: {  	[sflag:s13] =	ssyncadd.s32 $0xFFFFD800  }
0x123: {  	[spmem:s2] =	stream.indirect.scatter.add.f32 [tilespmem:s29], [sflag:$0x3], $0x80, s25, s28, $0xb8;
	[tilespmem:$0x1DC80] =	vst v63  }
0x124: {  	_ =	swait.ge [sflag:s13], $0x2800  }
0x125: {  	[sflag:s13] =	ssyncset.done $0x0  }
0x126: {  	[sflag:s13] =	ssyncadd.s32 $0xFFFFD800  }
0x127: {  	[bflag:$0x0] =	sbarrier.arrive $0xFFFF  }
0x128: {  	s7 =	simm.s32 @p0 $0x1FC4;
	s19 =	rddreg [dreg:$0x18]  }
0x129: {  	[hbm:s19], [sflag:s7] =	dma.local @p0 [spmem:s16], $0x2800  }
0x12a: {  	s7 =	simm.s32 @p0 $0x4  }
0x12b: {  	_ =	swait.ge @p0 [sflag:s7], $0x2800  }
0x12c: {  	[sflag:s7] =	ssyncset.done @p0 $0x0  }
0x12d: {  	[sflag:s7] =	ssyncadd.s32 @p0 $0xFFFFD800;
	s7 =	rddreg [dreg:$0x15]  }
0x12e: {  	[hbm:s7], [sflag:s17] =	dma.local @!p0 [spmem:s18], $0x2700  }
0x12f: {  	s7 =	simm.s32 @!p0 $0x4  }
0x130: {  	_ =	swait.ge @!p0 [sflag:s7], $0x2700  }
0x131: {  	s15 =	sadd.s32 $0x1, s15;
	s22 =	rddreg [dreg:$0x19]  }
0x132: {  	p1 =	sne.s32 s15, s22  }
.Ltmp1:
0x133: {  	_ = 	snop;
	(pc) =	sbr.rel @p1 .LBB2_1-.Ltmp1, $3  }
0x134: {  	_ =	sdelay $0x1  }
0x135: {  	[sflag:s7] =	ssyncset.done @!p0 $0x0  }
0x136: {  	[sflag:s7] =	ssyncadd.s32 @!p0 $0xFFFFD900  }
0x137: {  	_ =	sfence.sel $0x180000  }
0x138: {  	[bflag:$0x0] =	sbarrier.arrive $0xFFFF  }
0x139: {  	_ =	strace $0x9000004D  }
0x13a: {  	s0 =	stileid.u32;
	[bflag:$0x2] =	sbarrier.arrive $0xFFFF  }
0x13b: {  	p0 =	sne.s32 s0, $0x0;
	s0 =	rddreg [dreg:$0x3]  }
0x13c: {  	s0 =	sadd.s32 @!p0 $0x100000, s0  }
0x13d: {  	[sflag:s0] =	ssyncadd.tile.s32 @!p0 $0x1;
	_ =	shalt  }
.Lfunc_end2:
_tile_overlayer_lowered:
.L_overlay_start_2:
0x13e: {  	(tag) =	ssettag $0x2  }
0x13f: {  	s0 =	rddreg [dreg:$0x0];
	s2 =	stileid.u32  }
0x140: {  	s1 =	rddreg [dreg:$0x1];
	p0 =	sne.s32 s2, $0x0  }
0x141: {  	s3 =	rddreg [dreg:$0x2];
	[bflag:$0x3] =	sbarrier.arrive $0xFFFF;
	s2 =	simm.s32 @!p0 $0x1C04  }
0x142: {  	[timem:s3], [sflag:s2] =	dma.local @!p0 [hbm:s0], s1  }
0x143: {  	s0 =	simm.s32 @!p0 $0x4  }
0x144: {  	_ =	swait.ge @!p0 [sflag:s0], s1  }
0x145: {  	s1 =	ssub.s32 @!p0 $0x0, s1;
	[sflag:s0] =	ssyncset.done @!p0 $0x0  }
0x146: {  	[sflag:s0] =	ssyncadd.s32 @!p0 s1  }
0x147: {  	[bflag:$0x3] =	sbarrier.arrive $0xFFFF  }
0x148: {  	_ =	shalt  }

// kernel: kernel.9.cloned.1.call-start
scs
__scs_entry_jumppad:
0x0: {  	(pc) =	sbr.rel $0x88, $3  }
0x1: {  	(tag) =	ssettag $0x0;
	lr =	simm.s32 $0x1  }
0x2: {  	[smem:$0x3F96] =	sst lr;
	_ =	strace $0xD0000000  }
0x3: {  	_ = 	snop  }
0x4: {  	_ = 	snop  }
0x5: {  	_ = 	snop  }
0x6: {  	_ = 	snop  }
0x7: {  	_ = 	snop  }
__scs_overlays_trampoline_lowered:
0x8: {  	[smem:$0x3FA5] =	sst s0  }
0x9: {  	[smem:$0x3FA6] =	sst s1  }
0xa: {  	[smem:$0x3FA7] =	sst s2  }
0xb: {  	[smem:$0x3FA8] =	sst s3  }
0xc: {  	[smem:$0x3FA9] =	sst s4  }
0xd: {  	[smem:$0x3FAA] =	sst s5  }
0xe: {  	[smem:$0x3FAB] =	sst s6  }
0xf: {  	[smem:$0x3FAC] =	sst s7  }
0x10: {  	[smem:$0x3FAD] =	sst s8  }
0x11: {  	[smem:$0x3FAE] =	sst s9;
	s0 =	simm.s32 @!p0 $0x0  }
0x12: {  	s1 =	sld [smem:$0x3F94];
	s0 =	simm.s32 @p0 $0x1  }
0x13: {  	[smem:$0x3FAF] =	sst s0;
	s0 =	simm.s32 @!p1 $0x0  }
0x14: {  	s2 =	sld [smem:$0x3F93];
	s0 =	simm.s32 @p1 $0x1  }
0x15: {  	[smem:$0x3FB0] =	sst s0;
	s0 =	simm.s32 @!p2 $0x0  }
0x16: {  	s3 =	sld [smem:$0x3FDB];
	s0 =	simm.s32 @p2 $0x1  }
0x17: {  	s4 =	simm.s32 $0x1BF5;
	[smem:$0x3FB2] =	sst s0  }
0x18: {  	s0 =	sld [smem:$0x3F95];
	_ =	swait.ge [sflag:s4], $0x0  }
0x19: {  	s7 =	sld [smem:$0x3F96]  }
0x1a: {  	s8 =	sadd.s32 $0xFFFFE003, lr  }
0x1b: {  	s9 =	sadd.s32 $0xFFFFFEF7, lr;
	s5 =	simm.s32 $0xFFFFFFFF;
	p2 =	slt.u32 s8, $0xFFFFF086  }
0x1c: {  	p1 =	slt.u32 s9, $0xF7A;
	s5 =	simm.s32 @!p2 $0x0  }
0x1d: {  	s5 =	simm.s32 @p1 $0x1;
	p0 =	seq.s32 s7, s2  }
0x1e: {  	s7 =	smul.u32 @!p0 $0xF7A, s2;
	p2 =	seq.s32 @!p0 s5, $0x0  }
0x1f: {  	s9 =	smul.u32 $0xF7A, s1;
	s8 =	simm.s32 @!p0 $0x1BF5;
	p2 =	por !p2, p0  }
0x20: {  	[sflag:s8] =	ssyncset.s32 @!p0 $0xFFFFF086;
	s6 =	sadd.s32 @!p0 s3, s7;
	s7 =	simm.s32 @!p0 $0x108  }
0x21: {  	s3 =	sadd.s32 s3, s9;
	s6 =	sadd.s32 @!p0 $0x88, s6;
	s7 =	simm.s32 @p2 $0x1082  }
0x22: {  	[simem:s7], [sflag:s8] =	dma.local @!p0 [hbm:s6], $0xF7A  }
0x23: {  	s9 =	sor.u32 $0xD0000000, s2;
	s6 =	simm.s32 $0x108;
	_ =	swait.ge @!p0 [sflag:s8], $0x0  }
0x24: {  	s3 =	sadd.s32 $0x88, s3;
	s6 =	simm.s32 @!p1 $0x1082;
	[sflag:s4] =	ssyncset.s32 $0xFFFFF086  }
0x25: {  	[simem:s6], [sflag:s4] =	dma.local [hbm:s3], $0xF7A  }
0x26: {  	[smem:$0x3F96] =	sst s1;
	(tag) =	ssettag s2;
	_ =	strace s9  }
0x27: {  	s1 =	sld [smem:$0x3FA6]  }
0x28: {  	s2 =	sld [smem:$0x3FA7]  }
0x29: {  	s4 =	sld [smem:$0x3FA9]  }
0x2a: {  	p0 =	seq.s32 s5, $0x0;
	s5 =	sld [smem:$0x3FAA]  }
0x2b: {  	s6 =	sld [smem:$0x3FAB]  }
0x2c: {  	s7 =	sld [smem:$0x3FAC]  }
0x2d: {  	s3 =	simm.s32 $0x108;
	s8 =	sld [smem:$0x3FAD]  }
0x2e: {  	s3 =	simm.s32 @!p0 $0x1082;
	s9 =	sld [smem:$0x3FAE]  }
0x2f: {  	lr =	sadd.s32 s0, s3;
	s0 =	sld [smem:$0x3FA5]  }
0x30: {  	s3 =	sld [smem:$0x3FA8]  }
0x31: {  	[smem:$0x3FB1] =	sst s10  }
0x32: {  	s10 =	sld [smem:$0x3FAF];
	_ =	sdelay $0x3  }
0x33: {  	p0 =	seq.s32 s10, $0x1;
	s10 =	sld [smem:$0x3FB1];
	_ =	sdelay $0x3  }
0x34: {  	[smem:$0x3FB1] =	sst s10  }
0x35: {  	s10 =	sld [smem:$0x3FB0];
	_ =	sdelay $0x3  }
0x36: {  	p1 =	seq.s32 s10, $0x1;
	s10 =	sld [smem:$0x3FB1];
	_ =	sdelay $0x3  }
0x37: {  	[smem:$0x3FB1] =	sst s10  }
0x38: {  	s10 =	sld [smem:$0x3FB2]  }
0x39: {  	_ = 	snop;
	(pc) =	sbr.ind lr, $3  }
0x3a: {  	_ = 	snop  }
0x3b: {  	_ = 	snop  }
0x3c: {  	p2 =	seq.s32 s10, $0x1;
	s10 =	sld [smem:$0x3FB1]  }
0x3d: {  	_ =	shalt  }
0x3e: {  	_ =	shalt  }
0x3f: {  	_ =	shalt  }
0x40: {  	_ =	shalt  }
0x41: {  	_ =	shalt  }
0x42: {  	_ =	shalt  }
0x43: {  	_ =	shalt  }
0x44: {  	_ =	shalt  }
0x45: {  	_ =	shalt  }
0x46: {  	_ =	shalt  }
0x47: {  	_ =	shalt  }
0x48: {  	_ =	shalt  }
0x49: {  	_ =	shalt  }
0x4a: {  	_ =	shalt  }
0x4b: {  	_ =	shalt  }
0x4c: {  	_ =	shalt  }
0x4d: {  	_ =	shalt  }
0x4e: {  	_ =	shalt  }
0x4f: {  	_ =	shalt  }
0x50: {  	_ =	shalt  }
0x51: {  	_ =	shalt  }
0x52: {  	_ =	shalt  }
0x53: {  	_ =	shalt  }
0x54: {  	_ =	shalt  }
0x55: {  	_ =	shalt  }
0x56: {  	_ =	shalt  }
0x57: {  	_ =	shalt  }
0x58: {  	_ =	shalt  }
0x59: {  	_ =	shalt  }
0x5a: {  	_ =	shalt  }
0x5b: {  	_ =	shalt  }
0x5c: {  	_ =	shalt  }
0x5d: {  	_ =	shalt  }
0x5e: {  	_ =	shalt  }
0x5f: {  	_ =	shalt  }
0x60: {  	_ =	shalt  }
0x61: {  	_ =	shalt  }
0x62: {  	_ =	shalt  }
0x63: {  	_ =	shalt  }
0x64: {  	_ =	shalt  }
0x65: {  	_ =	shalt  }
0x66: {  	_ =	shalt  }
0x67: {  	_ =	shalt  }
0x68: {  	_ =	shalt  }
0x69: {  	_ =	shalt  }
0x6a: {  	_ =	shalt  }
0x6b: {  	_ =	shalt  }
0x6c: {  	_ =	shalt  }
0x6d: {  	_ =	shalt  }
0x6e: {  	_ =	shalt  }
0x6f: {  	_ =	shalt  }
0x70: {  	_ =	shalt  }
0x71: {  	_ =	shalt  }
0x72: {  	_ =	shalt  }
0x73: {  	_ =	shalt  }
0x74: {  	_ =	shalt  }
0x75: {  	_ =	shalt  }
0x76: {  	_ =	shalt  }
0x77: {  	_ =	shalt  }
0x78: {  	_ =	shalt  }
0x79: {  	_ =	shalt  }
0x7a: {  	_ =	shalt  }
0x7b: {  	_ =	shalt  }
0x7c: {  	_ =	shalt  }
0x7d: {  	_ =	shalt  }
0x7e: {  	_ =	shalt  }
0x7f: {  	_ =	shalt  }
0x80: {  	_ =	shalt  }
0x81: {  	_ =	shalt  }
0x82: {  	_ =	shalt  }
0x83: {  	_ =	shalt  }
0x84: {  	_ =	shalt  }
0x85: {  	_ =	shalt  }
0x86: {  	_ =	shalt  }
0x87: {  	_ =	shalt  }
.Lfunc_end0:
.L_simem_size_0:
called_computation_lowered:
.L_overlay_start_0:
0x88: {  	s2 =	sld [smem:$0x3FD9]  }
0x89: {  	s3 =	sld [smem:$0x3FFE];
	_ =	sdelay $0x1  }
0x8a: {  	s1 =	srdreg.scid  }
0x8b: {  	s0 =	sand.u32 $0x1, s1  }
0x8c: {  	s17 =	sshll.u32 s0, $0xA;
	s2 =	sadd.s32 s3, s2  }
0x8d: {  	s2 =	sadd.s32 s2, s17  }
0x8e: {  	[smem:$0x3FBD] =	sst s2  }
0x8f: {  	_ = 	snop  }
0x90: {  	s2 =	sld [smem:$0x3FD0];
	(tm) =	ssettm $0x1  }
0x91: {  	s18 =	sld [smem:$0x3FFB];
	_ =	sdelay $0x3  }
0x92: {  	_ =	strace s18  }
0x93: {  	s3 =	sld [smem:$0x3FFC];
	_ =	sdelay $0x3  }
0x94: {  	_ =	strace s3  }
0x95: {  	s3 =	sld [smem:$0x3FFD];
	_ =	sdelay $0x3  }
0x96: {  	_ =	strace s3  }
0x97: {  	_ =	strace $0x8FFFFFFF  }
0x98: {  	s19 =	sld [smem:$0x3FDB];
	_ =	sdelay $0x1  }
0x99: {  	s4 =	simm.s32 $_scs_section_size  }
0x9a: {  	s5 =	simm.s32 $_size__tile_overlayer_lowered;
	s6 =	simm.s32 $_tile_overlayer_lowered  }
0x9b: {  	s22 =	simm.s32 $0x1BFF;
	s21 =	sshll.u32 s6, $0x1;
	s3 =	sadd.s32 s4, s19  }
0x9c: {  	s7 =	simm.s32 $0x0;
	s20 =	sshll.u32 s5, $0x1;
	s5 =	sadd.s32 s21, s3  }
0x9d: {  	[timem:s7], [sflag:s22] =	dma.local [hbm:s5], s20  }
0x9e: {  	_ =	swait.ge [sflag:s22], s20  }
0x9f: {  	s4 =	ssub.s32 $0x0, s20;
	[sflag:s22] =	ssyncset.done $0x0  }
0xa0: {  	[sflag:s22] =	ssyncadd.s32 s4;
	_ =	sdelay $0x1  }
0xa1: {  	s23 =	simm.s32 $0x1B8B  }
0xa2: {  	_ =	swait.ge [sflag:s23], $0x1  }
0xa3: {  	[sflag:s23] =	ssyncset.done $0x0  }
0xa4: {  	s25 =	simm.s32 $0x1B8E;
	s24 =	sld [smem:$0x3FFE];
	[sflag:s23] =	ssyncadd.s32 $0xFFFFFFFF  }
0xa5: {  	s26 =	simm.s32 $execute0_lowered;
	[smem:$0x3FD2] =	sst s25  }
0xa6: {  	s5 =	sshll.u32 s26, $0x1;
	_ =	strace $0x80000046;
	[dreg:$0x1] =	wrdreg $0xFFFFFFFF  }
0xa7: {  	s28 =	simm.s32 $_size_execute0_lowered;
	s3 =	sadd.s32 s3, s5;
	[dreg:$0x0] =	wrdreg $0x0  }
0xa8: {  	s5 =	sshll.u32 s28, $0x1;
	[dreg:$0x2] =	wrdreg s3  }
0xa9: {  	[dreg:$0x3] =	wrdreg s5  }
0xaa: {  	[dreg:$0x4] =	wrdreg $0xC0  }
0xab: {  	_ =	task [dreg:s7], $0x5FFFF  }
0xac: {  	[dreg:$0x1] =	wrdreg $0xFFFFFFFF  }
0xad: {  	[dreg:$0x0] =	wrdreg $0x60  }
0xae: {  	[dreg:$0x2] =	wrdreg s24  }
0xaf: {  	[dreg:$0x3] =	wrdreg s2  }
0xb0: {  	[dreg:$0x4] =	wrdreg $0x0  }
0xb1: {  	[dreg:$0x5] =	wrdreg $0x1DC800  }
0xb2: {  	[dreg:$0x6] =	wrdreg $0x9  }
0xb3: {  	_ =	task.clear_ibuf [dreg:s7], $0x7FFFF;
	_ =	strace $0x90000046  }
0xb4: {  	s29 =	simm.s32 $0x9;
	_ =	strace $0x80000048  }
0xb5: {  	_ =	swait.ge [sflag:s29], $0x1  }
0xb6: {  	[sflag:s29] =	ssyncadd.s32 $0xFFFFFFFF  }
0xb7: {  	_ =	strace $0x90000048  }
0xb8: {  	_ =	sfence  }
0xb9: {  	s30 =	sld [smem:$0x0];
	_ =	sdelay $0x2  }
0xba: {  	s31 =	sshll.u32 s1, $0xD;
	s1 =	sshrl.u32 s1, $0x2  }
0xbb: {  	s3 =	sand.u32 $0x4000, s31;
	s1 =	sadd.s32 s1, s30  }
0xbc: {  	s0 =	sor.u32 s3, s0;
	s1 =	sshll.u32 s1, $0x11  }
0xbd: {  	s0 =	sor.u32 s1, s0  }
0xbe: {  	s0 =	sadd.s32 $0x8F2B, s0  }
0xbf: {  	[sflag:s0] =	ssyncadd.remote.s32 $0x1  }
0xc0: {  	_ =	sfence.sel $0xFFFF  }
0xc1: {  	[dreg:$0x0] =	wrdreg $0xFFFFFFFF;
	(pc) =	sbr.abs _section_cstart, $3  }
0xc2: {  	[dreg:$0x1] =	wrdreg $0xFFFFFFFF  }
0xc3: {  	_ =	task.clear_ibuf [dreg:s7], $0x2FFFF;
	_ =	strace $0x9FFFFFFF  }
0xc4: {  	(tm) =	ssettm $0x7FFFFFFF  }
0xc5: {  	_ =	shalt  }
tec
execute0_lowered:
.L_overlay_start_1:
0x0: {  	(tag) =	ssettag $0x1  }
0x1: {  	s0 =	rddreg [dreg:$0x0]  }
0x2: {  	s1 =	rddreg [dreg:$0x1]  }
0x3: {  	s2 =	rddreg [dreg:$0x2]  }
0x4: {  	s3 =	rddreg [dreg:$0x3]  }
0x5: {  	s4 =	simm.s32 $0x0;
	s6 =	srdreg.scid;
	s24 =	stileid.u32  }
0x6: {  	s28 =	simm.s32 $0x13880;
	s29 =	simm.s32 $0x13A80;
	s30 =	simm.s32 $0x2  }
0x7: {  	s31 =	simm.s32 $0x50;
	[smem:$0x7FF] =	sst s4;
	s5 =	sadd.s32 $0xD800, s0  }
0x8: {  	s6 =	sand.u32 $0x1, s6;
	s7 =	sadd.s32 $0x3A00, s0;
	s9 =	sadd.s32 $0x35000, s0  }
0x9: {  	s10 =	smul.u32 $0x4E000, s24;
	s11 =	sadd.s32 $0x34A00, s0;
	p0 =	sne.s32 s24, $0xF  }
0xa: {  	p3 =	seq.s32 s24, $0xF;
	_ =	strace $0x80000047;
	[dreg:$0xb] =	wrdreg s9  }
0xb: {  	s8 =	sshll.u32 s6, $0x4;
	[dreg:$0xc] =	wrdreg s11;
	s12 =	smul.u32 $0x27100, s6  }
0xc: {  	s11 =	sadd.s32 $0x38200, s0;
	s15 =	ssub.s32 $0x2, s6;
	s6 =	smul.u32 $0x138800, s6  }
0xd: {  	p2 =	sne.s32 @p0 s24, $0x0;
	s14 =	sor.u32 s24, s8;
	s0 =	sadd.s32 s8, s0  }
0xe: {  	s13 =	sshrl.u32 s15, $0x1;
	s10 =	sshrl.u32 s10, $0x2;
	s9 =	smul.u32 $0x2710, s14  }
0xf: {  	p1 =	por p2, !p0;
	p2 =	por !p2, !p0;
	s14 =	smul.u32 $0x2710, s24  }
0x10: {  	s8 =	ssub.s32 s15, s13;
	s10 =	sadd.s32 s10, s2;
	s0 =	sadd.s32 $0x37800, s0  }
0x11: {  	[dreg:$0x19] =	wrdreg s0;
	s0 =	simm.s32 $0x13C80;
	s9 =	sshrl.u32 s9, $0x3  }
0x12: {  	s12 =	sadd.s32 s14, s12;
	s16 =	sadd.s32 s1, s9;
	s17 =	sadd.s32 $0xA, s9  }
0x13: {  	s18 =	sadd.s32 s7, s9;
	s20 =	sadd.s32 $0x230, s12;
	[dreg:$0xd] =	wrdreg s16  }
0x14: {  	s21 =	sadd.s32 $0x14, s9;
	[dreg:$0xe] =	wrdreg s18;
	s19 =	sadd.s32 s1, s17  }
0x15: {  	s23 =	sadd.s32 $0x1E0, s12;
	s13 =	sadd.s32 s7, s17;
	[dreg:$0xf] =	wrdreg s19  }
0x16: {  	s14 =	sshrl.u32 s20, $0x3;
	s15 =	sadd.s32 s1, s21;
	[dreg:$0x10] =	wrdreg s13  }
0x17: {  	s16 =	smul.u32 $0x13800, s24;
	s26 =	sshrl.u32 s23, $0x3;
	[dreg:$0x11] =	wrdreg s15  }
0x18: {  	s22 =	sadd.s32 s14, s7;
	s13 =	sadd.s32 s7, s21;
	s25 =	sadd.s32 s14, s1  }
0x19: {  	s18 =	sadd.s32 s26, s7;
	s19 =	sadd.s32 $0x190, s12;
	[dreg:$0x5] =	wrdreg s22  }
0x1a: {  	s14 =	sadd.s32 s26, s1;
	s21 =	sadd.s32 $0x1E, s9;
	[dreg:$0x12] =	wrdreg s13  }
0x1b: {  	s9 =	sadd.s32 $0x4D8, s9;
	s26 =	sadd.s32 $0x140, s12;
	[dreg:$0x6] =	wrdreg s25  }
0x1c: {  	s12 =	simm.s32 $0x16480;
	s17 =	sadd.s32 s16, s6;
	[dreg:$0x7] =	wrdreg s18  }
0x1d: {  	s13 =	sshrl.u32 s19, $0x3;
	s6 =	sshrl.u32 s6, $0x3;
	[dreg:$0x8] =	wrdreg s14  }
0x1e: {  	s22 =	sadd.s32 s1, s21;
	s23 =	sadd.s32 s1, s9;
	s9 =	sadd.s32 s7, s9  }
0x1f: {  	s25 =	smax.u32 s8, $0x1;
	[dreg:$0x1b] =	wrdreg s26;
	s14 =	simm.s32 $0x13B80  }
0x20: {  	s16 =	simm.s32 $0x18C80;
	s18 =	simm.s32 $0x13A00;
	[dreg:$0x14] =	wrdreg s22  }
0x21: {  	s19 =	simm.s32 $0x13C00;
	s15 =	sshrl.u32 s17, $0x3;
	[dreg:$0x16] =	wrdreg s23  }
0x22: {  	s20 =	sadd.s32 s13, s7;
	s6 =	sadd.s32 s11, s6;
	[dreg:$0x17] =	wrdreg s9  }
0x23: {  	s13 =	sadd.s32 s13, s1;
	[dreg:$0x1a] =	wrdreg s25;
	s23 =	sadd.s32 $0x124800, s2  }
0x24: {  	s9 =	simm.s32 $0x13900;
	s17 =	simm.s32 $0x1DEF8;
	[dreg:$0x9] =	wrdreg s20  }
0x25: {  	s22 =	simm.s32 $0x1B480;
	s25 =	simm.s32 $0x0;
	[dreg:$0xa] =	wrdreg s13  }
0x26: {  	s15 =	sadd.s32 s11, s15;
	s11 =	sadd.s32 s7, s21;
	[dreg:$0x1f] =	wrdreg s23  }
0x27: {  	s6 =	sadd.s32 $0x24900, s6;
	s13 =	simm.s32 $0x13980;
	[dreg:$0x13] =	wrdreg s15  }
0x28: {  	s20 =	simm.s32 $0x3;
	s21 =	simm.s32 $0x4;
	[dreg:$0x15] =	wrdreg s11  }
0x29: {  	v0 =	vimm.f32 $1.000000000e+00;
	[dreg:$0x18] =	wrdreg s6;
	s11 =	simm.s32 $0x13B00;
	s15 =	simm.s32 $0x1  }
.LBB2_1:
0x2a: {  	[dreg:$0x1c] =	wrdreg s25;
	s6 =	sshll.u32 @p0 s24, $0x6;
	s26 =	smov.u32 s10  }
0x2b: {  	s8 =	sshrl.u32 @p0 s10, $0x3;
	s10 =	rddreg [dreg:$0xb];
	s6 =	sor.u32 @p0 $0x1C05, s6  }
0x2c: {  	[spmem:s8], [sflag:s6] =	dma.local @p0 [hbm:s10], $0x2700  }
0x2d: {  	s6 =	simm.s32 @p0 $0x5  }
0x2e: {  	_ =	swait.ge @p0 [sflag:s6], $0x2700  }
0x2f: {  	s8 =	simm.s32 @!p1 $0x1C05;
	[sflag:s6] =	ssyncset.done @p0 $0x0  }
0x30: {  	s24 =	rddreg [dreg:$0xc];
	[sflag:s6] =	ssyncadd.s32 @p0 $0xFFFFD900;
	s6 =	sshrl.u32 @!p1 s3, $0x3  }
0x31: {  	[spmem:s6], [sflag:s8] =	dma.local @!p1 [hbm:s24], $0x4F0  }
0x32: {  	s6 =	simm.s32 @!p1 $0x5  }
0x33: {  	_ =	swait.ge @!p1 [sflag:s6], $0x4F0  }
0x34: {  	[sflag:s6] =	ssyncset.done @!p1 $0x0  }
0x35: {  	s8 =	simm.s32 @!p0 $0x1FC5;
	[sflag:s6] =	ssyncadd.s32 @!p1 $0xFFFFFB10;
	s6 =	sshrl.u32 @!p0 s23, $0x3  }
0x36: {  	[spmem:s6], [sflag:s8] =	dma.local @!p0 [hbm:s10], $0x2800  }
0x37: {  	s6 =	simm.s32 @!p0 $0x5  }
0x38: {  	_ =	swait.ge @!p0 [sflag:s6], $0x2800  }
0x39: {  	[sflag:s6] =	ssyncset.done @!p0 $0x0  }
0x3a: {  	[sflag:s6] =	ssyncadd.s32 @!p0 $0xFFFFD800  }
0x3b: {  	[tilespmem:$0x1DEF8] =	vst v0  }
0x3c: {  	[tilespmem:$0x1DF08] =	vst v0  }
0x3d: {  	[tilespmem:$0x1DF18] =	vst v0  }
0x3e: {  	[tilespmem:$0x1DF28] =	vst v0  }
0x3f: {  	[tilespmem:$0x1DF38] =	vst v0  }
0x40: {  	[bflag:$0x0] =	sbarrier.arrive $0xFFFF  }
0x41: {  	s24 =	rddreg [dreg:$0xd]  }
0x42: {  	[tilespmem:s28], [sflag:$0x2] =	stream.linear.gather [hbm4b:s24+s4], $0x50, $0x38;
	[tilespmem:$0x1DF78] =	vst v63  }
0x43: {  	s25 =	rddreg [dreg:$0xe]  }
0x44: {  	[tilespmem:s29], [sflag:$0x2] =	stream.linear.gather [hbm4b:s25+s4], $0x50, $0x38;
	[tilespmem:$0x1DF78] =	vst v63  }
0x45: {  	_ =	swait.ge [sflag:s30], $0x50  }
0x46: {  	[sflag:s30] =	ssyncset.done $0x0  }
0x47: {  	[sflag:s30] =	ssyncadd.s32 $0xFFFFFFB0  }
0x48: {  	_ =	swait.ge [sflag:s30], $0x50  }
0x49: {  	[sflag:s30] =	ssyncset.done $0x0  }
0x4a: {  	[sflag:s30] =	ssyncadd.s32 $0xFFFFFFB0  }
0x4b: {  	[tilespmem:s0], [sflag:$0x1] =	stream.indirect.gather [hbm4b:s5+s31], $0x80, s28, s31, $0xb8;
	[tilespmem:$0x1DF78] =	vst v63  }
0x4c: {  	s8 =	rddreg [dreg:$0xf]  }
0x4d: {  	[tilespmem:s9], [sflag:$0x2] =	stream.linear.gather [hbm4b:s8+s4], $0x50, $0x38;
	[tilespmem:$0x1DF78] =	vst v63  }
0x4e: {  	s10 =	rddreg [dreg:$0x10]  }
0x4f: {  	[tilespmem:s11], [sflag:$0x2] =	stream.linear.gather [hbm4b:s10+s4], $0x50, $0x38;
	[tilespmem:$0x1DF78] =	vst v63  }
0x50: {  	_ =	swait.ge [sflag:s30], $0x50  }
0x51: {  	[sflag:s30] =	ssyncset.done $0x0  }
0x52: {  	[sflag:s30] =	ssyncadd.s32 $0xFFFFFFB0  }
0x53: {  	_ =	swait.ge [sflag:s30], $0x50  }
0x54: {  	[sflag:s30] =	ssyncset.done $0x0  }
0x55: {  	[sflag:s30] =	ssyncadd.s32 $0xFFFFFFB0  }
0x56: {  	[tilespmem:s12], [sflag:$0x1] =	stream.indirect.gather [hbm4b:s5+s31], $0x80, s9, s31, $0xb8;
	[tilespmem:$0x1DF78] =	vst v63  }
0x57: {  	s24 =	rddreg [dreg:$0x11]  }
0x58: {  	[tilespmem:s13], [sflag:$0x2] =	stream.linear.gather [hbm4b:s24+s4], $0x50, $0x38;
	[tilespmem:$0x1DF78] =	vst v63  }
0x59: {  	s25 =	rddreg [dreg:$0x12]  }
0x5a: {  	[tilespmem:s14], [sflag:$0x2] =	stream.linear.gather [hbm4b:s25+s4], $0x50, $0x38;
	[tilespmem:$0x1DF78] =	vst v63  }
0x5b: {  	_ =	swait.ge [sflag:s15], $0x2800  }
0x5c: {  	[sflag:s15] =	ssyncset.done $0x0  }
0x5d: {  	[sflag:s15] =	ssyncadd.s32 $0xFFFFD800  }
0x5e: {  	_ =	swait.ge [sflag:s30], $0x50  }
0x5f: {  	[sflag:s30] =	ssyncset.done $0x0  }
0x60: {  	[sflag:s30] =	ssyncadd.s32 $0xFFFFFFB0  }
0x61: {  	_ =	swait.ge [sflag:s30], $0x50  }
0x62: {  	[sflag:s30] =	ssyncset.done $0x0  }
0x63: {  	[sflag:s30] =	ssyncadd.s32 $0xFFFFFFB0  }
0x64: {  	[tilespmem:s16], [sflag:$0x1] =	stream.indirect.gather [hbm4b:s5+s31], $0x80, s13, s31, $0xb8;
	[tilespmem:$0x1DF78] =	vst v63  }
0x65: {  	_ = 	snop  }
0x66: {  	[spmem:s2] =	stream.indirect.scatter.add.f32 [tilespmem:s0], [sflag:$0x3], $0x80, s29, s31, $0xb8;
	[tilespmem:$0x1DF78] =	vst v63  }
0x67: {  	_ = 	snop  }
0x68: {  	[spmem:s3] =	stream.indirect.scatter.add.f32 [tilespmem:s17], [sflag:$0x4], $0x1, s29, s31, $0xb8;
	[tilespmem:$0x1DF78] =	vst v63  }
0x69: {  	s8 =	rddreg [dreg:$0x14]  }
0x6a: {  	[tilespmem:s18], [sflag:$0x2] =	stream.linear.gather [hbm4b:s8+s4], $0x50, $0x38;
	[tilespmem:$0x1DF78] =	vst v63  }
0x6b: {  	s10 =	rddreg [dreg:$0x15]  }
0x6c: {  	[tilespmem:s19], [sflag:$0x2] =	stream.linear.gather [hbm4b:s10+s4], $0x50, $0x38;
	[tilespmem:$0x1DF78] =	vst v63  }
0x6d: {  	_ =	swait.ge [sflag:s15], $0x2800  }
0x6e: {  	[sflag:s15] =	ssyncset.done $0x0  }
0x6f: {  	[sflag:s15] =	ssyncadd.s32 $0xFFFFD800  }
0x70: {  	_ =	swait.ge [sflag:s30], $0x50  }
0x71: {  	[sflag:s30] =	ssyncset.done $0x0  }
0x72: {  	[sflag:s30] =	ssyncadd.s32 $0xFFFFFFB0  }
0x73: {  	_ =	swait.ge [sflag:s30], $0x50  }
0x74: {  	[sflag:s30] =	ssyncset.done $0x0  }
0x75: {  	[sflag:s30] =	ssyncadd.s32 $0xFFFFFFB0  }
0x76: {  	_ =	swait.ge [sflag:s20], $0x2800  }
0x77: {  	[sflag:s20] =	ssyncset.done $0x0  }
0x78: {  	[sflag:s20] =	ssyncadd.s32 $0xFFFFD800  }
0x79: {  	_ =	swait.ge [sflag:s21], $0x50  }
0x7a: {  	[sflag:s21] =	ssyncset.done $0x0  }
0x7b: {  	[sflag:s21] =	ssyncadd.s32 $0xFFFFFFB0  }
0x7c: {  	[tilespmem:s22], [sflag:$0x1] =	stream.indirect.gather [hbm4b:s5+s31], $0x80, s18, s31, $0xb8;
	[tilespmem:$0x1DF78] =	vst v63  }
0x7d: {  	s10 =	rddreg [dreg:$0x1b]  }
0x7e: {  	[spmem:s2] =	stream.indirect.scatter.add.f32 [tilespmem:s12], [sflag:$0x3], $0x80, s11, s31, $0xb8;
	[tilespmem:$0x1DF78] =	vst v63  }
0x7f: {  	s24 =	sshrl.u32 s10, $0x3  }
0x80: {  	[spmem:s3] =	stream.indirect.scatter.add.f32 [tilespmem:s17], [sflag:$0x4], $0x1, s11, s31, $0xb8;
	[tilespmem:$0x1DF78] =	vst v63  }
0x81: {  	s25 =	sadd.s32 s1, s24  }
0x82: {  	[tilespmem:s28], [sflag:$0x2] =	stream.linear.gather [hbm4b:s25+s4], $0x50, $0x38;
	[tilespmem:$0x1DF78] =	vst v63  }
0x83: {  	s6 =	sadd.s32 s7, s24  }
0x84: {  	[tilespmem:s29], [sflag:$0x2] =	stream.linear.gather [hbm4b:s6+s4], $0x50, $0x38;
	[tilespmem:$0x1DF78] =	vst v63  }
0x85: {  	_ =	swait.ge [sflag:s15], $0x2800  }
0x86: {  	[sflag:s15] =	ssyncset.done $0x0  }
0x87: {  	[sflag:s15] =	ssyncadd.s32 $0xFFFFD800  }
0x88: {  	_ =	swait.ge [sflag:s30], $0x50  }
0x89: {  	[sflag:s30] =	ssyncset.done $0x0  }
0x8a: {  	[sflag:s30] =	ssyncadd.s32 $0xFFFFFFB0  }
0x8b: {  	_ =	swait.ge [sflag:s30], $0x50  }
0x8c: {  	[sflag:s30] =	ssyncset.done $0x0  }
0x8d: {  	[sflag:s30] =	ssyncadd.s32 $0xFFFFFFB0  }
0x8e: {  	_ =	swait.ge [sflag:s20], $0x2800  }
0x8f: {  	[sflag:s20] =	ssyncset.done $0x0  }
0x90: {  	[sflag:s20] =	ssyncadd.s32 $0xFFFFD800  }
0x91: {  	_ =	swait.ge [sflag:s21], $0x50  }
0x92: {  	[sflag:s21] =	ssyncset.done $0x0  }
0x93: {  	[sflag:s21] =	ssyncadd.s32 $0xFFFFFFB0  }
0x94: {  	[tilespmem:s0], [sflag:$0x1] =	stream.indirect.gather [hbm4b:s5+s31], $0x80, s28, s31, $0xb8;
	[tilespmem:$0x1DF78] =	vst v63  }
0x95: {  	_ = 	snop  }
0x96: {  	[spmem:s2] =	stream.indirect.scatter.add.f32 [tilespmem:s16], [sflag:$0x3], $0x80, s14, s31, $0xb8;
	[tilespmem:$0x1DF78] =	vst v63  }
0x97: {  	s24 =	rddreg [dreg:$0xa]  }
0x98: {  	[spmem:s3] =	stream.indirect.scatter.add.f32 [tilespmem:s17], [sflag:$0x4], $0x1, s14, s31, $0xb8;
	[tilespmem:$0x1DF78] =	vst v63  }
0x99: {  	s25 =	rddreg [dreg:$0x9];
	s6 =	sadd.s32 $0x0, s24  }
0x9a: {  	[tilespmem:s9], [sflag:$0x2] =	stream.linear.gather [hbm4b:s6+s4], $0x50, $0x38;
	[tilespmem:$0x1DF78] =	vst v63  }
0x9b: {  	s8 =	sadd.s32 $0x0, s25  }
0x9c: {  	[tilespmem:s11], [sflag:$0x2] =	stream.linear.gather [hbm4b:s8+s4], $0x50, $0x38;
	[tilespmem:$0x1DF78] =	vst v63  }
0x9d: {  	_ =	swait.ge [sflag:s15], $0x2800  }
0x9e: {  	[sflag:s15] =	ssyncset.done $0x0  }
0x9f: {  	[sflag:s15] =	ssyncadd.s32 $0xFFFFD800  }
0xa0: {  	_ =	swait.ge [sflag:s30], $0x50  }
0xa1: {  	[sflag:s30] =	ssyncset.done $0x0  }
0xa2: {  	[sflag:s30] =	ssyncadd.s32 $0xFFFFFFB0  }
0xa3: {  	_ =	swait.ge [sflag:s30], $0x50  }
0xa4: {  	[sflag:s30] =	ssyncset.done $0x0  }
0xa5: {  	[sflag:s30] =	ssyncadd.s32 $0xFFFFFFB0  }
0xa6: {  	_ =	swait.ge [sflag:s20], $0x2800  }
0xa7: {  	[sflag:s20] =	ssyncset.done $0x0  }
0xa8: {  	[sflag:s20] =	ssyncadd.s32 $0xFFFFD800  }
0xa9: {  	_ =	swait.ge [sflag:s21], $0x50  }
0xaa: {  	[sflag:s21] =	ssyncset.done $0x0  }
0xab: {  	[sflag:s21] =	ssyncadd.s32 $0xFFFFFFB0  }
0xac: {  	[tilespmem:s12], [sflag:$0x1] =	stream.indirect.gather [hbm4b:s5+s31], $0x80, s9, s31, $0xb8;
	[tilespmem:$0x1DF78] =	vst v63  }
0xad: {  	_ = 	snop  }
0xae: {  	[spmem:s2] =	stream.indirect.scatter.add.f32 [tilespmem:s22], [sflag:$0x3], $0x80, s19, s31, $0xb8;
	[tilespmem:$0x1DF78] =	vst v63  }
0xaf: {  	s24 =	rddreg [dreg:$0x8]  }
0xb0: {  	[spmem:s3] =	stream.indirect.scatter.add.f32 [tilespmem:s17], [sflag:$0x4], $0x1, s19, s31, $0xb8;
	[tilespmem:$0x1DF78] =	vst v63  }
0xb1: {  	s25 =	rddreg [dreg:$0x7];
	s6 =	sadd.s32 $0x0, s24  }
0xb2: {  	[tilespmem:s13], [sflag:$0x2] =	stream.linear.gather [hbm4b:s6+s4], $0x50, $0x38;
	[tilespmem:$0x1DF78] =	vst v63  }
0xb3: {  	s8 =	sadd.s32 $0x0, s25  }
0xb4: {  	[tilespmem:s14], [sflag:$0x2] =	stream.linear.gather [hbm4b:s8+s4], $0x50, $0x38;
	[tilespmem:$0x1DF78] =	vst v63  }
0xb5: {  	_ =	swait.ge [sflag:s15], $0x2800  }
0xb6: {  	[sflag:s15] =	ssyncset.done $0x0  }
0xb7: {  	[sflag:s15] =	ssyncadd.s32 $0xFFFFD800  }
0xb8: {  	_ =	swait.ge [sflag:s30], $0x50  }
0xb9: {  	[sflag:s30] =	ssyncset.done $0x0  }
0xba: {  	[sflag:s30] =	ssyncadd.s32 $0xFFFFFFB0  }
0xbb: {  	_ =	swait.ge [sflag:s30], $0x50  }
0xbc: {  	[sflag:s30] =	ssyncset.done $0x0  }
0xbd: {  	[sflag:s30] =	ssyncadd.s32 $0xFFFFFFB0  }
0xbe: {  	_ =	swait.ge [sflag:s20], $0x2800  }
0xbf: {  	[sflag:s20] =	ssyncset.done $0x0  }
0xc0: {  	[sflag:s20] =	ssyncadd.s32 $0xFFFFD800  }
0xc1: {  	_ =	swait.ge [sflag:s21], $0x50  }
0xc2: {  	[sflag:s21] =	ssyncset.done $0x0  }
0xc3: {  	[sflag:s21] =	ssyncadd.s32 $0xFFFFFFB0  }
0xc4: {  	[tilespmem:s16], [sflag:$0x1] =	stream.indirect.gather [hbm4b:s5+s31], $0x80, s13, s31, $0xb8;
	[tilespmem:$0x1DF78] =	vst v63  }
0xc5: {  	p5 =	por @p0 $0x0, $0x0;
	p4 =	por @!p1 $0x1, $0x1  }
0xc6: {  	[spmem:s2] =	stream.indirect.scatter.add.f32 [tilespmem:s0], [sflag:$0x3], $0x80, s29, s31, $0xb8;
	[tilespmem:$0x1DF78] =	vst v63  }
0xc7: {  	p4 =	por @!p2 p5, p5;
	p5 =	por @!p0 $0x0, $0x0;
	s24 =	rddreg [dreg:$0x6]  }
0xc8: {  	[spmem:s3] =	stream.indirect.scatter.add.f32 [tilespmem:s17], [sflag:$0x4], $0x1, s29, s31, $0xb8;
	[tilespmem:$0x1DF78] =	vst v63  }
0xc9: {  	p4 =	por @!p0 p5, p5;
	s25 =	rddreg [dreg:$0x5];
	s6 =	sadd.s32 $0x0, s24  }
0xca: {  	[tilespmem:s18], [sflag:$0x2] =	stream.linear.gather [hbm4b:s6+s4], $0x50, $0x38;
	[tilespmem:$0x1DF78] =	vst v63  }
0xcb: {  	s24 =	simm.s32 $0x28;
	s8 =	sadd.s32 $0x0, s25;
	s6 =	sadd.s32 $0x140, s10  }
.LBB2_2:
0xcc: {  	[tilespmem:s19], [sflag:$0x2] =	stream.linear.gather [hbm4b:s8+s4], $0x50, $0x38;
	[tilespmem:$0x1DF78] =	vst v63  }
0xcd: {  	_ =	swait.ge [sflag:s15], $0x2800  }
0xce: {  	[sflag:s15] =	ssyncset.done $0x0  }
0xcf: {  	[sflag:s15] =	ssyncadd.s32 $0xFFFFD800  }
0xd0: {  	_ =	swait.ge [sflag:s30], $0x50  }
0xd1: {  	[sflag:s30] =	ssyncset.done $0x0  }
0xd2: {  	[sflag:s30] =	ssyncadd.s32 $0xFFFFFFB0  }
0xd3: {  	_ =	swait.ge [sflag:s30], $0x50  }
0xd4: {  	[sflag:s30] =	ssyncset.done $0x0  }
0xd5: {  	[sflag:s30] =	ssyncadd.s32 $0xFFFFFFB0  }
0xd6: {  	_ =	swait.ge [sflag:s20], $0x2800  }
0xd7: {  	[sflag:s20] =	ssyncset.done $0x0  }
0xd8: {  	[sflag:s20] =	ssyncadd.s32 $0xFFFFD800  }
0xd9: {  	_ =	swait.ge [sflag:s21], $0x50  }
0xda: {  	[sflag:s21] =	ssyncset.done $0x0  }
0xdb: {  	[sflag:s21] =	ssyncadd.s32 $0xFFFFFFB0  }
0xdc: {  	[tilespmem:s22], [sflag:$0x1] =	stream.indirect.gather [hbm4b:s5+s31], $0x80, s18, s31, $0xb8;
	[tilespmem:$0x1DF78] =	vst v63  }
0xdd: {  	_ = 	snop  }
0xde: {  	[spmem:s2] =	stream.indirect.scatter.add.f32 [tilespmem:s12], [sflag:$0x3], $0x80, s11, s31, $0xb8;
	[tilespmem:$0x1DF78] =	vst v63  }
0xdf: {  	s10 =	sshrl.u32 s6, $0x3  }
0xe0: {  	[spmem:s3] =	stream.indirect.scatter.add.f32 [tilespmem:s17], [sflag:$0x4], $0x1, s11, s31, $0xb8;
	[tilespmem:$0x1DF78] =	vst v63  }
0xe1: {  	s25 =	sadd.s32 s1, s10  }
0xe2: {  	[tilespmem:s28], [sflag:$0x2] =	stream.linear.gather [hbm4b:s25+s4], $0x50, $0x38;
	[tilespmem:$0x1DF78] =	vst v63  }
0xe3: {  	s10 =	sadd.s32 s7, s10  }
0xe4: {  	[tilespmem:s29], [sflag:$0x2] =	stream.linear.gather [hbm4b:s10+s4], $0x50, $0x38;
	[tilespmem:$0x1DF78] =	vst v63  }
0xe5: {  	_ =	swait.ge [sflag:s15], $0x2800  }
0xe6: {  	[sflag:s15] =	ssyncset.done $0x0  }
0xe7: {  	[sflag:s15] =	ssyncadd.s32 $0xFFFFD800  }
0xe8: {  	_ =	swait.ge [sflag:s30], $0x50  }
0xe9: {  	[sflag:s30] =	ssyncset.done $0x0  }
0xea: {  	[sflag:s30] =	ssyncadd.s32 $0xFFFFFFB0  }
0xeb: {  	_ =	swait.ge [sflag:s30], $0x50  }
0xec: {  	[sflag:s30] =	ssyncset.done $0x0  }
0xed: {  	[sflag:s30] =	ssyncadd.s32 $0xFFFFFFB0  }
0xee: {  	_ =	swait.ge [sflag:s20], $0x2800  }
0xef: {  	[sflag:s20] =	ssyncset.done $0x0  }
0xf0: {  	[sflag:s20] =	ssyncadd.s32 $0xFFFFD800  }
0xf1: {  	_ =	swait.ge [sflag:s21], $0x50  }
0xf2: {  	[sflag:s21] =	ssyncset.done $0x0  }
0xf3: {  	[sflag:s21] =	ssyncadd.s32 $0xFFFFFFB0  }
0xf4: {  	[tilespmem:s0], [sflag:$0x1] =	stream.indirect.gather [hbm4b:s5+s31], $0x80, s28, s31, $0xb8;
	[tilespmem:$0x1DF78] =	vst v63  }
0xf5: {  	_ = 	snop  }
0xf6: {  	[spmem:s2] =	stream.indirect.scatter.add.f32 [tilespmem:s16], [sflag:$0x3], $0x80, s14, s31, $0xb8;
	[tilespmem:$0x1DF78] =	vst v63  }
0xf7: {  	s8 =	smov.u32 s24;
	s10 =	rddreg [dreg:$0xa]  }
0xf8: {  	[spmem:s3] =	stream.indirect.scatter.add.f32 [tilespmem:s17], [sflag:$0x4], $0x1, s14, s31, $0xb8;
	[tilespmem:$0x1DF78] =	vst v63  }
0xf9: {  	s25 =	rddreg [dreg:$0x9];
	s10 =	sadd.s32 s8, s10  }
0xfa: {  	[tilespmem:s9], [sflag:$0x2] =	stream.linear.gather [hbm4b:s10+s4], $0x50, $0x38;
	[tilespmem:$0x1DF78] =	vst v63  }
0xfb: {  	s25 =	sadd.s32 s8, s25  }
0xfc: {  	[tilespmem:s11], [sflag:$0x2] =	stream.linear.gather [hbm4b:s25+s4], $0x50, $0x38;
	[tilespmem:$0x1DF78] =	vst v63  }
0xfd: {  	_ =	swait.ge [sflag:s15], $0x2800  }
0xfe: {  	[sflag:s15] =	ssyncset.done $0x0  }
0xff: {  	[sflag:s15] =	ssyncadd.s32 $0xFFFFD800  }
0x100: {  	_ =	swait.ge [sflag:s30], $0x50  }
0x101: {  	[sflag:s30] =	ssyncset.done $0x0  }
0x102: {  	[sflag:s30] =	ssyncadd.s32 $0xFFFFFFB0  }
0x103: {  	_ =	swait.ge [sflag:s30], $0x50  }
0x104: {  	[sflag:s30] =	ssyncset.done $0x0  }
0x105: {  	[sflag:s30] =	ssyncadd.s32 $0xFFFFFFB0  }
0x106: {  	_ =	swait.ge [sflag:s20], $0x2800  }
0x107: {  	[sflag:s20] =	ssyncset.done $0x0  }
0x108: {  	[sflag:s20] =	ssyncadd.s32 $0xFFFFD800  }
0x109: {  	_ =	swait.ge [sflag:s21], $0x50  }
0x10a: {  	[sflag:s21] =	ssyncset.done $0x0  }
0x10b: {  	[sflag:s21] =	ssyncadd.s32 $0xFFFFFFB0  }
0x10c: {  	[tilespmem:s12], [sflag:$0x1] =	stream.indirect.gather [hbm4b:s5+s31], $0x80, s9, s31, $0xb8;
	[tilespmem:$0x1DF78] =	vst v63  }
0x10d: {  	_ = 	snop  }
0x10e: {  	[spmem:s2] =	stream.indirect.scatter.add.f32 [tilespmem:s22], [sflag:$0x3], $0x80, s19, s31, $0xb8;
	[tilespmem:$0x1DF78] =	vst v63  }
0x10f: {  	s10 =	rddreg [dreg:$0x8]  }
0x110: {  	[spmem:s3] =	stream.indirect.scatter.add.f32 [tilespmem:s17], [sflag:$0x4], $0x1, s19, s31, $0xb8;
	[tilespmem:$0x1DF78] =	vst v63  }
0x111: {  	s25 =	rddreg [dreg:$0x7];
	s10 =	sadd.s32 s8, s10  }
0x112: {  	[tilespmem:s13], [sflag:$0x2] =	stream.linear.gather [hbm4b:s10+s4], $0x50, $0x38;
	[tilespmem:$0x1DF78] =	vst v63  }
0x113: {  	s25 =	sadd.s32 s8, s25  }
0x114: {  	[tilespmem:s14], [sflag:$0x2] =	stream.linear.gather [hbm4b:s25+s4], $0x50, $0x38;
	[tilespmem:$0x1DF78] =	vst v63  }
0x115: {  	_ =	swait.ge [sflag:s15], $0x2800  }
0x116: {  	[sflag:s15] =	ssyncset.done $0x0  }
0x117: {  	[sflag:s15] =	ssyncadd.s32 $0xFFFFD800  }
0x118: {  	_ =	swait.ge [sflag:s30], $0x50  }
0x119: {  	[sflag:s30] =	ssyncset.done $0x0  }
0x11a: {  	[sflag:s30] =	ssyncadd.s32 $0xFFFFFFB0  }
0x11b: {  	_ =	swait.ge [sflag:s30], $0x50  }
0x11c: {  	[sflag:s30] =	ssyncset.done $0x0  }
0x11d: {  	[sflag:s30] =	ssyncadd.s32 $0xFFFFFFB0  }
0x11e: {  	_ =	swait.ge [sflag:s20], $0x2800  }
0x11f: {  	[sflag:s20] =	ssyncset.done $0x0  }
0x120: {  	[sflag:s20] =	ssyncadd.s32 $0xFFFFD800  }
0x121: {  	_ =	swait.ge [sflag:s21], $0x50  }
0x122: {  	[sflag:s21] =	ssyncset.done $0x0  }
0x123: {  	[sflag:s21] =	ssyncadd.s32 $0xFFFFFFB0  }
0x124: {  	[tilespmem:s16], [sflag:$0x1] =	stream.indirect.gather [hbm4b:s5+s31], $0x80, s13, s31, $0xb8;
	[tilespmem:$0x1DF78] =	vst v63  }
0x125: {  	p5 =	sne.s32 s24, $0x488  }
0x126: {  	[spmem:s2] =	stream.indirect.scatter.add.f32 [tilespmem:s0], [sflag:$0x3], $0x80, s29, s31, $0xb8;
	[tilespmem:$0x1DF78] =	vst v63  }
.Ltmp0:
0x127: {  	s10 =	rddreg [dreg:$0x6];
	(pc) =	sbr.rel @p5 .LBB2_2-.Ltmp0, $4  }
0x128: {  	s24 =	sadd.s32 $0x28, s24;
	s25 =	rddreg [dreg:$0x5]  }
0x129: {  	[spmem:s3] =	stream.indirect.scatter.add.f32 [tilespmem:s17], [sflag:$0x4], $0x1, s29, s31, $0xb8;
	[tilespmem:$0x1DF78] =	vst v63  }
0x12a: {  	s6 =	sadd.s32 $0x140, s6;
	s10 =	sadd.s32 s8, s10;
	s8 =	sadd.s32 s8, s25  }
0x12b: {  	[tilespmem:s18], [sflag:$0x2] =	stream.linear.gather [hbm4b:s10+s4], $0x50, $0x38;
	[tilespmem:$0x1DF78] =	vst v63  }
0x12c: {  	[tilespmem:s19], [sflag:$0x2] =	stream.linear.gather [hbm4b:s8+s4], $0x50, $0x38;
	[tilespmem:$0x1DF78] =	vst v63  }
0x12d: {  	_ =	swait.ge [sflag:s15], $0x2800  }
0x12e: {  	[sflag:s15] =	ssyncset.done $0x0  }
0x12f: {  	[sflag:s15] =	ssyncadd.s32 $0xFFFFD800  }
0x130: {  	_ =	swait.ge [sflag:s30], $0x50  }
0x131: {  	[sflag:s30] =	ssyncset.done $0x0  }
0x132: {  	[sflag:s30] =	ssyncadd.s32 $0xFFFFFFB0  }
0x133: {  	_ =	swait.ge [sflag:s30], $0x50  }
0x134: {  	[sflag:s30] =	ssyncset.done $0x0  }
0x135: {  	[sflag:s30] =	ssyncadd.s32 $0xFFFFFFB0  }
0x136: {  	_ =	swait.ge [sflag:s20], $0x2800  }
0x137: {  	[sflag:s20] =	ssyncset.done $0x0  }
0x138: {  	[sflag:s20] =	ssyncadd.s32 $0xFFFFD800  }
0x139: {  	_ =	swait.ge [sflag:s21], $0x50  }
0x13a: {  	[sflag:s21] =	ssyncset.done $0x0  }
0x13b: {  	[sflag:s21] =	ssyncadd.s32 $0xFFFFFFB0  }
0x13c: {  	[tilespmem:s22], [sflag:$0x1] =	stream.indirect.gather [hbm4b:s5+s31], $0x80, s18, s31, $0xb8;
	[tilespmem:$0x1DF78] =	vst v63  }
0x13d: {  	_ = 	snop  }
0x13e: {  	[spmem:s2] =	stream.indirect.scatter.add.f32 [tilespmem:s12], [sflag:$0x3], $0x80, s11, s31, $0xb8;
	[tilespmem:$0x1DF78] =	vst v63  }
0x13f: {  	_ = 	snop  }
0x140: {  	[spmem:s3] =	stream.indirect.scatter.add.f32 [tilespmem:s17], [sflag:$0x4], $0x1, s11, s31, $0xb8;
	[tilespmem:$0x1DF78] =	vst v63  }
0x141: {  	s6 =	rddreg [dreg:$0x16]  }
0x142: {  	[tilespmem:s28], [sflag:$0x2] =	stream.linear.gather [hbm4b:s6+s4], $0x50, $0x38;
	[tilespmem:$0x1DF78] =	vst v63  }
0x143: {  	s25 =	rddreg [dreg:$0x17]  }
0x144: {  	[tilespmem:s29], [sflag:$0x2] =	stream.linear.gather [hbm4b:s25+s4], $0x50, $0x38;
	[tilespmem:$0x1DF78] =	vst v63  }
0x145: {  	_ =	swait.ge [sflag:s15], $0x2800  }
0x146: {  	[sflag:s15] =	ssyncset.done $0x0  }
0x147: {  	[sflag:s15] =	ssyncadd.s32 $0xFFFFD800  }
0x148: {  	_ =	swait.ge [sflag:s30], $0x50  }
0x149: {  	[sflag:s30] =	ssyncset.done $0x0  }
0x14a: {  	[sflag:s30] =	ssyncadd.s32 $0xFFFFFFB0  }
0x14b: {  	_ =	swait.ge [sflag:s30], $0x50  }
0x14c: {  	[sflag:s30] =	ssyncset.done $0x0  }
0x14d: {  	[sflag:s30] =	ssyncadd.s32 $0xFFFFFFB0  }
0x14e: {  	_ =	swait.ge [sflag:s20], $0x2800  }
0x14f: {  	[sflag:s20] =	ssyncset.done $0x0  }
0x150: {  	[sflag:s20] =	ssyncadd.s32 $0xFFFFD800  }
0x151: {  	_ =	swait.ge [sflag:s21], $0x50  }
0x152: {  	[sflag:s21] =	ssyncset.done $0x0  }
0x153: {  	[sflag:s21] =	ssyncadd.s32 $0xFFFFFFB0  }
0x154: {  	[tilespmem:s0], [sflag:$0x1] =	stream.indirect.gather [hbm4b:s5+s31], $0x80, s28, s31, $0xb8;
	[tilespmem:$0x1DF78] =	vst v63  }
0x155: {  	_ = 	snop  }
0x156: {  	[spmem:s2] =	stream.indirect.scatter.add.f32 [tilespmem:s16], [sflag:$0x3], $0x80, s14, s31, $0xb8;
	[tilespmem:$0x1DF78] =	vst v63  }
0x157: {  	_ = 	snop  }
0x158: {  	[spmem:s3] =	stream.indirect.scatter.add.f32 [tilespmem:s17], [sflag:$0x4], $0x1, s14, s31, $0xb8;
	[tilespmem:$0x1DF78] =	vst v63  }
0x159: {  	_ =	swait.ge [sflag:s15], $0x2800  }
0x15a: {  	[sflag:s15] =	ssyncset.done $0x0  }
0x15b: {  	[sflag:s15] =	ssyncadd.s32 $0xFFFFD800  }
0x15c: {  	_ =	swait.ge [sflag:s20], $0x2800  }
0x15d: {  	[sflag:s20] =	ssyncset.done $0x0  }
0x15e: {  	[sflag:s20] =	ssyncadd.s32 $0xFFFFD800  }
0x15f: {  	_ =	swait.ge [sflag:s21], $0x50  }
0x160: {  	[sflag:s21] =	ssyncset.done $0x0  }
0x161: {  	[sflag:s21] =	ssyncadd.s32 $0xFFFFFFB0  }
0x162: {  	[spmem:s2] =	stream.indirect.scatter.add.f32 [tilespmem:s22], [sflag:$0x3], $0x80, s19, s31, $0xb8;
	[tilespmem:$0x1DF78] =	vst v63  }
0x163: {  	_ = 	snop  }
0x164: {  	[spmem:s3] =	stream.indirect.scatter.add.f32 [tilespmem:s17], [sflag:$0x4], $0x1, s19, s31, $0xb8;
	[tilespmem:$0x1DF78] =	vst v63  }
0x165: {  	_ =	swait.ge [sflag:s15], $0x2800  }
0x166: {  	[sflag:s15] =	ssyncset.done $0x0  }
0x167: {  	[sflag:s15] =	ssyncadd.s32 $0xFFFFD800  }
0x168: {  	_ =	swait.ge [sflag:s20], $0x2800  }
0x169: {  	[sflag:s20] =	ssyncset.done $0x0  }
0x16a: {  	[sflag:s20] =	ssyncadd.s32 $0xFFFFD800  }
0x16b: {  	_ =	swait.ge [sflag:s21], $0x50  }
0x16c: {  	[sflag:s21] =	ssyncset.done $0x0  }
0x16d: {  	[sflag:s21] =	ssyncadd.s32 $0xFFFFFFB0  }
0x16e: {  	[spmem:s2] =	stream.indirect.scatter.add.f32 [tilespmem:s0], [sflag:$0x3], $0x80, s29, s31, $0xb8;
	[tilespmem:$0x1DF78] =	vst v63  }
0x16f: {  	_ = 	snop  }
0x170: {  	[spmem:s3] =	stream.indirect.scatter.add.f32 [tilespmem:s17], [sflag:$0x4], $0x1, s29, s31, $0xb8;
	[tilespmem:$0x1DF78] =	vst v63  }
0x171: {  	_ =	swait.ge [sflag:s20], $0x2800  }
0x172: {  	[sflag:s20] =	ssyncset.done $0x0  }
0x173: {  	[sflag:s20] =	ssyncadd.s32 $0xFFFFD800  }
0x174: {  	_ =	swait.ge [sflag:s21], $0x50  }
0x175: {  	[sflag:s21] =	ssyncset.done $0x0  }
0x176: {  	[sflag:s21] =	ssyncadd.s32 $0xFFFFFFB0  }
0x177: {  	[bflag:$0x0] =	sbarrier.arrive $0xFFFF  }
0x178: {  	s8 =	simm.s32 @p3 $0x1FC5;
	s6 =	sshrl.u32 @p3 s23, $0x3;
	s10 =	rddreg [dreg:$0x18]  }
0x179: {  	[hbm:s10], [sflag:s8] =	dma.local @p3 [spmem:s6], $0x2800  }
0x17a: {  	s6 =	simm.s32 @p3 $0x5  }
0x17b: {  	s10 =	stileid.u32;
	_ =	swait.ge @p3 [sflag:s6], $0x2800  }
0x17c: {  	s8 =	sshll.u32 @!p3 s10, $0x6;
	[sflag:s6] =	ssyncset.done @p3 $0x0;
	s24 =	rddreg [dreg:$0x13]  }
0x17d: {  	[sflag:s6] =	ssyncadd.s32 @p3 $0xFFFFD800;
	s6 =	sor.u32 @!p3 $0x1C05, s8;
	s8 =	sshrl.u32 @!p3 s26, $0x3  }
0x17e: {  	[hbm:s24], [sflag:s6] =	dma.local @!p3 [spmem:s8], $0x2700  }
0x17f: {  	s6 =	simm.s32 @!p3 $0x5  }
0x180: {  	_ =	swait.ge @!p3 [sflag:s6], $0x2700  }
0x181: {  	s8 =	sshll.u32 @p4 s10, $0x6;
	[sflag:s6] =	ssyncset.done @!p3 $0x0  }
0x182: {  	s23 =	rddreg [dreg:$0x19];
	[sflag:s6] =	ssyncadd.s32 @!p3 $0xFFFFD900;
	s6 =	sor.u32 @p4 $0x1C05, s8  }
0x183: {  	[dreg:$0x1d] =	wrdreg s6;
	s6 =	sshrl.u32 @p4 s3, $0x3  }
0x184: {  	[dreg:$0x1e] =	wrdreg s6  }
0x185: {  	s25 =	simm.s32 @p4 $0x10;
	s8 =	rddreg [dreg:$0x1d]  }
0x186: {  	s24 =	simm.s32 @p4 $0x1;
	s10 =	simm.s32 @p4 $0x20;
	s6 =	rddreg [dreg:$0x1e]  }
0x187: {  	[hbm:s23@s10], [sflag:s8] =	dma.strided @p4 [spmem:s6@s25], $0x4F0, s24, $0x10   }
0x188: {  	s6 =	simm.s32 @p4 $0x5  }
0x189: {  	s23 =	rddreg [dreg:$0x1f];
	_ =	swait.ge @p4 [sflag:s6], $0x4F0  }
0x18a: {  	s8 =	rddreg [dreg:$0x1c]  }
0x18b: {  	s10 =	smov.u32 s26;
	s26 =	rddreg [dreg:$0x1a];
	s25 =	sadd.s32 $0x1, s8  }
0x18c: {  	p5 =	sne.s32 s25, s26  }
.Ltmp1:
0x18d: {  	_ = 	snop;
	(pc) =	sbr.rel @p5 .LBB2_1-.Ltmp1, $3  }
0x18e: {  	_ =	sdelay $0x1  }
0x18f: {  	[sflag:s6] =	ssyncset.done @p4 $0x0  }
0x190: {  	s24 =	stileid.u32;
	[sflag:s6] =	ssyncadd.s32 @p4 $0xFFFFFB10  }
0x191: {  	_ =	sfence.sel $0x180000  }
0x192: {  	[bflag:$0x0] =	sbarrier.arrive $0xFFFF  }
0x193: {  	_ =	strace $0x90000047  }
0x194: {  	[bflag:$0x2] =	sbarrier.arrive $0xFFFF  }
0x195: {  	p0 =	sne.s32 s24, $0x0;
	s0 =	rddreg [dreg:$0x4]  }
0x196: {  	s0 =	sadd.s32 @!p0 $0x100000, s0  }
0x197: {  	[sflag:s0] =	ssyncadd.tile.s32 @!p0 $0x1;
	_ =	shalt  }
.Lfunc_end2:
_tile_overlayer_lowered:
.L_overlay_start_2:
0x198: {  	(tag) =	ssettag $0x2  }
0x199: {  	s0 =	rddreg [dreg:$0x0];
	s2 =	stileid.u32  }
0x19a: {  	s1 =	rddreg [dreg:$0x1];
	p0 =	sne.s32 s2, $0x0  }
0x19b: {  	s3 =	rddreg [dreg:$0x2];
	[bflag:$0x3] =	sbarrier.arrive $0xFFFF;
	s2 =	simm.s32 @!p0 $0x1C05  }
0x19c: {  	[timem:s3], [sflag:s2] =	dma.local @!p0 [hbm:s0], s1  }
0x19d: {  	s0 =	simm.s32 @!p0 $0x5  }
0x19e: {  	_ =	swait.ge @!p0 [sflag:s0], s1  }
0x19f: {  	s1 =	ssub.s32 @!p0 $0x0, s1;
	[sflag:s0] =	ssyncset.done @!p0 $0x0  }
0x1a0: {  	[sflag:s0] =	ssyncadd.s32 @!p0 s1  }
0x1a1: {  	[bflag:$0x3] =	sbarrier.arrive $0xFFFF  }
0x1a2: {  	_ =	shalt  }

</sc_bundles>
